<compile_context>
chip_gen: v7x
topology: tpu7x:2x2x1
jax: 0.10.2.dev20260603
libtpu: 0.0.44.dev20260713+nightly
codegen_flags: <defaults>
</compile_context>

<pallas_src>
import functools

import jax
import jax.numpy as jnp
from jax import lax
from jax.experimental import pallas as pl
from jax.experimental.pallas import tpu as pltpu
from jax.experimental.pallas import tpu_sc as plsc

NSONGS = 100000
DIM = 64
BATCH = 1024
HIST = 200

NC = 2
NS = 16
NW = NC * NS

NCHUNK = 4
CB = BATCH // NCHUNK

CHUNKS = ((0, 128), (128, 72))

_sc_mesh = plsc.VectorSubcoreMesh(core_axis_name="c", subcore_axis_name="s")


def _make_pool(rows):
    rows_per_w = rows // NW
    idx_per_w = rows_per_w * HIST

    @functools.partial(
        pl.kernel,
        out_type=jax.ShapeDtypeStruct((rows, DIM), jnp.float32),
        mesh=_sc_mesh,
        scratch_types=[
            pltpu.VMEM((idx_per_w,), jnp.int32),
            pltpu.VMEM((2, HIST, DIM), jnp.float32),
            pltpu.VMEM((rows_per_w, DIM), jnp.float32),
            pltpu.SemaphoreType.DMA,
            pltpu.SemaphoreType.DMA,
        ],
        compiler_params=pltpu.CompilerParams(use_tc_tiling_on_sc=False),
    )
    def pool(x_hbm, table_hbm, h_hbm, idx_v, rows_v, hbuf_v, sem0, sem1):
        wid = lax.axis_index("s") * NC + lax.axis_index("c")
        base = wid * rows_per_w
        zero = jnp.zeros((16,), jnp.float32)
        sems = (sem0, sem1)
        ione = jnp.ones((16,), jnp.int32)

        pltpu.sync_copy(x_hbm.at[pl.ds(wid * idx_per_w, idx_per_w)], idx_v)

        def inc_body(g, _):
            for u in range(4):
                off = g * 64 + u * 16
                idx_v[pl.ds(off, 16)] = idx_v[pl.ds(off, 16)] + ione
            return 0

        lax.fori_loop(0, idx_per_w // 64, inc_body, 0)

        def fetch_issue(local_row, buf):
            for off, n in CHUNKS:
                pltpu.async_copy(
                    table_hbm.at[idx_v.at[pl.ds(local_row * HIST + off, n)]],
                    rows_v.at[buf].at[pl.ds(off, n)],
                    sems[buf],
                )

        def drain(local_row, buf):
            for off, n in CHUNKS:
                pltpu.make_async_copy(
                    table_hbm.at[idx_v.at[pl.ds(local_row * HIST + off, n)]],
                    rows_v.at[buf].at[pl.ds(off, n)],
                    sems[buf],
                ).wait()

        def reduce_into(local_row, buf):
            rb = rows_v.at[buf]

            def t_body(j, accs):
                a = list(accs)
                t0 = j * 8
                for u in range(8):
                    for c in range(4):
                        a[c] = a[c] + rb[t0 + u, pl.ds(c * 16, 16)]
                return tuple(a)

            accs = lax.fori_loop(0, HIST // 8, t_body, (zero,) * 4)
            for c in range(4):
                hbuf_v[local_row, pl.ds(c * 16, 16)] = accs[c]

        fetch_issue(0, 0)

        def g_body(g, _):
            fetch_issue(2 * g + 1, 1)
            drain(2 * g, 0)
            reduce_into(2 * g, 0)

            @pl.when(g < rows_per_w // 2 - 1)
            def _():
                fetch_issue(2 * g + 2, 0)

            drain(2 * g + 1, 1)
            reduce_into(2 * g + 1, 1)
            return 0

        lax.fori_loop(0, rows_per_w // 2, g_body, 0)
        pltpu.sync_copy(hbuf_v, h_hbm.at[pl.ds(base, rows_per_w)])

    return pool


_pool_chunk = _make_pool(CB)

BN = 4096


def _decode_body(h_ref, w_ref, b_ref, o_ref):
    o_ref[...] = (
        lax.dot_general(
            h_ref[...],
            w_ref[...],
            (((1,), (1,)), ((), ())),
            preferred_element_type=jnp.float32,
        )
        + b_ref[...]
    )


def _decode_body_alias(o_alias_ref, h_ref, w_ref, b_ref, o_ref):
    del o_alias_ref
    _decode_body(h_ref, w_ref, b_ref, o_ref)


def _decode_chunk(out_buf, h_c, inv_w, inv_b2, c):
    nblk = pl.cdiv(NSONGS, BN)
    hwb_specs = [
        pl.BlockSpec((CB, DIM), lambda j: (0, 0)),
        pl.BlockSpec((BN, DIM), lambda j: (j, 0)),
        pl.BlockSpec((1, BN), lambda j: (0, j)),
    ]
    if out_buf is None:
        return pl.pallas_call(
            _decode_body,
            grid=(nblk,),
            in_specs=hwb_specs,
            out_specs=pl.BlockSpec((CB, BN), lambda j, c=c: (c, j)),
            out_shape=jax.ShapeDtypeStruct((BATCH, NSONGS), jnp.float32),
        )(h_c, inv_w, inv_b2)
    return pl.pallas_call(
        _decode_body_alias,
        grid=(nblk,),
        in_specs=[pl.BlockSpec(memory_space=pl.ANY)] + hwb_specs,
        out_specs=pl.BlockSpec((CB, BN), lambda j, c=c: (c, j)),
        out_shape=jax.ShapeDtypeStruct((BATCH, NSONGS), jnp.float32),
        input_output_aliases={0: 0},
    )(out_buf, h_c, inv_w, inv_b2)


def kernel(x, emb_weight, inv_w, inv_b):
    xi = x.astype(jnp.int32)
    inv_b2 = inv_b.reshape(1, NSONGS)
    hs = [
        _pool_chunk(
            lax.slice(xi, (c * CB, 0), ((c + 1) * CB, HIST)).reshape(CB * HIST),
            emb_weight,
        )
        for c in range(NCHUNK)
    ]
    out = None
    for c in range(NCHUNK):
        out = _decode_chunk(out, hs[c], inv_w, inv_b2, c)
    return out

# --- scband reference (transcript-rebuilt; emitter-appended) ---
"""Pipeline reference for scband-model-42777874268405 (READ-ONLY COPY).

The authoritative reference and input builder live on the scoring server;
editing this copy changes nothing except your own understanding.
"""

import jax, jax.numpy as jnp
import numpy as np

NSONGS = 100000
DIM = 64
BATCH = 1024
HIST = 200

def setup_inputs(seed: int = 0) -> dict:
    key = jax.random.key(seed)
    k1, k2, k3, k4 = jax.random.split(key, 4)
    x = jax.random.randint(k1, (BATCH, HIST), 0, NSONGS)  # values in [0, Nsongs-1]; x+1 indexes table of size Nsongs+1
    emb_weight = jax.random.normal(k2, (NSONGS + 1, DIM), dtype=jnp.float32) * 0.02
    inv_w = jax.random.normal(k3, (NSONGS, DIM), dtype=jnp.float32) * 0.02
    inv_b = jax.random.normal(k4, (NSONGS,), dtype=jnp.float32) * 0.01  # stands in for torch.load'd bias init
    return {"x": x, "emb_weight": emb_weight, "inv_w": inv_w, "inv_b": inv_b}

def reference(x, emb_weight, inv_w, inv_b):
    # forward: zero padding row, encoder (sum reduction), decoder linear
    ew = emb_weight.at[0].set(0.0)
    # encoder, reduction_emb == 'sum': h = emb(x + 1).sum(1)
    h = jnp.take(ew, x + 1, axis=0).sum(axis=1)  # [B, dim]
    # decoder: xhat = inv(h)
    xhat = h @ inv_w.T + inv_b  # [B, Nsongs]
    return xhat

if __name__ == "__main__":
    import jax
    _d = setup_inputs()
    print(jax.jit(kernel)(*tuple(_d.values())))

</pallas_src>

<mosaic_0001>
#map = affine_map<(d0, d1) -> (0)>
#map1 = affine_map<(d0, d1) -> (0, 0)>
module attributes {stable_mosaic.version = 14 : i64} {
  func.func @pool(%arg0: i32, %arg1: i32, %arg2: memref<51200xi32, #tpu.memory_space<hbm>>, %arg3: memref<100001x64xf32, #tpu.memory_space<hbm>>, %arg4: memref<256x64xf32, #tpu.memory_space<hbm>>, %arg5: memref<1600xi32, #tpu.memory_space<vmem>>, %arg6: memref<2x200x64xf32, #tpu.memory_space<vmem>>, %arg7: memref<8x64xf32, #tpu.memory_space<vmem>>, %arg8: memref<!tpu.dma_semaphore, #tpu.memory_space<semaphore_mem>>, %arg9: memref<!tpu.dma_semaphore, #tpu.memory_space<semaphore_mem>>) attributes {dimension_semantics = [#tpu.dimension_semantics<core_parallel>, #tpu.dimension_semantics<subcore_parallel>], iteration_bounds = array<i64: 2, 16>, scalar_prefetch = 0 : i64, scratch_operands = 5 : i64, tpu.core_type = #tpu.core_type<sc_vector_subcore>, window_params = [{transform_indices = #map}, {transform_indices = #map1}, {transform_indices = #map1}]} {
    %mul3A = arith.constant 2 : i32
    %mul3A_0 = arith.muli %arg1, %mul3A : i32
    %add3A = arith.addi %mul3A_0, %arg0 : i32
    %mul3A_1 = arith.constant 8 : i32
    %mul3A_2 = arith.muli %add3A, %mul3A_1 : i32
    %broadcast_in_dim3A = arith.constant 0.000000e+00 : f32
    %broadcast_in_dim3A_3 = vector.broadcast %broadcast_in_dim3A : f32 to vector<16xf32>
    %broadcast_in_dim3A_4 = arith.constant 1 : i32
    %broadcast_in_dim3A_5 = vector.broadcast %broadcast_in_dim3A_4 : i32 to vector<16xi32>
    %mul3A_6 = arith.constant 1600 : i32
    %mul3A_7 = arith.muli %add3A, %mul3A_6 : i32
    "tpu.region"() ({
      %run_scoped3A = tpu.sem_alloc : memref<!tpu.dma_semaphore, #tpu.memory_space<semaphore_mem>>
      %dma_start3A_46 = tpu.memref_slice %arg2[%mul3A_7] : memref<51200xi32, #tpu.memory_space<hbm>> -> memref<1600xi32, #tpu.memory_space<hbm>>
      %dma_start3A_47 = tpu.memref_slice %arg2[%mul3A_7] : memref<51200xi32, #tpu.memory_space<hbm>> -> memref<1600xi32, #tpu.memory_space<hbm>>
      tpu.enqueue_dma source(%dma_start3A_47 : memref<1600xi32, #tpu.memory_space<hbm>>) target(%arg5 : memref<1600xi32, #tpu.memory_space<vmem>>) target_semaphore(%run_scoped3A : memref<!tpu.dma_semaphore, #tpu.memory_space<semaphore_mem>>)
      %dma_wait3A = tpu.memref_slice %arg2[%mul3A_7] : memref<51200xi32, #tpu.memory_space<hbm>> -> memref<1600xi32, #tpu.memory_space<hbm>>
      %dma_wait3A_48 = tpu.memref_slice %arg2[%mul3A_7] : memref<51200xi32, #tpu.memory_space<hbm>> -> memref<1600xi32, #tpu.memory_space<hbm>>
      tpu.wait_dma2 semaphore(%run_scoped3A : memref<!tpu.dma_semaphore, #tpu.memory_space<semaphore_mem>>) src(%dma_wait3A_48 : memref<1600xi32, #tpu.memory_space<hbm>>) dst(%arg5 : memref<1600xi32, #tpu.memory_space<vmem>>)
      tpu.yield
    }) : () -> ()
    %scan3A = arith.constant 0 : i32
    %scan3A_8 = arith.constant 0 : i32
    %scan3A_9 = arith.constant 25 : i32
    %scan3A_10 = arith.addi %scan3A_8, %scan3A_9 : i32
    %scan3A_11 = arith.constant 1 : i32
    %scan3A_12 = scf.for %scan3A_46 = %scan3A_8 to %scan3A_10 step %scan3A_11 iter_args(%scan3A_47 = %scan3A) -> (i32)  : i32 {
      %mul3A_48 = arith.constant 64 : i32
      %mul3A_49 = arith.muli %scan3A_46, %mul3A_48 : i32
      %add3A_50 = arith.constant 0 : i32
      %add3A_51 = arith.addi %mul3A_49, %add3A_50 : i32
      %get3A = arith.index_cast %add3A_51 : i32 to index
      %get3A_52 = tpu.vector_load %arg5[%get3A] {strides = array<i32>} : memref<1600xi32, #tpu.memory_space<vmem>>, vector<16xi32>,
      %get3A_53 = vector.shape_cast %get3A_52 : vector<16xi32> to vector<16xi32>
      %add3A_54 = arith.addi %get3A_53, %broadcast_in_dim3A_5 : vector<16xi32>
      %swap3A = arith.index_cast %add3A_51 : i32 to index
      %swap3A_55 = tpu.vector_load %arg5[%swap3A] {strides = array<i32>} : memref<1600xi32, #tpu.memory_space<vmem>>, vector<16xi32>,
      %swap3A_56 = vector.shape_cast %swap3A_55 : vector<16xi32> to vector<16xi32>
      %swap3A_57 = vector.shape_cast %add3A_54 : vector<16xi32> to vector<16xi32>
      tpu.vector_store %arg5[%swap3A], %swap3A_57 {strides = array<i32>} : memref<1600xi32, #tpu.memory_space<vmem>>, vector<16xi32>,
      %mul3A_58 = arith.constant 64 : i32
      %mul3A_59 = arith.muli %scan3A_46, %mul3A_58 : i32
      %add3A_60 = arith.constant 16 : i32
      %add3A_61 = arith.addi %mul3A_59, %add3A_60 : i32
      %get3A_62 = arith.index_cast %add3A_61 : i32 to index
      %get3A_63 = tpu.vector_load %arg5[%get3A_62] {strides = array<i32>} : memref<1600xi32, #tpu.memory_space<vmem>>, vector<16xi32>,
      %get3A_64 = vector.shape_cast %get3A_63 : vector<16xi32> to vector<16xi32>
      %add3A_65 = arith.addi %get3A_64, %broadcast_in_dim3A_5 : vector<16xi32>
      %swap3A_66 = arith.index_cast %add3A_61 : i32 to index
      %swap3A_67 = tpu.vector_load %arg5[%swap3A_66] {strides = array<i32>} : memref<1600xi32, #tpu.memory_space<vmem>>, vector<16xi32>,
      %swap3A_68 = vector.shape_cast %swap3A_67 : vector<16xi32> to vector<16xi32>
      %swap3A_69 = vector.shape_cast %add3A_65 : vector<16xi32> to vector<16xi32>
      tpu.vector_store %arg5[%swap3A_66], %swap3A_69 {strides = array<i32>} : memref<1600xi32, #tpu.memory_space<vmem>>, vector<16xi32>,
      %mul3A_70 = arith.constant 64 : i32
      %mul3A_71 = arith.muli %scan3A_46, %mul3A_70 : i32
      %add3A_72 = arith.constant 32 : i32
      %add3A_73 = arith.addi %mul3A_71, %add3A_72 : i32
      %get3A_74 = arith.index_cast %add3A_73 : i32 to index
      %get3A_75 = tpu.vector_load %arg5[%get3A_74] {strides = array<i32>} : memref<1600xi32, #tpu.memory_space<vmem>>, vector<16xi32>,
      %get3A_76 = vector.shape_cast %get3A_75 : vector<16xi32> to vector<16xi32>
      %add3A_77 = arith.addi %get3A_76, %broadcast_in_dim3A_5 : vector<16xi32>
      %swap3A_78 = arith.index_cast %add3A_73 : i32 to index
      %swap3A_79 = tpu.vector_load %arg5[%swap3A_78] {strides = array<i32>} : memref<1600xi32, #tpu.memory_space<vmem>>, vector<16xi32>,
      %swap3A_80 = vector.shape_cast %swap3A_79 : vector<16xi32> to vector<16xi32>
      %swap3A_81 = vector.shape_cast %add3A_77 : vector<16xi32> to vector<16xi32>
      tpu.vector_store %arg5[%swap3A_78], %swap3A_81 {strides = array<i32>} : memref<1600xi32, #tpu.memory_space<vmem>>, vector<16xi32>,
      %mul3A_82 = arith.constant 64 : i32
      %mul3A_83 = arith.muli %scan3A_46, %mul3A_82 : i32
      %add3A_84 = arith.constant 48 : i32
      %add3A_85 = arith.addi %mul3A_83, %add3A_84 : i32
      %get3A_86 = arith.index_cast %add3A_85 : i32 to index
      %get3A_87 = tpu.vector_load %arg5[%get3A_86] {strides = array<i32>} : memref<1600xi32, #tpu.memory_space<vmem>>, vector<16xi32>,
      %get3A_88 = vector.shape_cast %get3A_87 : vector<16xi32> to vector<16xi32>
      %add3A_89 = arith.addi %get3A_88, %broadcast_in_dim3A_5 : vector<16xi32>
      %swap3A_90 = arith.index_cast %add3A_85 : i32 to index
      %swap3A_91 = tpu.vector_load %arg5[%swap3A_90] {strides = array<i32>} : memref<1600xi32, #tpu.memory_space<vmem>>, vector<16xi32>,
      %swap3A_92 = vector.shape_cast %swap3A_91 : vector<16xi32> to vector<16xi32>
      %swap3A_93 = vector.shape_cast %add3A_89 : vector<16xi32> to vector<16xi32>
      tpu.vector_store %arg5[%swap3A_90], %swap3A_93 {strides = array<i32>} : memref<1600xi32, #tpu.memory_space<vmem>>, vector<16xi32>,
      %scan3A_94 = arith.constant 0 : i32
      scf.yield %scan3A_94 : i32
    }
    %scan3A_13 = arith.constant 25 : i32
    %dma_start3A = arith.constant 0 : i32
    %dma_start3A_14 = arith.constant 0 : i32
    %dma_start3A_15 = arith.constant 0 : i32
    %dma_start3A_16 = tpu.memref_slice %arg6[%dma_start3A, %dma_start3A_14, %dma_start3A_15] : memref<2x200x64xf32, #tpu.memory_space<vmem>> -> memref<1x200x64xf32, #tpu.memory_space<vmem>>
    %dma_start3A_17 = tpu.memref_squeeze %dma_start3A_16 : memref<1x200x64xf32, #tpu.memory_space<vmem>> -> memref<200x64xf32, #tpu.memory_space<vmem>>
    %dma_start3A_18 = arith.constant 0 : i32
    %dma_start3A_19 = arith.constant 0 : i32
    %dma_start3A_20 = tpu.memref_slice %dma_start3A_17[%dma_start3A_18, %dma_start3A_19] : memref<200x64xf32, #tpu.memory_space<vmem>> -> memref<128x64xf32, #tpu.memory_space<vmem>>
    %dma_start3A_21 = arith.constant 0 : i32
    %dma_start3A_22 = tpu.memref_slice %arg5[%dma_start3A_21] : memref<1600xi32, #tpu.memory_space<vmem>> -> memref<128xi32, #tpu.memory_space<vmem>>
    %dma_start3A_23 = arith.constant 0 : i32
    %dma_start3A_24 = arith.constant 0 : i32
    %dma_start3A_25 = tpu.memref_slice %arg3[%dma_start3A_23, %dma_start3A_24] : memref<100001x64xf32, #tpu.memory_space<hbm>> -> memref<100001x64xf32, #tpu.memory_space<hbm>>
    tpu.enqueue_indirect_dma source(%dma_start3A_25 : memref<100001x64xf32, #tpu.memory_space<hbm>>) target(%dma_start3A_20 : memref<128x64xf32, #tpu.memory_space<vmem>>) offsets(%dma_start3A_22 : memref<128xi32, #tpu.memory_space<vmem>>) semaphore(%arg8 : memref<!tpu.dma_semaphore, #tpu.memory_space<semaphore_mem>>)
    %dma_start3A_26 = arith.constant 0 : i32
    %dma_start3A_27 = arith.constant 0 : i32
    %dma_start3A_28 = arith.constant 0 : i32
    %dma_start3A_29 = tpu.memref_slice %arg6[%dma_start3A_26, %dma_start3A_27, %dma_start3A_28] : memref<2x200x64xf32, #tpu.memory_space<vmem>> -> memref<1x200x64xf32, #tpu.memory_space<vmem>>
    %dma_start3A_30 = tpu.memref_squeeze %dma_start3A_29 : memref<1x200x64xf32, #tpu.memory_space<vmem>> -> memref<200x64xf32, #tpu.memory_space<vmem>>
    %dma_start3A_31 = arith.constant 128 : i32
    %dma_start3A_32 = arith.constant 0 : i32
    %dma_start3A_33 = tpu.memref_slice %dma_start3A_30[%dma_start3A_31, %dma_start3A_32] : memref<200x64xf32, #tpu.memory_space<vmem>> -> memref<72x64xf32, #tpu.memory_space<vmem>>
    %dma_start3A_34 = arith.constant 128 : i32
    %dma_start3A_35 = tpu.memref_slice %arg5[%dma_start3A_34] : memref<1600xi32, #tpu.memory_space<vmem>> -> memref<72xi32, #tpu.memory_space<vmem>>
    %dma_start3A_36 = arith.constant 0 : i32
    %dma_start3A_37 = arith.constant 0 : i32
    %dma_start3A_38 = tpu.memref_slice %arg3[%dma_start3A_36, %dma_start3A_37] : memref<100001x64xf32, #tpu.memory_space<hbm>> -> memref<100001x64xf32, #tpu.memory_space<hbm>>
    tpu.enqueue_indirect_dma source(%dma_start3A_38 : memref<100001x64xf32, #tpu.memory_space<hbm>>) target(%dma_start3A_33 : memref<72x64xf32, #tpu.memory_space<vmem>>) offsets(%dma_start3A_35 : memref<72xi32, #tpu.memory_space<vmem>>) semaphore(%arg8 : memref<!tpu.dma_semaphore, #tpu.memory_space<semaphore_mem>>)
    %scan3A_39 = arith.constant 0 : i32
    %scan3A_40 = arith.constant 0 : i32
    %scan3A_41 = arith.constant 4 : i32
    %scan3A_42 = arith.addi %scan3A_40, %scan3A_41 : i32
    %scan3A_43 = arith.constant 1 : i32
    %scan3A_44 = scf.for %scan3A_46 = %scan3A_40 to %scan3A_42 step %scan3A_43 iter_args(%scan3A_47 = %scan3A_39) -> (i32)  : i32 {
      %mul3A_48 = arith.constant 2 : i32
      %mul3A_49 = arith.muli %mul3A_48, %scan3A_46 : i32
      %add3A_50 = arith.constant 1 : i32
      %add3A_51 = arith.addi %mul3A_49, %add3A_50 : i32
      %mul3A_52 = arith.constant 200 : i32
      %mul3A_53 = arith.muli %add3A_51, %mul3A_52 : i32
      %add3A_54 = arith.constant 0 : i32
      %add3A_55 = arith.addi %mul3A_53, %add3A_54 : i32
      %dma_start3A_56 = arith.constant 1 : i32
      %dma_start3A_57 = arith.constant 0 : i32
      %dma_start3A_58 = arith.constant 0 : i32
      %dma_start3A_59 = tpu.memref_slice %arg6[%dma_start3A_56, %dma_start3A_57, %dma_start3A_58] : memref<2x200x64xf32, #tpu.memory_space<vmem>> -> memref<1x200x64xf32, #tpu.memory_space<vmem>>
      %dma_start3A_60 = tpu.memref_squeeze %dma_start3A_59 : memref<1x200x64xf32, #tpu.memory_space<vmem>> -> memref<200x64xf32, #tpu.memory_space<vmem>>
      %dma_start3A_61 = arith.constant 0 : i32
      %dma_start3A_62 = arith.constant 0 : i32
      %dma_start3A_63 = tpu.memref_slice %dma_start3A_60[%dma_start3A_61, %dma_start3A_62] : memref<200x64xf32, #tpu.memory_space<vmem>> -> memref<128x64xf32, #tpu.memory_space<vmem>>
      %dma_start3A_64 = tpu.memref_slice %arg5[%add3A_55] : memref<1600xi32, #tpu.memory_space<vmem>> -> memref<128xi32, #tpu.memory_space<vmem>>
      %dma_start3A_65 = arith.constant 0 : i32
      %dma_start3A_66 = arith.constant 0 : i32
      %dma_start3A_67 = tpu.memref_slice %arg3[%dma_start3A_65, %dma_start3A_66] : memref<100001x64xf32, #tpu.memory_space<hbm>> -> memref<100001x64xf32, #tpu.memory_space<hbm>>
      tpu.enqueue_indirect_dma source(%dma_start3A_67 : memref<100001x64xf32, #tpu.memory_space<hbm>>) target(%dma_start3A_63 : memref<128x64xf32, #tpu.memory_space<vmem>>) offsets(%dma_start3A_64 : memref<128xi32, #tpu.memory_space<vmem>>) semaphore(%arg9 : memref<!tpu.dma_semaphore, #tpu.memory_space<semaphore_mem>>)
      %mul3A_68 = arith.constant 200 : i32
      %mul3A_69 = arith.muli %add3A_51, %mul3A_68 : i32
      %add3A_70 = arith.constant 128 : i32
      %add3A_71 = arith.addi %mul3A_69, %add3A_70 : i32
      %dma_start3A_72 = arith.constant 1 : i32
      %dma_start3A_73 = arith.constant 0 : i32
      %dma_start3A_74 = arith.constant 0 : i32
      %dma_start3A_75 = tpu.memref_slice %arg6[%dma_start3A_72, %dma_start3A_73, %dma_start3A_74] : memref<2x200x64xf32, #tpu.memory_space<vmem>> -> memref<1x200x64xf32, #tpu.memory_space<vmem>>
      %dma_start3A_76 = tpu.memref_squeeze %dma_start3A_75 : memref<1x200x64xf32, #tpu.memory_space<vmem>> -> memref<200x64xf32, #tpu.memory_space<vmem>>
      %dma_start3A_77 = arith.constant 128 : i32
      %dma_start3A_78 = arith.constant 0 : i32
      %dma_start3A_79 = tpu.memref_slice %dma_start3A_76[%dma_start3A_77, %dma_start3A_78] : memref<200x64xf32, #tpu.memory_space<vmem>> -> memref<72x64xf32, #tpu.memory_space<vmem>>
      %dma_start3A_80 = tpu.memref_slice %arg5[%add3A_71] : memref<1600xi32, #tpu.memory_space<vmem>> -> memref<72xi32, #tpu.memory_space<vmem>>
      %dma_start3A_81 = arith.constant 0 : i32
      %dma_start3A_82 = arith.constant 0 : i32
      %dma_start3A_83 = tpu.memref_slice %arg3[%dma_start3A_81, %dma_start3A_82] : memref<100001x64xf32, #tpu.memory_space<hbm>> -> memref<100001x64xf32, #tpu.memory_space<hbm>>
      tpu.enqueue_indirect_dma source(%dma_start3A_83 : memref<100001x64xf32, #tpu.memory_space<hbm>>) target(%dma_start3A_79 : memref<72x64xf32, #tpu.memory_space<vmem>>) offsets(%dma_start3A_80 : memref<72xi32, #tpu.memory_space<vmem>>) semaphore(%arg9 : memref<!tpu.dma_semaphore, #tpu.memory_space<semaphore_mem>>)
      %mul3A_84 = arith.constant 2 : i32
      %mul3A_85 = arith.muli %mul3A_84, %scan3A_46 : i32
      %mul3A_86 = arith.constant 200 : i32
      %mul3A_87 = arith.muli %mul3A_85, %mul3A_86 : i32
      %add3A_88 = arith.constant 0 : i32
      %add3A_89 = arith.addi %mul3A_87, %add3A_88 : i32
      %dma_wait3A = arith.constant 0 : i32
      %dma_wait3A_90 = arith.constant 0 : i32
      %dma_wait3A_91 = arith.constant 0 : i32
      %dma_wait3A_92 = tpu.memref_slice %arg6[%dma_wait3A, %dma_wait3A_90, %dma_wait3A_91] : memref<2x200x64xf32, #tpu.memory_space<vmem>> -> memref<1x200x64xf32, #tpu.memory_space<vmem>>
      %dma_wait3A_93 = tpu.memref_squeeze %dma_wait3A_92 : memref<1x200x64xf32, #tpu.memory_space<vmem>> -> memref<200x64xf32, #tpu.memory_space<vmem>>
      %dma_wait3A_94 = arith.constant 0 : i32
      %dma_wait3A_95 = arith.constant 0 : i32
      %dma_wait3A_96 = tpu.memref_slice %dma_wait3A_93[%dma_wait3A_94, %dma_wait3A_95] : memref<200x64xf32, #tpu.memory_space<vmem>> -> memref<128x64xf32, #tpu.memory_space<vmem>>
      %dma_wait3A_97 = tpu.memref_slice %arg5[%add3A_89] : memref<1600xi32, #tpu.memory_space<vmem>> -> memref<128xi32, #tpu.memory_space<vmem>>
      %dma_wait3A_98 = arith.constant 0 : i32
      %dma_wait3A_99 = arith.constant 0 : i32
      %dma_wait3A_100 = tpu.memref_slice %arg3[%dma_wait3A_98, %dma_wait3A_99] : memref<100001x64xf32, #tpu.memory_space<hbm>> -> memref<100001x64xf32, #tpu.memory_space<hbm>>
      tpu.wait_indirect_dma semaphore(%arg8 : memref<!tpu.dma_semaphore, #tpu.memory_space<semaphore_mem>>) src(%dma_wait3A_100 : memref<100001x64xf32, #tpu.memory_space<hbm>>) dst(%dma_wait3A_96 : memref<128x64xf32, #tpu.memory_space<vmem>>)
      %mul3A_101 = arith.constant 200 : i32
      %mul3A_102 = arith.muli %mul3A_85, %mul3A_101 : i32
      %add3A_103 = arith.constant 128 : i32
      %add3A_104 = arith.addi %mul3A_102, %add3A_103 : i32
      %dma_wait3A_105 = arith.constant 0 : i32
      %dma_wait3A_106 = arith.constant 0 : i32
      %dma_wait3A_107 = arith.constant 0 : i32
      %dma_wait3A_108 = tpu.memref_slice %arg6[%dma_wait3A_105, %dma_wait3A_106, %dma_wait3A_107] : memref<2x200x64xf32, #tpu.memory_space<vmem>> -> memref<1x200x64xf32, #tpu.memory_space<vmem>>
      %dma_wait3A_109 = tpu.memref_squeeze %dma_wait3A_108 : memref<1x200x64xf32, #tpu.memory_space<vmem>> -> memref<200x64xf32, #tpu.memory_space<vmem>>
      %dma_wait3A_110 = arith.constant 128 : i32
      %dma_wait3A_111 = arith.constant 0 : i32
      %dma_wait3A_112 = tpu.memref_slice %dma_wait3A_109[%dma_wait3A_110, %dma_wait3A_111] : memref<200x64xf32, #tpu.memory_space<vmem>> -> memref<72x64xf32, #tpu.memory_space<vmem>>
      %dma_wait3A_113 = tpu.memref_slice %arg5[%add3A_104] : memref<1600xi32, #tpu.memory_space<vmem>> -> memref<72xi32, #tpu.memory_space<vmem>>
      %dma_wait3A_114 = arith.constant 0 : i32
      %dma_wait3A_115 = arith.constant 0 : i32
      %dma_wait3A_116 = tpu.memref_slice %arg3[%dma_wait3A_114, %dma_wait3A_115] : memref<100001x64xf32, #tpu.memory_space<hbm>> -> memref<100001x64xf32, #tpu.memory_space<hbm>>
      tpu.wait_indirect_dma semaphore(%arg8 : memref<!tpu.dma_semaphore, #tpu.memory_space<semaphore_mem>>) src(%dma_wait3A_116 : memref<100001x64xf32, #tpu.memory_space<hbm>>) dst(%dma_wait3A_112 : memref<72x64xf32, #tpu.memory_space<vmem>>)
      %mul3A_117 = arith.constant 2 : i32
      %mul3A_118 = arith.muli %mul3A_117, %scan3A_46 : i32
      %scan3A_119 = arith.constant 0 : i32
      %scan3A_120 = arith.constant 0 : i32
      %scan3A_121 = arith.constant 25 : i32
      %scan3A_122 = arith.addi %scan3A_120, %scan3A_121 : i32
      %scan3A_123 = arith.constant 1 : i32
      %scan3A_124:4 = scf.for %scan3A_215 = %scan3A_120 to %scan3A_122 step %scan3A_123 iter_args(%scan3A_216 = %broadcast_in_dim3A_3, %scan3A_217 = %broadcast_in_dim3A_3, %scan3A_218 = %broadcast_in_dim3A_3, %scan3A_219 = %broadcast_in_dim3A_3) -> (vector<16xf32>, vector<16xf32>, vector<16xf32>, vector<16xf32>)  : i32 {
        %mul3A_220 = arith.constant 8 : i32
        %mul3A_221 = arith.muli %scan3A_215, %mul3A_220 : i32
        %add3A_222 = arith.constant 0 : i32
        %add3A_223 = arith.addi %mul3A_221, %add3A_222 : i32
        %get3A = arith.constant 0 : i32
        %get3A_224 = arith.constant 0 : i32
        %get3A_225 = tpu.memref_slice %arg6[%scan3A_119, %get3A, %get3A_224] : memref<2x200x64xf32, #tpu.memory_space<vmem>> -> memref<1x200x64xf32, #tpu.memory_space<vmem>>
        %get3A_226 = tpu.memref_squeeze %get3A_225 : memref<1x200x64xf32, #tpu.memory_space<vmem>> -> memref<200x64xf32, #tpu.memory_space<vmem>>
        %get3A_227 = arith.index_cast %add3A_223 : i32 to index
        %get3A_228 = arith.constant 0 : index
        %get3A_229 = tpu.vector_load %get3A_226[%get3A_227, %get3A_228] {strides = array<i32>} : memref<200x64xf32, #tpu.memory_space<vmem>>, vector<1x16xf32>,
        %get3A_230 = vector.shape_cast %get3A_229 : vector<1x16xf32> to vector<16xf32>
        %add3A_231 = arith.addf %scan3A_216, %get3A_230 : vector<16xf32>
        %add3A_232 = arith.constant 0 : i32
        %add3A_233 = arith.addi %mul3A_221, %add3A_232 : i32
        %get3A_234 = arith.constant 0 : i32
        %get3A_235 = arith.constant 0 : i32
        %get3A_236 = tpu.memref_slice %arg6[%scan3A_119, %get3A_234, %get3A_235] : memref<2x200x64xf32, #tpu.memory_space<vmem>> -> memref<1x200x64xf32, #tpu.memory_space<vmem>>
        %get3A_237 = tpu.memref_squeeze %get3A_236 : memref<1x200x64xf32, #tpu.memory_space<vmem>> -> memref<200x64xf32, #tpu.memory_space<vmem>>
        %get3A_238 = arith.index_cast %add3A_233 : i32 to index
        %get3A_239 = arith.constant 16 : index
        %get3A_240 = tpu.vector_load %get3A_237[%get3A_238, %get3A_239] {strides = array<i32>} : memref<200x64xf32, #tpu.memory_space<vmem>>, vector<1x16xf32>,
        %get3A_241 = vector.shape_cast %get3A_240 : vector<1x16xf32> to vector<16xf32>
        %add3A_242 = arith.addf %scan3A_217, %get3A_241 : vector<16xf32>
        %add3A_243 = arith.constant 0 : i32
        %add3A_244 = arith.addi %mul3A_221, %add3A_243 : i32
        %get3A_245 = arith.constant 0 : i32
        %get3A_246 = arith.constant 0 : i32
        %get3A_247 = tpu.memref_slice %arg6[%scan3A_119, %get3A_245, %get3A_246] : memref<2x200x64xf32, #tpu.memory_space<vmem>> -> memref<1x200x64xf32, #tpu.memory_space<vmem>>
        %get3A_248 = tpu.memref_squeeze %get3A_247 : memref<1x200x64xf32, #tpu.memory_space<vmem>> -> memref<200x64xf32, #tpu.memory_space<vmem>>
        %get3A_249 = arith.index_cast %add3A_244 : i32 to index
        %get3A_250 = arith.constant 32 : index
        %get3A_251 = tpu.vector_load %get3A_248[%get3A_249, %get3A_250] {strides = array<i32>} : memref<200x64xf32, #tpu.memory_space<vmem>>, vector<1x16xf32>,
        %get3A_252 = vector.shape_cast %get3A_251 : vector<1x16xf32> to vector<16xf32>
        %add3A_253 = arith.addf %scan3A_218, %get3A_252 : vector<16xf32>
        %add3A_254 = arith.constant 0 : i32
        %add3A_255 = arith.addi %mul3A_221, %add3A_254 : i32
        %get3A_256 = arith.constant 0 : i32
        %get3A_257 = arith.constant 0 : i32
        %get3A_258 = tpu.memref_slice %arg6[%scan3A_119, %get3A_256, %get3A_257] : memref<2x200x64xf32, #tpu.memory_space<vmem>> -> memref<1x200x64xf32, #tpu.memory_space<vmem>>
        %get3A_259 = tpu.memref_squeeze %get3A_258 : memref<1x200x64xf32, #tpu.memory_space<vmem>> -> memref<200x64xf32, #tpu.memory_space<vmem>>
        %get3A_260 = arith.index_cast %add3A_255 : i32 to index
        %get3A_261 = arith.constant 48 : index
        %get3A_262 = tpu.vector_load %get3A_259[%get3A_260, %get3A_261] {strides = array<i32>} : memref<200x64xf32, #tpu.memory_space<vmem>>, vector<1x16xf32>,
        %get3A_263 = vector.shape_cast %get3A_262 : vector<1x16xf32> to vector<16xf32>
        %add3A_264 = arith.addf %scan3A_219, %get3A_263 : vector<16xf32>
        %add3A_265 = arith.constant 1 : i32
        %add3A_266 = arith.addi %mul3A_221, %add3A_265 : i32
        %get3A_267 = arith.constant 0 : i32
        %get3A_268 = arith.constant 0 : i32
        %get3A_269 = tpu.memref_slice %arg6[%scan3A_119, %get3A_267, %get3A_268] : memref<2x200x64xf32, #tpu.memory_space<vmem>> -> memref<1x200x64xf32, #tpu.memory_space<vmem>>
        %get3A_270 = tpu.memref_squeeze %get3A_269 : memref<1x200x64xf32, #tpu.memory_space<vmem>> -> memref<200x64xf32, #tpu.memory_space<vmem>>
        %get3A_271 = arith.index_cast %add3A_266 : i32 to index
        %get3A_272 = arith.constant 0 : index
        %get3A_273 = tpu.vector_load %get3A_270[%get3A_271, %get3A_272] {strides = array<i32>} : memref<200x64xf32, #tpu.memory_space<vmem>>, vector<1x16xf32>,
        %get3A_274 = vector.shape_cast %get3A_273 : vector<1x16xf32> to vector<16xf32>
        %add3A_275 = arith.addf %add3A_231, %get3A_274 : vector<16xf32>
        %add3A_276 = arith.constant 1 : i32
        %add3A_277 = arith.addi %mul3A_221, %add3A_276 : i32
        %get3A_278 = arith.constant 0 : i32
        %get3A_279 = arith.constant 0 : i32
        %get3A_280 = tpu.memref_slice %arg6[%scan3A_119, %get3A_278, %get3A_279] : memref<2x200x64xf32, #tpu.memory_space<vmem>> -> memref<1x200x64xf32, #tpu.memory_space<vmem>>
        %get3A_281 = tpu.memref_squeeze %get3A_280 : memref<1x200x64xf32, #tpu.memory_space<vmem>> -> memref<200x64xf32, #tpu.memory_space<vmem>>
        %get3A_282 = arith.index_cast %add3A_277 : i32 to index
        %get3A_283 = arith.constant 16 : index
        %get3A_284 = tpu.vector_load %get3A_281[%get3A_282, %get3A_283] {strides = array<i32>} : memref<200x64xf32, #tpu.memory_space<vmem>>, vector<1x16xf32>,
        %get3A_285 = vector.shape_cast %get3A_284 : vector<1x16xf32> to vector<16xf32>
        %add3A_286 = arith.addf %add3A_242, %get3A_285 : vector<16xf32>
        %add3A_287 = arith.constant 1 : i32
        %add3A_288 = arith.addi %mul3A_221, %add3A_287 : i32
        %get3A_289 = arith.constant 0 : i32
        %get3A_290 = arith.constant 0 : i32
        %get3A_291 = tpu.memref_slice %arg6[%scan3A_119, %get3A_289, %get3A_290] : memref<2x200x64xf32, #tpu.memory_space<vmem>> -> memref<1x200x64xf32, #tpu.memory_space<vmem>>
        %get3A_292 = tpu.memref_squeeze %get3A_291 : memref<1x200x64xf32, #tpu.memory_space<vmem>> -> memref<200x64xf32, #tpu.memory_space<vmem>>
        %get3A_293 = arith.index_cast %add3A_288 : i32 to index
        %get3A_294 = arith.constant 32 : index
        %get3A_295 = tpu.vector_load %get3A_292[%get3A_293, %get3A_294] {strides = array<i32>} : memref<200x64xf32, #tpu.memory_space<vmem>>, vector<1x16xf32>,
        %get3A_296 = vector.shape_cast %get3A_295 : vector<1x16xf32> to vector<16xf32>
        %add3A_297 = arith.addf %add3A_253, %get3A_296 : vector<16xf32>
        %add3A_298 = arith.constant 1 : i32
        %add3A_299 = arith.addi %mul3A_221, %add3A_298 : i32
        %get3A_300 = arith.constant 0 : i32
        %get3A_301 = arith.constant 0 : i32
        %get3A_302 = tpu.memref_slice %arg6[%scan3A_119, %get3A_300, %get3A_301] : memref<2x200x64xf32, #tpu.memory_space<vmem>> -> memref<1x200x64xf32, #tpu.memory_space<vmem>>
        %get3A_303 = tpu.memref_squeeze %get3A_302 : memref<1x200x64xf32, #tpu.memory_space<vmem>> -> memref<200x64xf32, #tpu.memory_space<vmem>>
        %get3A_304 = arith.index_cast %add3A_299 : i32 to index
        %get3A_305 = arith.constant 48 : index
        %get3A_306 = tpu.vector_load %get3A_303[%get3A_304, %get3A_305] {strides = array<i32>} : memref<200x64xf32, #tpu.memory_space<vmem>>, vector<1x16xf32>,
        %get3A_307 = vector.shape_cast %get3A_306 : vector<1x16xf32> to vector<16xf32>
        %add3A_308 = arith.addf %add3A_264, %get3A_307 : vector<16xf32>
        %add3A_309 = arith.constant 2 : i32
        %add3A_310 = arith.addi %mul3A_221, %add3A_309 : i32
        %get3A_311 = arith.constant 0 : i32
        %get3A_312 = arith.constant 0 : i32
        %get3A_313 = tpu.memref_slice %arg6[%scan3A_119, %get3A_311, %get3A_312] : memref<2x200x64xf32, #tpu.memory_space<vmem>> -> memref<1x200x64xf32, #tpu.memory_space<vmem>>
        %get3A_314 = tpu.memref_squeeze %get3A_313 : memref<1x200x64xf32, #tpu.memory_space<vmem>> -> memref<200x64xf32, #tpu.memory_space<vmem>>
        %get3A_315 = arith.index_cast %add3A_310 : i32 to index
        %get3A_316 = arith.constant 0 : index
        %get3A_317 = tpu.vector_load %get3A_314[%get3A_315, %get3A_316] {strides = array<i32>} : memref<200x64xf32, #tpu.memory_space<vmem>>, vector<1x16xf32>,
        %get3A_318 = vector.shape_cast %get3A_317 : vector<1x16xf32> to vector<16xf32>
        %add3A_319 = arith.addf %add3A_275, %get3A_318 : vector<16xf32>
        %add3A_320 = arith.constant 2 : i32
        %add3A_321 = arith.addi %mul3A_221, %add3A_320 : i32
        %get3A_322 = arith.constant 0 : i32
        %get3A_323 = arith.constant 0 : i32
        %get3A_324 = tpu.memref_slice %arg6[%scan3A_119, %get3A_322, %get3A_323] : memref<2x200x64xf32, #tpu.memory_space<vmem>> -> memref<1x200x64xf32, #tpu.memory_space<vmem>>
        %get3A_325 = tpu.memref_squeeze %get3A_324 : memref<1x200x64xf32, #tpu.memory_space<vmem>> -> memref<200x64xf32, #tpu.memory_space<vmem>>
        %get3A_326 = arith.index_cast %add3A_321 : i32 to index
        %get3A_327 = arith.constant 16 : index
        %get3A_328 = tpu.vector_load %get3A_325[%get3A_326, %get3A_327] {strides = array<i32>} : memref<200x64xf32, #tpu.memory_space<vmem>>, vector<1x16xf32>,
        %get3A_329 = vector.shape_cast %get3A_328 : vector<1x16xf32> to vector<16xf32>
        %add3A_330 = arith.addf %add3A_286, %get3A_329 : vector<16xf32>
        %add3A_331 = arith.constant 2 : i32
        %add3A_332 = arith.addi %mul3A_221, %add3A_331 : i32
        %get3A_333 = arith.constant 0 : i32
        %get3A_334 = arith.constant 0 : i32
        %get3A_335 = tpu.memref_slice %arg6[%scan3A_119, %get3A_333, %get3A_334] : memref<2x200x64xf32, #tpu.memory_space<vmem>> -> memref<1x200x64xf32, #tpu.memory_space<vmem>>
        %get3A_336 = tpu.memref_squeeze %get3A_335 : memref<1x200x64xf32, #tpu.memory_space<vmem>> -> memref<200x64xf32, #tpu.memory_space<vmem>>
        %get3A_337 = arith.index_cast %add3A_332 : i32 to index
        %get3A_338 = arith.constant 32 : index
        %get3A_339 = tpu.vector_load %get3A_336[%get3A_337, %get3A_338] {strides = array<i32>} : memref<200x64xf32, #tpu.memory_space<vmem>>, vector<1x16xf32>,
        %get3A_340 = vector.shape_cast %get3A_339 : vector<1x16xf32> to vector<16xf32>
        %add3A_341 = arith.addf %add3A_297, %get3A_340 : vector<16xf32>
        %add3A_342 = arith.constant 2 : i32
        %add3A_343 = arith.addi %mul3A_221, %add3A_342 : i32
        %get3A_344 = arith.constant 0 : i32
        %get3A_345 = arith.constant 0 : i32
        %get3A_346 = tpu.memref_slice %arg6[%scan3A_119, %get3A_344, %get3A_345] : memref<2x200x64xf32, #tpu.memory_space<vmem>> -> memref<1x200x64xf32, #tpu.memory_space<vmem>>
        %get3A_347 = tpu.memref_squeeze %get3A_346 : memref<1x200x64xf32, #tpu.memory_space<vmem>> -> memref<200x64xf32, #tpu.memory_space<vmem>>
        %get3A_348 = arith.index_cast %add3A_343 : i32 to index
        %get3A_349 = arith.constant 48 : index
        %get3A_350 = tpu.vector_load %get3A_347[%get3A_348, %get3A_349] {strides = array<i32>} : memref<200x64xf32, #tpu.memory_space<vmem>>, vector<1x16xf32>,
        %get3A_351 = vector.shape_cast %get3A_350 : vector<1x16xf32> to vector<16xf32>
        %add3A_352 = arith.addf %add3A_308, %get3A_351 : vector<16xf32>
        %add3A_353 = arith.constant 3 : i32
        %add3A_354 = arith.addi %mul3A_221, %add3A_353 : i32
        %get3A_355 = arith.constant 0 : i32
        %get3A_356 = arith.constant 0 : i32
        %get3A_357 = tpu.memref_slice %arg6[%scan3A_119, %get3A_355, %get3A_356] : memref<2x200x64xf32, #tpu.memory_space<vmem>> -> memref<1x200x64xf32, #tpu.memory_space<vmem>>
        %get3A_358 = tpu.memref_squeeze %get3A_357 : memref<1x200x64xf32, #tpu.memory_space<vmem>> -> memref<200x64xf32, #tpu.memory_space<vmem>>
        %get3A_359 = arith.index_cast %add3A_354 : i32 to index
        %get3A_360 = arith.constant 0 : index
        %get3A_361 = tpu.vector_load %get3A_358[%get3A_359, %get3A_360] {strides = array<i32>} : memref<200x64xf32, #tpu.memory_space<vmem>>, vector<1x16xf32>,
        %get3A_362 = vector.shape_cast %get3A_361 : vector<1x16xf32> to vector<16xf32>
        %add3A_363 = arith.addf %add3A_319, %get3A_362 : vector<16xf32>
        %add3A_364 = arith.constant 3 : i32
        %add3A_365 = arith.addi %mul3A_221, %add3A_364 : i32
        %get3A_366 = arith.constant 0 : i32
        %get3A_367 = arith.constant 0 : i32
        %get3A_368 = tpu.memref_slice %arg6[%scan3A_119, %get3A_366, %get3A_367] : memref<2x200x64xf32, #tpu.memory_space<vmem>> -> memref<1x200x64xf32, #tpu.memory_space<vmem>>
        %get3A_369 = tpu.memref_squeeze %get3A_368 : memref<1x200x64xf32, #tpu.memory_space<vmem>> -> memref<200x64xf32, #tpu.memory_space<vmem>>
        %get3A_370 = arith.index_cast %add3A_365 : i32 to index
        %get3A_371 = arith.constant 16 : index
        %get3A_372 = tpu.vector_load %get3A_369[%get3A_370, %get3A_371] {strides = array<i32>} : memref<200x64xf32, #tpu.memory_space<vmem>>, vector<1x16xf32>,
        %get3A_373 = vector.shape_cast %get3A_372 : vector<1x16xf32> to vector<16xf32>
        %add3A_374 = arith.addf %add3A_330, %get3A_373 : vector<16xf32>
        %add3A_375 = arith.constant 3 : i32
        %add3A_376 = arith.addi %mul3A_221, %add3A_375 : i32
        %get3A_377 = arith.constant 0 : i32
        %get3A_378 = arith.constant 0 : i32
        %get3A_379 = tpu.memref_slice %arg6[%scan3A_119, %get3A_377, %get3A_378] : memref<2x200x64xf32, #tpu.memory_space<vmem>> -> memref<1x200x64xf32, #tpu.memory_space<vmem>>
        %get3A_380 = tpu.memref_squeeze %get3A_379 : memref<1x200x64xf32, #tpu.memory_space<vmem>> -> memref<200x64xf32, #tpu.memory_space<vmem>>
        %get3A_381 = arith.index_cast %add3A_376 : i32 to index
        %get3A_382 = arith.constant 32 : index
        %get3A_383 = tpu.vector_load %get3A_380[%get3A_381, %get3A_382] {strides = array<i32>} : memref<200x64xf32, #tpu.memory_space<vmem>>, vector<1x16xf32>,
        %get3A_384 = vector.shape_cast %get3A_383 : vector<1x16xf32> to vector<16xf32>
        %add3A_385 = arith.addf %add3A_341, %get3A_384 : vector<16xf32>
        %add3A_386 = arith.constant 3 : i32
        %add3A_387 = arith.addi %mul3A_221, %add3A_386 : i32
        %get3A_388 = arith.constant 0 : i32
        %get3A_389 = arith.constant 0 : i32
        %get3A_390 = tpu.memref_slice %arg6[%scan3A_119, %get3A_388, %get3A_389] : memref<2x200x64xf32, #tpu.memory_space<vmem>> -> memref<1x200x64xf32, #tpu.memory_space<vmem>>
        %get3A_391 = tpu.memref_squeeze %get3A_390 : memref<1x200x64xf32, #tpu.memory_space<vmem>> -> memref<200x64xf32, #tpu.memory_space<vmem>>
        %get3A_392 = arith.index_cast %add3A_387 : i32 to index
        %get3A_393 = arith.constant 48 : index
        %get3A_394 = tpu.vector_load %get3A_391[%get3A_392, %get3A_393] {strides = array<i32>} : memref<200x64xf32, #tpu.memory_space<vmem>>, vector<1x16xf32>,
        %get3A_395 = vector.shape_cast %get3A_394 : vector<1x16xf32> to vector<16xf32>
        %add3A_396 = arith.addf %add3A_352, %get3A_395 : vector<16xf32>
        %add3A_397 = arith.constant 4 : i32
        %add3A_398 = arith.addi %mul3A_221, %add3A_397 : i32
        %get3A_399 = arith.constant 0 : i32
        %get3A_400 = arith.constant 0 : i32
        %get3A_401 = tpu.memref_slice %arg6[%scan3A_119, %get3A_399, %get3A_400] : memref<2x200x64xf32, #tpu.memory_space<vmem>> -> memref<1x200x64xf32, #tpu.memory_space<vmem>>
        %get3A_402 = tpu.memref_squeeze %get3A_401 : memref<1x200x64xf32, #tpu.memory_space<vmem>> -> memref<200x64xf32, #tpu.memory_space<vmem>>
        %get3A_403 = arith.index_cast %add3A_398 : i32 to index
        %get3A_404 = arith.constant 0 : index
        %get3A_405 = tpu.vector_load %get3A_402[%get3A_403, %get3A_404] {strides = array<i32>} : memref<200x64xf32, #tpu.memory_space<vmem>>, vector<1x16xf32>,
        %get3A_406 = vector.shape_cast %get3A_405 : vector<1x16xf32> to vector<16xf32>
        %add3A_407 = arith.addf %add3A_363, %get3A_406 : vector<16xf32>
        %add3A_408 = arith.constant 4 : i32
        %add3A_409 = arith.addi %mul3A_221, %add3A_408 : i32
        %get3A_410 = arith.constant 0 : i32
        %get3A_411 = arith.constant 0 : i32
        %get3A_412 = tpu.memref_slice %arg6[%scan3A_119, %get3A_410, %get3A_411] : memref<2x200x64xf32, #tpu.memory_space<vmem>> -> memref<1x200x64xf32, #tpu.memory_space<vmem>>
        %get3A_413 = tpu.memref_squeeze %get3A_412 : memref<1x200x64xf32, #tpu.memory_space<vmem>> -> memref<200x64xf32, #tpu.memory_space<vmem>>
        %get3A_414 = arith.index_cast %add3A_409 : i32 to index
        %get3A_415 = arith.constant 16 : index
        %get3A_416 = tpu.vector_load %get3A_413[%get3A_414, %get3A_415] {strides = array<i32>} : memref<200x64xf32, #tpu.memory_space<vmem>>, vector<1x16xf32>,
        %get3A_417 = vector.shape_cast %get3A_416 : vector<1x16xf32> to vector<16xf32>
        %add3A_418 = arith.addf %add3A_374, %get3A_417 : vector<16xf32>
        %add3A_419 = arith.constant 4 : i32
        %add3A_420 = arith.addi %mul3A_221, %add3A_419 : i32
        %get3A_421 = arith.constant 0 : i32
        %get3A_422 = arith.constant 0 : i32
        %get3A_423 = tpu.memref_slice %arg6[%scan3A_119, %get3A_421, %get3A_422] : memref<2x200x64xf32, #tpu.memory_space<vmem>> -> memref<1x200x64xf32, #tpu.memory_space<vmem>>
        %get3A_424 = tpu.memref_squeeze %get3A_423 : memref<1x200x64xf32, #tpu.memory_space<vmem>> -> memref<200x64xf32, #tpu.memory_space<vmem>>
        %get3A_425 = arith.index_cast %add3A_420 : i32 to index
        %get3A_426 = arith.constant 32 : index
        %get3A_427 = tpu.vector_load %get3A_424[%get3A_425, %get3A_426] {strides = array<i32>} : memref<200x64xf32, #tpu.memory_space<vmem>>, vector<1x16xf32>,
        %get3A_428 = vector.shape_cast %get3A_427 : vector<1x16xf32> to vector<16xf32>
        %add3A_429 = arith.addf %add3A_385, %get3A_428 : vector<16xf32>
        %add3A_430 = arith.constant 4 : i32
        %add3A_431 = arith.addi %mul3A_221, %add3A_430 : i32
        %get3A_432 = arith.constant 0 : i32
        %get3A_433 = arith.constant 0 : i32
        %get3A_434 = tpu.memref_slice %arg6[%scan3A_119, %get3A_432, %get3A_433] : memref<2x200x64xf32, #tpu.memory_space<vmem>> -> memref<1x200x64xf32, #tpu.memory_space<vmem>>
        %get3A_435 = tpu.memref_squeeze %get3A_434 : memref<1x200x64xf32, #tpu.memory_space<vmem>> -> memref<200x64xf32, #tpu.memory_space<vmem>>
        %get3A_436 = arith.index_cast %add3A_431 : i32 to index
        %get3A_437 = arith.constant 48 : index
        %get3A_438 = tpu.vector_load %get3A_435[%get3A_436, %get3A_437] {strides = array<i32>} : memref<200x64xf32, #tpu.memory_space<vmem>>, vector<1x16xf32>,
        %get3A_439 = vector.shape_cast %get3A_438 : vector<1x16xf32> to vector<16xf32>
        %add3A_440 = arith.addf %add3A_396, %get3A_439 : vector<16xf32>
        %add3A_441 = arith.constant 5 : i32
        %add3A_442 = arith.addi %mul3A_221, %add3A_441 : i32
        %get3A_443 = arith.constant 0 : i32
        %get3A_444 = arith.constant 0 : i32
        %get3A_445 = tpu.memref_slice %arg6[%scan3A_119, %get3A_443, %get3A_444] : memref<2x200x64xf32, #tpu.memory_space<vmem>> -> memref<1x200x64xf32, #tpu.memory_space<vmem>>
        %get3A_446 = tpu.memref_squeeze %get3A_445 : memref<1x200x64xf32, #tpu.memory_space<vmem>> -> memref<200x64xf32, #tpu.memory_space<vmem>>
        %get3A_447 = arith.index_cast %add3A_442 : i32 to index
        %get3A_448 = arith.constant 0 : index
        %get3A_449 = tpu.vector_load %get3A_446[%get3A_447, %get3A_448] {strides = array<i32>} : memref<200x64xf32, #tpu.memory_space<vmem>>, vector<1x16xf32>,
        %get3A_450 = vector.shape_cast %get3A_449 : vector<1x16xf32> to vector<16xf32>
        %add3A_451 = arith.addf %add3A_407, %get3A_450 : vector<16xf32>
        %add3A_452 = arith.constant 5 : i32
        %add3A_453 = arith.addi %mul3A_221, %add3A_452 : i32
        %get3A_454 = arith.constant 0 : i32
        %get3A_455 = arith.constant 0 : i32
        %get3A_456 = tpu.memref_slice %arg6[%scan3A_119, %get3A_454, %get3A_455] : memref<2x200x64xf32, #tpu.memory_space<vmem>> -> memref<1x200x64xf32, #tpu.memory_space<vmem>>
        %get3A_457 = tpu.memref_squeeze %get3A_456 : memref<1x200x64xf32, #tpu.memory_space<vmem>> -> memref<200x64xf32, #tpu.memory_space<vmem>>
        %get3A_458 = arith.index_cast %add3A_453 : i32 to index
        %get3A_459 = arith.constant 16 : index
        %get3A_460 = tpu.vector_load %get3A_457[%get3A_458, %get3A_459] {strides = array<i32>} : memref<200x64xf32, #tpu.memory_space<vmem>>, vector<1x16xf32>,
        %get3A_461 = vector.shape_cast %get3A_460 : vector<1x16xf32> to vector<16xf32>
        %add3A_462 = arith.addf %add3A_418, %get3A_461 : vector<16xf32>
        %add3A_463 = arith.constant 5 : i32
        %add3A_464 = arith.addi %mul3A_221, %add3A_463 : i32
        %get3A_465 = arith.constant 0 : i32
        %get3A_466 = arith.constant 0 : i32
        %get3A_467 = tpu.memref_slice %arg6[%scan3A_119, %get3A_465, %get3A_466] : memref<2x200x64xf32, #tpu.memory_space<vmem>> -> memref<1x200x64xf32, #tpu.memory_space<vmem>>
        %get3A_468 = tpu.memref_squeeze %get3A_467 : memref<1x200x64xf32, #tpu.memory_space<vmem>> -> memref<200x64xf32, #tpu.memory_space<vmem>>
        %get3A_469 = arith.index_cast %add3A_464 : i32 to index
        %get3A_470 = arith.constant 32 : index
        %get3A_471 = tpu.vector_load %get3A_468[%get3A_469, %get3A_470] {strides = array<i32>} : memref<200x64xf32, #tpu.memory_space<vmem>>, vector<1x16xf32>,
        %get3A_472 = vector.shape_cast %get3A_471 : vector<1x16xf32> to vector<16xf32>
        %add3A_473 = arith.addf %add3A_429, %get3A_472 : vector<16xf32>
        %add3A_474 = arith.constant 5 : i32
        %add3A_475 = arith.addi %mul3A_221, %add3A_474 : i32
        %get3A_476 = arith.constant 0 : i32
        %get3A_477 = arith.constant 0 : i32
        %get3A_478 = tpu.memref_slice %arg6[%scan3A_119, %get3A_476, %get3A_477] : memref<2x200x64xf32, #tpu.memory_space<vmem>> -> memref<1x200x64xf32, #tpu.memory_space<vmem>>
        %get3A_479 = tpu.memref_squeeze %get3A_478 : memref<1x200x64xf32, #tpu.memory_space<vmem>> -> memref<200x64xf32, #tpu.memory_space<vmem>>
        %get3A_480 = arith.index_cast %add3A_475 : i32 to index
        %get3A_481 = arith.constant 48 : index
        %get3A_482 = tpu.vector_load %get3A_479[%get3A_480, %get3A_481] {strides = array<i32>} : memref<200x64xf32, #tpu.memory_space<vmem>>, vector<1x16xf32>,
        %get3A_483 = vector.shape_cast %get3A_482 : vector<1x16xf32> to vector<16xf32>
        %add3A_484 = arith.addf %add3A_440, %get3A_483 : vector<16xf32>
        %add3A_485 = arith.constant 6 : i32
        %add3A_486 = arith.addi %mul3A_221, %add3A_485 : i32
        %get3A_487 = arith.constant 0 : i32
        %get3A_488 = arith.constant 0 : i32
        %get3A_489 = tpu.memref_slice %arg6[%scan3A_119, %get3A_487, %get3A_488] : memref<2x200x64xf32, #tpu.memory_space<vmem>> -> memref<1x200x64xf32, #tpu.memory_space<vmem>>
        %get3A_490 = tpu.memref_squeeze %get3A_489 : memref<1x200x64xf32, #tpu.memory_space<vmem>> -> memref<200x64xf32, #tpu.memory_space<vmem>>
        %get3A_491 = arith.index_cast %add3A_486 : i32 to index
        %get3A_492 = arith.constant 0 : index
        %get3A_493 = tpu.vector_load %get3A_490[%get3A_491, %get3A_492] {strides = array<i32>} : memref<200x64xf32, #tpu.memory_space<vmem>>, vector<1x16xf32>,
        %get3A_494 = vector.shape_cast %get3A_493 : vector<1x16xf32> to vector<16xf32>
        %add3A_495 = arith.addf %add3A_451, %get3A_494 : vector<16xf32>
        %add3A_496 = arith.constant 6 : i32
        %add3A_497 = arith.addi %mul3A_221, %add3A_496 : i32
        %get3A_498 = arith.constant 0 : i32
        %get3A_499 = arith.constant 0 : i32
        %get3A_500 = tpu.memref_slice %arg6[%scan3A_119, %get3A_498, %get3A_499] : memref<2x200x64xf32, #tpu.memory_space<vmem>> -> memref<1x200x64xf32, #tpu.memory_space<vmem>>
        %get3A_501 = tpu.memref_squeeze %get3A_500 : memref<1x200x64xf32, #tpu.memory_space<vmem>> -> memref<200x64xf32, #tpu.memory_space<vmem>>
        %get3A_502 = arith.index_cast %add3A_497 : i32 to index
        %get3A_503 = arith.constant 16 : index
        %get3A_504 = tpu.vector_load %get3A_501[%get3A_502, %get3A_503] {strides = array<i32>} : memref<200x64xf32, #tpu.memory_space<vmem>>, vector<1x16xf32>,
        %get3A_505 = vector.shape_cast %get3A_504 : vector<1x16xf32> to vector<16xf32>
        %add3A_506 = arith.addf %add3A_462, %get3A_505 : vector<16xf32>
        %add3A_507 = arith.constant 6 : i32
        %add3A_508 = arith.addi %mul3A_221, %add3A_507 : i32
        %get3A_509 = arith.constant 0 : i32
        %get3A_510 = arith.constant 0 : i32
        %get3A_511 = tpu.memref_slice %arg6[%scan3A_119, %get3A_509, %get3A_510] : memref<2x200x64xf32, #tpu.memory_space<vmem>> -> memref<1x200x64xf32, #tpu.memory_space<vmem>>
        %get3A_512 = tpu.memref_squeeze %get3A_511 : memref<1x200x64xf32, #tpu.memory_space<vmem>> -> memref<200x64xf32, #tpu.memory_space<vmem>>
        %get3A_513 = arith.index_cast %add3A_508 : i32 to index
        %get3A_514 = arith.constant 32 : index
        %get3A_515 = tpu.vector_load %get3A_512[%get3A_513, %get3A_514] {strides = array<i32>} : memref<200x64xf32, #tpu.memory_space<vmem>>, vector<1x16xf32>,
        %get3A_516 = vector.shape_cast %get3A_515 : vector<1x16xf32> to vector<16xf32>
        %add3A_517 = arith.addf %add3A_473, %get3A_516 : vector<16xf32>
        %add3A_518 = arith.constant 6 : i32
        %add3A_519 = arith.addi %mul3A_221, %add3A_518 : i32
        %get3A_520 = arith.constant 0 : i32
        %get3A_521 = arith.constant 0 : i32
        %get3A_522 = tpu.memref_slice %arg6[%scan3A_119, %get3A_520, %get3A_521] : memref<2x200x64xf32, #tpu.memory_space<vmem>> -> memref<1x200x64xf32, #tpu.memory_space<vmem>>
        %get3A_523 = tpu.memref_squeeze %get3A_522 : memref<1x200x64xf32, #tpu.memory_space<vmem>> -> memref<200x64xf32, #tpu.memory_space<vmem>>
        %get3A_524 = arith.index_cast %add3A_519 : i32 to index
        %get3A_525 = arith.constant 48 : index
        %get3A_526 = tpu.vector_load %get3A_523[%get3A_524, %get3A_525] {strides = array<i32>} : memref<200x64xf32, #tpu.memory_space<vmem>>, vector<1x16xf32>,
        %get3A_527 = vector.shape_cast %get3A_526 : vector<1x16xf32> to vector<16xf32>
        %add3A_528 = arith.addf %add3A_484, %get3A_527 : vector<16xf32>
        %add3A_529 = arith.constant 7 : i32
        %add3A_530 = arith.addi %mul3A_221, %add3A_529 : i32
        %get3A_531 = arith.constant 0 : i32
        %get3A_532 = arith.constant 0 : i32
        %get3A_533 = tpu.memref_slice %arg6[%scan3A_119, %get3A_531, %get3A_532] : memref<2x200x64xf32, #tpu.memory_space<vmem>> -> memref<1x200x64xf32, #tpu.memory_space<vmem>>
        %get3A_534 = tpu.memref_squeeze %get3A_533 : memref<1x200x64xf32, #tpu.memory_space<vmem>> -> memref<200x64xf32, #tpu.memory_space<vmem>>
        %get3A_535 = arith.index_cast %add3A_530 : i32 to index
        %get3A_536 = arith.constant 0 : index
        %get3A_537 = tpu.vector_load %get3A_534[%get3A_535, %get3A_536] {strides = array<i32>} : memref<200x64xf32, #tpu.memory_space<vmem>>, vector<1x16xf32>,
        %get3A_538 = vector.shape_cast %get3A_537 : vector<1x16xf32> to vector<16xf32>
        %add3A_539 = arith.addf %add3A_495, %get3A_538 : vector<16xf32>
        %add3A_540 = arith.constant 7 : i32
        %add3A_541 = arith.addi %mul3A_221, %add3A_540 : i32
        %get3A_542 = arith.constant 0 : i32
        %get3A_543 = arith.constant 0 : i32
        %get3A_544 = tpu.memref_slice %arg6[%scan3A_119, %get3A_542, %get3A_543] : memref<2x200x64xf32, #tpu.memory_space<vmem>> -> memref<1x200x64xf32, #tpu.memory_space<vmem>>
        %get3A_545 = tpu.memref_squeeze %get3A_544 : memref<1x200x64xf32, #tpu.memory_space<vmem>> -> memref<200x64xf32, #tpu.memory_space<vmem>>
        %get3A_546 = arith.index_cast %add3A_541 : i32 to index
        %get3A_547 = arith.constant 16 : index
        %get3A_548 = tpu.vector_load %get3A_545[%get3A_546, %get3A_547] {strides = array<i32>} : memref<200x64xf32, #tpu.memory_space<vmem>>, vector<1x16xf32>,
        %get3A_549 = vector.shape_cast %get3A_548 : vector<1x16xf32> to vector<16xf32>
        %add3A_550 = arith.addf %add3A_506, %get3A_549 : vector<16xf32>
        %add3A_551 = arith.constant 7 : i32
        %add3A_552 = arith.addi %mul3A_221, %add3A_551 : i32
        %get3A_553 = arith.constant 0 : i32
        %get3A_554 = arith.constant 0 : i32
        %get3A_555 = tpu.memref_slice %arg6[%scan3A_119, %get3A_553, %get3A_554] : memref<2x200x64xf32, #tpu.memory_space<vmem>> -> memref<1x200x64xf32, #tpu.memory_space<vmem>>
        %get3A_556 = tpu.memref_squeeze %get3A_555 : memref<1x200x64xf32, #tpu.memory_space<vmem>> -> memref<200x64xf32, #tpu.memory_space<vmem>>
        %get3A_557 = arith.index_cast %add3A_552 : i32 to index
        %get3A_558 = arith.constant 32 : index
        %get3A_559 = tpu.vector_load %get3A_556[%get3A_557, %get3A_558] {strides = array<i32>} : memref<200x64xf32, #tpu.memory_space<vmem>>, vector<1x16xf32>,
        %get3A_560 = vector.shape_cast %get3A_559 : vector<1x16xf32> to vector<16xf32>
        %add3A_561 = arith.addf %add3A_517, %get3A_560 : vector<16xf32>
        %add3A_562 = arith.constant 7 : i32
        %add3A_563 = arith.addi %mul3A_221, %add3A_562 : i32
        %get3A_564 = arith.constant 0 : i32
        %get3A_565 = arith.constant 0 : i32
        %get3A_566 = tpu.memref_slice %arg6[%scan3A_119, %get3A_564, %get3A_565] : memref<2x200x64xf32, #tpu.memory_space<vmem>> -> memref<1x200x64xf32, #tpu.memory_space<vmem>>
        %get3A_567 = tpu.memref_squeeze %get3A_566 : memref<1x200x64xf32, #tpu.memory_space<vmem>> -> memref<200x64xf32, #tpu.memory_space<vmem>>
        %get3A_568 = arith.index_cast %add3A_563 : i32 to index
        %get3A_569 = arith.constant 48 : index
        %get3A_570 = tpu.vector_load %get3A_567[%get3A_568, %get3A_569] {strides = array<i32>} : memref<200x64xf32, #tpu.memory_space<vmem>>, vector<1x16xf32>,
        %get3A_571 = vector.shape_cast %get3A_570 : vector<1x16xf32> to vector<16xf32>
        %add3A_572 = arith.addf %add3A_528, %get3A_571 : vector<16xf32>
        scf.yield %add3A_539, %add3A_550, %add3A_561, %add3A_572 : vector<16xf32>, vector<16xf32>, vector<16xf32>, vector<16xf32>
      }
      %scan3A_125 = arith.constant 25 : i32
      %swap3A = arith.index_cast %mul3A_118 : i32 to index
      %swap3A_126 = arith.constant 0 : index
      %swap3A_127 = tpu.vector_load %arg7[%swap3A, %swap3A_126] {strides = array<i32>} : memref<8x64xf32, #tpu.memory_space<vmem>>, vector<1x16xf32>,
      %swap3A_128 = vector.shape_cast %swap3A_127 : vector<1x16xf32> to vector<16xf32>
      %swap3A_129 = vector.shape_cast %scan3A_124#0 : vector<16xf32> to vector<1x16xf32>
      tpu.vector_store %arg7[%swap3A, %swap3A_126], %swap3A_129 {strides = array<i32>} : memref<8x64xf32, #tpu.memory_space<vmem>>, vector<1x16xf32>,
      %swap3A_130 = arith.index_cast %mul3A_118 : i32 to index
      %swap3A_131 = arith.constant 16 : index
      %swap3A_132 = tpu.vector_load %arg7[%swap3A_130, %swap3A_131] {strides = array<i32>} : memref<8x64xf32, #tpu.memory_space<vmem>>, vector<1x16xf32>,
      %swap3A_133 = vector.shape_cast %swap3A_132 : vector<1x16xf32> to vector<16xf32>
      %swap3A_134 = vector.shape_cast %scan3A_124#1 : vector<16xf32> to vector<1x16xf32>
      tpu.vector_store %arg7[%swap3A_130, %swap3A_131], %swap3A_134 {strides = array<i32>} : memref<8x64xf32, #tpu.memory_space<vmem>>, vector<1x16xf32>,
      %swap3A_135 = arith.index_cast %mul3A_118 : i32 to index
      %swap3A_136 = arith.constant 32 : index
      %swap3A_137 = tpu.vector_load %arg7[%swap3A_135, %swap3A_136] {strides = array<i32>} : memref<8x64xf32, #tpu.memory_space<vmem>>, vector<1x16xf32>,
      %swap3A_138 = vector.shape_cast %swap3A_137 : vector<1x16xf32> to vector<16xf32>
      %swap3A_139 = vector.shape_cast %scan3A_124#2 : vector<16xf32> to vector<1x16xf32>
      tpu.vector_store %arg7[%swap3A_135, %swap3A_136], %swap3A_139 {strides = array<i32>} : memref<8x64xf32, #tpu.memory_space<vmem>>, vector<1x16xf32>,
      %swap3A_140 = arith.index_cast %mul3A_118 : i32 to index
      %swap3A_141 = arith.constant 48 : index
      %swap3A_142 = tpu.vector_load %arg7[%swap3A_140, %swap3A_141] {strides = array<i32>} : memref<8x64xf32, #tpu.memory_space<vmem>>, vector<1x16xf32>,
      %swap3A_143 = vector.shape_cast %swap3A_142 : vector<1x16xf32> to vector<16xf32>
      %swap3A_144 = vector.shape_cast %scan3A_124#3 : vector<16xf32> to vector<1x16xf32>
      tpu.vector_store %arg7[%swap3A_140, %swap3A_141], %swap3A_144 {strides = array<i32>} : memref<8x64xf32, #tpu.memory_space<vmem>>, vector<1x16xf32>,
      %lt3A = arith.constant 3 : i32
      %lt3A_145 = arith.cmpi slt, %scan3A_46, %lt3A : i32
      %convert_element_type3A = arith.extui %lt3A_145 : i1 to i32
      %cond3A = arith.constant 0 : i32
      %cond3A_146 = arith.cmpi ne, %convert_element_type3A, %cond3A : i32
      scf.if %cond3A_146 {
        %mul3A_215 = arith.constant 2 : i32
        %mul3A_216 = arith.muli %mul3A_215, %scan3A_46 : i32
        %add3A_217 = arith.constant 2 : i32
        %add3A_218 = arith.addi %mul3A_216, %add3A_217 : i32
        %mul3A_219 = arith.constant 200 : i32
        %mul3A_220 = arith.muli %add3A_218, %mul3A_219 : i32
        %add3A_221 = arith.constant 0 : i32
        %add3A_222 = arith.addi %mul3A_220, %add3A_221 : i32
        %dma_start3A_223 = arith.constant 0 : i32
        %dma_start3A_224 = arith.constant 0 : i32
        %dma_start3A_225 = arith.constant 0 : i32
        %dma_start3A_226 = tpu.memref_slice %arg6[%dma_start3A_223, %dma_start3A_224, %dma_start3A_225] : memref<2x200x64xf32, #tpu.memory_space<vmem>> -> memref<1x200x64xf32, #tpu.memory_space<vmem>>
        %dma_start3A_227 = tpu.memref_squeeze %dma_start3A_226 : memref<1x200x64xf32, #tpu.memory_space<vmem>> -> memref<200x64xf32, #tpu.memory_space<vmem>>
        %dma_start3A_228 = arith.constant 0 : i32
        %dma_start3A_229 = arith.constant 0 : i32
        %dma_start3A_230 = tpu.memref_slice %dma_start3A_227[%dma_start3A_228, %dma_start3A_229] : memref<200x64xf32, #tpu.memory_space<vmem>> -> memref<128x64xf32, #tpu.memory_space<vmem>>
        %dma_start3A_231 = tpu.memref_slice %arg5[%add3A_222] : memref<1600xi32, #tpu.memory_space<vmem>> -> memref<128xi32, #tpu.memory_space<vmem>>
        %dma_start3A_232 = arith.constant 0 : i32
        %dma_start3A_233 = arith.constant 0 : i32
        %dma_start3A_234 = tpu.memref_slice %arg3[%dma_start3A_232, %dma_start3A_233] : memref<100001x64xf32, #tpu.memory_space<hbm>> -> memref<100001x64xf32, #tpu.memory_space<hbm>>
        tpu.enqueue_indirect_dma source(%dma_start3A_234 : memref<100001x64xf32, #tpu.memory_space<hbm>>) target(%dma_start3A_230 : memref<128x64xf32, #tpu.memory_space<vmem>>) offsets(%dma_start3A_231 : memref<128xi32, #tpu.memory_space<vmem>>) semaphore(%arg8 : memref<!tpu.dma_semaphore, #tpu.memory_space<semaphore_mem>>)
        %mul3A_235 = arith.constant 200 : i32
        %mul3A_236 = arith.muli %add3A_218, %mul3A_235 : i32
        %add3A_237 = arith.constant 128 : i32
        %add3A_238 = arith.addi %mul3A_236, %add3A_237 : i32
        %dma_start3A_239 = arith.constant 0 : i32
        %dma_start3A_240 = arith.constant 0 : i32
        %dma_start3A_241 = arith.constant 0 : i32
        %dma_start3A_242 = tpu.memref_slice %arg6[%dma_start3A_239, %dma_start3A_240, %dma_start3A_241] : memref<2x200x64xf32, #tpu.memory_space<vmem>> -> memref<1x200x64xf32, #tpu.memory_space<vmem>>
        %dma_start3A_243 = tpu.memref_squeeze %dma_start3A_242 : memref<1x200x64xf32, #tpu.memory_space<vmem>> -> memref<200x64xf32, #tpu.memory_space<vmem>>
        %dma_start3A_244 = arith.constant 128 : i32
        %dma_start3A_245 = arith.constant 0 : i32
        %dma_start3A_246 = tpu.memref_slice %dma_start3A_243[%dma_start3A_244, %dma_start3A_245] : memref<200x64xf32, #tpu.memory_space<vmem>> -> memref<72x64xf32, #tpu.memory_space<vmem>>
        %dma_start3A_247 = tpu.memref_slice %arg5[%add3A_238] : memref<1600xi32, #tpu.memory_space<vmem>> -> memref<72xi32, #tpu.memory_space<vmem>>
        %dma_start3A_248 = arith.constant 0 : i32
        %dma_start3A_249 = arith.constant 0 : i32
        %dma_start3A_250 = tpu.memref_slice %arg3[%dma_start3A_248, %dma_start3A_249] : memref<100001x64xf32, #tpu.memory_space<hbm>> -> memref<100001x64xf32, #tpu.memory_space<hbm>>
        tpu.enqueue_indirect_dma source(%dma_start3A_250 : memref<100001x64xf32, #tpu.memory_space<hbm>>) target(%dma_start3A_246 : memref<72x64xf32, #tpu.memory_space<vmem>>) offsets(%dma_start3A_247 : memref<72xi32, #tpu.memory_space<vmem>>) semaphore(%arg8 : memref<!tpu.dma_semaphore, #tpu.memory_space<semaphore_mem>>)
      } else {
      }
      %mul3A_147 = arith.constant 2 : i32
      %mul3A_148 = arith.muli %mul3A_147, %scan3A_46 : i32
      %add3A_149 = arith.constant 1 : i32
      %add3A_150 = arith.addi %mul3A_148, %add3A_149 : i32
      %mul3A_151 = arith.constant 200 : i32
      %mul3A_152 = arith.muli %add3A_150, %mul3A_151 : i32
      %add3A_153 = arith.constant 0 : i32
      %add3A_154 = arith.addi %mul3A_152, %add3A_153 : i32
      %dma_wait3A_155 = arith.constant 1 : i32
      %dma_wait3A_156 = arith.constant 0 : i32
      %dma_wait3A_157 = arith.constant 0 : i32
      %dma_wait3A_158 = tpu.memref_slice %arg6[%dma_wait3A_155, %dma_wait3A_156, %dma_wait3A_157] : memref<2x200x64xf32, #tpu.memory_space<vmem>> -> memref<1x200x64xf32, #tpu.memory_space<vmem>>
      %dma_wait3A_159 = tpu.memref_squeeze %dma_wait3A_158 : memref<1x200x64xf32, #tpu.memory_space<vmem>> -> memref<200x64xf32, #tpu.memory_space<vmem>>
      %dma_wait3A_160 = arith.constant 0 : i32
      %dma_wait3A_161 = arith.constant 0 : i32
      %dma_wait3A_162 = tpu.memref_slice %dma_wait3A_159[%dma_wait3A_160, %dma_wait3A_161] : memref<200x64xf32, #tpu.memory_space<vmem>> -> memref<128x64xf32, #tpu.memory_space<vmem>>
      %dma_wait3A_163 = tpu.memref_slice %arg5[%add3A_154] : memref<1600xi32, #tpu.memory_space<vmem>> -> memref<128xi32, #tpu.memory_space<vmem>>
      %dma_wait3A_164 = arith.constant 0 : i32
      %dma_wait3A_165 = arith.constant 0 : i32
      %dma_wait3A_166 = tpu.memref_slice %arg3[%dma_wait3A_164, %dma_wait3A_165] : memref<100001x64xf32, #tpu.memory_space<hbm>> -> memref<100001x64xf32, #tpu.memory_space<hbm>>
      tpu.wait_indirect_dma semaphore(%arg9 : memref<!tpu.dma_semaphore, #tpu.memory_space<semaphore_mem>>) src(%dma_wait3A_166 : memref<100001x64xf32, #tpu.memory_space<hbm>>) dst(%dma_wait3A_162 : memref<128x64xf32, #tpu.memory_space<vmem>>)
      %mul3A_167 = arith.constant 200 : i32
      %mul3A_168 = arith.muli %add3A_150, %mul3A_167 : i32
      %add3A_169 = arith.constant 128 : i32
      %add3A_170 = arith.addi %mul3A_168, %add3A_169 : i32
      %dma_wait3A_171 = arith.constant 1 : i32
      %dma_wait3A_172 = arith.constant 0 : i32
      %dma_wait3A_173 = arith.constant 0 : i32
      %dma_wait3A_174 = tpu.memref_slice %arg6[%dma_wait3A_171, %dma_wait3A_172, %dma_wait3A_173] : memref<2x200x64xf32, #tpu.memory_space<vmem>> -> memref<1x200x64xf32, #tpu.memory_space<vmem>>
      %dma_wait3A_175 = tpu.memref_squeeze %dma_wait3A_174 : memref<1x200x64xf32, #tpu.memory_space<vmem>> -> memref<200x64xf32, #tpu.memory_space<vmem>>
      %dma_wait3A_176 = arith.constant 128 : i32
      %dma_wait3A_177 = arith.constant 0 : i32
      %dma_wait3A_178 = tpu.memref_slice %dma_wait3A_175[%dma_wait3A_176, %dma_wait3A_177] : memref<200x64xf32, #tpu.memory_space<vmem>> -> memref<72x64xf32, #tpu.memory_space<vmem>>
      %dma_wait3A_179 = tpu.memref_slice %arg5[%add3A_170] : memref<1600xi32, #tpu.memory_space<vmem>> -> memref<72xi32, #tpu.memory_space<vmem>>
      %dma_wait3A_180 = arith.constant 0 : i32
      %dma_wait3A_181 = arith.constant 0 : i32
      %dma_wait3A_182 = tpu.memref_slice %arg3[%dma_wait3A_180, %dma_wait3A_181] : memref<100001x64xf32, #tpu.memory_space<hbm>> -> memref<100001x64xf32, #tpu.memory_space<hbm>>
      tpu.wait_indirect_dma semaphore(%arg9 : memref<!tpu.dma_semaphore, #tpu.memory_space<semaphore_mem>>) src(%dma_wait3A_182 : memref<100001x64xf32, #tpu.memory_space<hbm>>) dst(%dma_wait3A_178 : memref<72x64xf32, #tpu.memory_space<vmem>>)
      %mul3A_183 = arith.constant 2 : i32
      %mul3A_184 = arith.muli %mul3A_183, %scan3A_46 : i32
      %add3A_185 = arith.constant 1 : i32
      %add3A_186 = arith.addi %mul3A_184, %add3A_185 : i32
      %scan3A_187 = arith.constant 1 : i32
      %scan3A_188 = arith.constant 0 : i32
      %scan3A_189 = arith.constant 25 : i32
      %scan3A_190 = arith.addi %scan3A_188, %scan3A_189 : i32
      %scan3A_191 = arith.constant 1 : i32
      %scan3A_192:4 = scf.for %scan3A_215 = %scan3A_188 to %scan3A_190 step %scan3A_191 iter_args(%scan3A_216 = %broadcast_in_dim3A_3, %scan3A_217 = %broadcast_in_dim3A_3, %scan3A_218 = %broadcast_in_dim3A_3, %scan3A_219 = %broadcast_in_dim3A_3) -> (vector<16xf32>, vector<16xf32>, vector<16xf32>, vector<16xf32>)  : i32 {
        %mul3A_220 = arith.constant 8 : i32
        %mul3A_221 = arith.muli %scan3A_215, %mul3A_220 : i32
        %add3A_222 = arith.constant 0 : i32
        %add3A_223 = arith.addi %mul3A_221, %add3A_222 : i32
        %get3A = arith.constant 0 : i32
        %get3A_224 = arith.constant 0 : i32
        %get3A_225 = tpu.memref_slice %arg6[%scan3A_187, %get3A, %get3A_224] : memref<2x200x64xf32, #tpu.memory_space<vmem>> -> memref<1x200x64xf32, #tpu.memory_space<vmem>>
        %get3A_226 = tpu.memref_squeeze %get3A_225 : memref<1x200x64xf32, #tpu.memory_space<vmem>> -> memref<200x64xf32, #tpu.memory_space<vmem>>
        %get3A_227 = arith.index_cast %add3A_223 : i32 to index
        %get3A_228 = arith.constant 0 : index
        %get3A_229 = tpu.vector_load %get3A_226[%get3A_227, %get3A_228] {strides = array<i32>} : memref<200x64xf32, #tpu.memory_space<vmem>>, vector<1x16xf32>,
        %get3A_230 = vector.shape_cast %get3A_229 : vector<1x16xf32> to vector<16xf32>
        %add3A_231 = arith.addf %scan3A_216, %get3A_230 : vector<16xf32>
        %add3A_232 = arith.constant 0 : i32
        %add3A_233 = arith.addi %mul3A_221, %add3A_232 : i32
        %get3A_234 = arith.constant 0 : i32
        %get3A_235 = arith.constant 0 : i32
        %get3A_236 = tpu.memref_slice %arg6[%scan3A_187, %get3A_234, %get3A_235] : memref<2x200x64xf32, #tpu.memory_space<vmem>> -> memref<1x200x64xf32, #tpu.memory_space<vmem>>
        %get3A_237 = tpu.memref_squeeze %get3A_236 : memref<1x200x64xf32, #tpu.memory_space<vmem>> -> memref<200x64xf32, #tpu.memory_space<vmem>>
        %get3A_238 = arith.index_cast %add3A_233 : i32 to index
        %get3A_239 = arith.constant 16 : index
        %get3A_240 = tpu.vector_load %get3A_237[%get3A_238, %get3A_239] {strides = array<i32>} : memref<200x64xf32, #tpu.memory_space<vmem>>, vector<1x16xf32>,
        %get3A_241 = vector.shape_cast %get3A_240 : vector<1x16xf32> to vector<16xf32>
        %add3A_242 = arith.addf %scan3A_217, %get3A_241 : vector<16xf32>
        %add3A_243 = arith.constant 0 : i32
        %add3A_244 = arith.addi %mul3A_221, %add3A_243 : i32
        %get3A_245 = arith.constant 0 : i32
        %get3A_246 = arith.constant 0 : i32
        %get3A_247 = tpu.memref_slice %arg6[%scan3A_187, %get3A_245, %get3A_246] : memref<2x200x64xf32, #tpu.memory_space<vmem>> -> memref<1x200x64xf32, #tpu.memory_space<vmem>>
        %get3A_248 = tpu.memref_squeeze %get3A_247 : memref<1x200x64xf32, #tpu.memory_space<vmem>> -> memref<200x64xf32, #tpu.memory_space<vmem>>
        %get3A_249 = arith.index_cast %add3A_244 : i32 to index
        %get3A_250 = arith.constant 32 : index
        %get3A_251 = tpu.vector_load %get3A_248[%get3A_249, %get3A_250] {strides = array<i32>} : memref<200x64xf32, #tpu.memory_space<vmem>>, vector<1x16xf32>,
        %get3A_252 = vector.shape_cast %get3A_251 : vector<1x16xf32> to vector<16xf32>
        %add3A_253 = arith.addf %scan3A_218, %get3A_252 : vector<16xf32>
        %add3A_254 = arith.constant 0 : i32
        %add3A_255 = arith.addi %mul3A_221, %add3A_254 : i32
        %get3A_256 = arith.constant 0 : i32
        %get3A_257 = arith.constant 0 : i32
        %get3A_258 = tpu.memref_slice %arg6[%scan3A_187, %get3A_256, %get3A_257] : memref<2x200x64xf32, #tpu.memory_space<vmem>> -> memref<1x200x64xf32, #tpu.memory_space<vmem>>
        %get3A_259 = tpu.memref_squeeze %get3A_258 : memref<1x200x64xf32, #tpu.memory_space<vmem>> -> memref<200x64xf32, #tpu.memory_space<vmem>>
        %get3A_260 = arith.index_cast %add3A_255 : i32 to index
        %get3A_261 = arith.constant 48 : index
        %get3A_262 = tpu.vector_load %get3A_259[%get3A_260, %get3A_261] {strides = array<i32>} : memref<200x64xf32, #tpu.memory_space<vmem>>, vector<1x16xf32>,
        %get3A_263 = vector.shape_cast %get3A_262 : vector<1x16xf32> to vector<16xf32>
        %add3A_264 = arith.addf %scan3A_219, %get3A_263 : vector<16xf32>
        %add3A_265 = arith.constant 1 : i32
        %add3A_266 = arith.addi %mul3A_221, %add3A_265 : i32
        %get3A_267 = arith.constant 0 : i32
        %get3A_268 = arith.constant 0 : i32
        %get3A_269 = tpu.memref_slice %arg6[%scan3A_187, %get3A_267, %get3A_268] : memref<2x200x64xf32, #tpu.memory_space<vmem>> -> memref<1x200x64xf32, #tpu.memory_space<vmem>>
        %get3A_270 = tpu.memref_squeeze %get3A_269 : memref<1x200x64xf32, #tpu.memory_space<vmem>> -> memref<200x64xf32, #tpu.memory_space<vmem>>
        %get3A_271 = arith.index_cast %add3A_266 : i32 to index
        %get3A_272 = arith.constant 0 : index
        %get3A_273 = tpu.vector_load %get3A_270[%get3A_271, %get3A_272] {strides = array<i32>} : memref<200x64xf32, #tpu.memory_space<vmem>>, vector<1x16xf32>,
        %get3A_274 = vector.shape_cast %get3A_273 : vector<1x16xf32> to vector<16xf32>
        %add3A_275 = arith.addf %add3A_231, %get3A_274 : vector<16xf32>
        %add3A_276 = arith.constant 1 : i32
        %add3A_277 = arith.addi %mul3A_221, %add3A_276 : i32
        %get3A_278 = arith.constant 0 : i32
        %get3A_279 = arith.constant 0 : i32
        %get3A_280 = tpu.memref_slice %arg6[%scan3A_187, %get3A_278, %get3A_279] : memref<2x200x64xf32, #tpu.memory_space<vmem>> -> memref<1x200x64xf32, #tpu.memory_space<vmem>>
        %get3A_281 = tpu.memref_squeeze %get3A_280 : memref<1x200x64xf32, #tpu.memory_space<vmem>> -> memref<200x64xf32, #tpu.memory_space<vmem>>
        %get3A_282 = arith.index_cast %add3A_277 : i32 to index
        %get3A_283 = arith.constant 16 : index
        %get3A_284 = tpu.vector_load %get3A_281[%get3A_282, %get3A_283] {strides = array<i32>} : memref<200x64xf32, #tpu.memory_space<vmem>>, vector<1x16xf32>,
        %get3A_285 = vector.shape_cast %get3A_284 : vector<1x16xf32> to vector<16xf32>
        %add3A_286 = arith.addf %add3A_242, %get3A_285 : vector<16xf32>
        %add3A_287 = arith.constant 1 : i32
        %add3A_288 = arith.addi %mul3A_221, %add3A_287 : i32
        %get3A_289 = arith.constant 0 : i32
        %get3A_290 = arith.constant 0 : i32
        %get3A_291 = tpu.memref_slice %arg6[%scan3A_187, %get3A_289, %get3A_290] : memref<2x200x64xf32, #tpu.memory_space<vmem>> -> memref<1x200x64xf32, #tpu.memory_space<vmem>>
        %get3A_292 = tpu.memref_squeeze %get3A_291 : memref<1x200x64xf32, #tpu.memory_space<vmem>> -> memref<200x64xf32, #tpu.memory_space<vmem>>
        %get3A_293 = arith.index_cast %add3A_288 : i32 to index
        %get3A_294 = arith.constant 32 : index
        %get3A_295 = tpu.vector_load %get3A_292[%get3A_293, %get3A_294] {strides = array<i32>} : memref<200x64xf32, #tpu.memory_space<vmem>>, vector<1x16xf32>,
        %get3A_296 = vector.shape_cast %get3A_295 : vector<1x16xf32> to vector<16xf32>
        %add3A_297 = arith.addf %add3A_253, %get3A_296 : vector<16xf32>
        %add3A_298 = arith.constant 1 : i32
        %add3A_299 = arith.addi %mul3A_221, %add3A_298 : i32
        %get3A_300 = arith.constant 0 : i32
        %get3A_301 = arith.constant 0 : i32
        %get3A_302 = tpu.memref_slice %arg6[%scan3A_187, %get3A_300, %get3A_301] : memref<2x200x64xf32, #tpu.memory_space<vmem>> -> memref<1x200x64xf32, #tpu.memory_space<vmem>>
        %get3A_303 = tpu.memref_squeeze %get3A_302 : memref<1x200x64xf32, #tpu.memory_space<vmem>> -> memref<200x64xf32, #tpu.memory_space<vmem>>
        %get3A_304 = arith.index_cast %add3A_299 : i32 to index
        %get3A_305 = arith.constant 48 : index
        %get3A_306 = tpu.vector_load %get3A_303[%get3A_304, %get3A_305] {strides = array<i32>} : memref<200x64xf32, #tpu.memory_space<vmem>>, vector<1x16xf32>,
        %get3A_307 = vector.shape_cast %get3A_306 : vector<1x16xf32> to vector<16xf32>
        %add3A_308 = arith.addf %add3A_264, %get3A_307 : vector<16xf32>
        %add3A_309 = arith.constant 2 : i32
        %add3A_310 = arith.addi %mul3A_221, %add3A_309 : i32
        %get3A_311 = arith.constant 0 : i32
        %get3A_312 = arith.constant 0 : i32
        %get3A_313 = tpu.memref_slice %arg6[%scan3A_187, %get3A_311, %get3A_312] : memref<2x200x64xf32, #tpu.memory_space<vmem>> -> memref<1x200x64xf32, #tpu.memory_space<vmem>>
        %get3A_314 = tpu.memref_squeeze %get3A_313 : memref<1x200x64xf32, #tpu.memory_space<vmem>> -> memref<200x64xf32, #tpu.memory_space<vmem>>
        %get3A_315 = arith.index_cast %add3A_310 : i32 to index
        %get3A_316 = arith.constant 0 : index
        %get3A_317 = tpu.vector_load %get3A_314[%get3A_315, %get3A_316] {strides = array<i32>} : memref<200x64xf32, #tpu.memory_space<vmem>>, vector<1x16xf32>,
        %get3A_318 = vector.shape_cast %get3A_317 : vector<1x16xf32> to vector<16xf32>
        %add3A_319 = arith.addf %add3A_275, %get3A_318 : vector<16xf32>
        %add3A_320 = arith.constant 2 : i32
        %add3A_321 = arith.addi %mul3A_221, %add3A_320 : i32
        %get3A_322 = arith.constant 0 : i32
        %get3A_323 = arith.constant 0 : i32
        %get3A_324 = tpu.memref_slice %arg6[%scan3A_187, %get3A_322, %get3A_323] : memref<2x200x64xf32, #tpu.memory_space<vmem>> -> memref<1x200x64xf32, #tpu.memory_space<vmem>>
        %get3A_325 = tpu.memref_squeeze %get3A_324 : memref<1x200x64xf32, #tpu.memory_space<vmem>> -> memref<200x64xf32, #tpu.memory_space<vmem>>
        %get3A_326 = arith.index_cast %add3A_321 : i32 to index
        %get3A_327 = arith.constant 16 : index
        %get3A_328 = tpu.vector_load %get3A_325[%get3A_326, %get3A_327] {strides = array<i32>} : memref<200x64xf32, #tpu.memory_space<vmem>>, vector<1x16xf32>,
        %get3A_329 = vector.shape_cast %get3A_328 : vector<1x16xf32> to vector<16xf32>
        %add3A_330 = arith.addf %add3A_286, %get3A_329 : vector<16xf32>
        %add3A_331 = arith.constant 2 : i32
        %add3A_332 = arith.addi %mul3A_221, %add3A_331 : i32
        %get3A_333 = arith.constant 0 : i32
        %get3A_334 = arith.constant 0 : i32
        %get3A_335 = tpu.memref_slice %arg6[%scan3A_187, %get3A_333, %get3A_334] : memref<2x200x64xf32, #tpu.memory_space<vmem>> -> memref<1x200x64xf32, #tpu.memory_space<vmem>>
        %get3A_336 = tpu.memref_squeeze %get3A_335 : memref<1x200x64xf32, #tpu.memory_space<vmem>> -> memref<200x64xf32, #tpu.memory_space<vmem>>
        %get3A_337 = arith.index_cast %add3A_332 : i32 to index
        %get3A_338 = arith.constant 32 : index
        %get3A_339 = tpu.vector_load %get3A_336[%get3A_337, %get3A_338] {strides = array<i32>} : memref<200x64xf32, #tpu.memory_space<vmem>>, vector<1x16xf32>,
        %get3A_340 = vector.shape_cast %get3A_339 : vector<1x16xf32> to vector<16xf32>
        %add3A_341 = arith.addf %add3A_297, %get3A_340 : vector<16xf32>
        %add3A_342 = arith.constant 2 : i32
        %add3A_343 = arith.addi %mul3A_221, %add3A_342 : i32
        %get3A_344 = arith.constant 0 : i32
        %get3A_345 = arith.constant 0 : i32
        %get3A_346 = tpu.memref_slice %arg6[%scan3A_187, %get3A_344, %get3A_345] : memref<2x200x64xf32, #tpu.memory_space<vmem>> -> memref<1x200x64xf32, #tpu.memory_space<vmem>>
        %get3A_347 = tpu.memref_squeeze %get3A_346 : memref<1x200x64xf32, #tpu.memory_space<vmem>> -> memref<200x64xf32, #tpu.memory_space<vmem>>
        %get3A_348 = arith.index_cast %add3A_343 : i32 to index
        %get3A_349 = arith.constant 48 : index
        %get3A_350 = tpu.vector_load %get3A_347[%get3A_348, %get3A_349] {strides = array<i32>} : memref<200x64xf32, #tpu.memory_space<vmem>>, vector<1x16xf32>,
        %get3A_351 = vector.shape_cast %get3A_350 : vector<1x16xf32> to vector<16xf32>
        %add3A_352 = arith.addf %add3A_308, %get3A_351 : vector<16xf32>
        %add3A_353 = arith.constant 3 : i32
        %add3A_354 = arith.addi %mul3A_221, %add3A_353 : i32
        %get3A_355 = arith.constant 0 : i32
        %get3A_356 = arith.constant 0 : i32
        %get3A_357 = tpu.memref_slice %arg6[%scan3A_187, %get3A_355, %get3A_356] : memref<2x200x64xf32, #tpu.memory_space<vmem>> -> memref<1x200x64xf32, #tpu.memory_space<vmem>>
        %get3A_358 = tpu.memref_squeeze %get3A_357 : memref<1x200x64xf32, #tpu.memory_space<vmem>> -> memref<200x64xf32, #tpu.memory_space<vmem>>
        %get3A_359 = arith.index_cast %add3A_354 : i32 to index
        %get3A_360 = arith.constant 0 : index
        %get3A_361 = tpu.vector_load %get3A_358[%get3A_359, %get3A_360] {strides = array<i32>} : memref<200x64xf32, #tpu.memory_space<vmem>>, vector<1x16xf32>,
        %get3A_362 = vector.shape_cast %get3A_361 : vector<1x16xf32> to vector<16xf32>
        %add3A_363 = arith.addf %add3A_319, %get3A_362 : vector<16xf32>
        %add3A_364 = arith.constant 3 : i32
        %add3A_365 = arith.addi %mul3A_221, %add3A_364 : i32
        %get3A_366 = arith.constant 0 : i32
        %get3A_367 = arith.constant 0 : i32
        %get3A_368 = tpu.memref_slice %arg6[%scan3A_187, %get3A_366, %get3A_367] : memref<2x200x64xf32, #tpu.memory_space<vmem>> -> memref<1x200x64xf32, #tpu.memory_space<vmem>>
        %get3A_369 = tpu.memref_squeeze %get3A_368 : memref<1x200x64xf32, #tpu.memory_space<vmem>> -> memref<200x64xf32, #tpu.memory_space<vmem>>
        %get3A_370 = arith.index_cast %add3A_365 : i32 to index
        %get3A_371 = arith.constant 16 : index
        %get3A_372 = tpu.vector_load %get3A_369[%get3A_370, %get3A_371] {strides = array<i32>} : memref<200x64xf32, #tpu.memory_space<vmem>>, vector<1x16xf32>,
        %get3A_373 = vector.shape_cast %get3A_372 : vector<1x16xf32> to vector<16xf32>
        %add3A_374 = arith.addf %add3A_330, %get3A_373 : vector<16xf32>
        %add3A_375 = arith.constant 3 : i32
        %add3A_376 = arith.addi %mul3A_221, %add3A_375 : i32
        %get3A_377 = arith.constant 0 : i32
        %get3A_378 = arith.constant 0 : i32
        %get3A_379 = tpu.memref_slice %arg6[%scan3A_187, %get3A_377, %get3A_378] : memref<2x200x64xf32, #tpu.memory_space<vmem>> -> memref<1x200x64xf32, #tpu.memory_space<vmem>>
        %get3A_380 = tpu.memref_squeeze %get3A_379 : memref<1x200x64xf32, #tpu.memory_space<vmem>> -> memref<200x64xf32, #tpu.memory_space<vmem>>
        %get3A_381 = arith.index_cast %add3A_376 : i32 to index
        %get3A_382 = arith.constant 32 : index
        %get3A_383 = tpu.vector_load %get3A_380[%get3A_381, %get3A_382] {strides = array<i32>} : memref<200x64xf32, #tpu.memory_space<vmem>>, vector<1x16xf32>,
        %get3A_384 = vector.shape_cast %get3A_383 : vector<1x16xf32> to vector<16xf32>
        %add3A_385 = arith.addf %add3A_341, %get3A_384 : vector<16xf32>
        %add3A_386 = arith.constant 3 : i32
        %add3A_387 = arith.addi %mul3A_221, %add3A_386 : i32
        %get3A_388 = arith.constant 0 : i32
        %get3A_389 = arith.constant 0 : i32
        %get3A_390 = tpu.memref_slice %arg6[%scan3A_187, %get3A_388, %get3A_389] : memref<2x200x64xf32, #tpu.memory_space<vmem>> -> memref<1x200x64xf32, #tpu.memory_space<vmem>>
        %get3A_391 = tpu.memref_squeeze %get3A_390 : memref<1x200x64xf32, #tpu.memory_space<vmem>> -> memref<200x64xf32, #tpu.memory_space<vmem>>
        %get3A_392 = arith.index_cast %add3A_387 : i32 to index
        %get3A_393 = arith.constant 48 : index
        %get3A_394 = tpu.vector_load %get3A_391[%get3A_392, %get3A_393] {strides = array<i32>} : memref<200x64xf32, #tpu.memory_space<vmem>>, vector<1x16xf32>,
        %get3A_395 = vector.shape_cast %get3A_394 : vector<1x16xf32> to vector<16xf32>
        %add3A_396 = arith.addf %add3A_352, %get3A_395 : vector<16xf32>
        %add3A_397 = arith.constant 4 : i32
        %add3A_398 = arith.addi %mul3A_221, %add3A_397 : i32
        %get3A_399 = arith.constant 0 : i32
        %get3A_400 = arith.constant 0 : i32
        %get3A_401 = tpu.memref_slice %arg6[%scan3A_187, %get3A_399, %get3A_400] : memref<2x200x64xf32, #tpu.memory_space<vmem>> -> memref<1x200x64xf32, #tpu.memory_space<vmem>>
        %get3A_402 = tpu.memref_squeeze %get3A_401 : memref<1x200x64xf32, #tpu.memory_space<vmem>> -> memref<200x64xf32, #tpu.memory_space<vmem>>
        %get3A_403 = arith.index_cast %add3A_398 : i32 to index
        %get3A_404 = arith.constant 0 : index
        %get3A_405 = tpu.vector_load %get3A_402[%get3A_403, %get3A_404] {strides = array<i32>} : memref<200x64xf32, #tpu.memory_space<vmem>>, vector<1x16xf32>,
        %get3A_406 = vector.shape_cast %get3A_405 : vector<1x16xf32> to vector<16xf32>
        %add3A_407 = arith.addf %add3A_363, %get3A_406 : vector<16xf32>
        %add3A_408 = arith.constant 4 : i32
        %add3A_409 = arith.addi %mul3A_221, %add3A_408 : i32
        %get3A_410 = arith.constant 0 : i32
        %get3A_411 = arith.constant 0 : i32
        %get3A_412 = tpu.memref_slice %arg6[%scan3A_187, %get3A_410, %get3A_411] : memref<2x200x64xf32, #tpu.memory_space<vmem>> -> memref<1x200x64xf32, #tpu.memory_space<vmem>>
        %get3A_413 = tpu.memref_squeeze %get3A_412 : memref<1x200x64xf32, #tpu.memory_space<vmem>> -> memref<200x64xf32, #tpu.memory_space<vmem>>
        %get3A_414 = arith.index_cast %add3A_409 : i32 to index
        %get3A_415 = arith.constant 16 : index
        %get3A_416 = tpu.vector_load %get3A_413[%get3A_414, %get3A_415] {strides = array<i32>} : memref<200x64xf32, #tpu.memory_space<vmem>>, vector<1x16xf32>,
        %get3A_417 = vector.shape_cast %get3A_416 : vector<1x16xf32> to vector<16xf32>
        %add3A_418 = arith.addf %add3A_374, %get3A_417 : vector<16xf32>
        %add3A_419 = arith.constant 4 : i32
        %add3A_420 = arith.addi %mul3A_221, %add3A_419 : i32
        %get3A_421 = arith.constant 0 : i32
        %get3A_422 = arith.constant 0 : i32
        %get3A_423 = tpu.memref_slice %arg6[%scan3A_187, %get3A_421, %get3A_422] : memref<2x200x64xf32, #tpu.memory_space<vmem>> -> memref<1x200x64xf32, #tpu.memory_space<vmem>>
        %get3A_424 = tpu.memref_squeeze %get3A_423 : memref<1x200x64xf32, #tpu.memory_space<vmem>> -> memref<200x64xf32, #tpu.memory_space<vmem>>
        %get3A_425 = arith.index_cast %add3A_420 : i32 to index
        %get3A_426 = arith.constant 32 : index
        %get3A_427 = tpu.vector_load %get3A_424[%get3A_425, %get3A_426] {strides = array<i32>} : memref<200x64xf32, #tpu.memory_space<vmem>>, vector<1x16xf32>,
        %get3A_428 = vector.shape_cast %get3A_427 : vector<1x16xf32> to vector<16xf32>
        %add3A_429 = arith.addf %add3A_385, %get3A_428 : vector<16xf32>
        %add3A_430 = arith.constant 4 : i32
        %add3A_431 = arith.addi %mul3A_221, %add3A_430 : i32
        %get3A_432 = arith.constant 0 : i32
        %get3A_433 = arith.constant 0 : i32
        %get3A_434 = tpu.memref_slice %arg6[%scan3A_187, %get3A_432, %get3A_433] : memref<2x200x64xf32, #tpu.memory_space<vmem>> -> memref<1x200x64xf32, #tpu.memory_space<vmem>>
        %get3A_435 = tpu.memref_squeeze %get3A_434 : memref<1x200x64xf32, #tpu.memory_space<vmem>> -> memref<200x64xf32, #tpu.memory_space<vmem>>
        %get3A_436 = arith.index_cast %add3A_431 : i32 to index
        %get3A_437 = arith.constant 48 : index
        %get3A_438 = tpu.vector_load %get3A_435[%get3A_436, %get3A_437] {strides = array<i32>} : memref<200x64xf32, #tpu.memory_space<vmem>>, vector<1x16xf32>,
        %get3A_439 = vector.shape_cast %get3A_438 : vector<1x16xf32> to vector<16xf32>
        %add3A_440 = arith.addf %add3A_396, %get3A_439 : vector<16xf32>
        %add3A_441 = arith.constant 5 : i32
        %add3A_442 = arith.addi %mul3A_221, %add3A_441 : i32
        %get3A_443 = arith.constant 0 : i32
        %get3A_444 = arith.constant 0 : i32
        %get3A_445 = tpu.memref_slice %arg6[%scan3A_187, %get3A_443, %get3A_444] : memref<2x200x64xf32, #tpu.memory_space<vmem>> -> memref<1x200x64xf32, #tpu.memory_space<vmem>>
        %get3A_446 = tpu.memref_squeeze %get3A_445 : memref<1x200x64xf32, #tpu.memory_space<vmem>> -> memref<200x64xf32, #tpu.memory_space<vmem>>
        %get3A_447 = arith.index_cast %add3A_442 : i32 to index
        %get3A_448 = arith.constant 0 : index
        %get3A_449 = tpu.vector_load %get3A_446[%get3A_447, %get3A_448] {strides = array<i32>} : memref<200x64xf32, #tpu.memory_space<vmem>>, vector<1x16xf32>,
        %get3A_450 = vector.shape_cast %get3A_449 : vector<1x16xf32> to vector<16xf32>
        %add3A_451 = arith.addf %add3A_407, %get3A_450 : vector<16xf32>
        %add3A_452 = arith.constant 5 : i32
        %add3A_453 = arith.addi %mul3A_221, %add3A_452 : i32
        %get3A_454 = arith.constant 0 : i32
        %get3A_455 = arith.constant 0 : i32
        %get3A_456 = tpu.memref_slice %arg6[%scan3A_187, %get3A_454, %get3A_455] : memref<2x200x64xf32, #tpu.memory_space<vmem>> -> memref<1x200x64xf32, #tpu.memory_space<vmem>>
        %get3A_457 = tpu.memref_squeeze %get3A_456 : memref<1x200x64xf32, #tpu.memory_space<vmem>> -> memref<200x64xf32, #tpu.memory_space<vmem>>
        %get3A_458 = arith.index_cast %add3A_453 : i32 to index
        %get3A_459 = arith.constant 16 : index
        %get3A_460 = tpu.vector_load %get3A_457[%get3A_458, %get3A_459] {strides = array<i32>} : memref<200x64xf32, #tpu.memory_space<vmem>>, vector<1x16xf32>,
        %get3A_461 = vector.shape_cast %get3A_460 : vector<1x16xf32> to vector<16xf32>
        %add3A_462 = arith.addf %add3A_418, %get3A_461 : vector<16xf32>
        %add3A_463 = arith.constant 5 : i32
        %add3A_464 = arith.addi %mul3A_221, %add3A_463 : i32
        %get3A_465 = arith.constant 0 : i32
        %get3A_466 = arith.constant 0 : i32
        %get3A_467 = tpu.memref_slice %arg6[%scan3A_187, %get3A_465, %get3A_466] : memref<2x200x64xf32, #tpu.memory_space<vmem>> -> memref<1x200x64xf32, #tpu.memory_space<vmem>>
        %get3A_468 = tpu.memref_squeeze %get3A_467 : memref<1x200x64xf32, #tpu.memory_space<vmem>> -> memref<200x64xf32, #tpu.memory_space<vmem>>
        %get3A_469 = arith.index_cast %add3A_464 : i32 to index
        %get3A_470 = arith.constant 32 : index
        %get3A_471 = tpu.vector_load %get3A_468[%get3A_469, %get3A_470] {strides = array<i32>} : memref<200x64xf32, #tpu.memory_space<vmem>>, vector<1x16xf32>,
        %get3A_472 = vector.shape_cast %get3A_471 : vector<1x16xf32> to vector<16xf32>
        %add3A_473 = arith.addf %add3A_429, %get3A_472 : vector<16xf32>
        %add3A_474 = arith.constant 5 : i32
        %add3A_475 = arith.addi %mul3A_221, %add3A_474 : i32
        %get3A_476 = arith.constant 0 : i32
        %get3A_477 = arith.constant 0 : i32
        %get3A_478 = tpu.memref_slice %arg6[%scan3A_187, %get3A_476, %get3A_477] : memref<2x200x64xf32, #tpu.memory_space<vmem>> -> memref<1x200x64xf32, #tpu.memory_space<vmem>>
        %get3A_479 = tpu.memref_squeeze %get3A_478 : memref<1x200x64xf32, #tpu.memory_space<vmem>> -> memref<200x64xf32, #tpu.memory_space<vmem>>
        %get3A_480 = arith.index_cast %add3A_475 : i32 to index
        %get3A_481 = arith.constant 48 : index
        %get3A_482 = tpu.vector_load %get3A_479[%get3A_480, %get3A_481] {strides = array<i32>} : memref<200x64xf32, #tpu.memory_space<vmem>>, vector<1x16xf32>,
        %get3A_483 = vector.shape_cast %get3A_482 : vector<1x16xf32> to vector<16xf32>
        %add3A_484 = arith.addf %add3A_440, %get3A_483 : vector<16xf32>
        %add3A_485 = arith.constant 6 : i32
        %add3A_486 = arith.addi %mul3A_221, %add3A_485 : i32
        %get3A_487 = arith.constant 0 : i32
        %get3A_488 = arith.constant 0 : i32
        %get3A_489 = tpu.memref_slice %arg6[%scan3A_187, %get3A_487, %get3A_488] : memref<2x200x64xf32, #tpu.memory_space<vmem>> -> memref<1x200x64xf32, #tpu.memory_space<vmem>>
        %get3A_490 = tpu.memref_squeeze %get3A_489 : memref<1x200x64xf32, #tpu.memory_space<vmem>> -> memref<200x64xf32, #tpu.memory_space<vmem>>
        %get3A_491 = arith.index_cast %add3A_486 : i32 to index
        %get3A_492 = arith.constant 0 : index
        %get3A_493 = tpu.vector_load %get3A_490[%get3A_491, %get3A_492] {strides = array<i32>} : memref<200x64xf32, #tpu.memory_space<vmem>>, vector<1x16xf32>,
        %get3A_494 = vector.shape_cast %get3A_493 : vector<1x16xf32> to vector<16xf32>
        %add3A_495 = arith.addf %add3A_451, %get3A_494 : vector<16xf32>
        %add3A_496 = arith.constant 6 : i32
        %add3A_497 = arith.addi %mul3A_221, %add3A_496 : i32
        %get3A_498 = arith.constant 0 : i32
        %get3A_499 = arith.constant 0 : i32
        %get3A_500 = tpu.memref_slice %arg6[%scan3A_187, %get3A_498, %get3A_499] : memref<2x200x64xf32, #tpu.memory_space<vmem>> -> memref<1x200x64xf32, #tpu.memory_space<vmem>>
        %get3A_501 = tpu.memref_squeeze %get3A_500 : memref<1x200x64xf32, #tpu.memory_space<vmem>> -> memref<200x64xf32, #tpu.memory_space<vmem>>
        %get3A_502 = arith.index_cast %add3A_497 : i32 to index
        %get3A_503 = arith.constant 16 : index
        %get3A_504 = tpu.vector_load %get3A_501[%get3A_502, %get3A_503] {strides = array<i32>} : memref<200x64xf32, #tpu.memory_space<vmem>>, vector<1x16xf32>,
        %get3A_505 = vector.shape_cast %get3A_504 : vector<1x16xf32> to vector<16xf32>
        %add3A_506 = arith.addf %add3A_462, %get3A_505 : vector<16xf32>
        %add3A_507 = arith.constant 6 : i32
        %add3A_508 = arith.addi %mul3A_221, %add3A_507 : i32
        %get3A_509 = arith.constant 0 : i32
        %get3A_510 = arith.constant 0 : i32
        %get3A_511 = tpu.memref_slice %arg6[%scan3A_187, %get3A_509, %get3A_510] : memref<2x200x64xf32, #tpu.memory_space<vmem>> -> memref<1x200x64xf32, #tpu.memory_space<vmem>>
        %get3A_512 = tpu.memref_squeeze %get3A_511 : memref<1x200x64xf32, #tpu.memory_space<vmem>> -> memref<200x64xf32, #tpu.memory_space<vmem>>
        %get3A_513 = arith.index_cast %add3A_508 : i32 to index
        %get3A_514 = arith.constant 32 : index
        %get3A_515 = tpu.vector_load %get3A_512[%get3A_513, %get3A_514] {strides = array<i32>} : memref<200x64xf32, #tpu.memory_space<vmem>>, vector<1x16xf32>,
        %get3A_516 = vector.shape_cast %get3A_515 : vector<1x16xf32> to vector<16xf32>
        %add3A_517 = arith.addf %add3A_473, %get3A_516 : vector<16xf32>
        %add3A_518 = arith.constant 6 : i32
        %add3A_519 = arith.addi %mul3A_221, %add3A_518 : i32
        %get3A_520 = arith.constant 0 : i32
        %get3A_521 = arith.constant 0 : i32
        %get3A_522 = tpu.memref_slice %arg6[%scan3A_187, %get3A_520, %get3A_521] : memref<2x200x64xf32, #tpu.memory_space<vmem>> -> memref<1x200x64xf32, #tpu.memory_space<vmem>>
        %get3A_523 = tpu.memref_squeeze %get3A_522 : memref<1x200x64xf32, #tpu.memory_space<vmem>> -> memref<200x64xf32, #tpu.memory_space<vmem>>
        %get3A_524 = arith.index_cast %add3A_519 : i32 to index
        %get3A_525 = arith.constant 48 : index
        %get3A_526 = tpu.vector_load %get3A_523[%get3A_524, %get3A_525] {strides = array<i32>} : memref<200x64xf32, #tpu.memory_space<vmem>>, vector<1x16xf32>,
        %get3A_527 = vector.shape_cast %get3A_526 : vector<1x16xf32> to vector<16xf32>
        %add3A_528 = arith.addf %add3A_484, %get3A_527 : vector<16xf32>
        %add3A_529 = arith.constant 7 : i32
        %add3A_530 = arith.addi %mul3A_221, %add3A_529 : i32
        %get3A_531 = arith.constant 0 : i32
        %get3A_532 = arith.constant 0 : i32
        %get3A_533 = tpu.memref_slice %arg6[%scan3A_187, %get3A_531, %get3A_532] : memref<2x200x64xf32, #tpu.memory_space<vmem>> -> memref<1x200x64xf32, #tpu.memory_space<vmem>>
        %get3A_534 = tpu.memref_squeeze %get3A_533 : memref<1x200x64xf32, #tpu.memory_space<vmem>> -> memref<200x64xf32, #tpu.memory_space<vmem>>
        %get3A_535 = arith.index_cast %add3A_530 : i32 to index
        %get3A_536 = arith.constant 0 : index
        %get3A_537 = tpu.vector_load %get3A_534[%get3A_535, %get3A_536] {strides = array<i32>} : memref<200x64xf32, #tpu.memory_space<vmem>>, vector<1x16xf32>,
        %get3A_538 = vector.shape_cast %get3A_537 : vector<1x16xf32> to vector<16xf32>
        %add3A_539 = arith.addf %add3A_495, %get3A_538 : vector<16xf32>
        %add3A_540 = arith.constant 7 : i32
        %add3A_541 = arith.addi %mul3A_221, %add3A_540 : i32
        %get3A_542 = arith.constant 0 : i32
        %get3A_543 = arith.constant 0 : i32
        %get3A_544 = tpu.memref_slice %arg6[%scan3A_187, %get3A_542, %get3A_543] : memref<2x200x64xf32, #tpu.memory_space<vmem>> -> memref<1x200x64xf32, #tpu.memory_space<vmem>>
        %get3A_545 = tpu.memref_squeeze %get3A_544 : memref<1x200x64xf32, #tpu.memory_space<vmem>> -> memref<200x64xf32, #tpu.memory_space<vmem>>
        %get3A_546 = arith.index_cast %add3A_541 : i32 to index
        %get3A_547 = arith.constant 16 : index
        %get3A_548 = tpu.vector_load %get3A_545[%get3A_546, %get3A_547] {strides = array<i32>} : memref<200x64xf32, #tpu.memory_space<vmem>>, vector<1x16xf32>,
        %get3A_549 = vector.shape_cast %get3A_548 : vector<1x16xf32> to vector<16xf32>
        %add3A_550 = arith.addf %add3A_506, %get3A_549 : vector<16xf32>
        %add3A_551 = arith.constant 7 : i32
        %add3A_552 = arith.addi %mul3A_221, %add3A_551 : i32
        %get3A_553 = arith.constant 0 : i32
        %get3A_554 = arith.constant 0 : i32
        %get3A_555 = tpu.memref_slice %arg6[%scan3A_187, %get3A_553, %get3A_554] : memref<2x200x64xf32, #tpu.memory_space<vmem>> -> memref<1x200x64xf32, #tpu.memory_space<vmem>>
        %get3A_556 = tpu.memref_squeeze %get3A_555 : memref<1x200x64xf32, #tpu.memory_space<vmem>> -> memref<200x64xf32, #tpu.memory_space<vmem>>
        %get3A_557 = arith.index_cast %add3A_552 : i32 to index
        %get3A_558 = arith.constant 32 : index
        %get3A_559 = tpu.vector_load %get3A_556[%get3A_557, %get3A_558] {strides = array<i32>} : memref<200x64xf32, #tpu.memory_space<vmem>>, vector<1x16xf32>,
        %get3A_560 = vector.shape_cast %get3A_559 : vector<1x16xf32> to vector<16xf32>
        %add3A_561 = arith.addf %add3A_517, %get3A_560 : vector<16xf32>
        %add3A_562 = arith.constant 7 : i32
        %add3A_563 = arith.addi %mul3A_221, %add3A_562 : i32
        %get3A_564 = arith.constant 0 : i32
        %get3A_565 = arith.constant 0 : i32
        %get3A_566 = tpu.memref_slice %arg6[%scan3A_187, %get3A_564, %get3A_565] : memref<2x200x64xf32, #tpu.memory_space<vmem>> -> memref<1x200x64xf32, #tpu.memory_space<vmem>>
        %get3A_567 = tpu.memref_squeeze %get3A_566 : memref<1x200x64xf32, #tpu.memory_space<vmem>> -> memref<200x64xf32, #tpu.memory_space<vmem>>
        %get3A_568 = arith.index_cast %add3A_563 : i32 to index
        %get3A_569 = arith.constant 48 : index
        %get3A_570 = tpu.vector_load %get3A_567[%get3A_568, %get3A_569] {strides = array<i32>} : memref<200x64xf32, #tpu.memory_space<vmem>>, vector<1x16xf32>,
        %get3A_571 = vector.shape_cast %get3A_570 : vector<1x16xf32> to vector<16xf32>
        %add3A_572 = arith.addf %add3A_528, %get3A_571 : vector<16xf32>
        scf.yield %add3A_539, %add3A_550, %add3A_561, %add3A_572 : vector<16xf32>, vector<16xf32>, vector<16xf32>, vector<16xf32>
      }
      %scan3A_193 = arith.constant 25 : i32
      %swap3A_194 = arith.index_cast %add3A_186 : i32 to index
      %swap3A_195 = arith.constant 0 : index
      %swap3A_196 = tpu.vector_load %arg7[%swap3A_194, %swap3A_195] {strides = array<i32>} : memref<8x64xf32, #tpu.memory_space<vmem>>, vector<1x16xf32>,
      %swap3A_197 = vector.shape_cast %swap3A_196 : vector<1x16xf32> to vector<16xf32>
      %swap3A_198 = vector.shape_cast %scan3A_192#0 : vector<16xf32> to vector<1x16xf32>
      tpu.vector_store %arg7[%swap3A_194, %swap3A_195], %swap3A_198 {strides = array<i32>} : memref<8x64xf32, #tpu.memory_space<vmem>>, vector<1x16xf32>,
      %swap3A_199 = arith.index_cast %add3A_186 : i32 to index
      %swap3A_200 = arith.constant 16 : index
      %swap3A_201 = tpu.vector_load %arg7[%swap3A_199, %swap3A_200] {strides = array<i32>} : memref<8x64xf32, #tpu.memory_space<vmem>>, vector<1x16xf32>,
      %swap3A_202 = vector.shape_cast %swap3A_201 : vector<1x16xf32> to vector<16xf32>
      %swap3A_203 = vector.shape_cast %scan3A_192#1 : vector<16xf32> to vector<1x16xf32>
      tpu.vector_store %arg7[%swap3A_199, %swap3A_200], %swap3A_203 {strides = array<i32>} : memref<8x64xf32, #tpu.memory_space<vmem>>, vector<1x16xf32>,
      %swap3A_204 = arith.index_cast %add3A_186 : i32 to index
      %swap3A_205 = arith.constant 32 : index
      %swap3A_206 = tpu.vector_load %arg7[%swap3A_204, %swap3A_205] {strides = array<i32>} : memref<8x64xf32, #tpu.memory_space<vmem>>, vector<1x16xf32>,
      %swap3A_207 = vector.shape_cast %swap3A_206 : vector<1x16xf32> to vector<16xf32>
      %swap3A_208 = vector.shape_cast %scan3A_192#2 : vector<16xf32> to vector<1x16xf32>
      tpu.vector_store %arg7[%swap3A_204, %swap3A_205], %swap3A_208 {strides = array<i32>} : memref<8x64xf32, #tpu.memory_space<vmem>>, vector<1x16xf32>,
      %swap3A_209 = arith.index_cast %add3A_186 : i32 to index
      %swap3A_210 = arith.constant 48 : index
      %swap3A_211 = tpu.vector_load %arg7[%swap3A_209, %swap3A_210] {strides = array<i32>} : memref<8x64xf32, #tpu.memory_space<vmem>>, vector<1x16xf32>,
      %swap3A_212 = vector.shape_cast %swap3A_211 : vector<1x16xf32> to vector<16xf32>
      %swap3A_213 = vector.shape_cast %scan3A_192#3 : vector<16xf32> to vector<1x16xf32>
      tpu.vector_store %arg7[%swap3A_209, %swap3A_210], %swap3A_213 {strides = array<i32>} : memref<8x64xf32, #tpu.memory_space<vmem>>, vector<1x16xf32>,
      %scan3A_214 = arith.constant 0 : i32
      scf.yield %scan3A_214 : i32
    }
    %scan3A_45 = arith.constant 4 : i32
    "tpu.region"() ({
      %run_scoped3A = tpu.sem_alloc : memref<!tpu.dma_semaphore, #tpu.memory_space<semaphore_mem>>
      %dma_start3A_46 = arith.constant 0 : i32
      %dma_start3A_47 = tpu.memref_slice %arg4[%mul3A_2, %dma_start3A_46] : memref<256x64xf32, #tpu.memory_space<hbm>> -> memref<8x64xf32, #tpu.memory_space<hbm>>
      %dma_start3A_48 = arith.constant 0 : i32
      %dma_start3A_49 = tpu.memref_slice %arg4[%mul3A_2, %dma_start3A_48] : memref<256x64xf32, #tpu.memory_space<hbm>> -> memref<8x64xf32, #tpu.memory_space<hbm>>
      tpu.enqueue_dma source(%arg7 : memref<8x64xf32, #tpu.memory_space<vmem>>) target(%dma_start3A_49 : memref<8x64xf32, #tpu.memory_space<hbm>>) target_semaphore(%run_scoped3A : memref<!tpu.dma_semaphore, #tpu.memory_space<semaphore_mem>>)
      %dma_wait3A = arith.constant 0 : i32
      %dma_wait3A_50 = tpu.memref_slice %arg4[%mul3A_2, %dma_wait3A] : memref<256x64xf32, #tpu.memory_space<hbm>> -> memref<8x64xf32, #tpu.memory_space<hbm>>
      %dma_wait3A_51 = arith.constant 0 : i32
      %dma_wait3A_52 = tpu.memref_slice %arg4[%mul3A_2, %dma_wait3A_51] : memref<256x64xf32, #tpu.memory_space<hbm>> -> memref<8x64xf32, #tpu.memory_space<hbm>>
      tpu.wait_dma2 semaphore(%run_scoped3A : memref<!tpu.dma_semaphore, #tpu.memory_space<semaphore_mem>>) src(%arg7 : memref<8x64xf32, #tpu.memory_space<vmem>>) dst(%dma_wait3A_52 : memref<8x64xf32, #tpu.memory_space<hbm>>)
      tpu.yield
    }) : () -> ()
    return
  }
}

#map = affine_map<(d0, d1) -> (0)>
#map1 = affine_map<(d0, d1) -> (0, 0)>
module attributes {stable_mosaic.version = 14 : i64} {
  func.func @pool(%arg0: i32, %arg1: i32, %arg2: memref<51200xi32, #tpu.memory_space<hbm>>, %arg3: memref<100001x64xf32, #tpu.memory_space<hbm>>, %arg4: memref<256x64xf32, #tpu.memory_space<hbm>>, %arg5: memref<1600xi32, #tpu.memory_space<vmem>>, %arg6: memref<2x200x64xf32, #tpu.memory_space<vmem>>, %arg7: memref<8x64xf32, #tpu.memory_space<vmem>>, %arg8: memref<!tpu.dma_semaphore, #tpu.memory_space<semaphore_mem>>, %arg9: memref<!tpu.dma_semaphore, #tpu.memory_space<semaphore_mem>>) attributes {dimension_semantics = [#tpu.dimension_semantics<core_parallel>, #tpu.dimension_semantics<subcore_parallel>], iteration_bounds = array<i64: 2, 16>, scalar_prefetch = 0 : i64, scratch_operands = 5 : i64, tpu.core_type = #tpu.core_type<sc_vector_subcore>, window_params = [{transform_indices = #map}, {transform_indices = #map1}, {transform_indices = #map1}]} {
    %mul3A = arith.constant 2 : i32
    %mul3A_0 = arith.muli %arg1, %mul3A : i32
    %add3A = arith.addi %mul3A_0, %arg0 : i32
    %mul3A_1 = arith.constant 8 : i32
    %mul3A_2 = arith.muli %add3A, %mul3A_1 : i32
    %broadcast_in_dim3A = arith.constant 0.000000e+00 : f32
    %broadcast_in_dim3A_3 = vector.broadcast %broadcast_in_dim3A : f32 to vector<16xf32>
    %broadcast_in_dim3A_4 = arith.constant 1 : i32
    %broadcast_in_dim3A_5 = vector.broadcast %broadcast_in_dim3A_4 : i32 to vector<16xi32>
    %mul3A_6 = arith.constant 1600 : i32
    %mul3A_7 = arith.muli %add3A, %mul3A_6 : i32
    "tpu.region"() ({
      %run_scoped3A = tpu.sem_alloc : memref<!tpu.dma_semaphore, #tpu.memory_space<semaphore_mem>>
      %dma_start3A_46 = tpu.memref_slice %arg2[%mul3A_7] : memref<51200xi32, #tpu.memory_space<hbm>> -> memref<1600xi32, #tpu.memory_space<hbm>>
      %dma_start3A_47 = tpu.memref_slice %arg2[%mul3A_7] : memref<51200xi32, #tpu.memory_space<hbm>> -> memref<1600xi32, #tpu.memory_space<hbm>>
      tpu.enqueue_dma source(%dma_start3A_47 : memref<1600xi32, #tpu.memory_space<hbm>>) target(%arg5 : memref<1600xi32, #tpu.memory_space<vmem>>) target_semaphore(%run_scoped3A : memref<!tpu.dma_semaphore, #tpu.memory_space<semaphore_mem>>)
      %dma_wait3A = tpu.memref_slice %arg2[%mul3A_7] : memref<51200xi32, #tpu.memory_space<hbm>> -> memref<1600xi32, #tpu.memory_space<hbm>>
      %dma_wait3A_48 = tpu.memref_slice %arg2[%mul3A_7] : memref<51200xi32, #tpu.memory_space<hbm>> -> memref<1600xi32, #tpu.memory_space<hbm>>
      tpu.wait_dma2 semaphore(%run_scoped3A : memref<!tpu.dma_semaphore, #tpu.memory_space<semaphore_mem>>) src(%dma_wait3A_48 : memref<1600xi32, #tpu.memory_space<hbm>>) dst(%arg5 : memref<1600xi32, #tpu.memory_space<vmem>>)
      tpu.yield
    }) : () -> ()
    %scan3A = arith.constant 0 : i32
    %scan3A_8 = arith.constant 0 : i32
    %scan3A_9 = arith.constant 25 : i32
    %scan3A_10 = arith.addi %scan3A_8, %scan3A_9 : i32
    %scan3A_11 = arith.constant 1 : i32
    %scan3A_12 = scf.for %scan3A_46 = %scan3A_8 to %scan3A_10 step %scan3A_11 iter_args(%scan3A_47 = %scan3A) -> (i32)  : i32 {
      %mul3A_48 = arith.constant 64 : i32
      %mul3A_49 = arith.muli %scan3A_46, %mul3A_48 : i32
      %add3A_50 = arith.constant 0 : i32
      %add3A_51 = arith.addi %mul3A_49, %add3A_50 : i32
      %get3A = arith.index_cast %add3A_51 : i32 to index
      %get3A_52 = tpu.vector_load %arg5[%get3A] {strides = array<i32>} : memref<1600xi32, #tpu.memory_space<vmem>>, vector<16xi32>,
      %get3A_53 = vector.shape_cast %get3A_52 : vector<16xi32> to vector<16xi32>
      %add3A_54 = arith.addi %get3A_53, %broadcast_in_dim3A_5 : vector<16xi32>
      %swap3A = arith.index_cast %add3A_51 : i32 to index
      %swap3A_55 = tpu.vector_load %arg5[%swap3A] {strides = array<i32>} : memref<1600xi32, #tpu.memory_space<vmem>>, vector<16xi32>,
      %swap3A_56 = vector.shape_cast %swap3A_55 : vector<16xi32> to vector<16xi32>
      %swap3A_57 = vector.shape_cast %add3A_54 : vector<16xi32> to vector<16xi32>
      tpu.vector_store %arg5[%swap3A], %swap3A_57 {strides = array<i32>} : memref<1600xi32, #tpu.memory_space<vmem>>, vector<16xi32>,
      %mul3A_58 = arith.constant 64 : i32
      %mul3A_59 = arith.muli %scan3A_46, %mul3A_58 : i32
      %add3A_60 = arith.constant 16 : i32
      %add3A_61 = arith.addi %mul3A_59, %add3A_60 : i32
      %get3A_62 = arith.index_cast %add3A_61 : i32 to index
      %get3A_63 = tpu.vector_load %arg5[%get3A_62] {strides = array<i32>} : memref<1600xi32, #tpu.memory_space<vmem>>, vector<16xi32>,
      %get3A_64 = vector.shape_cast %get3A_63 : vector<16xi32> to vector<16xi32>
      %add3A_65 = arith.addi %get3A_64, %broadcast_in_dim3A_5 : vector<16xi32>
      %swap3A_66 = arith.index_cast %add3A_61 : i32 to index
      %swap3A_67 = tpu.vector_load %arg5[%swap3A_66] {strides = array<i32>} : memref<1600xi32, #tpu.memory_space<vmem>>, vector<16xi32>,
      %swap3A_68 = vector.shape_cast %swap3A_67 : vector<16xi32> to vector<16xi32>
      %swap3A_69 = vector.shape_cast %add3A_65 : vector<16xi32> to vector<16xi32>
      tpu.vector_store %arg5[%swap3A_66], %swap3A_69 {strides = array<i32>} : memref<1600xi32, #tpu.memory_space<vmem>>, vector<16xi32>,
      %mul3A_70 = arith.constant 64 : i32
      %mul3A_71 = arith.muli %scan3A_46, %mul3A_70 : i32
      %add3A_72 = arith.constant 32 : i32
      %add3A_73 = arith.addi %mul3A_71, %add3A_72 : i32
      %get3A_74 = arith.index_cast %add3A_73 : i32 to index
      %get3A_75 = tpu.vector_load %arg5[%get3A_74] {strides = array<i32>} : memref<1600xi32, #tpu.memory_space<vmem>>, vector<16xi32>,
      %get3A_76 = vector.shape_cast %get3A_75 : vector<16xi32> to vector<16xi32>
      %add3A_77 = arith.addi %get3A_76, %broadcast_in_dim3A_5 : vector<16xi32>
      %swap3A_78 = arith.index_cast %add3A_73 : i32 to index
      %swap3A_79 = tpu.vector_load %arg5[%swap3A_78] {strides = array<i32>} : memref<1600xi32, #tpu.memory_space<vmem>>, vector<16xi32>,
      %swap3A_80 = vector.shape_cast %swap3A_79 : vector<16xi32> to vector<16xi32>
      %swap3A_81 = vector.shape_cast %add3A_77 : vector<16xi32> to vector<16xi32>
      tpu.vector_store %arg5[%swap3A_78], %swap3A_81 {strides = array<i32>} : memref<1600xi32, #tpu.memory_space<vmem>>, vector<16xi32>,
      %mul3A_82 = arith.constant 64 : i32
      %mul3A_83 = arith.muli %scan3A_46, %mul3A_82 : i32
      %add3A_84 = arith.constant 48 : i32
      %add3A_85 = arith.addi %mul3A_83, %add3A_84 : i32
      %get3A_86 = arith.index_cast %add3A_85 : i32 to index
      %get3A_87 = tpu.vector_load %arg5[%get3A_86] {strides = array<i32>} : memref<1600xi32, #tpu.memory_space<vmem>>, vector<16xi32>,
      %get3A_88 = vector.shape_cast %get3A_87 : vector<16xi32> to vector<16xi32>
      %add3A_89 = arith.addi %get3A_88, %broadcast_in_dim3A_5 : vector<16xi32>
      %swap3A_90 = arith.index_cast %add3A_85 : i32 to index
      %swap3A_91 = tpu.vector_load %arg5[%swap3A_90] {strides = array<i32>} : memref<1600xi32, #tpu.memory_space<vmem>>, vector<16xi32>,
      %swap3A_92 = vector.shape_cast %swap3A_91 : vector<16xi32> to vector<16xi32>
      %swap3A_93 = vector.shape_cast %add3A_89 : vector<16xi32> to vector<16xi32>
      tpu.vector_store %arg5[%swap3A_90], %swap3A_93 {strides = array<i32>} : memref<1600xi32, #tpu.memory_space<vmem>>, vector<16xi32>,
      %scan3A_94 = arith.constant 0 : i32
      scf.yield %scan3A_94 : i32
    }
    %scan3A_13 = arith.constant 25 : i32
    %dma_start3A = arith.constant 0 : i32
    %dma_start3A_14 = arith.constant 0 : i32
    %dma_start3A_15 = arith.constant 0 : i32
    %dma_start3A_16 = tpu.memref_slice %arg6[%dma_start3A, %dma_start3A_14, %dma_start3A_15] : memref<2x200x64xf32, #tpu.memory_space<vmem>> -> memref<1x200x64xf32, #tpu.memory_space<vmem>>
    %dma_start3A_17 = tpu.memref_squeeze %dma_start3A_16 : memref<1x200x64xf32, #tpu.memory_space<vmem>> -> memref<200x64xf32, #tpu.memory_space<vmem>>
    %dma_start3A_18 = arith.constant 0 : i32
    %dma_start3A_19 = arith.constant 0 : i32
    %dma_start3A_20 = tpu.memref_slice %dma_start3A_17[%dma_start3A_18, %dma_start3A_19] : memref<200x64xf32, #tpu.memory_space<vmem>> -> memref<128x64xf32, #tpu.memory_space<vmem>>
    %dma_start3A_21 = arith.constant 0 : i32
    %dma_start3A_22 = tpu.memref_slice %arg5[%dma_start3A_21] : memref<1600xi32, #tpu.memory_space<vmem>> -> memref<128xi32, #tpu.memory_space<vmem>>
    %dma_start3A_23 = arith.constant 0 : i32
    %dma_start3A_24 = arith.constant 0 : i32
    %dma_start3A_25 = tpu.memref_slice %arg3[%dma_start3A_23, %dma_start3A_24] : memref<100001x64xf32, #tpu.memory_space<hbm>> -> memref<100001x64xf32, #tpu.memory_space<hbm>>
    tpu.enqueue_indirect_dma source(%dma_start3A_25 : memref<100001x64xf32, #tpu.memory_space<hbm>>) target(%dma_start3A_20 : memref<128x64xf32, #tpu.memory_space<vmem>>) offsets(%dma_start3A_22 : memref<128xi32, #tpu.memory_space<vmem>>) semaphore(%arg8 : memref<!tpu.dma_semaphore, #tpu.memory_space<semaphore_mem>>)
    %dma_start3A_26 = arith.constant 0 : i32
    %dma_start3A_27 = arith.constant 0 : i32
    %dma_start3A_28 = arith.constant 0 : i32
    %dma_start3A_29 = tpu.memref_slice %arg6[%dma_start3A_26, %dma_start3A_27, %dma_start3A_28] : memref<2x200x64xf32, #tpu.memory_space<vmem>> -> memref<1x200x64xf32, #tpu.memory_space<vmem>>
    %dma_start3A_30 = tpu.memref_squeeze %dma_start3A_29 : memref<1x200x64xf32, #tpu.memory_space<vmem>> -> memref<200x64xf32, #tpu.memory_space<vmem>>
    %dma_start3A_31 = arith.constant 128 : i32
    %dma_start3A_32 = arith.constant 0 : i32
    %dma_start3A_33 = tpu.memref_slice %dma_start3A_30[%dma_start3A_31, %dma_start3A_32] : memref<200x64xf32, #tpu.memory_space<vmem>> -> memref<72x64xf32, #tpu.memory_space<vmem>>
    %dma_start3A_34 = arith.constant 128 : i32
    %dma_start3A_35 = tpu.memref_slice %arg5[%dma_start3A_34] : memref<1600xi32, #tpu.memory_space<vmem>> -> memref<72xi32, #tpu.memory_space<vmem>>
    %dma_start3A_36 = arith.constant 0 : i32
    %dma_start3A_37 = arith.constant 0 : i32
    %dma_start3A_38 = tpu.memref_slice %arg3[%dma_start3A_36, %dma_start3A_37] : memref<100001x64xf32, #tpu.memory_space<hbm>> -> memref<100001x64xf32, #tpu.memory_space<hbm>>
    tpu.enqueue_indirect_dma source(%dma_start3A_38 : memref<100001x64xf32, #tpu.memory_space<hbm>>) target(%dma_start3A_33 : memref<72x64xf32, #tpu.memory_space<vmem>>) offsets(%dma_start3A_35 : memref<72xi32, #tpu.memory_space<vmem>>) semaphore(%arg8 : memref<!tpu.dma_semaphore, #tpu.memory_space<semaphore_mem>>)
    %scan3A_39 = arith.constant 0 : i32
    %scan3A_40 = arith.constant 0 : i32
    %scan3A_41 = arith.constant 4 : i32
    %scan3A_42 = arith.addi %scan3A_40, %scan3A_41 : i32
    %scan3A_43 = arith.constant 1 : i32
    %scan3A_44 = scf.for %scan3A_46 = %scan3A_40 to %scan3A_42 step %scan3A_43 iter_args(%scan3A_47 = %scan3A_39) -> (i32)  : i32 {
      %mul3A_48 = arith.constant 2 : i32
      %mul3A_49 = arith.muli %mul3A_48, %scan3A_46 : i32
      %add3A_50 = arith.constant 1 : i32
      %add3A_51 = arith.addi %mul3A_49, %add3A_50 : i32
      %mul3A_52 = arith.constant 200 : i32
      %mul3A_53 = arith.muli %add3A_51, %mul3A_52 : i32
      %add3A_54 = arith.constant 0 : i32
      %add3A_55 = arith.addi %mul3A_53, %add3A_54 : i32
      %dma_start3A_56 = arith.constant 1 : i32
      %dma_start3A_57 = arith.constant 0 : i32
      %dma_start3A_58 = arith.constant 0 : i32
      %dma_start3A_59 = tpu.memref_slice %arg6[%dma_start3A_56, %dma_start3A_57, %dma_start3A_58] : memref<2x200x64xf32, #tpu.memory_space<vmem>> -> memref<1x200x64xf32, #tpu.memory_space<vmem>>
      %dma_start3A_60 = tpu.memref_squeeze %dma_start3A_59 : memref<1x200x64xf32, #tpu.memory_space<vmem>> -> memref<200x64xf32, #tpu.memory_space<vmem>>
      %dma_start3A_61 = arith.constant 0 : i32
      %dma_start3A_62 = arith.constant 0 : i32
      %dma_start3A_63 = tpu.memref_slice %dma_start3A_60[%dma_start3A_61, %dma_start3A_62] : memref<200x64xf32, #tpu.memory_space<vmem>> -> memref<128x64xf32, #tpu.memory_space<vmem>>
      %dma_start3A_64 = tpu.memref_slice %arg5[%add3A_55] : memref<1600xi32, #tpu.memory_space<vmem>> -> memref<128xi32, #tpu.memory_space<vmem>>
      %dma_start3A_65 = arith.constant 0 : i32
      %dma_start3A_66 = arith.constant 0 : i32
      %dma_start3A_67 = tpu.memref_slice %arg3[%dma_start3A_65, %dma_start3A_66] : memref<100001x64xf32, #tpu.memory_space<hbm>> -> memref<100001x64xf32, #tpu.memory_space<hbm>>
      tpu.enqueue_indirect_dma source(%dma_start3A_67 : memref<100001x64xf32, #tpu.memory_space<hbm>>) target(%dma_start3A_63 : memref<128x64xf32, #tpu.memory_space<vmem>>) offsets(%dma_start3A_64 : memref<128xi32, #tpu.memory_space<vmem>>) semaphore(%arg9 : memref<!tpu.dma_semaphore, #tpu.memory_space<semaphore_mem>>)
      %mul3A_68 = arith.constant 200 : i32
      %mul3A_69 = arith.muli %add3A_51, %mul3A_68 : i32
      %add3A_70 = arith.constant 128 : i32
      %add3A_71 = arith.addi %mul3A_69, %add3A_70 : i32
      %dma_start3A_72 = arith.constant 1 : i32
      %dma_start3A_73 = arith.constant 0 : i32
      %dma_start3A_74 = arith.constant 0 : i32
      %dma_start3A_75 = tpu.memref_slice %arg6[%dma_start3A_72, %dma_start3A_73, %dma_start3A_74] : memref<2x200x64xf32, #tpu.memory_space<vmem>> -> memref<1x200x64xf32, #tpu.memory_space<vmem>>
      %dma_start3A_76 = tpu.memref_squeeze %dma_start3A_75 : memref<1x200x64xf32, #tpu.memory_space<vmem>> -> memref<200x64xf32, #tpu.memory_space<vmem>>
      %dma_start3A_77 = arith.constant 128 : i32
      %dma_start3A_78 = arith.constant 0 : i32
      %dma_start3A_79 = tpu.memref_slice %dma_start3A_76[%dma_start3A_77, %dma_start3A_78] : memref<200x64xf32, #tpu.memory_space<vmem>> -> memref<72x64xf32, #tpu.memory_space<vmem>>
      %dma_start3A_80 = tpu.memref_slice %arg5[%add3A_71] : memref<1600xi32, #tpu.memory_space<vmem>> -> memref<72xi32, #tpu.memory_space<vmem>>
      %dma_start3A_81 = arith.constant 0 : i32
      %dma_start3A_82 = arith.constant 0 : i32
      %dma_start3A_83 = tpu.memref_slice %arg3[%dma_start3A_81, %dma_start3A_82] : memref<100001x64xf32, #tpu.memory_space<hbm>> -> memref<100001x64xf32, #tpu.memory_space<hbm>>
      tpu.enqueue_indirect_dma source(%dma_start3A_83 : memref<100001x64xf32, #tpu.memory_space<hbm>>) target(%dma_start3A_79 : memref<72x64xf32, #tpu.memory_space<vmem>>) offsets(%dma_start3A_80 : memref<72xi32, #tpu.memory_space<vmem>>) semaphore(%arg9 : memref<!tpu.dma_semaphore, #tpu.memory_space<semaphore_mem>>)
      %mul3A_84 = arith.constant 2 : i32
      %mul3A_85 = arith.muli %mul3A_84, %scan3A_46 : i32
      %mul3A_86 = arith.constant 200 : i32
      %mul3A_87 = arith.muli %mul3A_85, %mul3A_86 : i32
      %add3A_88 = arith.constant 0 : i32
      %add3A_89 = arith.addi %mul3A_87, %add3A_88 : i32
      %dma_wait3A = arith.constant 0 : i32
      %dma_wait3A_90 = arith.constant 0 : i32
      %dma_wait3A_91 = arith.constant 0 : i32
      %dma_wait3A_92 = tpu.memref_slice %arg6[%dma_wait3A, %dma_wait3A_90, %dma_wait3A_91] : memref<2x200x64xf32, #tpu.memory_space<vmem>> -> memref<1x200x64xf32, #tpu.memory_space<vmem>>
      %dma_wait3A_93 = tpu.memref_squeeze %dma_wait3A_92 : memref<1x200x64xf32, #tpu.memory_space<vmem>> -> memref<200x64xf32, #tpu.memory_space<vmem>>
      %dma_wait3A_94 = arith.constant 0 : i32
      %dma_wait3A_95 = arith.constant 0 : i32
      %dma_wait3A_96 = tpu.memref_slice %dma_wait3A_93[%dma_wait3A_94, %dma_wait3A_95] : memref<200x64xf32, #tpu.memory_space<vmem>> -> memref<128x64xf32, #tpu.memory_space<vmem>>
      %dma_wait3A_97 = tpu.memref_slice %arg5[%add3A_89] : memref<1600xi32, #tpu.memory_space<vmem>> -> memref<128xi32, #tpu.memory_space<vmem>>
      %dma_wait3A_98 = arith.constant 0 : i32
      %dma_wait3A_99 = arith.constant 0 : i32
      %dma_wait3A_100 = tpu.memref_slice %arg3[%dma_wait3A_98, %dma_wait3A_99] : memref<100001x64xf32, #tpu.memory_space<hbm>> -> memref<100001x64xf32, #tpu.memory_space<hbm>>
      tpu.wait_indirect_dma semaphore(%arg8 : memref<!tpu.dma_semaphore, #tpu.memory_space<semaphore_mem>>) src(%dma_wait3A_100 : memref<100001x64xf32, #tpu.memory_space<hbm>>) dst(%dma_wait3A_96 : memref<128x64xf32, #tpu.memory_space<vmem>>)
      %mul3A_101 = arith.constant 200 : i32
      %mul3A_102 = arith.muli %mul3A_85, %mul3A_101 : i32
      %add3A_103 = arith.constant 128 : i32
      %add3A_104 = arith.addi %mul3A_102, %add3A_103 : i32
      %dma_wait3A_105 = arith.constant 0 : i32
      %dma_wait3A_106 = arith.constant 0 : i32
      %dma_wait3A_107 = arith.constant 0 : i32
      %dma_wait3A_108 = tpu.memref_slice %arg6[%dma_wait3A_105, %dma_wait3A_106, %dma_wait3A_107] : memref<2x200x64xf32, #tpu.memory_space<vmem>> -> memref<1x200x64xf32, #tpu.memory_space<vmem>>
      %dma_wait3A_109 = tpu.memref_squeeze %dma_wait3A_108 : memref<1x200x64xf32, #tpu.memory_space<vmem>> -> memref<200x64xf32, #tpu.memory_space<vmem>>
      %dma_wait3A_110 = arith.constant 128 : i32
      %dma_wait3A_111 = arith.constant 0 : i32
      %dma_wait3A_112 = tpu.memref_slice %dma_wait3A_109[%dma_wait3A_110, %dma_wait3A_111] : memref<200x64xf32, #tpu.memory_space<vmem>> -> memref<72x64xf32, #tpu.memory_space<vmem>>
      %dma_wait3A_113 = tpu.memref_slice %arg5[%add3A_104] : memref<1600xi32, #tpu.memory_space<vmem>> -> memref<72xi32, #tpu.memory_space<vmem>>
      %dma_wait3A_114 = arith.constant 0 : i32
      %dma_wait3A_115 = arith.constant 0 : i32
      %dma_wait3A_116 = tpu.memref_slice %arg3[%dma_wait3A_114, %dma_wait3A_115] : memref<100001x64xf32, #tpu.memory_space<hbm>> -> memref<100001x64xf32, #tpu.memory_space<hbm>>
      tpu.wait_indirect_dma semaphore(%arg8 : memref<!tpu.dma_semaphore, #tpu.memory_space<semaphore_mem>>) src(%dma_wait3A_116 : memref<100001x64xf32, #tpu.memory_space<hbm>>) dst(%dma_wait3A_112 : memref<72x64xf32, #tpu.memory_space<vmem>>)
      %mul3A_117 = arith.constant 2 : i32
      %mul3A_118 = arith.muli %mul3A_117, %scan3A_46 : i32
      %scan3A_119 = arith.constant 0 : i32
      %scan3A_120 = arith.constant 0 : i32
      %scan3A_121 = arith.constant 25 : i32
      %scan3A_122 = arith.addi %scan3A_120, %scan3A_121 : i32
      %scan3A_123 = arith.constant 1 : i32
      %scan3A_124:4 = scf.for %scan3A_215 = %scan3A_120 to %scan3A_122 step %scan3A_123 iter_args(%scan3A_216 = %broadcast_in_dim3A_3, %scan3A_217 = %broadcast_in_dim3A_3, %scan3A_218 = %broadcast_in_dim3A_3, %scan3A_219 = %broadcast_in_dim3A_3) -> (vector<16xf32>, vector<16xf32>, vector<16xf32>, vector<16xf32>)  : i32 {
        %mul3A_220 = arith.constant 8 : i32
        %mul3A_221 = arith.muli %scan3A_215, %mul3A_220 : i32
        %add3A_222 = arith.constant 0 : i32
        %add3A_223 = arith.addi %mul3A_221, %add3A_222 : i32
        %get3A = arith.constant 0 : i32
        %get3A_224 = arith.constant 0 : i32
        %get3A_225 = tpu.memref_slice %arg6[%scan3A_119, %get3A, %get3A_224] : memref<2x200x64xf32, #tpu.memory_space<vmem>> -> memref<1x200x64xf32, #tpu.memory_space<vmem>>
        %get3A_226 = tpu.memref_squeeze %get3A_225 : memref<1x200x64xf32, #tpu.memory_space<vmem>> -> memref<200x64xf32, #tpu.memory_space<vmem>>
        %get3A_227 = arith.index_cast %add3A_223 : i32 to index
        %get3A_228 = arith.constant 0 : index
        %get3A_229 = tpu.vector_load %get3A_226[%get3A_227, %get3A_228] {strides = array<i32>} : memref<200x64xf32, #tpu.memory_space<vmem>>, vector<1x16xf32>,
        %get3A_230 = vector.shape_cast %get3A_229 : vector<1x16xf32> to vector<16xf32>
        %add3A_231 = arith.addf %scan3A_216, %get3A_230 : vector<16xf32>
        %add3A_232 = arith.constant 0 : i32
        %add3A_233 = arith.addi %mul3A_221, %add3A_232 : i32
        %get3A_234 = arith.constant 0 : i32
        %get3A_235 = arith.constant 0 : i32
        %get3A_236 = tpu.memref_slice %arg6[%scan3A_119, %get3A_234, %get3A_235] : memref<2x200x64xf32, #tpu.memory_space<vmem>> -> memref<1x200x64xf32, #tpu.memory_space<vmem>>
        %get3A_237 = tpu.memref_squeeze %get3A_236 : memref<1x200x64xf32, #tpu.memory_space<vmem>> -> memref<200x64xf32, #tpu.memory_space<vmem>>
        %get3A_238 = arith.index_cast %add3A_233 : i32 to index
        %get3A_239 = arith.constant 16 : index
        %get3A_240 = tpu.vector_load %get3A_237[%get3A_238, %get3A_239] {strides = array<i32>} : memref<200x64xf32, #tpu.memory_space<vmem>>, vector<1x16xf32>,
        %get3A_241 = vector.shape_cast %get3A_240 : vector<1x16xf32> to vector<16xf32>
        %add3A_242 = arith.addf %scan3A_217, %get3A_241 : vector<16xf32>
        %add3A_243 = arith.constant 0 : i32
        %add3A_244 = arith.addi %mul3A_221, %add3A_243 : i32
        %get3A_245 = arith.constant 0 : i32
        %get3A_246 = arith.constant 0 : i32
        %get3A_247 = tpu.memref_slice %arg6[%scan3A_119, %get3A_245, %get3A_246] : memref<2x200x64xf32, #tpu.memory_space<vmem>> -> memref<1x200x64xf32, #tpu.memory_space<vmem>>
        %get3A_248 = tpu.memref_squeeze %get3A_247 : memref<1x200x64xf32, #tpu.memory_space<vmem>> -> memref<200x64xf32, #tpu.memory_space<vmem>>
        %get3A_249 = arith.index_cast %add3A_244 : i32 to index
        %get3A_250 = arith.constant 32 : index
        %get3A_251 = tpu.vector_load %get3A_248[%get3A_249, %get3A_250] {strides = array<i32>} : memref<200x64xf32, #tpu.memory_space<vmem>>, vector<1x16xf32>,
        %get3A_252 = vector.shape_cast %get3A_251 : vector<1x16xf32> to vector<16xf32>
        %add3A_253 = arith.addf %scan3A_218, %get3A_252 : vector<16xf32>
        %add3A_254 = arith.constant 0 : i32
        %add3A_255 = arith.addi %mul3A_221, %add3A_254 : i32
        %get3A_256 = arith.constant 0 : i32
        %get3A_257 = arith.constant 0 : i32
        %get3A_258 = tpu.memref_slice %arg6[%scan3A_119, %get3A_256, %get3A_257] : memref<2x200x64xf32, #tpu.memory_space<vmem>> -> memref<1x200x64xf32, #tpu.memory_space<vmem>>
        %get3A_259 = tpu.memref_squeeze %get3A_258 : memref<1x200x64xf32, #tpu.memory_space<vmem>> -> memref<200x64xf32, #tpu.memory_space<vmem>>
        %get3A_260 = arith.index_cast %add3A_255 : i32 to index
        %get3A_261 = arith.constant 48 : index
        %get3A_262 = tpu.vector_load %get3A_259[%get3A_260, %get3A_261] {strides = array<i32>} : memref<200x64xf32, #tpu.memory_space<vmem>>, vector<1x16xf32>,
        %get3A_263 = vector.shape_cast %get3A_262 : vector<1x16xf32> to vector<16xf32>
        %add3A_264 = arith.addf %scan3A_219, %get3A_263 : vector<16xf32>
        %add3A_265 = arith.constant 1 : i32
        %add3A_266 = arith.addi %mul3A_221, %add3A_265 : i32
        %get3A_267 = arith.constant 0 : i32
        %get3A_268 = arith.constant 0 : i32
        %get3A_269 = tpu.memref_slice %arg6[%scan3A_119, %get3A_267, %get3A_268] : memref<2x200x64xf32, #tpu.memory_space<vmem>> -> memref<1x200x64xf32, #tpu.memory_space<vmem>>
        %get3A_270 = tpu.memref_squeeze %get3A_269 : memref<1x200x64xf32, #tpu.memory_space<vmem>> -> memref<200x64xf32, #tpu.memory_space<vmem>>
        %get3A_271 = arith.index_cast %add3A_266 : i32 to index
        %get3A_272 = arith.constant 0 : index
        %get3A_273 = tpu.vector_load %get3A_270[%get3A_271, %get3A_272] {strides = array<i32>} : memref<200x64xf32, #tpu.memory_space<vmem>>, vector<1x16xf32>,
        %get3A_274 = vector.shape_cast %get3A_273 : vector<1x16xf32> to vector<16xf32>
        %add3A_275 = arith.addf %add3A_231, %get3A_274 : vector<16xf32>
        %add3A_276 = arith.constant 1 : i32
        %add3A_277 = arith.addi %mul3A_221, %add3A_276 : i32
        %get3A_278 = arith.constant 0 : i32
        %get3A_279 = arith.constant 0 : i32
        %get3A_280 = tpu.memref_slice %arg6[%scan3A_119, %get3A_278, %get3A_279] : memref<2x200x64xf32, #tpu.memory_space<vmem>> -> memref<1x200x64xf32, #tpu.memory_space<vmem>>
        %get3A_281 = tpu.memref_squeeze %get3A_280 : memref<1x200x64xf32, #tpu.memory_space<vmem>> -> memref<200x64xf32, #tpu.memory_space<vmem>>
        %get3A_282 = arith.index_cast %add3A_277 : i32 to index
        %get3A_283 = arith.constant 16 : index
        %get3A_284 = tpu.vector_load %get3A_281[%get3A_282, %get3A_283] {strides = array<i32>} : memref<200x64xf32, #tpu.memory_space<vmem>>, vector<1x16xf32>,
        %get3A_285 = vector.shape_cast %get3A_284 : vector<1x16xf32> to vector<16xf32>
        %add3A_286 = arith.addf %add3A_242, %get3A_285 : vector<16xf32>
        %add3A_287 = arith.constant 1 : i32
        %add3A_288 = arith.addi %mul3A_221, %add3A_287 : i32
        %get3A_289 = arith.constant 0 : i32
        %get3A_290 = arith.constant 0 : i32
        %get3A_291 = tpu.memref_slice %arg6[%scan3A_119, %get3A_289, %get3A_290] : memref<2x200x64xf32, #tpu.memory_space<vmem>> -> memref<1x200x64xf32, #tpu.memory_space<vmem>>
        %get3A_292 = tpu.memref_squeeze %get3A_291 : memref<1x200x64xf32, #tpu.memory_space<vmem>> -> memref<200x64xf32, #tpu.memory_space<vmem>>
        %get3A_293 = arith.index_cast %add3A_288 : i32 to index
        %get3A_294 = arith.constant 32 : index
        %get3A_295 = tpu.vector_load %get3A_292[%get3A_293, %get3A_294] {strides = array<i32>} : memref<200x64xf32, #tpu.memory_space<vmem>>, vector<1x16xf32>,
        %get3A_296 = vector.shape_cast %get3A_295 : vector<1x16xf32> to vector<16xf32>
        %add3A_297 = arith.addf %add3A_253, %get3A_296 : vector<16xf32>
        %add3A_298 = arith.constant 1 : i32
        %add3A_299 = arith.addi %mul3A_221, %add3A_298 : i32
        %get3A_300 = arith.constant 0 : i32
        %get3A_301 = arith.constant 0 : i32
        %get3A_302 = tpu.memref_slice %arg6[%scan3A_119, %get3A_300, %get3A_301] : memref<2x200x64xf32, #tpu.memory_space<vmem>> -> memref<1x200x64xf32, #tpu.memory_space<vmem>>
        %get3A_303 = tpu.memref_squeeze %get3A_302 : memref<1x200x64xf32, #tpu.memory_space<vmem>> -> memref<200x64xf32, #tpu.memory_space<vmem>>
        %get3A_304 = arith.index_cast %add3A_299 : i32 to index
        %get3A_305 = arith.constant 48 : index
        %get3A_306 = tpu.vector_load %get3A_303[%get3A_304, %get3A_305] {strides = array<i32>} : memref<200x64xf32, #tpu.memory_space<vmem>>, vector<1x16xf32>,
        %get3A_307 = vector.shape_cast %get3A_306 : vector<1x16xf32> to vector<16xf32>
        %add3A_308 = arith.addf %add3A_264, %get3A_307 : vector<16xf32>
        %add3A_309 = arith.constant 2 : i32
        %add3A_310 = arith.addi %mul3A_221, %add3A_309 : i32
        %get3A_311 = arith.constant 0 : i32
        %get3A_312 = arith.constant 0 : i32
        %get3A_313 = tpu.memref_slice %arg6[%scan3A_119, %get3A_311, %get3A_312] : memref<2x200x64xf32, #tpu.memory_space<vmem>> -> memref<1x200x64xf32, #tpu.memory_space<vmem>>
        %get3A_314 = tpu.memref_squeeze %get3A_313 : memref<1x200x64xf32, #tpu.memory_space<vmem>> -> memref<200x64xf32, #tpu.memory_space<vmem>>
        %get3A_315 = arith.index_cast %add3A_310 : i32 to index
        %get3A_316 = arith.constant 0 : index
        %get3A_317 = tpu.vector_load %get3A_314[%get3A_315, %get3A_316] {strides = array<i32>} : memref<200x64xf32, #tpu.memory_space<vmem>>, vector<1x16xf32>,
        %get3A_318 = vector.shape_cast %get3A_317 : vector<1x16xf32> to vector<16xf32>
        %add3A_319 = arith.addf %add3A_275, %get3A_318 : vector<16xf32>
        %add3A_320 = arith.constant 2 : i32
        %add3A_321 = arith.addi %mul3A_221, %add3A_320 : i32
        %get3A_322 = arith.constant 0 : i32
        %get3A_323 = arith.constant 0 : i32
        %get3A_324 = tpu.memref_slice %arg6[%scan3A_119, %get3A_322, %get3A_323] : memref<2x200x64xf32, #tpu.memory_space<vmem>> -> memref<1x200x64xf32, #tpu.memory_space<vmem>>
        %get3A_325 = tpu.memref_squeeze %get3A_324 : memref<1x200x64xf32, #tpu.memory_space<vmem>> -> memref<200x64xf32, #tpu.memory_space<vmem>>
        %get3A_326 = arith.index_cast %add3A_321 : i32 to index
        %get3A_327 = arith.constant 16 : index
        %get3A_328 = tpu.vector_load %get3A_325[%get3A_326, %get3A_327] {strides = array<i32>} : memref<200x64xf32, #tpu.memory_space<vmem>>, vector<1x16xf32>,
        %get3A_329 = vector.shape_cast %get3A_328 : vector<1x16xf32> to vector<16xf32>
        %add3A_330 = arith.addf %add3A_286, %get3A_329 : vector<16xf32>
        %add3A_331 = arith.constant 2 : i32
        %add3A_332 = arith.addi %mul3A_221, %add3A_331 : i32
        %get3A_333 = arith.constant 0 : i32
        %get3A_334 = arith.constant 0 : i32
        %get3A_335 = tpu.memref_slice %arg6[%scan3A_119, %get3A_333, %get3A_334] : memref<2x200x64xf32, #tpu.memory_space<vmem>> -> memref<1x200x64xf32, #tpu.memory_space<vmem>>
        %get3A_336 = tpu.memref_squeeze %get3A_335 : memref<1x200x64xf32, #tpu.memory_space<vmem>> -> memref<200x64xf32, #tpu.memory_space<vmem>>
        %get3A_337 = arith.index_cast %add3A_332 : i32 to index
        %get3A_338 = arith.constant 32 : index
        %get3A_339 = tpu.vector_load %get3A_336[%get3A_337, %get3A_338] {strides = array<i32>} : memref<200x64xf32, #tpu.memory_space<vmem>>, vector<1x16xf32>,
        %get3A_340 = vector.shape_cast %get3A_339 : vector<1x16xf32> to vector<16xf32>
        %add3A_341 = arith.addf %add3A_297, %get3A_340 : vector<16xf32>
        %add3A_342 = arith.constant 2 : i32
        %add3A_343 = arith.addi %mul3A_221, %add3A_342 : i32
        %get3A_344 = arith.constant 0 : i32
        %get3A_345 = arith.constant 0 : i32
        %get3A_346 = tpu.memref_slice %arg6[%scan3A_119, %get3A_344, %get3A_345] : memref<2x200x64xf32, #tpu.memory_space<vmem>> -> memref<1x200x64xf32, #tpu.memory_space<vmem>>
        %get3A_347 = tpu.memref_squeeze %get3A_346 : memref<1x200x64xf32, #tpu.memory_space<vmem>> -> memref<200x64xf32, #tpu.memory_space<vmem>>
        %get3A_348 = arith.index_cast %add3A_343 : i32 to index
        %get3A_349 = arith.constant 48 : index
        %get3A_350 = tpu.vector_load %get3A_347[%get3A_348, %get3A_349] {strides = array<i32>} : memref<200x64xf32, #tpu.memory_space<vmem>>, vector<1x16xf32>,
        %get3A_351 = vector.shape_cast %get3A_350 : vector<1x16xf32> to vector<16xf32>
        %add3A_352 = arith.addf %add3A_308, %get3A_351 : vector<16xf32>
        %add3A_353 = arith.constant 3 : i32
        %add3A_354 = arith.addi %mul3A_221, %add3A_353 : i32
        %get3A_355 = arith.constant 0 : i32
        %get3A_356 = arith.constant 0 : i32
        %get3A_357 = tpu.memref_slice %arg6[%scan3A_119, %get3A_355, %get3A_356] : memref<2x200x64xf32, #tpu.memory_space<vmem>> -> memref<1x200x64xf32, #tpu.memory_space<vmem>>
        %get3A_358 = tpu.memref_squeeze %get3A_357 : memref<1x200x64xf32, #tpu.memory_space<vmem>> -> memref<200x64xf32, #tpu.memory_space<vmem>>
        %get3A_359 = arith.index_cast %add3A_354 : i32 to index
        %get3A_360 = arith.constant 0 : index
        %get3A_361 = tpu.vector_load %get3A_358[%get3A_359, %get3A_360] {strides = array<i32>} : memref<200x64xf32, #tpu.memory_space<vmem>>, vector<1x16xf32>,
        %get3A_362 = vector.shape_cast %get3A_361 : vector<1x16xf32> to vector<16xf32>
        %add3A_363 = arith.addf %add3A_319, %get3A_362 : vector<16xf32>
        %add3A_364 = arith.constant 3 : i32
        %add3A_365 = arith.addi %mul3A_221, %add3A_364 : i32
        %get3A_366 = arith.constant 0 : i32
        %get3A_367 = arith.constant 0 : i32
        %get3A_368 = tpu.memref_slice %arg6[%scan3A_119, %get3A_366, %get3A_367] : memref<2x200x64xf32, #tpu.memory_space<vmem>> -> memref<1x200x64xf32, #tpu.memory_space<vmem>>
        %get3A_369 = tpu.memref_squeeze %get3A_368 : memref<1x200x64xf32, #tpu.memory_space<vmem>> -> memref<200x64xf32, #tpu.memory_space<vmem>>
        %get3A_370 = arith.index_cast %add3A_365 : i32 to index
        %get3A_371 = arith.constant 16 : index
        %get3A_372 = tpu.vector_load %get3A_369[%get3A_370, %get3A_371] {strides = array<i32>} : memref<200x64xf32, #tpu.memory_space<vmem>>, vector<1x16xf32>,
        %get3A_373 = vector.shape_cast %get3A_372 : vector<1x16xf32> to vector<16xf32>
        %add3A_374 = arith.addf %add3A_330, %get3A_373 : vector<16xf32>
        %add3A_375 = arith.constant 3 : i32
        %add3A_376 = arith.addi %mul3A_221, %add3A_375 : i32
        %get3A_377 = arith.constant 0 : i32
        %get3A_378 = arith.constant 0 : i32
        %get3A_379 = tpu.memref_slice %arg6[%scan3A_119, %get3A_377, %get3A_378] : memref<2x200x64xf32, #tpu.memory_space<vmem>> -> memref<1x200x64xf32, #tpu.memory_space<vmem>>
        %get3A_380 = tpu.memref_squeeze %get3A_379 : memref<1x200x64xf32, #tpu.memory_space<vmem>> -> memref<200x64xf32, #tpu.memory_space<vmem>>
        %get3A_381 = arith.index_cast %add3A_376 : i32 to index
        %get3A_382 = arith.constant 32 : index
        %get3A_383 = tpu.vector_load %get3A_380[%get3A_381, %get3A_382] {strides = array<i32>} : memref<200x64xf32, #tpu.memory_space<vmem>>, vector<1x16xf32>,
        %get3A_384 = vector.shape_cast %get3A_383 : vector<1x16xf32> to vector<16xf32>
        %add3A_385 = arith.addf %add3A_341, %get3A_384 : vector<16xf32>
        %add3A_386 = arith.constant 3 : i32
        %add3A_387 = arith.addi %mul3A_221, %add3A_386 : i32
        %get3A_388 = arith.constant 0 : i32
        %get3A_389 = arith.constant 0 : i32
        %get3A_390 = tpu.memref_slice %arg6[%scan3A_119, %get3A_388, %get3A_389] : memref<2x200x64xf32, #tpu.memory_space<vmem>> -> memref<1x200x64xf32, #tpu.memory_space<vmem>>
        %get3A_391 = tpu.memref_squeeze %get3A_390 : memref<1x200x64xf32, #tpu.memory_space<vmem>> -> memref<200x64xf32, #tpu.memory_space<vmem>>
        %get3A_392 = arith.index_cast %add3A_387 : i32 to index
        %get3A_393 = arith.constant 48 : index
        %get3A_394 = tpu.vector_load %get3A_391[%get3A_392, %get3A_393] {strides = array<i32>} : memref<200x64xf32, #tpu.memory_space<vmem>>, vector<1x16xf32>,
        %get3A_395 = vector.shape_cast %get3A_394 : vector<1x16xf32> to vector<16xf32>
        %add3A_396 = arith.addf %add3A_352, %get3A_395 : vector<16xf32>
        %add3A_397 = arith.constant 4 : i32
        %add3A_398 = arith.addi %mul3A_221, %add3A_397 : i32
        %get3A_399 = arith.constant 0 : i32
        %get3A_400 = arith.constant 0 : i32
        %get3A_401 = tpu.memref_slice %arg6[%scan3A_119, %get3A_399, %get3A_400] : memref<2x200x64xf32, #tpu.memory_space<vmem>> -> memref<1x200x64xf32, #tpu.memory_space<vmem>>
        %get3A_402 = tpu.memref_squeeze %get3A_401 : memref<1x200x64xf32, #tpu.memory_space<vmem>> -> memref<200x64xf32, #tpu.memory_space<vmem>>
        %get3A_403 = arith.index_cast %add3A_398 : i32 to index
        %get3A_404 = arith.constant 0 : index
        %get3A_405 = tpu.vector_load %get3A_402[%get3A_403, %get3A_404] {strides = array<i32>} : memref<200x64xf32, #tpu.memory_space<vmem>>, vector<1x16xf32>,
        %get3A_406 = vector.shape_cast %get3A_405 : vector<1x16xf32> to vector<16xf32>
        %add3A_407 = arith.addf %add3A_363, %get3A_406 : vector<16xf32>
        %add3A_408 = arith.constant 4 : i32
        %add3A_409 = arith.addi %mul3A_221, %add3A_408 : i32
        %get3A_410 = arith.constant 0 : i32
        %get3A_411 = arith.constant 0 : i32
        %get3A_412 = tpu.memref_slice %arg6[%scan3A_119, %get3A_410, %get3A_411] : memref<2x200x64xf32, #tpu.memory_space<vmem>> -> memref<1x200x64xf32, #tpu.memory_space<vmem>>
        %get3A_413 = tpu.memref_squeeze %get3A_412 : memref<1x200x64xf32, #tpu.memory_space<vmem>> -> memref<200x64xf32, #tpu.memory_space<vmem>>
        %get3A_414 = arith.index_cast %add3A_409 : i32 to index
        %get3A_415 = arith.constant 16 : index
        %get3A_416 = tpu.vector_load %get3A_413[%get3A_414, %get3A_415] {strides = array<i32>} : memref<200x64xf32, #tpu.memory_space<vmem>>, vector<1x16xf32>,
        %get3A_417 = vector.shape_cast %get3A_416 : vector<1x16xf32> to vector<16xf32>
        %add3A_418 = arith.addf %add3A_374, %get3A_417 : vector<16xf32>
        %add3A_419 = arith.constant 4 : i32
        %add3A_420 = arith.addi %mul3A_221, %add3A_419 : i32
        %get3A_421 = arith.constant 0 : i32
        %get3A_422 = arith.constant 0 : i32
        %get3A_423 = tpu.memref_slice %arg6[%scan3A_119, %get3A_421, %get3A_422] : memref<2x200x64xf32, #tpu.memory_space<vmem>> -> memref<1x200x64xf32, #tpu.memory_space<vmem>>
        %get3A_424 = tpu.memref_squeeze %get3A_423 : memref<1x200x64xf32, #tpu.memory_space<vmem>> -> memref<200x64xf32, #tpu.memory_space<vmem>>
        %get3A_425 = arith.index_cast %add3A_420 : i32 to index
        %get3A_426 = arith.constant 32 : index
        %get3A_427 = tpu.vector_load %get3A_424[%get3A_425, %get3A_426] {strides = array<i32>} : memref<200x64xf32, #tpu.memory_space<vmem>>, vector<1x16xf32>,
        %get3A_428 = vector.shape_cast %get3A_427 : vector<1x16xf32> to vector<16xf32>
        %add3A_429 = arith.addf %add3A_385, %get3A_428 : vector<16xf32>
        %add3A_430 = arith.constant 4 : i32
        %add3A_431 = arith.addi %mul3A_221, %add3A_430 : i32
        %get3A_432 = arith.constant 0 : i32
        %get3A_433 = arith.constant 0 : i32
        %get3A_434 = tpu.memref_slice %arg6[%scan3A_119, %get3A_432, %get3A_433] : memref<2x200x64xf32, #tpu.memory_space<vmem>> -> memref<1x200x64xf32, #tpu.memory_space<vmem>>
        %get3A_435 = tpu.memref_squeeze %get3A_434 : memref<1x200x64xf32, #tpu.memory_space<vmem>> -> memref<200x64xf32, #tpu.memory_space<vmem>>
        %get3A_436 = arith.index_cast %add3A_431 : i32 to index
        %get3A_437 = arith.constant 48 : index
        %get3A_438 = tpu.vector_load %get3A_435[%get3A_436, %get3A_437] {strides = array<i32>} : memref<200x64xf32, #tpu.memory_space<vmem>>, vector<1x16xf32>,
        %get3A_439 = vector.shape_cast %get3A_438 : vector<1x16xf32> to vector<16xf32>
        %add3A_440 = arith.addf %add3A_396, %get3A_439 : vector<16xf32>
        %add3A_441 = arith.constant 5 : i32
        %add3A_442 = arith.addi %mul3A_221, %add3A_441 : i32
        %get3A_443 = arith.constant 0 : i32
        %get3A_444 = arith.constant 0 : i32
        %get3A_445 = tpu.memref_slice %arg6[%scan3A_119, %get3A_443, %get3A_444] : memref<2x200x64xf32, #tpu.memory_space<vmem>> -> memref<1x200x64xf32, #tpu.memory_space<vmem>>
        %get3A_446 = tpu.memref_squeeze %get3A_445 : memref<1x200x64xf32, #tpu.memory_space<vmem>> -> memref<200x64xf32, #tpu.memory_space<vmem>>
        %get3A_447 = arith.index_cast %add3A_442 : i32 to index
        %get3A_448 = arith.constant 0 : index
        %get3A_449 = tpu.vector_load %get3A_446[%get3A_447, %get3A_448] {strides = array<i32>} : memref<200x64xf32, #tpu.memory_space<vmem>>, vector<1x16xf32>,
        %get3A_450 = vector.shape_cast %get3A_449 : vector<1x16xf32> to vector<16xf32>
        %add3A_451 = arith.addf %add3A_407, %get3A_450 : vector<16xf32>
        %add3A_452 = arith.constant 5 : i32
        %add3A_453 = arith.addi %mul3A_221, %add3A_452 : i32
        %get3A_454 = arith.constant 0 : i32
        %get3A_455 = arith.constant 0 : i32
        %get3A_456 = tpu.memref_slice %arg6[%scan3A_119, %get3A_454, %get3A_455] : memref<2x200x64xf32, #tpu.memory_space<vmem>> -> memref<1x200x64xf32, #tpu.memory_space<vmem>>
        %get3A_457 = tpu.memref_squeeze %get3A_456 : memref<1x200x64xf32, #tpu.memory_space<vmem>> -> memref<200x64xf32, #tpu.memory_space<vmem>>
        %get3A_458 = arith.index_cast %add3A_453 : i32 to index
        %get3A_459 = arith.constant 16 : index
        %get3A_460 = tpu.vector_load %get3A_457[%get3A_458, %get3A_459] {strides = array<i32>} : memref<200x64xf32, #tpu.memory_space<vmem>>, vector<1x16xf32>,
        %get3A_461 = vector.shape_cast %get3A_460 : vector<1x16xf32> to vector<16xf32>
        %add3A_462 = arith.addf %add3A_418, %get3A_461 : vector<16xf32>
        %add3A_463 = arith.constant 5 : i32
        %add3A_464 = arith.addi %mul3A_221, %add3A_463 : i32
        %get3A_465 = arith.constant 0 : i32
        %get3A_466 = arith.constant 0 : i32
        %get3A_467 = tpu.memref_slice %arg6[%scan3A_119, %get3A_465, %get3A_466] : memref<2x200x64xf32, #tpu.memory_space<vmem>> -> memref<1x200x64xf32, #tpu.memory_space<vmem>>
        %get3A_468 = tpu.memref_squeeze %get3A_467 : memref<1x200x64xf32, #tpu.memory_space<vmem>> -> memref<200x64xf32, #tpu.memory_space<vmem>>
        %get3A_469 = arith.index_cast %add3A_464 : i32 to index
        %get3A_470 = arith.constant 32 : index
        %get3A_471 = tpu.vector_load %get3A_468[%get3A_469, %get3A_470] {strides = array<i32>} : memref<200x64xf32, #tpu.memory_space<vmem>>, vector<1x16xf32>,
        %get3A_472 = vector.shape_cast %get3A_471 : vector<1x16xf32> to vector<16xf32>
        %add3A_473 = arith.addf %add3A_429, %get3A_472 : vector<16xf32>
        %add3A_474 = arith.constant 5 : i32
        %add3A_475 = arith.addi %mul3A_221, %add3A_474 : i32
        %get3A_476 = arith.constant 0 : i32
        %get3A_477 = arith.constant 0 : i32
        %get3A_478 = tpu.memref_slice %arg6[%scan3A_119, %get3A_476, %get3A_477] : memref<2x200x64xf32, #tpu.memory_space<vmem>> -> memref<1x200x64xf32, #tpu.memory_space<vmem>>
        %get3A_479 = tpu.memref_squeeze %get3A_478 : memref<1x200x64xf32, #tpu.memory_space<vmem>> -> memref<200x64xf32, #tpu.memory_space<vmem>>
        %get3A_480 = arith.index_cast %add3A_475 : i32 to index
        %get3A_481 = arith.constant 48 : index
        %get3A_482 = tpu.vector_load %get3A_479[%get3A_480, %get3A_481] {strides = array<i32>} : memref<200x64xf32, #tpu.memory_space<vmem>>, vector<1x16xf32>,
        %get3A_483 = vector.shape_cast %get3A_482 : vector<1x16xf32> to vector<16xf32>
        %add3A_484 = arith.addf %add3A_440, %get3A_483 : vector<16xf32>
        %add3A_485 = arith.constant 6 : i32
        %add3A_486 = arith.addi %mul3A_221, %add3A_485 : i32
        %get3A_487 = arith.constant 0 : i32
        %get3A_488 = arith.constant 0 : i32
        %get3A_489 = tpu.memref_slice %arg6[%scan3A_119, %get3A_487, %get3A_488] : memref<2x200x64xf32, #tpu.memory_space<vmem>> -> memref<1x200x64xf32, #tpu.memory_space<vmem>>
        %get3A_490 = tpu.memref_squeeze %get3A_489 : memref<1x200x64xf32, #tpu.memory_space<vmem>> -> memref<200x64xf32, #tpu.memory_space<vmem>>
        %get3A_491 = arith.index_cast %add3A_486 : i32 to index
        %get3A_492 = arith.constant 0 : index
        %get3A_493 = tpu.vector_load %get3A_490[%get3A_491, %get3A_492] {strides = array<i32>} : memref<200x64xf32, #tpu.memory_space<vmem>>, vector<1x16xf32>,
        %get3A_494 = vector.shape_cast %get3A_493 : vector<1x16xf32> to vector<16xf32>
        %add3A_495 = arith.addf %add3A_451, %get3A_494 : vector<16xf32>
        %add3A_496 = arith.constant 6 : i32
        %add3A_497 = arith.addi %mul3A_221, %add3A_496 : i32
        %get3A_498 = arith.constant 0 : i32
        %get3A_499 = arith.constant 0 : i32
        %get3A_500 = tpu.memref_slice %arg6[%scan3A_119, %get3A_498, %get3A_499] : memref<2x200x64xf32, #tpu.memory_space<vmem>> -> memref<1x200x64xf32, #tpu.memory_space<vmem>>
        %get3A_501 = tpu.memref_squeeze %get3A_500 : memref<1x200x64xf32, #tpu.memory_space<vmem>> -> memref<200x64xf32, #tpu.memory_space<vmem>>
        %get3A_502 = arith.index_cast %add3A_497 : i32 to index
        %get3A_503 = arith.constant 16 : index
        %get3A_504 = tpu.vector_load %get3A_501[%get3A_502, %get3A_503] {strides = array<i32>} : memref<200x64xf32, #tpu.memory_space<vmem>>, vector<1x16xf32>,
        %get3A_505 = vector.shape_cast %get3A_504 : vector<1x16xf32> to vector<16xf32>
        %add3A_506 = arith.addf %add3A_462, %get3A_505 : vector<16xf32>
        %add3A_507 = arith.constant 6 : i32
        %add3A_508 = arith.addi %mul3A_221, %add3A_507 : i32
        %get3A_509 = arith.constant 0 : i32
        %get3A_510 = arith.constant 0 : i32
        %get3A_511 = tpu.memref_slice %arg6[%scan3A_119, %get3A_509, %get3A_510] : memref<2x200x64xf32, #tpu.memory_space<vmem>> -> memref<1x200x64xf32, #tpu.memory_space<vmem>>
        %get3A_512 = tpu.memref_squeeze %get3A_511 : memref<1x200x64xf32, #tpu.memory_space<vmem>> -> memref<200x64xf32, #tpu.memory_space<vmem>>
        %get3A_513 = arith.index_cast %add3A_508 : i32 to index
        %get3A_514 = arith.constant 32 : index
        %get3A_515 = tpu.vector_load %get3A_512[%get3A_513, %get3A_514] {strides = array<i32>} : memref<200x64xf32, #tpu.memory_space<vmem>>, vector<1x16xf32>,
        %get3A_516 = vector.shape_cast %get3A_515 : vector<1x16xf32> to vector<16xf32>
        %add3A_517 = arith.addf %add3A_473, %get3A_516 : vector<16xf32>
        %add3A_518 = arith.constant 6 : i32
        %add3A_519 = arith.addi %mul3A_221, %add3A_518 : i32
        %get3A_520 = arith.constant 0 : i32
        %get3A_521 = arith.constant 0 : i32
        %get3A_522 = tpu.memref_slice %arg6[%scan3A_119, %get3A_520, %get3A_521] : memref<2x200x64xf32, #tpu.memory_space<vmem>> -> memref<1x200x64xf32, #tpu.memory_space<vmem>>
        %get3A_523 = tpu.memref_squeeze %get3A_522 : memref<1x200x64xf32, #tpu.memory_space<vmem>> -> memref<200x64xf32, #tpu.memory_space<vmem>>
        %get3A_524 = arith.index_cast %add3A_519 : i32 to index
        %get3A_525 = arith.constant 48 : index
        %get3A_526 = tpu.vector_load %get3A_523[%get3A_524, %get3A_525] {strides = array<i32>} : memref<200x64xf32, #tpu.memory_space<vmem>>, vector<1x16xf32>,
        %get3A_527 = vector.shape_cast %get3A_526 : vector<1x16xf32> to vector<16xf32>
        %add3A_528 = arith.addf %add3A_484, %get3A_527 : vector<16xf32>
        %add3A_529 = arith.constant 7 : i32
        %add3A_530 = arith.addi %mul3A_221, %add3A_529 : i32
        %get3A_531 = arith.constant 0 : i32
        %get3A_532 = arith.constant 0 : i32
        %get3A_533 = tpu.memref_slice %arg6[%scan3A_119, %get3A_531, %get3A_532] : memref<2x200x64xf32, #tpu.memory_space<vmem>> -> memref<1x200x64xf32, #tpu.memory_space<vmem>>
        %get3A_534 = tpu.memref_squeeze %get3A_533 : memref<1x200x64xf32, #tpu.memory_space<vmem>> -> memref<200x64xf32, #tpu.memory_space<vmem>>
        %get3A_535 = arith.index_cast %add3A_530 : i32 to index
        %get3A_536 = arith.constant 0 : index
        %get3A_537 = tpu.vector_load %get3A_534[%get3A_535, %get3A_536] {strides = array<i32>} : memref<200x64xf32, #tpu.memory_space<vmem>>, vector<1x16xf32>,
        %get3A_538 = vector.shape_cast %get3A_537 : vector<1x16xf32> to vector<16xf32>
        %add3A_539 = arith.addf %add3A_495, %get3A_538 : vector<16xf32>
        %add3A_540 = arith.constant 7 : i32
        %add3A_541 = arith.addi %mul3A_221, %add3A_540 : i32
        %get3A_542 = arith.constant 0 : i32
        %get3A_543 = arith.constant 0 : i32
        %get3A_544 = tpu.memref_slice %arg6[%scan3A_119, %get3A_542, %get3A_543] : memref<2x200x64xf32, #tpu.memory_space<vmem>> -> memref<1x200x64xf32, #tpu.memory_space<vmem>>
        %get3A_545 = tpu.memref_squeeze %get3A_544 : memref<1x200x64xf32, #tpu.memory_space<vmem>> -> memref<200x64xf32, #tpu.memory_space<vmem>>
        %get3A_546 = arith.index_cast %add3A_541 : i32 to index
        %get3A_547 = arith.constant 16 : index
        %get3A_548 = tpu.vector_load %get3A_545[%get3A_546, %get3A_547] {strides = array<i32>} : memref<200x64xf32, #tpu.memory_space<vmem>>, vector<1x16xf32>,
        %get3A_549 = vector.shape_cast %get3A_548 : vector<1x16xf32> to vector<16xf32>
        %add3A_550 = arith.addf %add3A_506, %get3A_549 : vector<16xf32>
        %add3A_551 = arith.constant 7 : i32
        %add3A_552 = arith.addi %mul3A_221, %add3A_551 : i32
        %get3A_553 = arith.constant 0 : i32
        %get3A_554 = arith.constant 0 : i32
        %get3A_555 = tpu.memref_slice %arg6[%scan3A_119, %get3A_553, %get3A_554] : memref<2x200x64xf32, #tpu.memory_space<vmem>> -> memref<1x200x64xf32, #tpu.memory_space<vmem>>
        %get3A_556 = tpu.memref_squeeze %get3A_555 : memref<1x200x64xf32, #tpu.memory_space<vmem>> -> memref<200x64xf32, #tpu.memory_space<vmem>>
        %get3A_557 = arith.index_cast %add3A_552 : i32 to index
        %get3A_558 = arith.constant 32 : index
        %get3A_559 = tpu.vector_load %get3A_556[%get3A_557, %get3A_558] {strides = array<i32>} : memref<200x64xf32, #tpu.memory_space<vmem>>, vector<1x16xf32>,
        %get3A_560 = vector.shape_cast %get3A_559 : vector<1x16xf32> to vector<16xf32>
        %add3A_561 = arith.addf %add3A_517, %get3A_560 : vector<16xf32>
        %add3A_562 = arith.constant 7 : i32
        %add3A_563 = arith.addi %mul3A_221, %add3A_562 : i32
        %get3A_564 = arith.constant 0 : i32
        %get3A_565 = arith.constant 0 : i32
        %get3A_566 = tpu.memref_slice %arg6[%scan3A_119, %get3A_564, %get3A_565] : memref<2x200x64xf32, #tpu.memory_space<vmem>> -> memref<1x200x64xf32, #tpu.memory_space<vmem>>
        %get3A_567 = tpu.memref_squeeze %get3A_566 : memref<1x200x64xf32, #tpu.memory_space<vmem>> -> memref<200x64xf32, #tpu.memory_space<vmem>>
        %get3A_568 = arith.index_cast %add3A_563 : i32 to index
        %get3A_569 = arith.constant 48 : index
        %get3A_570 = tpu.vector_load %get3A_567[%get3A_568, %get3A_569] {strides = array<i32>} : memref<200x64xf32, #tpu.memory_space<vmem>>, vector<1x16xf32>,
        %get3A_571 = vector.shape_cast %get3A_570 : vector<1x16xf32> to vector<16xf32>
        %add3A_572 = arith.addf %add3A_528, %get3A_571 : vector<16xf32>
        scf.yield %add3A_539, %add3A_550, %add3A_561, %add3A_572 : vector<16xf32>, vector<16xf32>, vector<16xf32>, vector<16xf32>
      }
      %scan3A_125 = arith.constant 25 : i32
      %swap3A = arith.index_cast %mul3A_118 : i32 to index
      %swap3A_126 = arith.constant 0 : index
      %swap3A_127 = tpu.vector_load %arg7[%swap3A, %swap3A_126] {strides = array<i32>} : memref<8x64xf32, #tpu.memory_space<vmem>>, vector<1x16xf32>,
      %swap3A_128 = vector.shape_cast %swap3A_127 : vector<1x16xf32> to vector<16xf32>
      %swap3A_129 = vector.shape_cast %scan3A_124#0 : vector<16xf32> to vector<1x16xf32>
      tpu.vector_store %arg7[%swap3A, %swap3A_126], %swap3A_129 {strides = array<i32>} : memref<8x64xf32, #tpu.memory_space<vmem>>, vector<1x16xf32>,
      %swap3A_130 = arith.index_cast %mul3A_118 : i32 to index
      %swap3A_131 = arith.constant 16 : index
      %swap3A_132 = tpu.vector_load %arg7[%swap3A_130, %swap3A_131] {strides = array<i32>} : memref<8x64xf32, #tpu.memory_space<vmem>>, vector<1x16xf32>,
      %swap3A_133 = vector.shape_cast %swap3A_132 : vector<1x16xf32> to vector<16xf32>
      %swap3A_134 = vector.shape_cast %scan3A_124#1 : vector<16xf32> to vector<1x16xf32>
      tpu.vector_store %arg7[%swap3A_130, %swap3A_131], %swap3A_134 {strides = array<i32>} : memref<8x64xf32, #tpu.memory_space<vmem>>, vector<1x16xf32>,
      %swap3A_135 = arith.index_cast %mul3A_118 : i32 to index
      %swap3A_136 = arith.constant 32 : index
      %swap3A_137 = tpu.vector_load %arg7[%swap3A_135, %swap3A_136] {strides = array<i32>} : memref<8x64xf32, #tpu.memory_space<vmem>>, vector<1x16xf32>,
      %swap3A_138 = vector.shape_cast %swap3A_137 : vector<1x16xf32> to vector<16xf32>
      %swap3A_139 = vector.shape_cast %scan3A_124#2 : vector<16xf32> to vector<1x16xf32>
      tpu.vector_store %arg7[%swap3A_135, %swap3A_136], %swap3A_139 {strides = array<i32>} : memref<8x64xf32, #tpu.memory_space<vmem>>, vector<1x16xf32>,
      %swap3A_140 = arith.index_cast %mul3A_118 : i32 to index
      %swap3A_141 = arith.constant 48 : index
      %swap3A_142 = tpu.vector_load %arg7[%swap3A_140, %swap3A_141] {strides = array<i32>} : memref<8x64xf32, #tpu.memory_space<vmem>>, vector<1x16xf32>,
      %swap3A_143 = vector.shape_cast %swap3A_142 : vector<1x16xf32> to vector<16xf32>
      %swap3A_144 = vector.shape_cast %scan3A_124#3 : vector<16xf32> to vector<1x16xf32>
      tpu.vector_store %arg7[%swap3A_140, %swap3A_141], %swap3A_144 {strides = array<i32>} : memref<8x64xf32, #tpu.memory_space<vmem>>, vector<1x16xf32>,
      %lt3A = arith.constant 3 : i32
      %lt3A_145 = arith.cmpi slt, %scan3A_46, %lt3A : i32
      %convert_element_type3A = arith.extui %lt3A_145 : i1 to i32
      %cond3A = arith.constant 0 : i32
      %cond3A_146 = arith.cmpi ne, %convert_element_type3A, %cond3A : i32
      scf.if %cond3A_146 {
        %mul3A_215 = arith.constant 2 : i32
        %mul3A_216 = arith.muli %mul3A_215, %scan3A_46 : i32
        %add3A_217 = arith.constant 2 : i32
        %add3A_218 = arith.addi %mul3A_216, %add3A_217 : i32
        %mul3A_219 = arith.constant 200 : i32
        %mul3A_220 = arith.muli %add3A_218, %mul3A_219 : i32
        %add3A_221 = arith.constant 0 : i32
        %add3A_222 = arith.addi %mul3A_220, %add3A_221 : i32
        %dma_start3A_223 = arith.constant 0 : i32
        %dma_start3A_224 = arith.constant 0 : i32
        %dma_start3A_225 = arith.constant 0 : i32
        %dma_start3A_226 = tpu.memref_slice %arg6[%dma_start3A_223, %dma_start3A_224, %dma_start3A_225] : memref<2x200x64xf32, #tpu.memory_space<vmem>> -> memref<1x200x64xf32, #tpu.memory_space<vmem>>
        %dma_start3A_227 = tpu.memref_squeeze %dma_start3A_226 : memref<1x200x64xf32, #tpu.memory_space<vmem>> -> memref<200x64xf32, #tpu.memory_space<vmem>>
        %dma_start3A_228 = arith.constant 0 : i32
        %dma_start3A_229 = arith.constant 0 : i32
        %dma_start3A_230 = tpu.memref_slice %dma_start3A_227[%dma_start3A_228, %dma_start3A_229] : memref<200x64xf32, #tpu.memory_space<vmem>> -> memref<128x64xf32, #tpu.memory_space<vmem>>
        %dma_start3A_231 = tpu.memref_slice %arg5[%add3A_222] : memref<1600xi32, #tpu.memory_space<vmem>> -> memref<128xi32, #tpu.memory_space<vmem>>
        %dma_start3A_232 = arith.constant 0 : i32
        %dma_start3A_233 = arith.constant 0 : i32
        %dma_start3A_234 = tpu.memref_slice %arg3[%dma_start3A_232, %dma_start3A_233] : memref<100001x64xf32, #tpu.memory_space<hbm>> -> memref<100001x64xf32, #tpu.memory_space<hbm>>
        tpu.enqueue_indirect_dma source(%dma_start3A_234 : memref<100001x64xf32, #tpu.memory_space<hbm>>) target(%dma_start3A_230 : memref<128x64xf32, #tpu.memory_space<vmem>>) offsets(%dma_start3A_231 : memref<128xi32, #tpu.memory_space<vmem>>) semaphore(%arg8 : memref<!tpu.dma_semaphore, #tpu.memory_space<semaphore_mem>>)
        %mul3A_235 = arith.constant 200 : i32
        %mul3A_236 = arith.muli %add3A_218, %mul3A_235 : i32
        %add3A_237 = arith.constant 128 : i32
        %add3A_238 = arith.addi %mul3A_236, %add3A_237 : i32
        %dma_start3A_239 = arith.constant 0 : i32
        %dma_start3A_240 = arith.constant 0 : i32
        %dma_start3A_241 = arith.constant 0 : i32
        %dma_start3A_242 = tpu.memref_slice %arg6[%dma_start3A_239, %dma_start3A_240, %dma_start3A_241] : memref<2x200x64xf32, #tpu.memory_space<vmem>> -> memref<1x200x64xf32, #tpu.memory_space<vmem>>
        %dma_start3A_243 = tpu.memref_squeeze %dma_start3A_242 : memref<1x200x64xf32, #tpu.memory_space<vmem>> -> memref<200x64xf32, #tpu.memory_space<vmem>>
        %dma_start3A_244 = arith.constant 128 : i32
        %dma_start3A_245 = arith.constant 0 : i32
        %dma_start3A_246 = tpu.memref_slice %dma_start3A_243[%dma_start3A_244, %dma_start3A_245] : memref<200x64xf32, #tpu.memory_space<vmem>> -> memref<72x64xf32, #tpu.memory_space<vmem>>
        %dma_start3A_247 = tpu.memref_slice %arg5[%add3A_238] : memref<1600xi32, #tpu.memory_space<vmem>> -> memref<72xi32, #tpu.memory_space<vmem>>
        %dma_start3A_248 = arith.constant 0 : i32
        %dma_start3A_249 = arith.constant 0 : i32
        %dma_start3A_250 = tpu.memref_slice %arg3[%dma_start3A_248, %dma_start3A_249] : memref<100001x64xf32, #tpu.memory_space<hbm>> -> memref<100001x64xf32, #tpu.memory_space<hbm>>
        tpu.enqueue_indirect_dma source(%dma_start3A_250 : memref<100001x64xf32, #tpu.memory_space<hbm>>) target(%dma_start3A_246 : memref<72x64xf32, #tpu.memory_space<vmem>>) offsets(%dma_start3A_247 : memref<72xi32, #tpu.memory_space<vmem>>) semaphore(%arg8 : memref<!tpu.dma_semaphore, #tpu.memory_space<semaphore_mem>>)
      } else {
      }
      %mul3A_147 = arith.constant 2 : i32
      %mul3A_148 = arith.muli %mul3A_147, %scan3A_46 : i32
      %add3A_149 = arith.constant 1 : i32
      %add3A_150 = arith.addi %mul3A_148, %add3A_149 : i32
      %mul3A_151 = arith.constant 200 : i32
      %mul3A_152 = arith.muli %add3A_150, %mul3A_151 : i32
      %add3A_153 = arith.constant 0 : i32
      %add3A_154 = arith.addi %mul3A_152, %add3A_153 : i32
      %dma_wait3A_155 = arith.constant 1 : i32
      %dma_wait3A_156 = arith.constant 0 : i32
      %dma_wait3A_157 = arith.constant 0 : i32
      %dma_wait3A_158 = tpu.memref_slice %arg6[%dma_wait3A_155, %dma_wait3A_156, %dma_wait3A_157] : memref<2x200x64xf32, #tpu.memory_space<vmem>> -> memref<1x200x64xf32, #tpu.memory_space<vmem>>
      %dma_wait3A_159 = tpu.memref_squeeze %dma_wait3A_158 : memref<1x200x64xf32, #tpu.memory_space<vmem>> -> memref<200x64xf32, #tpu.memory_space<vmem>>
      %dma_wait3A_160 = arith.constant 0 : i32
      %dma_wait3A_161 = arith.constant 0 : i32
      %dma_wait3A_162 = tpu.memref_slice %dma_wait3A_159[%dma_wait3A_160, %dma_wait3A_161] : memref<200x64xf32, #tpu.memory_space<vmem>> -> memref<128x64xf32, #tpu.memory_space<vmem>>
      %dma_wait3A_163 = tpu.memref_slice %arg5[%add3A_154] : memref<1600xi32, #tpu.memory_space<vmem>> -> memref<128xi32, #tpu.memory_space<vmem>>
      %dma_wait3A_164 = arith.constant 0 : i32
      %dma_wait3A_165 = arith.constant 0 : i32
      %dma_wait3A_166 = tpu.memref_slice %arg3[%dma_wait3A_164, %dma_wait3A_165] : memref<100001x64xf32, #tpu.memory_space<hbm>> -> memref<100001x64xf32, #tpu.memory_space<hbm>>
      tpu.wait_indirect_dma semaphore(%arg9 : memref<!tpu.dma_semaphore, #tpu.memory_space<semaphore_mem>>) src(%dma_wait3A_166 : memref<100001x64xf32, #tpu.memory_space<hbm>>) dst(%dma_wait3A_162 : memref<128x64xf32, #tpu.memory_space<vmem>>)
      %mul3A_167 = arith.constant 200 : i32
      %mul3A_168 = arith.muli %add3A_150, %mul3A_167 : i32
      %add3A_169 = arith.constant 128 : i32
      %add3A_170 = arith.addi %mul3A_168, %add3A_169 : i32
      %dma_wait3A_171 = arith.constant 1 : i32
      %dma_wait3A_172 = arith.constant 0 : i32
      %dma_wait3A_173 = arith.constant 0 : i32
      %dma_wait3A_174 = tpu.memref_slice %arg6[%dma_wait3A_171, %dma_wait3A_172, %dma_wait3A_173] : memref<2x200x64xf32, #tpu.memory_space<vmem>> -> memref<1x200x64xf32, #tpu.memory_space<vmem>>
      %dma_wait3A_175 = tpu.memref_squeeze %dma_wait3A_174 : memref<1x200x64xf32, #tpu.memory_space<vmem>> -> memref<200x64xf32, #tpu.memory_space<vmem>>
      %dma_wait3A_176 = arith.constant 128 : i32
      %dma_wait3A_177 = arith.constant 0 : i32
      %dma_wait3A_178 = tpu.memref_slice %dma_wait3A_175[%dma_wait3A_176, %dma_wait3A_177] : memref<200x64xf32, #tpu.memory_space<vmem>> -> memref<72x64xf32, #tpu.memory_space<vmem>>
      %dma_wait3A_179 = tpu.memref_slice %arg5[%add3A_170] : memref<1600xi32, #tpu.memory_space<vmem>> -> memref<72xi32, #tpu.memory_space<vmem>>
      %dma_wait3A_180 = arith.constant 0 : i32
      %dma_wait3A_181 = arith.constant 0 : i32
      %dma_wait3A_182 = tpu.memref_slice %arg3[%dma_wait3A_180, %dma_wait3A_181] : memref<100001x64xf32, #tpu.memory_space<hbm>> -> memref<100001x64xf32, #tpu.memory_space<hbm>>
      tpu.wait_indirect_dma semaphore(%arg9 : memref<!tpu.dma_semaphore, #tpu.memory_space<semaphore_mem>>) src(%dma_wait3A_182 : memref<100001x64xf32, #tpu.memory_space<hbm>>) dst(%dma_wait3A_178 : memref<72x64xf32, #tpu.memory_space<vmem>>)
      %mul3A_183 = arith.constant 2 : i32
      %mul3A_184 = arith.muli %mul3A_183, %scan3A_46 : i32
      %add3A_185 = arith.constant 1 : i32
      %add3A_186 = arith.addi %mul3A_184, %add3A_185 : i32
      %scan3A_187 = arith.constant 1 : i32
      %scan3A_188 = arith.constant 0 : i32
      %scan3A_189 = arith.constant 25 : i32
      %scan3A_190 = arith.addi %scan3A_188, %scan3A_189 : i32
      %scan3A_191 = arith.constant 1 : i32
      %scan3A_192:4 = scf.for %scan3A_215 = %scan3A_188 to %scan3A_190 step %scan3A_191 iter_args(%scan3A_216 = %broadcast_in_dim3A_3, %scan3A_217 = %broadcast_in_dim3A_3, %scan3A_218 = %broadcast_in_dim3A_3, %scan3A_219 = %broadcast_in_dim3A_3) -> (vector<16xf32>, vector<16xf32>, vector<16xf32>, vector<16xf32>)  : i32 {
        %mul3A_220 = arith.constant 8 : i32
        %mul3A_221 = arith.muli %scan3A_215, %mul3A_220 : i32
        %add3A_222 = arith.constant 0 : i32
        %add3A_223 = arith.addi %mul3A_221, %add3A_222 : i32
        %get3A = arith.constant 0 : i32
        %get3A_224 = arith.constant 0 : i32
        %get3A_225 = tpu.memref_slice %arg6[%scan3A_187, %get3A, %get3A_224] : memref<2x200x64xf32, #tpu.memory_space<vmem>> -> memref<1x200x64xf32, #tpu.memory_space<vmem>>
        %get3A_226 = tpu.memref_squeeze %get3A_225 : memref<1x200x64xf32, #tpu.memory_space<vmem>> -> memref<200x64xf32, #tpu.memory_space<vmem>>
        %get3A_227 = arith.index_cast %add3A_223 : i32 to index
        %get3A_228 = arith.constant 0 : index
        %get3A_229 = tpu.vector_load %get3A_226[%get3A_227, %get3A_228] {strides = array<i32>} : memref<200x64xf32, #tpu.memory_space<vmem>>, vector<1x16xf32>,
        %get3A_230 = vector.shape_cast %get3A_229 : vector<1x16xf32> to vector<16xf32>
        %add3A_231 = arith.addf %scan3A_216, %get3A_230 : vector<16xf32>
        %add3A_232 = arith.constant 0 : i32
        %add3A_233 = arith.addi %mul3A_221, %add3A_232 : i32
        %get3A_234 = arith.constant 0 : i32
        %get3A_235 = arith.constant 0 : i32
        %get3A_236 = tpu.memref_slice %arg6[%scan3A_187, %get3A_234, %get3A_235] : memref<2x200x64xf32, #tpu.memory_space<vmem>> -> memref<1x200x64xf32, #tpu.memory_space<vmem>>
        %get3A_237 = tpu.memref_squeeze %get3A_236 : memref<1x200x64xf32, #tpu.memory_space<vmem>> -> memref<200x64xf32, #tpu.memory_space<vmem>>
        %get3A_238 = arith.index_cast %add3A_233 : i32 to index
        %get3A_239 = arith.constant 16 : index
        %get3A_240 = tpu.vector_load %get3A_237[%get3A_238, %get3A_239] {strides = array<i32>} : memref<200x64xf32, #tpu.memory_space<vmem>>, vector<1x16xf32>,
        %get3A_241 = vector.shape_cast %get3A_240 : vector<1x16xf32> to vector<16xf32>
        %add3A_242 = arith.addf %scan3A_217, %get3A_241 : vector<16xf32>
        %add3A_243 = arith.constant 0 : i32
        %add3A_244 = arith.addi %mul3A_221, %add3A_243 : i32
        %get3A_245 = arith.constant 0 : i32
        %get3A_246 = arith.constant 0 : i32
        %get3A_247 = tpu.memref_slice %arg6[%scan3A_187, %get3A_245, %get3A_246] : memref<2x200x64xf32, #tpu.memory_space<vmem>> -> memref<1x200x64xf32, #tpu.memory_space<vmem>>
        %get3A_248 = tpu.memref_squeeze %get3A_247 : memref<1x200x64xf32, #tpu.memory_space<vmem>> -> memref<200x64xf32, #tpu.memory_space<vmem>>
        %get3A_249 = arith.index_cast %add3A_244 : i32 to index
        %get3A_250 = arith.constant 32 : index
        %get3A_251 = tpu.vector_load %get3A_248[%get3A_249, %get3A_250] {strides = array<i32>} : memref<200x64xf32, #tpu.memory_space<vmem>>, vector<1x16xf32>,
        %get3A_252 = vector.shape_cast %get3A_251 : vector<1x16xf32> to vector<16xf32>
        %add3A_253 = arith.addf %scan3A_218, %get3A_252 : vector<16xf32>
        %add3A_254 = arith.constant 0 : i32
        %add3A_255 = arith.addi %mul3A_221, %add3A_254 : i32
        %get3A_256 = arith.constant 0 : i32
        %get3A_257 = arith.constant 0 : i32
        %get3A_258 = tpu.memref_slice %arg6[%scan3A_187, %get3A_256, %get3A_257] : memref<2x200x64xf32, #tpu.memory_space<vmem>> -> memref<1x200x64xf32, #tpu.memory_space<vmem>>
        %get3A_259 = tpu.memref_squeeze %get3A_258 : memref<1x200x64xf32, #tpu.memory_space<vmem>> -> memref<200x64xf32, #tpu.memory_space<vmem>>
        %get3A_260 = arith.index_cast %add3A_255 : i32 to index
        %get3A_261 = arith.constant 48 : index
        %get3A_262 = tpu.vector_load %get3A_259[%get3A_260, %get3A_261] {strides = array<i32>} : memref<200x64xf32, #tpu.memory_space<vmem>>, vector<1x16xf32>,
        %get3A_263 = vector.shape_cast %get3A_262 : vector<1x16xf32> to vector<16xf32>
        %add3A_264 = arith.addf %scan3A_219, %get3A_263 : vector<16xf32>
        %add3A_265 = arith.constant 1 : i32
        %add3A_266 = arith.addi %mul3A_221, %add3A_265 : i32
        %get3A_267 = arith.constant 0 : i32
        %get3A_268 = arith.constant 0 : i32
        %get3A_269 = tpu.memref_slice %arg6[%scan3A_187, %get3A_267, %get3A_268] : memref<2x200x64xf32, #tpu.memory_space<vmem>> -> memref<1x200x64xf32, #tpu.memory_space<vmem>>
        %get3A_270 = tpu.memref_squeeze %get3A_269 : memref<1x200x64xf32, #tpu.memory_space<vmem>> -> memref<200x64xf32, #tpu.memory_space<vmem>>
        %get3A_271 = arith.index_cast %add3A_266 : i32 to index
        %get3A_272 = arith.constant 0 : index
        %get3A_273 = tpu.vector_load %get3A_270[%get3A_271, %get3A_272] {strides = array<i32>} : memref<200x64xf32, #tpu.memory_space<vmem>>, vector<1x16xf32>,
        %get3A_274 = vector.shape_cast %get3A_273 : vector<1x16xf32> to vector<16xf32>
        %add3A_275 = arith.addf %add3A_231, %get3A_274 : vector<16xf32>
        %add3A_276 = arith.constant 1 : i32
        %add3A_277 = arith.addi %mul3A_221, %add3A_276 : i32
        %get3A_278 = arith.constant 0 : i32
        %get3A_279 = arith.constant 0 : i32
        %get3A_280 = tpu.memref_slice %arg6[%scan3A_187, %get3A_278, %get3A_279] : memref<2x200x64xf32, #tpu.memory_space<vmem>> -> memref<1x200x64xf32, #tpu.memory_space<vmem>>
        %get3A_281 = tpu.memref_squeeze %get3A_280 : memref<1x200x64xf32, #tpu.memory_space<vmem>> -> memref<200x64xf32, #tpu.memory_space<vmem>>
        %get3A_282 = arith.index_cast %add3A_277 : i32 to index
        %get3A_283 = arith.constant 16 : index
        %get3A_284 = tpu.vector_load %get3A_281[%get3A_282, %get3A_283] {strides = array<i32>} : memref<200x64xf32, #tpu.memory_space<vmem>>, vector<1x16xf32>,
        %get3A_285 = vector.shape_cast %get3A_284 : vector<1x16xf32> to vector<16xf32>
        %add3A_286 = arith.addf %add3A_242, %get3A_285 : vector<16xf32>
        %add3A_287 = arith.constant 1 : i32
        %add3A_288 = arith.addi %mul3A_221, %add3A_287 : i32
        %get3A_289 = arith.constant 0 : i32
        %get3A_290 = arith.constant 0 : i32
        %get3A_291 = tpu.memref_slice %arg6[%scan3A_187, %get3A_289, %get3A_290] : memref<2x200x64xf32, #tpu.memory_space<vmem>> -> memref<1x200x64xf32, #tpu.memory_space<vmem>>
        %get3A_292 = tpu.memref_squeeze %get3A_291 : memref<1x200x64xf32, #tpu.memory_space<vmem>> -> memref<200x64xf32, #tpu.memory_space<vmem>>
        %get3A_293 = arith.index_cast %add3A_288 : i32 to index
        %get3A_294 = arith.constant 32 : index
        %get3A_295 = tpu.vector_load %get3A_292[%get3A_293, %get3A_294] {strides = array<i32>} : memref<200x64xf32, #tpu.memory_space<vmem>>, vector<1x16xf32>,
        %get3A_296 = vector.shape_cast %get3A_295 : vector<1x16xf32> to vector<16xf32>
        %add3A_297 = arith.addf %add3A_253, %get3A_296 : vector<16xf32>
        %add3A_298 = arith.constant 1 : i32
        %add3A_299 = arith.addi %mul3A_221, %add3A_298 : i32
        %get3A_300 = arith.constant 0 : i32
        %get3A_301 = arith.constant 0 : i32
        %get3A_302 = tpu.memref_slice %arg6[%scan3A_187, %get3A_300, %get3A_301] : memref<2x200x64xf32, #tpu.memory_space<vmem>> -> memref<1x200x64xf32, #tpu.memory_space<vmem>>
        %get3A_303 = tpu.memref_squeeze %get3A_302 : memref<1x200x64xf32, #tpu.memory_space<vmem>> -> memref<200x64xf32, #tpu.memory_space<vmem>>
        %get3A_304 = arith.index_cast %add3A_299 : i32 to index
        %get3A_305 = arith.constant 48 : index
        %get3A_306 = tpu.vector_load %get3A_303[%get3A_304, %get3A_305] {strides = array<i32>} : memref<200x64xf32, #tpu.memory_space<vmem>>, vector<1x16xf32>,
        %get3A_307 = vector.shape_cast %get3A_306 : vector<1x16xf32> to vector<16xf32>
        %add3A_308 = arith.addf %add3A_264, %get3A_307 : vector<16xf32>
        %add3A_309 = arith.constant 2 : i32
        %add3A_310 = arith.addi %mul3A_221, %add3A_309 : i32
        %get3A_311 = arith.constant 0 : i32
        %get3A_312 = arith.constant 0 : i32
        %get3A_313 = tpu.memref_slice %arg6[%scan3A_187, %get3A_311, %get3A_312] : memref<2x200x64xf32, #tpu.memory_space<vmem>> -> memref<1x200x64xf32, #tpu.memory_space<vmem>>
        %get3A_314 = tpu.memref_squeeze %get3A_313 : memref<1x200x64xf32, #tpu.memory_space<vmem>> -> memref<200x64xf32, #tpu.memory_space<vmem>>
        %get3A_315 = arith.index_cast %add3A_310 : i32 to index
        %get3A_316 = arith.constant 0 : index
        %get3A_317 = tpu.vector_load %get3A_314[%get3A_315, %get3A_316] {strides = array<i32>} : memref<200x64xf32, #tpu.memory_space<vmem>>, vector<1x16xf32>,
        %get3A_318 = vector.shape_cast %get3A_317 : vector<1x16xf32> to vector<16xf32>
        %add3A_319 = arith.addf %add3A_275, %get3A_318 : vector<16xf32>
        %add3A_320 = arith.constant 2 : i32
        %add3A_321 = arith.addi %mul3A_221, %add3A_320 : i32
        %get3A_322 = arith.constant 0 : i32
        %get3A_323 = arith.constant 0 : i32
        %get3A_324 = tpu.memref_slice %arg6[%scan3A_187, %get3A_322, %get3A_323] : memref<2x200x64xf32, #tpu.memory_space<vmem>> -> memref<1x200x64xf32, #tpu.memory_space<vmem>>
        %get3A_325 = tpu.memref_squeeze %get3A_324 : memref<1x200x64xf32, #tpu.memory_space<vmem>> -> memref<200x64xf32, #tpu.memory_space<vmem>>
        %get3A_326 = arith.index_cast %add3A_321 : i32 to index
        %get3A_327 = arith.constant 16 : index
        %get3A_328 = tpu.vector_load %get3A_325[%get3A_326, %get3A_327] {strides = array<i32>} : memref<200x64xf32, #tpu.memory_space<vmem>>, vector<1x16xf32>,
        %get3A_329 = vector.shape_cast %get3A_328 : vector<1x16xf32> to vector<16xf32>
        %add3A_330 = arith.addf %add3A_286, %get3A_329 : vector<16xf32>
        %add3A_331 = arith.constant 2 : i32
        %add3A_332 = arith.addi %mul3A_221, %add3A_331 : i32
        %get3A_333 = arith.constant 0 : i32
        %get3A_334 = arith.constant 0 : i32
        %get3A_335 = tpu.memref_slice %arg6[%scan3A_187, %get3A_333, %get3A_334] : memref<2x200x64xf32, #tpu.memory_space<vmem>> -> memref<1x200x64xf32, #tpu.memory_space<vmem>>
        %get3A_336 = tpu.memref_squeeze %get3A_335 : memref<1x200x64xf32, #tpu.memory_space<vmem>> -> memref<200x64xf32, #tpu.memory_space<vmem>>
        %get3A_337 = arith.index_cast %add3A_332 : i32 to index
        %get3A_338 = arith.constant 32 : index
        %get3A_339 = tpu.vector_load %get3A_336[%get3A_337, %get3A_338] {strides = array<i32>} : memref<200x64xf32, #tpu.memory_space<vmem>>, vector<1x16xf32>,
        %get3A_340 = vector.shape_cast %get3A_339 : vector<1x16xf32> to vector<16xf32>
        %add3A_341 = arith.addf %add3A_297, %get3A_340 : vector<16xf32>
        %add3A_342 = arith.constant 2 : i32
        %add3A_343 = arith.addi %mul3A_221, %add3A_342 : i32
        %get3A_344 = arith.constant 0 : i32
        %get3A_345 = arith.constant 0 : i32
        %get3A_346 = tpu.memref_slice %arg6[%scan3A_187, %get3A_344, %get3A_345] : memref<2x200x64xf32, #tpu.memory_space<vmem>> -> memref<1x200x64xf32, #tpu.memory_space<vmem>>
        %get3A_347 = tpu.memref_squeeze %get3A_346 : memref<1x200x64xf32, #tpu.memory_space<vmem>> -> memref<200x64xf32, #tpu.memory_space<vmem>>
        %get3A_348 = arith.index_cast %add3A_343 : i32 to index
        %get3A_349 = arith.constant 48 : index
        %get3A_350 = tpu.vector_load %get3A_347[%get3A_348, %get3A_349] {strides = array<i32>} : memref<200x64xf32, #tpu.memory_space<vmem>>, vector<1x16xf32>,
        %get3A_351 = vector.shape_cast %get3A_350 : vector<1x16xf32> to vector<16xf32>
        %add3A_352 = arith.addf %add3A_308, %get3A_351 : vector<16xf32>
        %add3A_353 = arith.constant 3 : i32
        %add3A_354 = arith.addi %mul3A_221, %add3A_353 : i32
        %get3A_355 = arith.constant 0 : i32
        %get3A_356 = arith.constant 0 : i32
        %get3A_357 = tpu.memref_slice %arg6[%scan3A_187, %get3A_355, %get3A_356] : memref<2x200x64xf32, #tpu.memory_space<vmem>> -> memref<1x200x64xf32, #tpu.memory_space<vmem>>
        %get3A_358 = tpu.memref_squeeze %get3A_357 : memref<1x200x64xf32, #tpu.memory_space<vmem>> -> memref<200x64xf32, #tpu.memory_space<vmem>>
        %get3A_359 = arith.index_cast %add3A_354 : i32 to index
        %get3A_360 = arith.constant 0 : index
        %get3A_361 = tpu.vector_load %get3A_358[%get3A_359, %get3A_360] {strides = array<i32>} : memref<200x64xf32, #tpu.memory_space<vmem>>, vector<1x16xf32>,
        %get3A_362 = vector.shape_cast %get3A_361 : vector<1x16xf32> to vector<16xf32>
        %add3A_363 = arith.addf %add3A_319, %get3A_362 : vector<16xf32>
        %add3A_364 = arith.constant 3 : i32
        %add3A_365 = arith.addi %mul3A_221, %add3A_364 : i32
        %get3A_366 = arith.constant 0 : i32
        %get3A_367 = arith.constant 0 : i32
        %get3A_368 = tpu.memref_slice %arg6[%scan3A_187, %get3A_366, %get3A_367] : memref<2x200x64xf32, #tpu.memory_space<vmem>> -> memref<1x200x64xf32, #tpu.memory_space<vmem>>
        %get3A_369 = tpu.memref_squeeze %get3A_368 : memref<1x200x64xf32, #tpu.memory_space<vmem>> -> memref<200x64xf32, #tpu.memory_space<vmem>>
        %get3A_370 = arith.index_cast %add3A_365 : i32 to index
        %get3A_371 = arith.constant 16 : index
        %get3A_372 = tpu.vector_load %get3A_369[%get3A_370, %get3A_371] {strides = array<i32>} : memref<200x64xf32, #tpu.memory_space<vmem>>, vector<1x16xf32>,
        %get3A_373 = vector.shape_cast %get3A_372 : vector<1x16xf32> to vector<16xf32>
        %add3A_374 = arith.addf %add3A_330, %get3A_373 : vector<16xf32>
        %add3A_375 = arith.constant 3 : i32
        %add3A_376 = arith.addi %mul3A_221, %add3A_375 : i32
        %get3A_377 = arith.constant 0 : i32
        %get3A_378 = arith.constant 0 : i32
        %get3A_379 = tpu.memref_slice %arg6[%scan3A_187, %get3A_377, %get3A_378] : memref<2x200x64xf32, #tpu.memory_space<vmem>> -> memref<1x200x64xf32, #tpu.memory_space<vmem>>
        %get3A_380 = tpu.memref_squeeze %get3A_379 : memref<1x200x64xf32, #tpu.memory_space<vmem>> -> memref<200x64xf32, #tpu.memory_space<vmem>>
        %get3A_381 = arith.index_cast %add3A_376 : i32 to index
        %get3A_382 = arith.constant 32 : index
        %get3A_383 = tpu.vector_load %get3A_380[%get3A_381, %get3A_382] {strides = array<i32>} : memref<200x64xf32, #tpu.memory_space<vmem>>, vector<1x16xf32>,
        %get3A_384 = vector.shape_cast %get3A_383 : vector<1x16xf32> to vector<16xf32>
        %add3A_385 = arith.addf %add3A_341, %get3A_384 : vector<16xf32>
        %add3A_386 = arith.constant 3 : i32
        %add3A_387 = arith.addi %mul3A_221, %add3A_386 : i32
        %get3A_388 = arith.constant 0 : i32
        %get3A_389 = arith.constant 0 : i32
        %get3A_390 = tpu.memref_slice %arg6[%scan3A_187, %get3A_388, %get3A_389] : memref<2x200x64xf32, #tpu.memory_space<vmem>> -> memref<1x200x64xf32, #tpu.memory_space<vmem>>
        %get3A_391 = tpu.memref_squeeze %get3A_390 : memref<1x200x64xf32, #tpu.memory_space<vmem>> -> memref<200x64xf32, #tpu.memory_space<vmem>>
        %get3A_392 = arith.index_cast %add3A_387 : i32 to index
        %get3A_393 = arith.constant 48 : index
        %get3A_394 = tpu.vector_load %get3A_391[%get3A_392, %get3A_393] {strides = array<i32>} : memref<200x64xf32, #tpu.memory_space<vmem>>, vector<1x16xf32>,
        %get3A_395 = vector.shape_cast %get3A_394 : vector<1x16xf32> to vector<16xf32>
        %add3A_396 = arith.addf %add3A_352, %get3A_395 : vector<16xf32>
        %add3A_397 = arith.constant 4 : i32
        %add3A_398 = arith.addi %mul3A_221, %add3A_397 : i32
        %get3A_399 = arith.constant 0 : i32
        %get3A_400 = arith.constant 0 : i32
        %get3A_401 = tpu.memref_slice %arg6[%scan3A_187, %get3A_399, %get3A_400] : memref<2x200x64xf32, #tpu.memory_space<vmem>> -> memref<1x200x64xf32, #tpu.memory_space<vmem>>
        %get3A_402 = tpu.memref_squeeze %get3A_401 : memref<1x200x64xf32, #tpu.memory_space<vmem>> -> memref<200x64xf32, #tpu.memory_space<vmem>>
        %get3A_403 = arith.index_cast %add3A_398 : i32 to index
        %get3A_404 = arith.constant 0 : index
        %get3A_405 = tpu.vector_load %get3A_402[%get3A_403, %get3A_404] {strides = array<i32>} : memref<200x64xf32, #tpu.memory_space<vmem>>, vector<1x16xf32>,
        %get3A_406 = vector.shape_cast %get3A_405 : vector<1x16xf32> to vector<16xf32>
        %add3A_407 = arith.addf %add3A_363, %get3A_406 : vector<16xf32>
        %add3A_408 = arith.constant 4 : i32
        %add3A_409 = arith.addi %mul3A_221, %add3A_408 : i32
        %get3A_410 = arith.constant 0 : i32
        %get3A_411 = arith.constant 0 : i32
        %get3A_412 = tpu.memref_slice %arg6[%scan3A_187, %get3A_410, %get3A_411] : memref<2x200x64xf32, #tpu.memory_space<vmem>> -> memref<1x200x64xf32, #tpu.memory_space<vmem>>
        %get3A_413 = tpu.memref_squeeze %get3A_412 : memref<1x200x64xf32, #tpu.memory_space<vmem>> -> memref<200x64xf32, #tpu.memory_space<vmem>>
        %get3A_414 = arith.index_cast %add3A_409 : i32 to index
        %get3A_415 = arith.constant 16 : index
        %get3A_416 = tpu.vector_load %get3A_413[%get3A_414, %get3A_415] {strides = array<i32>} : memref<200x64xf32, #tpu.memory_space<vmem>>, vector<1x16xf32>,
        %get3A_417 = vector.shape_cast %get3A_416 : vector<1x16xf32> to vector<16xf32>
        %add3A_418 = arith.addf %add3A_374, %get3A_417 : vector<16xf32>
        %add3A_419 = arith.constant 4 : i32
        %add3A_420 = arith.addi %mul3A_221, %add3A_419 : i32
        %get3A_421 = arith.constant 0 : i32
        %get3A_422 = arith.constant 0 : i32
        %get3A_423 = tpu.memref_slice %arg6[%scan3A_187, %get3A_421, %get3A_422] : memref<2x200x64xf32, #tpu.memory_space<vmem>> -> memref<1x200x64xf32, #tpu.memory_space<vmem>>
        %get3A_424 = tpu.memref_squeeze %get3A_423 : memref<1x200x64xf32, #tpu.memory_space<vmem>> -> memref<200x64xf32, #tpu.memory_space<vmem>>
        %get3A_425 = arith.index_cast %add3A_420 : i32 to index
        %get3A_426 = arith.constant 32 : index
        %get3A_427 = tpu.vector_load %get3A_424[%get3A_425, %get3A_426] {strides = array<i32>} : memref<200x64xf32, #tpu.memory_space<vmem>>, vector<1x16xf32>,
        %get3A_428 = vector.shape_cast %get3A_427 : vector<1x16xf32> to vector<16xf32>
        %add3A_429 = arith.addf %add3A_385, %get3A_428 : vector<16xf32>
        %add3A_430 = arith.constant 4 : i32
        %add3A_431 = arith.addi %mul3A_221, %add3A_430 : i32
        %get3A_432 = arith.constant 0 : i32
        %get3A_433 = arith.constant 0 : i32
        %get3A_434 = tpu.memref_slice %arg6[%scan3A_187, %get3A_432, %get3A_433] : memref<2x200x64xf32, #tpu.memory_space<vmem>> -> memref<1x200x64xf32, #tpu.memory_space<vmem>>
        %get3A_435 = tpu.memref_squeeze %get3A_434 : memref<1x200x64xf32, #tpu.memory_space<vmem>> -> memref<200x64xf32, #tpu.memory_space<vmem>>
        %get3A_436 = arith.index_cast %add3A_431 : i32 to index
        %get3A_437 = arith.constant 48 : index
        %get3A_438 = tpu.vector_load %get3A_435[%get3A_436, %get3A_437] {strides = array<i32>} : memref<200x64xf32, #tpu.memory_space<vmem>>, vector<1x16xf32>,
        %get3A_439 = vector.shape_cast %get3A_438 : vector<1x16xf32> to vector<16xf32>
        %add3A_440 = arith.addf %add3A_396, %get3A_439 : vector<16xf32>
        %add3A_441 = arith.constant 5 : i32
        %add3A_442 = arith.addi %mul3A_221, %add3A_441 : i32
        %get3A_443 = arith.constant 0 : i32
        %get3A_444 = arith.constant 0 : i32
        %get3A_445 = tpu.memref_slice %arg6[%scan3A_187, %get3A_443, %get3A_444] : memref<2x200x64xf32, #tpu.memory_space<vmem>> -> memref<1x200x64xf32, #tpu.memory_space<vmem>>
        %get3A_446 = tpu.memref_squeeze %get3A_445 : memref<1x200x64xf32, #tpu.memory_space<vmem>> -> memref<200x64xf32, #tpu.memory_space<vmem>>
        %get3A_447 = arith.index_cast %add3A_442 : i32 to index
        %get3A_448 = arith.constant 0 : index
        %get3A_449 = tpu.vector_load %get3A_446[%get3A_447, %get3A_448] {strides = array<i32>} : memref<200x64xf32, #tpu.memory_space<vmem>>, vector<1x16xf32>,
        %get3A_450 = vector.shape_cast %get3A_449 : vector<1x16xf32> to vector<16xf32>
        %add3A_451 = arith.addf %add3A_407, %get3A_450 : vector<16xf32>
        %add3A_452 = arith.constant 5 : i32
        %add3A_453 = arith.addi %mul3A_221, %add3A_452 : i32
        %get3A_454 = arith.constant 0 : i32
        %get3A_455 = arith.constant 0 : i32
        %get3A_456 = tpu.memref_slice %arg6[%scan3A_187, %get3A_454, %get3A_455] : memref<2x200x64xf32, #tpu.memory_space<vmem>> -> memref<1x200x64xf32, #tpu.memory_space<vmem>>
        %get3A_457 = tpu.memref_squeeze %get3A_456 : memref<1x200x64xf32, #tpu.memory_space<vmem>> -> memref<200x64xf32, #tpu.memory_space<vmem>>
        %get3A_458 = arith.index_cast %add3A_453 : i32 to index
        %get3A_459 = arith.constant 16 : index
        %get3A_460 = tpu.vector_load %get3A_457[%get3A_458, %get3A_459] {strides = array<i32>} : memref<200x64xf32, #tpu.memory_space<vmem>>, vector<1x16xf32>,
        %get3A_461 = vector.shape_cast %get3A_460 : vector<1x16xf32> to vector<16xf32>
        %add3A_462 = arith.addf %add3A_418, %get3A_461 : vector<16xf32>
        %add3A_463 = arith.constant 5 : i32
        %add3A_464 = arith.addi %mul3A_221, %add3A_463 : i32
        %get3A_465 = arith.constant 0 : i32
        %get3A_466 = arith.constant 0 : i32
        %get3A_467 = tpu.memref_slice %arg6[%scan3A_187, %get3A_465, %get3A_466] : memref<2x200x64xf32, #tpu.memory_space<vmem>> -> memref<1x200x64xf32, #tpu.memory_space<vmem>>
        %get3A_468 = tpu.memref_squeeze %get3A_467 : memref<1x200x64xf32, #tpu.memory_space<vmem>> -> memref<200x64xf32, #tpu.memory_space<vmem>>
        %get3A_469 = arith.index_cast %add3A_464 : i32 to index
        %get3A_470 = arith.constant 32 : index
        %get3A_471 = tpu.vector_load %get3A_468[%get3A_469, %get3A_470] {strides = array<i32>} : memref<200x64xf32, #tpu.memory_space<vmem>>, vector<1x16xf32>,
        %get3A_472 = vector.shape_cast %get3A_471 : vector<1x16xf32> to vector<16xf32>
        %add3A_473 = arith.addf %add3A_429, %get3A_472 : vector<16xf32>
        %add3A_474 = arith.constant 5 : i32
        %add3A_475 = arith.addi %mul3A_221, %add3A_474 : i32
        %get3A_476 = arith.constant 0 : i32
        %get3A_477 = arith.constant 0 : i32
        %get3A_478 = tpu.memref_slice %arg6[%scan3A_187, %get3A_476, %get3A_477] : memref<2x200x64xf32, #tpu.memory_space<vmem>> -> memref<1x200x64xf32, #tpu.memory_space<vmem>>
        %get3A_479 = tpu.memref_squeeze %get3A_478 : memref<1x200x64xf32, #tpu.memory_space<vmem>> -> memref<200x64xf32, #tpu.memory_space<vmem>>
        %get3A_480 = arith.index_cast %add3A_475 : i32 to index
        %get3A_481 = arith.constant 48 : index
        %get3A_482 = tpu.vector_load %get3A_479[%get3A_480, %get3A_481] {strides = array<i32>} : memref<200x64xf32, #tpu.memory_space<vmem>>, vector<1x16xf32>,
        %get3A_483 = vector.shape_cast %get3A_482 : vector<1x16xf32> to vector<16xf32>
        %add3A_484 = arith.addf %add3A_440, %get3A_483 : vector<16xf32>
        %add3A_485 = arith.constant 6 : i32
        %add3A_486 = arith.addi %mul3A_221, %add3A_485 : i32
        %get3A_487 = arith.constant 0 : i32
        %get3A_488 = arith.constant 0 : i32
        %get3A_489 = tpu.memref_slice %arg6[%scan3A_187, %get3A_487, %get3A_488] : memref<2x200x64xf32, #tpu.memory_space<vmem>> -> memref<1x200x64xf32, #tpu.memory_space<vmem>>
        %get3A_490 = tpu.memref_squeeze %get3A_489 : memref<1x200x64xf32, #tpu.memory_space<vmem>> -> memref<200x64xf32, #tpu.memory_space<vmem>>
        %get3A_491 = arith.index_cast %add3A_486 : i32 to index
        %get3A_492 = arith.constant 0 : index
        %get3A_493 = tpu.vector_load %get3A_490[%get3A_491, %get3A_492] {strides = array<i32>} : memref<200x64xf32, #tpu.memory_space<vmem>>, vector<1x16xf32>,
        %get3A_494 = vector.shape_cast %get3A_493 : vector<1x16xf32> to vector<16xf32>
        %add3A_495 = arith.addf %add3A_451, %get3A_494 : vector<16xf32>
        %add3A_496 = arith.constant 6 : i32
        %add3A_497 = arith.addi %mul3A_221, %add3A_496 : i32
        %get3A_498 = arith.constant 0 : i32
        %get3A_499 = arith.constant 0 : i32
        %get3A_500 = tpu.memref_slice %arg6[%scan3A_187, %get3A_498, %get3A_499] : memref<2x200x64xf32, #tpu.memory_space<vmem>> -> memref<1x200x64xf32, #tpu.memory_space<vmem>>
        %get3A_501 = tpu.memref_squeeze %get3A_500 : memref<1x200x64xf32, #tpu.memory_space<vmem>> -> memref<200x64xf32, #tpu.memory_space<vmem>>
        %get3A_502 = arith.index_cast %add3A_497 : i32 to index
        %get3A_503 = arith.constant 16 : index
        %get3A_504 = tpu.vector_load %get3A_501[%get3A_502, %get3A_503] {strides = array<i32>} : memref<200x64xf32, #tpu.memory_space<vmem>>, vector<1x16xf32>,
        %get3A_505 = vector.shape_cast %get3A_504 : vector<1x16xf32> to vector<16xf32>
        %add3A_506 = arith.addf %add3A_462, %get3A_505 : vector<16xf32>
        %add3A_507 = arith.constant 6 : i32
        %add3A_508 = arith.addi %mul3A_221, %add3A_507 : i32
        %get3A_509 = arith.constant 0 : i32
        %get3A_510 = arith.constant 0 : i32
        %get3A_511 = tpu.memref_slice %arg6[%scan3A_187, %get3A_509, %get3A_510] : memref<2x200x64xf32, #tpu.memory_space<vmem>> -> memref<1x200x64xf32, #tpu.memory_space<vmem>>
        %get3A_512 = tpu.memref_squeeze %get3A_511 : memref<1x200x64xf32, #tpu.memory_space<vmem>> -> memref<200x64xf32, #tpu.memory_space<vmem>>
        %get3A_513 = arith.index_cast %add3A_508 : i32 to index
        %get3A_514 = arith.constant 32 : index
        %get3A_515 = tpu.vector_load %get3A_512[%get3A_513, %get3A_514] {strides = array<i32>} : memref<200x64xf32, #tpu.memory_space<vmem>>, vector<1x16xf32>,
        %get3A_516 = vector.shape_cast %get3A_515 : vector<1x16xf32> to vector<16xf32>
        %add3A_517 = arith.addf %add3A_473, %get3A_516 : vector<16xf32>
        %add3A_518 = arith.constant 6 : i32
        %add3A_519 = arith.addi %mul3A_221, %add3A_518 : i32
        %get3A_520 = arith.constant 0 : i32
        %get3A_521 = arith.constant 0 : i32
        %get3A_522 = tpu.memref_slice %arg6[%scan3A_187, %get3A_520, %get3A_521] : memref<2x200x64xf32, #tpu.memory_space<vmem>> -> memref<1x200x64xf32, #tpu.memory_space<vmem>>
        %get3A_523 = tpu.memref_squeeze %get3A_522 : memref<1x200x64xf32, #tpu.memory_space<vmem>> -> memref<200x64xf32, #tpu.memory_space<vmem>>
        %get3A_524 = arith.index_cast %add3A_519 : i32 to index
        %get3A_525 = arith.constant 48 : index
        %get3A_526 = tpu.vector_load %get3A_523[%get3A_524, %get3A_525] {strides = array<i32>} : memref<200x64xf32, #tpu.memory_space<vmem>>, vector<1x16xf32>,
        %get3A_527 = vector.shape_cast %get3A_526 : vector<1x16xf32> to vector<16xf32>
        %add3A_528 = arith.addf %add3A_484, %get3A_527 : vector<16xf32>
        %add3A_529 = arith.constant 7 : i32
        %add3A_530 = arith.addi %mul3A_221, %add3A_529 : i32
        %get3A_531 = arith.constant 0 : i32
        %get3A_532 = arith.constant 0 : i32
        %get3A_533 = tpu.memref_slice %arg6[%scan3A_187, %get3A_531, %get3A_532] : memref<2x200x64xf32, #tpu.memory_space<vmem>> -> memref<1x200x64xf32, #tpu.memory_space<vmem>>
        %get3A_534 = tpu.memref_squeeze %get3A_533 : memref<1x200x64xf32, #tpu.memory_space<vmem>> -> memref<200x64xf32, #tpu.memory_space<vmem>>
        %get3A_535 = arith.index_cast %add3A_530 : i32 to index
        %get3A_536 = arith.constant 0 : index
        %get3A_537 = tpu.vector_load %get3A_534[%get3A_535, %get3A_536] {strides = array<i32>} : memref<200x64xf32, #tpu.memory_space<vmem>>, vector<1x16xf32>,
        %get3A_538 = vector.shape_cast %get3A_537 : vector<1x16xf32> to vector<16xf32>
        %add3A_539 = arith.addf %add3A_495, %get3A_538 : vector<16xf32>
        %add3A_540 = arith.constant 7 : i32
        %add3A_541 = arith.addi %mul3A_221, %add3A_540 : i32
        %get3A_542 = arith.constant 0 : i32
        %get3A_543 = arith.constant 0 : i32
        %get3A_544 = tpu.memref_slice %arg6[%scan3A_187, %get3A_542, %get3A_543] : memref<2x200x64xf32, #tpu.memory_space<vmem>> -> memref<1x200x64xf32, #tpu.memory_space<vmem>>
        %get3A_545 = tpu.memref_squeeze %get3A_544 : memref<1x200x64xf32, #tpu.memory_space<vmem>> -> memref<200x64xf32, #tpu.memory_space<vmem>>
        %get3A_546 = arith.index_cast %add3A_541 : i32 to index
        %get3A_547 = arith.constant 16 : index
        %get3A_548 = tpu.vector_load %get3A_545[%get3A_546, %get3A_547] {strides = array<i32>} : memref<200x64xf32, #tpu.memory_space<vmem>>, vector<1x16xf32>,
        %get3A_549 = vector.shape_cast %get3A_548 : vector<1x16xf32> to vector<16xf32>
        %add3A_550 = arith.addf %add3A_506, %get3A_549 : vector<16xf32>
        %add3A_551 = arith.constant 7 : i32
        %add3A_552 = arith.addi %mul3A_221, %add3A_551 : i32
        %get3A_553 = arith.constant 0 : i32
        %get3A_554 = arith.constant 0 : i32
        %get3A_555 = tpu.memref_slice %arg6[%scan3A_187, %get3A_553, %get3A_554] : memref<2x200x64xf32, #tpu.memory_space<vmem>> -> memref<1x200x64xf32, #tpu.memory_space<vmem>>
        %get3A_556 = tpu.memref_squeeze %get3A_555 : memref<1x200x64xf32, #tpu.memory_space<vmem>> -> memref<200x64xf32, #tpu.memory_space<vmem>>
        %get3A_557 = arith.index_cast %add3A_552 : i32 to index
        %get3A_558 = arith.constant 32 : index
        %get3A_559 = tpu.vector_load %get3A_556[%get3A_557, %get3A_558] {strides = array<i32>} : memref<200x64xf32, #tpu.memory_space<vmem>>, vector<1x16xf32>,
        %get3A_560 = vector.shape_cast %get3A_559 : vector<1x16xf32> to vector<16xf32>
        %add3A_561 = arith.addf %add3A_517, %get3A_560 : vector<16xf32>
        %add3A_562 = arith.constant 7 : i32
        %add3A_563 = arith.addi %mul3A_221, %add3A_562 : i32
        %get3A_564 = arith.constant 0 : i32
        %get3A_565 = arith.constant 0 : i32
        %get3A_566 = tpu.memref_slice %arg6[%scan3A_187, %get3A_564, %get3A_565] : memref<2x200x64xf32, #tpu.memory_space<vmem>> -> memref<1x200x64xf32, #tpu.memory_space<vmem>>
        %get3A_567 = tpu.memref_squeeze %get3A_566 : memref<1x200x64xf32, #tpu.memory_space<vmem>> -> memref<200x64xf32, #tpu.memory_space<vmem>>
        %get3A_568 = arith.index_cast %add3A_563 : i32 to index
        %get3A_569 = arith.constant 48 : index
        %get3A_570 = tpu.vector_load %get3A_567[%get3A_568, %get3A_569] {strides = array<i32>} : memref<200x64xf32, #tpu.memory_space<vmem>>, vector<1x16xf32>,
        %get3A_571 = vector.shape_cast %get3A_570 : vector<1x16xf32> to vector<16xf32>
        %add3A_572 = arith.addf %add3A_528, %get3A_571 : vector<16xf32>
        scf.yield %add3A_539, %add3A_550, %add3A_561, %add3A_572 : vector<16xf32>, vector<16xf32>, vector<16xf32>, vector<16xf32>
      }
      %scan3A_193 = arith.constant 25 : i32
      %swap3A_194 = arith.index_cast %add3A_186 : i32 to index
      %swap3A_195 = arith.constant 0 : index
      %swap3A_196 = tpu.vector_load %arg7[%swap3A_194, %swap3A_195] {strides = array<i32>} : memref<8x64xf32, #tpu.memory_space<vmem>>, vector<1x16xf32>,
      %swap3A_197 = vector.shape_cast %swap3A_196 : vector<1x16xf32> to vector<16xf32>
      %swap3A_198 = vector.shape_cast %scan3A_192#0 : vector<16xf32> to vector<1x16xf32>
      tpu.vector_store %arg7[%swap3A_194, %swap3A_195], %swap3A_198 {strides = array<i32>} : memref<8x64xf32, #tpu.memory_space<vmem>>, vector<1x16xf32>,
      %swap3A_199 = arith.index_cast %add3A_186 : i32 to index
      %swap3A_200 = arith.constant 16 : index
      %swap3A_201 = tpu.vector_load %arg7[%swap3A_199, %swap3A_200] {strides = array<i32>} : memref<8x64xf32, #tpu.memory_space<vmem>>, vector<1x16xf32>,
      %swap3A_202 = vector.shape_cast %swap3A_201 : vector<1x16xf32> to vector<16xf32>
      %swap3A_203 = vector.shape_cast %scan3A_192#1 : vector<16xf32> to vector<1x16xf32>
      tpu.vector_store %arg7[%swap3A_199, %swap3A_200], %swap3A_203 {strides = array<i32>} : memref<8x64xf32, #tpu.memory_space<vmem>>, vector<1x16xf32>,
      %swap3A_204 = arith.index_cast %add3A_186 : i32 to index
      %swap3A_205 = arith.constant 32 : index
      %swap3A_206 = tpu.vector_load %arg7[%swap3A_204, %swap3A_205] {strides = array<i32>} : memref<8x64xf32, #tpu.memory_space<vmem>>, vector<1x16xf32>,
      %swap3A_207 = vector.shape_cast %swap3A_206 : vector<1x16xf32> to vector<16xf32>
      %swap3A_208 = vector.shape_cast %scan3A_192#2 : vector<16xf32> to vector<1x16xf32>
      tpu.vector_store %arg7[%swap3A_204, %swap3A_205], %swap3A_208 {strides = array<i32>} : memref<8x64xf32, #tpu.memory_space<vmem>>, vector<1x16xf32>,
      %swap3A_209 = arith.index_cast %add3A_186 : i32 to index
      %swap3A_210 = arith.constant 48 : index
      %swap3A_211 = tpu.vector_load %arg7[%swap3A_209, %swap3A_210] {strides = array<i32>} : memref<8x64xf32, #tpu.memory_space<vmem>>, vector<1x16xf32>,
      %swap3A_212 = vector.shape_cast %swap3A_211 : vector<1x16xf32> to vector<16xf32>
      %swap3A_213 = vector.shape_cast %scan3A_192#3 : vector<16xf32> to vector<1x16xf32>
      tpu.vector_store %arg7[%swap3A_209, %swap3A_210], %swap3A_213 {strides = array<i32>} : memref<8x64xf32, #tpu.memory_space<vmem>>, vector<1x16xf32>,
      %scan3A_214 = arith.constant 0 : i32
      scf.yield %scan3A_214 : i32
    }
    %scan3A_45 = arith.constant 4 : i32
    "tpu.region"() ({
      %run_scoped3A = tpu.sem_alloc : memref<!tpu.dma_semaphore, #tpu.memory_space<semaphore_mem>>
      %dma_start3A_46 = arith.constant 0 : i32
      %dma_start3A_47 = tpu.memref_slice %arg4[%mul3A_2, %dma_start3A_46] : memref<256x64xf32, #tpu.memory_space<hbm>> -> memref<8x64xf32, #tpu.memory_space<hbm>>
      %dma_start3A_48 = arith.constant 0 : i32
      %dma_start3A_49 = tpu.memref_slice %arg4[%mul3A_2, %dma_start3A_48] : memref<256x64xf32, #tpu.memory_space<hbm>> -> memref<8x64xf32, #tpu.memory_space<hbm>>
      tpu.enqueue_dma source(%arg7 : memref<8x64xf32, #tpu.memory_space<vmem>>) target(%dma_start3A_49 : memref<8x64xf32, #tpu.memory_space<hbm>>) target_semaphore(%run_scoped3A : memref<!tpu.dma_semaphore, #tpu.memory_space<semaphore_mem>>)
      %dma_wait3A = arith.constant 0 : i32
      %dma_wait3A_50 = tpu.memref_slice %arg4[%mul3A_2, %dma_wait3A] : memref<256x64xf32, #tpu.memory_space<hbm>> -> memref<8x64xf32, #tpu.memory_space<hbm>>
      %dma_wait3A_51 = arith.constant 0 : i32
      %dma_wait3A_52 = tpu.memref_slice %arg4[%mul3A_2, %dma_wait3A_51] : memref<256x64xf32, #tpu.memory_space<hbm>> -> memref<8x64xf32, #tpu.memory_space<hbm>>
      tpu.wait_dma2 semaphore(%run_scoped3A : memref<!tpu.dma_semaphore, #tpu.memory_space<semaphore_mem>>) src(%arg7 : memref<8x64xf32, #tpu.memory_space<vmem>>) dst(%dma_wait3A_52 : memref<8x64xf32, #tpu.memory_space<hbm>>)
      tpu.yield
    }) : () -> ()
    return
  }
}

#map = affine_map<(d0, d1) -> (0)>
#map1 = affine_map<(d0, d1) -> (0, 0)>
module attributes {stable_mosaic.version = 14 : i64} {
  func.func @pool(%arg0: i32, %arg1: i32, %arg2: memref<51200xi32, #tpu.memory_space<hbm>>, %arg3: memref<100001x64xf32, #tpu.memory_space<hbm>>, %arg4: memref<256x64xf32, #tpu.memory_space<hbm>>, %arg5: memref<1600xi32, #tpu.memory_space<vmem>>, %arg6: memref<2x200x64xf32, #tpu.memory_space<vmem>>, %arg7: memref<8x64xf32, #tpu.memory_space<vmem>>, %arg8: memref<!tpu.dma_semaphore, #tpu.memory_space<semaphore_mem>>, %arg9: memref<!tpu.dma_semaphore, #tpu.memory_space<semaphore_mem>>) attributes {dimension_semantics = [#tpu.dimension_semantics<core_parallel>, #tpu.dimension_semantics<subcore_parallel>], iteration_bounds = array<i64: 2, 16>, scalar_prefetch = 0 : i64, scratch_operands = 5 : i64, tpu.core_type = #tpu.core_type<sc_vector_subcore>, window_params = [{transform_indices = #map}, {transform_indices = #map1}, {transform_indices = #map1}]} {
    %mul3A = arith.constant 2 : i32
    %mul3A_0 = arith.muli %arg1, %mul3A : i32
    %add3A = arith.addi %mul3A_0, %arg0 : i32
    %mul3A_1 = arith.constant 8 : i32
    %mul3A_2 = arith.muli %add3A, %mul3A_1 : i32
    %broadcast_in_dim3A = arith.constant 0.000000e+00 : f32
    %broadcast_in_dim3A_3 = vector.broadcast %broadcast_in_dim3A : f32 to vector<16xf32>
    %broadcast_in_dim3A_4 = arith.constant 1 : i32
    %broadcast_in_dim3A_5 = vector.broadcast %broadcast_in_dim3A_4 : i32 to vector<16xi32>
    %mul3A_6 = arith.constant 1600 : i32
    %mul3A_7 = arith.muli %add3A, %mul3A_6 : i32
    "tpu.region"() ({
      %run_scoped3A = tpu.sem_alloc : memref<!tpu.dma_semaphore, #tpu.memory_space<semaphore_mem>>
      %dma_start3A_46 = tpu.memref_slice %arg2[%mul3A_7] : memref<51200xi32, #tpu.memory_space<hbm>> -> memref<1600xi32, #tpu.memory_space<hbm>>
      %dma_start3A_47 = tpu.memref_slice %arg2[%mul3A_7] : memref<51200xi32, #tpu.memory_space<hbm>> -> memref<1600xi32, #tpu.memory_space<hbm>>
      tpu.enqueue_dma source(%dma_start3A_47 : memref<1600xi32, #tpu.memory_space<hbm>>) target(%arg5 : memref<1600xi32, #tpu.memory_space<vmem>>) target_semaphore(%run_scoped3A : memref<!tpu.dma_semaphore, #tpu.memory_space<semaphore_mem>>)
      %dma_wait3A = tpu.memref_slice %arg2[%mul3A_7] : memref<51200xi32, #tpu.memory_space<hbm>> -> memref<1600xi32, #tpu.memory_space<hbm>>
      %dma_wait3A_48 = tpu.memref_slice %arg2[%mul3A_7] : memref<51200xi32, #tpu.memory_space<hbm>> -> memref<1600xi32, #tpu.memory_space<hbm>>
      tpu.wait_dma2 semaphore(%run_scoped3A : memref<!tpu.dma_semaphore, #tpu.memory_space<semaphore_mem>>) src(%dma_wait3A_48 : memref<1600xi32, #tpu.memory_space<hbm>>) dst(%arg5 : memref<1600xi32, #tpu.memory_space<vmem>>)
      tpu.yield
    }) : () -> ()
    %scan3A = arith.constant 0 : i32
    %scan3A_8 = arith.constant 0 : i32
    %scan3A_9 = arith.constant 25 : i32
    %scan3A_10 = arith.addi %scan3A_8, %scan3A_9 : i32
    %scan3A_11 = arith.constant 1 : i32
    %scan3A_12 = scf.for %scan3A_46 = %scan3A_8 to %scan3A_10 step %scan3A_11 iter_args(%scan3A_47 = %scan3A) -> (i32)  : i32 {
      %mul3A_48 = arith.constant 64 : i32
      %mul3A_49 = arith.muli %scan3A_46, %mul3A_48 : i32
      %add3A_50 = arith.constant 0 : i32
      %add3A_51 = arith.addi %mul3A_49, %add3A_50 : i32
      %get3A = arith.index_cast %add3A_51 : i32 to index
      %get3A_52 = tpu.vector_load %arg5[%get3A] {strides = array<i32>} : memref<1600xi32, #tpu.memory_space<vmem>>, vector<16xi32>,
      %get3A_53 = vector.shape_cast %get3A_52 : vector<16xi32> to vector<16xi32>
      %add3A_54 = arith.addi %get3A_53, %broadcast_in_dim3A_5 : vector<16xi32>
      %swap3A = arith.index_cast %add3A_51 : i32 to index
      %swap3A_55 = tpu.vector_load %arg5[%swap3A] {strides = array<i32>} : memref<1600xi32, #tpu.memory_space<vmem>>, vector<16xi32>,
      %swap3A_56 = vector.shape_cast %swap3A_55 : vector<16xi32> to vector<16xi32>
      %swap3A_57 = vector.shape_cast %add3A_54 : vector<16xi32> to vector<16xi32>
      tpu.vector_store %arg5[%swap3A], %swap3A_57 {strides = array<i32>} : memref<1600xi32, #tpu.memory_space<vmem>>, vector<16xi32>,
      %mul3A_58 = arith.constant 64 : i32
      %mul3A_59 = arith.muli %scan3A_46, %mul3A_58 : i32
      %add3A_60 = arith.constant 16 : i32
      %add3A_61 = arith.addi %mul3A_59, %add3A_60 : i32
      %get3A_62 = arith.index_cast %add3A_61 : i32 to index
      %get3A_63 = tpu.vector_load %arg5[%get3A_62] {strides = array<i32>} : memref<1600xi32, #tpu.memory_space<vmem>>, vector<16xi32>,
      %get3A_64 = vector.shape_cast %get3A_63 : vector<16xi32> to vector<16xi32>
      %add3A_65 = arith.addi %get3A_64, %broadcast_in_dim3A_5 : vector<16xi32>
      %swap3A_66 = arith.index_cast %add3A_61 : i32 to index
      %swap3A_67 = tpu.vector_load %arg5[%swap3A_66] {strides = array<i32>} : memref<1600xi32, #tpu.memory_space<vmem>>, vector<16xi32>,
      %swap3A_68 = vector.shape_cast %swap3A_67 : vector<16xi32> to vector<16xi32>
      %swap3A_69 = vector.shape_cast %add3A_65 : vector<16xi32> to vector<16xi32>
      tpu.vector_store %arg5[%swap3A_66], %swap3A_69 {strides = array<i32>} : memref<1600xi32, #tpu.memory_space<vmem>>, vector<16xi32>,
      %mul3A_70 = arith.constant 64 : i32
      %mul3A_71 = arith.muli %scan3A_46, %mul3A_70 : i32
      %add3A_72 = arith.constant 32 : i32
      %add3A_73 = arith.addi %mul3A_71, %add3A_72 : i32
      %get3A_74 = arith.index_cast %add3A_73 : i32 to index
      %get3A_75 = tpu.vector_load %arg5[%get3A_74] {strides = array<i32>} : memref<1600xi32, #tpu.memory_space<vmem>>, vector<16xi32>,
      %get3A_76 = vector.shape_cast %get3A_75 : vector<16xi32> to vector<16xi32>
      %add3A_77 = arith.addi %get3A_76, %broadcast_in_dim3A_5 : vector<16xi32>
      %swap3A_78 = arith.index_cast %add3A_73 : i32 to index
      %swap3A_79 = tpu.vector_load %arg5[%swap3A_78] {strides = array<i32>} : memref<1600xi32, #tpu.memory_space<vmem>>, vector<16xi32>,
      %swap3A_80 = vector.shape_cast %swap3A_79 : vector<16xi32> to vector<16xi32>
      %swap3A_81 = vector.shape_cast %add3A_77 : vector<16xi32> to vector<16xi32>
      tpu.vector_store %arg5[%swap3A_78], %swap3A_81 {strides = array<i32>} : memref<1600xi32, #tpu.memory_space<vmem>>, vector<16xi32>,
      %mul3A_82 = arith.constant 64 : i32
      %mul3A_83 = arith.muli %scan3A_46, %mul3A_82 : i32
      %add3A_84 = arith.constant 48 : i32
      %add3A_85 = arith.addi %mul3A_83, %add3A_84 : i32
      %get3A_86 = arith.index_cast %add3A_85 : i32 to index
      %get3A_87 = tpu.vector_load %arg5[%get3A_86] {strides = array<i32>} : memref<1600xi32, #tpu.memory_space<vmem>>, vector<16xi32>,
      %get3A_88 = vector.shape_cast %get3A_87 : vector<16xi32> to vector<16xi32>
      %add3A_89 = arith.addi %get3A_88, %broadcast_in_dim3A_5 : vector<16xi32>
      %swap3A_90 = arith.index_cast %add3A_85 : i32 to index
      %swap3A_91 = tpu.vector_load %arg5[%swap3A_90] {strides = array<i32>} : memref<1600xi32, #tpu.memory_space<vmem>>, vector<16xi32>,
      %swap3A_92 = vector.shape_cast %swap3A_91 : vector<16xi32> to vector<16xi32>
      %swap3A_93 = vector.shape_cast %add3A_89 : vector<16xi32> to vector<16xi32>
      tpu.vector_store %arg5[%swap3A_90], %swap3A_93 {strides = array<i32>} : memref<1600xi32, #tpu.memory_space<vmem>>, vector<16xi32>,
      %scan3A_94 = arith.constant 0 : i32
      scf.yield %scan3A_94 : i32
    }
    %scan3A_13 = arith.constant 25 : i32
    %dma_start3A = arith.constant 0 : i32
    %dma_start3A_14 = arith.constant 0 : i32
    %dma_start3A_15 = arith.constant 0 : i32
    %dma_start3A_16 = tpu.memref_slice %arg6[%dma_start3A, %dma_start3A_14, %dma_start3A_15] : memref<2x200x64xf32, #tpu.memory_space<vmem>> -> memref<1x200x64xf32, #tpu.memory_space<vmem>>
    %dma_start3A_17 = tpu.memref_squeeze %dma_start3A_16 : memref<1x200x64xf32, #tpu.memory_space<vmem>> -> memref<200x64xf32, #tpu.memory_space<vmem>>
    %dma_start3A_18 = arith.constant 0 : i32
    %dma_start3A_19 = arith.constant 0 : i32
    %dma_start3A_20 = tpu.memref_slice %dma_start3A_17[%dma_start3A_18, %dma_start3A_19] : memref<200x64xf32, #tpu.memory_space<vmem>> -> memref<128x64xf32, #tpu.memory_space<vmem>>
    %dma_start3A_21 = arith.constant 0 : i32
    %dma_start3A_22 = tpu.memref_slice %arg5[%dma_start3A_21] : memref<1600xi32, #tpu.memory_space<vmem>> -> memref<128xi32, #tpu.memory_space<vmem>>
    %dma_start3A_23 = arith.constant 0 : i32
    %dma_start3A_24 = arith.constant 0 : i32
    %dma_start3A_25 = tpu.memref_slice %arg3[%dma_start3A_23, %dma_start3A_24] : memref<100001x64xf32, #tpu.memory_space<hbm>> -> memref<100001x64xf32, #tpu.memory_space<hbm>>
    tpu.enqueue_indirect_dma source(%dma_start3A_25 : memref<100001x64xf32, #tpu.memory_space<hbm>>) target(%dma_start3A_20 : memref<128x64xf32, #tpu.memory_space<vmem>>) offsets(%dma_start3A_22 : memref<128xi32, #tpu.memory_space<vmem>>) semaphore(%arg8 : memref<!tpu.dma_semaphore, #tpu.memory_space<semaphore_mem>>)
    %dma_start3A_26 = arith.constant 0 : i32
    %dma_start3A_27 = arith.constant 0 : i32
    %dma_start3A_28 = arith.constant 0 : i32
    %dma_start3A_29 = tpu.memref_slice %arg6[%dma_start3A_26, %dma_start3A_27, %dma_start3A_28] : memref<2x200x64xf32, #tpu.memory_space<vmem>> -> memref<1x200x64xf32, #tpu.memory_space<vmem>>
    %dma_start3A_30 = tpu.memref_squeeze %dma_start3A_29 : memref<1x200x64xf32, #tpu.memory_space<vmem>> -> memref<200x64xf32, #tpu.memory_space<vmem>>
    %dma_start3A_31 = arith.constant 128 : i32
    %dma_start3A_32 = arith.constant 0 : i32
    %dma_start3A_33 = tpu.memref_slice %dma_start3A_30[%dma_start3A_31, %dma_start3A_32] : memref<200x64xf32, #tpu.memory_space<vmem>> -> memref<72x64xf32, #tpu.memory_space<vmem>>
    %dma_start3A_34 = arith.constant 128 : i32
    %dma_start3A_35 = tpu.memref_slice %arg5[%dma_start3A_34] : memref<1600xi32, #tpu.memory_space<vmem>> -> memref<72xi32, #tpu.memory_space<vmem>>
    %dma_start3A_36 = arith.constant 0 : i32
    %dma_start3A_37 = arith.constant 0 : i32
    %dma_start3A_38 = tpu.memref_slice %arg3[%dma_start3A_36, %dma_start3A_37] : memref<100001x64xf32, #tpu.memory_space<hbm>> -> memref<100001x64xf32, #tpu.memory_space<hbm>>
    tpu.enqueue_indirect_dma source(%dma_start3A_38 : memref<100001x64xf32, #tpu.memory_space<hbm>>) target(%dma_start3A_33 : memref<72x64xf32, #tpu.memory_space<vmem>>) offsets(%dma_start3A_35 : memref<72xi32, #tpu.memory_space<vmem>>) semaphore(%arg8 : memref<!tpu.dma_semaphore, #tpu.memory_space<semaphore_mem>>)
    %scan3A_39 = arith.constant 0 : i32
    %scan3A_40 = arith.constant 0 : i32
    %scan3A_41 = arith.constant 4 : i32
    %scan3A_42 = arith.addi %scan3A_40, %scan3A_41 : i32
    %scan3A_43 = arith.constant 1 : i32
    %scan3A_44 = scf.for %scan3A_46 = %scan3A_40 to %scan3A_42 step %scan3A_43 iter_args(%scan3A_47 = %scan3A_39) -> (i32)  : i32 {
      %mul3A_48 = arith.constant 2 : i32
      %mul3A_49 = arith.muli %mul3A_48, %scan3A_46 : i32
      %add3A_50 = arith.constant 1 : i32
      %add3A_51 = arith.addi %mul3A_49, %add3A_50 : i32
      %mul3A_52 = arith.constant 200 : i32
      %mul3A_53 = arith.muli %add3A_51, %mul3A_52 : i32
      %add3A_54 = arith.constant 0 : i32
      %add3A_55 = arith.addi %mul3A_53, %add3A_54 : i32
      %dma_start3A_56 = arith.constant 1 : i32
      %dma_start3A_57 = arith.constant 0 : i32
      %dma_start3A_58 = arith.constant 0 : i32
      %dma_start3A_59 = tpu.memref_slice %arg6[%dma_start3A_56, %dma_start3A_57, %dma_start3A_58] : memref<2x200x64xf32, #tpu.memory_space<vmem>> -> memref<1x200x64xf32, #tpu.memory_space<vmem>>
      %dma_start3A_60 = tpu.memref_squeeze %dma_start3A_59 : memref<1x200x64xf32, #tpu.memory_space<vmem>> -> memref<200x64xf32, #tpu.memory_space<vmem>>
      %dma_start3A_61 = arith.constant 0 : i32
      %dma_start3A_62 = arith.constant 0 : i32
      %dma_start3A_63 = tpu.memref_slice %dma_start3A_60[%dma_start3A_61, %dma_start3A_62] : memref<200x64xf32, #tpu.memory_space<vmem>> -> memref<128x64xf32, #tpu.memory_space<vmem>>
      %dma_start3A_64 = tpu.memref_slice %arg5[%add3A_55] : memref<1600xi32, #tpu.memory_space<vmem>> -> memref<128xi32, #tpu.memory_space<vmem>>
      %dma_start3A_65 = arith.constant 0 : i32
      %dma_start3A_66 = arith.constant 0 : i32
      %dma_start3A_67 = tpu.memref_slice %arg3[%dma_start3A_65, %dma_start3A_66] : memref<100001x64xf32, #tpu.memory_space<hbm>> -> memref<100001x64xf32, #tpu.memory_space<hbm>>
      tpu.enqueue_indirect_dma source(%dma_start3A_67 : memref<100001x64xf32, #tpu.memory_space<hbm>>) target(%dma_start3A_63 : memref<128x64xf32, #tpu.memory_space<vmem>>) offsets(%dma_start3A_64 : memref<128xi32, #tpu.memory_space<vmem>>) semaphore(%arg9 : memref<!tpu.dma_semaphore, #tpu.memory_space<semaphore_mem>>)
      %mul3A_68 = arith.constant 200 : i32
      %mul3A_69 = arith.muli %add3A_51, %mul3A_68 : i32
      %add3A_70 = arith.constant 128 : i32
      %add3A_71 = arith.addi %mul3A_69, %add3A_70 : i32
      %dma_start3A_72 = arith.constant 1 : i32
      %dma_start3A_73 = arith.constant 0 : i32
      %dma_start3A_74 = arith.constant 0 : i32
      %dma_start3A_75 = tpu.memref_slice %arg6[%dma_start3A_72, %dma_start3A_73, %dma_start3A_74] : memref<2x200x64xf32, #tpu.memory_space<vmem>> -> memref<1x200x64xf32, #tpu.memory_space<vmem>>
      %dma_start3A_76 = tpu.memref_squeeze %dma_start3A_75 : memref<1x200x64xf32, #tpu.memory_space<vmem>> -> memref<200x64xf32, #tpu.memory_space<vmem>>
      %dma_start3A_77 = arith.constant 128 : i32
      %dma_start3A_78 = arith.constant 0 : i32
      %dma_start3A_79 = tpu.memref_slice %dma_start3A_76[%dma_start3A_77, %dma_start3A_78] : memref<200x64xf32, #tpu.memory_space<vmem>> -> memref<72x64xf32, #tpu.memory_space<vmem>>
      %dma_start3A_80 = tpu.memref_slice %arg5[%add3A_71] : memref<1600xi32, #tpu.memory_space<vmem>> -> memref<72xi32, #tpu.memory_space<vmem>>
      %dma_start3A_81 = arith.constant 0 : i32
      %dma_start3A_82 = arith.constant 0 : i32
      %dma_start3A_83 = tpu.memref_slice %arg3[%dma_start3A_81, %dma_start3A_82] : memref<100001x64xf32, #tpu.memory_space<hbm>> -> memref<100001x64xf32, #tpu.memory_space<hbm>>
      tpu.enqueue_indirect_dma source(%dma_start3A_83 : memref<100001x64xf32, #tpu.memory_space<hbm>>) target(%dma_start3A_79 : memref<72x64xf32, #tpu.memory_space<vmem>>) offsets(%dma_start3A_80 : memref<72xi32, #tpu.memory_space<vmem>>) semaphore(%arg9 : memref<!tpu.dma_semaphore, #tpu.memory_space<semaphore_mem>>)
      %mul3A_84 = arith.constant 2 : i32
      %mul3A_85 = arith.muli %mul3A_84, %scan3A_46 : i32
      %mul3A_86 = arith.constant 200 : i32
      %mul3A_87 = arith.muli %mul3A_85, %mul3A_86 : i32
      %add3A_88 = arith.constant 0 : i32
      %add3A_89 = arith.addi %mul3A_87, %add3A_88 : i32
      %dma_wait3A = arith.constant 0 : i32
      %dma_wait3A_90 = arith.constant 0 : i32
      %dma_wait3A_91 = arith.constant 0 : i32
      %dma_wait3A_92 = tpu.memref_slice %arg6[%dma_wait3A, %dma_wait3A_90, %dma_wait3A_91] : memref<2x200x64xf32, #tpu.memory_space<vmem>> -> memref<1x200x64xf32, #tpu.memory_space<vmem>>
      %dma_wait3A_93 = tpu.memref_squeeze %dma_wait3A_92 : memref<1x200x64xf32, #tpu.memory_space<vmem>> -> memref<200x64xf32, #tpu.memory_space<vmem>>
      %dma_wait3A_94 = arith.constant 0 : i32
      %dma_wait3A_95 = arith.constant 0 : i32
      %dma_wait3A_96 = tpu.memref_slice %dma_wait3A_93[%dma_wait3A_94, %dma_wait3A_95] : memref<200x64xf32, #tpu.memory_space<vmem>> -> memref<128x64xf32, #tpu.memory_space<vmem>>
      %dma_wait3A_97 = tpu.memref_slice %arg5[%add3A_89] : memref<1600xi32, #tpu.memory_space<vmem>> -> memref<128xi32, #tpu.memory_space<vmem>>
      %dma_wait3A_98 = arith.constant 0 : i32
      %dma_wait3A_99 = arith.constant 0 : i32
      %dma_wait3A_100 = tpu.memref_slice %arg3[%dma_wait3A_98, %dma_wait3A_99] : memref<100001x64xf32, #tpu.memory_space<hbm>> -> memref<100001x64xf32, #tpu.memory_space<hbm>>
      tpu.wait_indirect_dma semaphore(%arg8 : memref<!tpu.dma_semaphore, #tpu.memory_space<semaphore_mem>>) src(%dma_wait3A_100 : memref<100001x64xf32, #tpu.memory_space<hbm>>) dst(%dma_wait3A_96 : memref<128x64xf32, #tpu.memory_space<vmem>>)
      %mul3A_101 = arith.constant 200 : i32
      %mul3A_102 = arith.muli %mul3A_85, %mul3A_101 : i32
      %add3A_103 = arith.constant 128 : i32
      %add3A_104 = arith.addi %mul3A_102, %add3A_103 : i32
      %dma_wait3A_105 = arith.constant 0 : i32
      %dma_wait3A_106 = arith.constant 0 : i32
      %dma_wait3A_107 = arith.constant 0 : i32
      %dma_wait3A_108 = tpu.memref_slice %arg6[%dma_wait3A_105, %dma_wait3A_106, %dma_wait3A_107] : memref<2x200x64xf32, #tpu.memory_space<vmem>> -> memref<1x200x64xf32, #tpu.memory_space<vmem>>
      %dma_wait3A_109 = tpu.memref_squeeze %dma_wait3A_108 : memref<1x200x64xf32, #tpu.memory_space<vmem>> -> memref<200x64xf32, #tpu.memory_space<vmem>>
      %dma_wait3A_110 = arith.constant 128 : i32
      %dma_wait3A_111 = arith.constant 0 : i32
      %dma_wait3A_112 = tpu.memref_slice %dma_wait3A_109[%dma_wait3A_110, %dma_wait3A_111] : memref<200x64xf32, #tpu.memory_space<vmem>> -> memref<72x64xf32, #tpu.memory_space<vmem>>
      %dma_wait3A_113 = tpu.memref_slice %arg5[%add3A_104] : memref<1600xi32, #tpu.memory_space<vmem>> -> memref<72xi32, #tpu.memory_space<vmem>>
      %dma_wait3A_114 = arith.constant 0 : i32
      %dma_wait3A_115 = arith.constant 0 : i32
      %dma_wait3A_116 = tpu.memref_slice %arg3[%dma_wait3A_114, %dma_wait3A_115] : memref<100001x64xf32, #tpu.memory_space<hbm>> -> memref<100001x64xf32, #tpu.memory_space<hbm>>
      tpu.wait_indirect_dma semaphore(%arg8 : memref<!tpu.dma_semaphore, #tpu.memory_space<semaphore_mem>>) src(%dma_wait3A_116 : memref<100001x64xf32, #tpu.memory_space<hbm>>) dst(%dma_wait3A_112 : memref<72x64xf32, #tpu.memory_space<vmem>>)
      %mul3A_117 = arith.constant 2 : i32
      %mul3A_118 = arith.muli %mul3A_117, %scan3A_46 : i32
      %scan3A_119 = arith.constant 0 : i32
      %scan3A_120 = arith.constant 0 : i32
      %scan3A_121 = arith.constant 25 : i32
      %scan3A_122 = arith.addi %scan3A_120, %scan3A_121 : i32
      %scan3A_123 = arith.constant 1 : i32
      %scan3A_124:4 = scf.for %scan3A_215 = %scan3A_120 to %scan3A_122 step %scan3A_123 iter_args(%scan3A_216 = %broadcast_in_dim3A_3, %scan3A_217 = %broadcast_in_dim3A_3, %scan3A_218 = %broadcast_in_dim3A_3, %scan3A_219 = %broadcast_in_dim3A_3) -> (vector<16xf32>, vector<16xf32>, vector<16xf32>, vector<16xf32>)  : i32 {
        %mul3A_220 = arith.constant 8 : i32
        %mul3A_221 = arith.muli %scan3A_215, %mul3A_220 : i32
        %add3A_222 = arith.constant 0 : i32
        %add3A_223 = arith.addi %mul3A_221, %add3A_222 : i32
        %get3A = arith.constant 0 : i32
        %get3A_224 = arith.constant 0 : i32
        %get3A_225 = tpu.memref_slice %arg6[%scan3A_119, %get3A, %get3A_224] : memref<2x200x64xf32, #tpu.memory_space<vmem>> -> memref<1x200x64xf32, #tpu.memory_space<vmem>>
        %get3A_226 = tpu.memref_squeeze %get3A_225 : memref<1x200x64xf32, #tpu.memory_space<vmem>> -> memref<200x64xf32, #tpu.memory_space<vmem>>
        %get3A_227 = arith.index_cast %add3A_223 : i32 to index
        %get3A_228 = arith.constant 0 : index
        %get3A_229 = tpu.vector_load %get3A_226[%get3A_227, %get3A_228] {strides = array<i32>} : memref<200x64xf32, #tpu.memory_space<vmem>>, vector<1x16xf32>,
        %get3A_230 = vector.shape_cast %get3A_229 : vector<1x16xf32> to vector<16xf32>
        %add3A_231 = arith.addf %scan3A_216, %get3A_230 : vector<16xf32>
        %add3A_232 = arith.constant 0 : i32
        %add3A_233 = arith.addi %mul3A_221, %add3A_232 : i32
        %get3A_234 = arith.constant 0 : i32
        %get3A_235 = arith.constant 0 : i32
        %get3A_236 = tpu.memref_slice %arg6[%scan3A_119, %get3A_234, %get3A_235] : memref<2x200x64xf32, #tpu.memory_space<vmem>> -> memref<1x200x64xf32, #tpu.memory_space<vmem>>
        %get3A_237 = tpu.memref_squeeze %get3A_236 : memref<1x200x64xf32, #tpu.memory_space<vmem>> -> memref<200x64xf32, #tpu.memory_space<vmem>>
        %get3A_238 = arith.index_cast %add3A_233 : i32 to index
        %get3A_239 = arith.constant 16 : index
        %get3A_240 = tpu.vector_load %get3A_237[%get3A_238, %get3A_239] {strides = array<i32>} : memref<200x64xf32, #tpu.memory_space<vmem>>, vector<1x16xf32>,
        %get3A_241 = vector.shape_cast %get3A_240 : vector<1x16xf32> to vector<16xf32>
        %add3A_242 = arith.addf %scan3A_217, %get3A_241 : vector<16xf32>
        %add3A_243 = arith.constant 0 : i32
        %add3A_244 = arith.addi %mul3A_221, %add3A_243 : i32
        %get3A_245 = arith.constant 0 : i32
        %get3A_246 = arith.constant 0 : i32
        %get3A_247 = tpu.memref_slice %arg6[%scan3A_119, %get3A_245, %get3A_246] : memref<2x200x64xf32, #tpu.memory_space<vmem>> -> memref<1x200x64xf32, #tpu.memory_space<vmem>>
        %get3A_248 = tpu.memref_squeeze %get3A_247 : memref<1x200x64xf32, #tpu.memory_space<vmem>> -> memref<200x64xf32, #tpu.memory_space<vmem>>
        %get3A_249 = arith.index_cast %add3A_244 : i32 to index
        %get3A_250 = arith.constant 32 : index
        %get3A_251 = tpu.vector_load %get3A_248[%get3A_249, %get3A_250] {strides = array<i32>} : memref<200x64xf32, #tpu.memory_space<vmem>>, vector<1x16xf32>,
        %get3A_252 = vector.shape_cast %get3A_251 : vector<1x16xf32> to vector<16xf32>
        %add3A_253 = arith.addf %scan3A_218, %get3A_252 : vector<16xf32>
        %add3A_254 = arith.constant 0 : i32
        %add3A_255 = arith.addi %mul3A_221, %add3A_254 : i32
        %get3A_256 = arith.constant 0 : i32
        %get3A_257 = arith.constant 0 : i32
        %get3A_258 = tpu.memref_slice %arg6[%scan3A_119, %get3A_256, %get3A_257] : memref<2x200x64xf32, #tpu.memory_space<vmem>> -> memref<1x200x64xf32, #tpu.memory_space<vmem>>
        %get3A_259 = tpu.memref_squeeze %get3A_258 : memref<1x200x64xf32, #tpu.memory_space<vmem>> -> memref<200x64xf32, #tpu.memory_space<vmem>>
        %get3A_260 = arith.index_cast %add3A_255 : i32 to index
        %get3A_261 = arith.constant 48 : index
        %get3A_262 = tpu.vector_load %get3A_259[%get3A_260, %get3A_261] {strides = array<i32>} : memref<200x64xf32, #tpu.memory_space<vmem>>, vector<1x16xf32>,
        %get3A_263 = vector.shape_cast %get3A_262 : vector<1x16xf32> to vector<16xf32>
        %add3A_264 = arith.addf %scan3A_219, %get3A_263 : vector<16xf32>
        %add3A_265 = arith.constant 1 : i32
        %add3A_266 = arith.addi %mul3A_221, %add3A_265 : i32
        %get3A_267 = arith.constant 0 : i32
        %get3A_268 = arith.constant 0 : i32
        %get3A_269 = tpu.memref_slice %arg6[%scan3A_119, %get3A_267, %get3A_268] : memref<2x200x64xf32, #tpu.memory_space<vmem>> -> memref<1x200x64xf32, #tpu.memory_space<vmem>>
        %get3A_270 = tpu.memref_squeeze %get3A_269 : memref<1x200x64xf32, #tpu.memory_space<vmem>> -> memref<200x64xf32, #tpu.memory_space<vmem>>
        %get3A_271 = arith.index_cast %add3A_266 : i32 to index
        %get3A_272 = arith.constant 0 : index
        %get3A_273 = tpu.vector_load %get3A_270[%get3A_271, %get3A_272] {strides = array<i32>} : memref<200x64xf32, #tpu.memory_space<vmem>>, vector<1x16xf32>,
        %get3A_274 = vector.shape_cast %get3A_273 : vector<1x16xf32> to vector<16xf32>
        %add3A_275 = arith.addf %add3A_231, %get3A_274 : vector<16xf32>
        %add3A_276 = arith.constant 1 : i32
        %add3A_277 = arith.addi %mul3A_221, %add3A_276 : i32
        %get3A_278 = arith.constant 0 : i32
        %get3A_279 = arith.constant 0 : i32
        %get3A_280 = tpu.memref_slice %arg6[%scan3A_119, %get3A_278, %get3A_279] : memref<2x200x64xf32, #tpu.memory_space<vmem>> -> memref<1x200x64xf32, #tpu.memory_space<vmem>>
        %get3A_281 = tpu.memref_squeeze %get3A_280 : memref<1x200x64xf32, #tpu.memory_space<vmem>> -> memref<200x64xf32, #tpu.memory_space<vmem>>
        %get3A_282 = arith.index_cast %add3A_277 : i32 to index
        %get3A_283 = arith.constant 16 : index
        %get3A_284 = tpu.vector_load %get3A_281[%get3A_282, %get3A_283] {strides = array<i32>} : memref<200x64xf32, #tpu.memory_space<vmem>>, vector<1x16xf32>,
        %get3A_285 = vector.shape_cast %get3A_284 : vector<1x16xf32> to vector<16xf32>
        %add3A_286 = arith.addf %add3A_242, %get3A_285 : vector<16xf32>
        %add3A_287 = arith.constant 1 : i32
        %add3A_288 = arith.addi %mul3A_221, %add3A_287 : i32
        %get3A_289 = arith.constant 0 : i32
        %get3A_290 = arith.constant 0 : i32
        %get3A_291 = tpu.memref_slice %arg6[%scan3A_119, %get3A_289, %get3A_290] : memref<2x200x64xf32, #tpu.memory_space<vmem>> -> memref<1x200x64xf32, #tpu.memory_space<vmem>>
        %get3A_292 = tpu.memref_squeeze %get3A_291 : memref<1x200x64xf32, #tpu.memory_space<vmem>> -> memref<200x64xf32, #tpu.memory_space<vmem>>
        %get3A_293 = arith.index_cast %add3A_288 : i32 to index
        %get3A_294 = arith.constant 32 : index
        %get3A_295 = tpu.vector_load %get3A_292[%get3A_293, %get3A_294] {strides = array<i32>} : memref<200x64xf32, #tpu.memory_space<vmem>>, vector<1x16xf32>,
        %get3A_296 = vector.shape_cast %get3A_295 : vector<1x16xf32> to vector<16xf32>
        %add3A_297 = arith.addf %add3A_253, %get3A_296 : vector<16xf32>
        %add3A_298 = arith.constant 1 : i32
        %add3A_299 = arith.addi %mul3A_221, %add3A_298 : i32
        %get3A_300 = arith.constant 0 : i32
        %get3A_301 = arith.constant 0 : i32
        %get3A_302 = tpu.memref_slice %arg6[%scan3A_119, %get3A_300, %get3A_301] : memref<2x200x64xf32, #tpu.memory_space<vmem>> -> memref<1x200x64xf32, #tpu.memory_space<vmem>>
        %get3A_303 = tpu.memref_squeeze %get3A_302 : memref<1x200x64xf32, #tpu.memory_space<vmem>> -> memref<200x64xf32, #tpu.memory_space<vmem>>
        %get3A_304 = arith.index_cast %add3A_299 : i32 to index
        %get3A_305 = arith.constant 48 : index
        %get3A_306 = tpu.vector_load %get3A_303[%get3A_304, %get3A_305] {strides = array<i32>} : memref<200x64xf32, #tpu.memory_space<vmem>>, vector<1x16xf32>,
        %get3A_307 = vector.shape_cast %get3A_306 : vector<1x16xf32> to vector<16xf32>
        %add3A_308 = arith.addf %add3A_264, %get3A_307 : vector<16xf32>
        %add3A_309 = arith.constant 2 : i32
        %add3A_310 = arith.addi %mul3A_221, %add3A_309 : i32
        %get3A_311 = arith.constant 0 : i32
        %get3A_312 = arith.constant 0 : i32
        %get3A_313 = tpu.memref_slice %arg6[%scan3A_119, %get3A_311, %get3A_312] : memref<2x200x64xf32, #tpu.memory_space<vmem>> -> memref<1x200x64xf32, #tpu.memory_space<vmem>>
        %get3A_314 = tpu.memref_squeeze %get3A_313 : memref<1x200x64xf32, #tpu.memory_space<vmem>> -> memref<200x64xf32, #tpu.memory_space<vmem>>
        %get3A_315 = arith.index_cast %add3A_310 : i32 to index
        %get3A_316 = arith.constant 0 : index
        %get3A_317 = tpu.vector_load %get3A_314[%get3A_315, %get3A_316] {strides = array<i32>} : memref<200x64xf32, #tpu.memory_space<vmem>>, vector<1x16xf32>,
        %get3A_318 = vector.shape_cast %get3A_317 : vector<1x16xf32> to vector<16xf32>
        %add3A_319 = arith.addf %add3A_275, %get3A_318 : vector<16xf32>
        %add3A_320 = arith.constant 2 : i32
        %add3A_321 = arith.addi %mul3A_221, %add3A_320 : i32
        %get3A_322 = arith.constant 0 : i32
        %get3A_323 = arith.constant 0 : i32
        %get3A_324 = tpu.memref_slice %arg6[%scan3A_119, %get3A_322, %get3A_323] : memref<2x200x64xf32, #tpu.memory_space<vmem>> -> memref<1x200x64xf32, #tpu.memory_space<vmem>>
        %get3A_325 = tpu.memref_squeeze %get3A_324 : memref<1x200x64xf32, #tpu.memory_space<vmem>> -> memref<200x64xf32, #tpu.memory_space<vmem>>
        %get3A_326 = arith.index_cast %add3A_321 : i32 to index
        %get3A_327 = arith.constant 16 : index
        %get3A_328 = tpu.vector_load %get3A_325[%get3A_326, %get3A_327] {strides = array<i32>} : memref<200x64xf32, #tpu.memory_space<vmem>>, vector<1x16xf32>,
        %get3A_329 = vector.shape_cast %get3A_328 : vector<1x16xf32> to vector<16xf32>
        %add3A_330 = arith.addf %add3A_286, %get3A_329 : vector<16xf32>
        %add3A_331 = arith.constant 2 : i32
        %add3A_332 = arith.addi %mul3A_221, %add3A_331 : i32
        %get3A_333 = arith.constant 0 : i32
        %get3A_334 = arith.constant 0 : i32
        %get3A_335 = tpu.memref_slice %arg6[%scan3A_119, %get3A_333, %get3A_334] : memref<2x200x64xf32, #tpu.memory_space<vmem>> -> memref<1x200x64xf32, #tpu.memory_space<vmem>>
        %get3A_336 = tpu.memref_squeeze %get3A_335 : memref<1x200x64xf32, #tpu.memory_space<vmem>> -> memref<200x64xf32, #tpu.memory_space<vmem>>
        %get3A_337 = arith.index_cast %add3A_332 : i32 to index
        %get3A_338 = arith.constant 32 : index
        %get3A_339 = tpu.vector_load %get3A_336[%get3A_337, %get3A_338] {strides = array<i32>} : memref<200x64xf32, #tpu.memory_space<vmem>>, vector<1x16xf32>,
        %get3A_340 = vector.shape_cast %get3A_339 : vector<1x16xf32> to vector<16xf32>
        %add3A_341 = arith.addf %add3A_297, %get3A_340 : vector<16xf32>
        %add3A_342 = arith.constant 2 : i32
        %add3A_343 = arith.addi %mul3A_221, %add3A_342 : i32
        %get3A_344 = arith.constant 0 : i32
        %get3A_345 = arith.constant 0 : i32
        %get3A_346 = tpu.memref_slice %arg6[%scan3A_119, %get3A_344, %get3A_345] : memref<2x200x64xf32, #tpu.memory_space<vmem>> -> memref<1x200x64xf32, #tpu.memory_space<vmem>>
        %get3A_347 = tpu.memref_squeeze %get3A_346 : memref<1x200x64xf32, #tpu.memory_space<vmem>> -> memref<200x64xf32, #tpu.memory_space<vmem>>
        %get3A_348 = arith.index_cast %add3A_343 : i32 to index
        %get3A_349 = arith.constant 48 : index
        %get3A_350 = tpu.vector_load %get3A_347[%get3A_348, %get3A_349] {strides = array<i32>} : memref<200x64xf32, #tpu.memory_space<vmem>>, vector<1x16xf32>,
        %get3A_351 = vector.shape_cast %get3A_350 : vector<1x16xf32> to vector<16xf32>
        %add3A_352 = arith.addf %add3A_308, %get3A_351 : vector<16xf32>
        %add3A_353 = arith.constant 3 : i32
        %add3A_354 = arith.addi %mul3A_221, %add3A_353 : i32
        %get3A_355 = arith.constant 0 : i32
        %get3A_356 = arith.constant 0 : i32
        %get3A_357 = tpu.memref_slice %arg6[%scan3A_119, %get3A_355, %get3A_356] : memref<2x200x64xf32, #tpu.memory_space<vmem>> -> memref<1x200x64xf32, #tpu.memory_space<vmem>>
        %get3A_358 = tpu.memref_squeeze %get3A_357 : memref<1x200x64xf32, #tpu.memory_space<vmem>> -> memref<200x64xf32, #tpu.memory_space<vmem>>
        %get3A_359 = arith.index_cast %add3A_354 : i32 to index
        %get3A_360 = arith.constant 0 : index
        %get3A_361 = tpu.vector_load %get3A_358[%get3A_359, %get3A_360] {strides = array<i32>} : memref<200x64xf32, #tpu.memory_space<vmem>>, vector<1x16xf32>,
        %get3A_362 = vector.shape_cast %get3A_361 : vector<1x16xf32> to vector<16xf32>
        %add3A_363 = arith.addf %add3A_319, %get3A_362 : vector<16xf32>
        %add3A_364 = arith.constant 3 : i32
        %add3A_365 = arith.addi %mul3A_221, %add3A_364 : i32
        %get3A_366 = arith.constant 0 : i32
        %get3A_367 = arith.constant 0 : i32
        %get3A_368 = tpu.memref_slice %arg6[%scan3A_119, %get3A_366, %get3A_367] : memref<2x200x64xf32, #tpu.memory_space<vmem>> -> memref<1x200x64xf32, #tpu.memory_space<vmem>>
        %get3A_369 = tpu.memref_squeeze %get3A_368 : memref<1x200x64xf32, #tpu.memory_space<vmem>> -> memref<200x64xf32, #tpu.memory_space<vmem>>
        %get3A_370 = arith.index_cast %add3A_365 : i32 to index
        %get3A_371 = arith.constant 16 : index
        %get3A_372 = tpu.vector_load %get3A_369[%get3A_370, %get3A_371] {strides = array<i32>} : memref<200x64xf32, #tpu.memory_space<vmem>>, vector<1x16xf32>,
        %get3A_373 = vector.shape_cast %get3A_372 : vector<1x16xf32> to vector<16xf32>
        %add3A_374 = arith.addf %add3A_330, %get3A_373 : vector<16xf32>
        %add3A_375 = arith.constant 3 : i32
        %add3A_376 = arith.addi %mul3A_221, %add3A_375 : i32
        %get3A_377 = arith.constant 0 : i32
        %get3A_378 = arith.constant 0 : i32
        %get3A_379 = tpu.memref_slice %arg6[%scan3A_119, %get3A_377, %get3A_378] : memref<2x200x64xf32, #tpu.memory_space<vmem>> -> memref<1x200x64xf32, #tpu.memory_space<vmem>>
        %get3A_380 = tpu.memref_squeeze %get3A_379 : memref<1x200x64xf32, #tpu.memory_space<vmem>> -> memref<200x64xf32, #tpu.memory_space<vmem>>
        %get3A_381 = arith.index_cast %add3A_376 : i32 to index
        %get3A_382 = arith.constant 32 : index
        %get3A_383 = tpu.vector_load %get3A_380[%get3A_381, %get3A_382] {strides = array<i32>} : memref<200x64xf32, #tpu.memory_space<vmem>>, vector<1x16xf32>,
        %get3A_384 = vector.shape_cast %get3A_383 : vector<1x16xf32> to vector<16xf32>
        %add3A_385 = arith.addf %add3A_341, %get3A_384 : vector<16xf32>
        %add3A_386 = arith.constant 3 : i32
        %add3A_387 = arith.addi %mul3A_221, %add3A_386 : i32
        %get3A_388 = arith.constant 0 : i32
        %get3A_389 = arith.constant 0 : i32
        %get3A_390 = tpu.memref_slice %arg6[%scan3A_119, %get3A_388, %get3A_389] : memref<2x200x64xf32, #tpu.memory_space<vmem>> -> memref<1x200x64xf32, #tpu.memory_space<vmem>>
        %get3A_391 = tpu.memref_squeeze %get3A_390 : memref<1x200x64xf32, #tpu.memory_space<vmem>> -> memref<200x64xf32, #tpu.memory_space<vmem>>
        %get3A_392 = arith.index_cast %add3A_387 : i32 to index
        %get3A_393 = arith.constant 48 : index
        %get3A_394 = tpu.vector_load %get3A_391[%get3A_392, %get3A_393] {strides = array<i32>} : memref<200x64xf32, #tpu.memory_space<vmem>>, vector<1x16xf32>,
        %get3A_395 = vector.shape_cast %get3A_394 : vector<1x16xf32> to vector<16xf32>
        %add3A_396 = arith.addf %add3A_352, %get3A_395 : vector<16xf32>
        %add3A_397 = arith.constant 4 : i32
        %add3A_398 = arith.addi %mul3A_221, %add3A_397 : i32
        %get3A_399 = arith.constant 0 : i32
        %get3A_400 = arith.constant 0 : i32
        %get3A_401 = tpu.memref_slice %arg6[%scan3A_119, %get3A_399, %get3A_400] : memref<2x200x64xf32, #tpu.memory_space<vmem>> -> memref<1x200x64xf32, #tpu.memory_space<vmem>>
        %get3A_402 = tpu.memref_squeeze %get3A_401 : memref<1x200x64xf32, #tpu.memory_space<vmem>> -> memref<200x64xf32, #tpu.memory_space<vmem>>
        %get3A_403 = arith.index_cast %add3A_398 : i32 to index
        %get3A_404 = arith.constant 0 : index
        %get3A_405 = tpu.vector_load %get3A_402[%get3A_403, %get3A_404] {strides = array<i32>} : memref<200x64xf32, #tpu.memory_space<vmem>>, vector<1x16xf32>,
        %get3A_406 = vector.shape_cast %get3A_405 : vector<1x16xf32> to vector<16xf32>
        %add3A_407 = arith.addf %add3A_363, %get3A_406 : vector<16xf32>
        %add3A_408 = arith.constant 4 : i32
        %add3A_409 = arith.addi %mul3A_221, %add3A_408 : i32
        %get3A_410 = arith.constant 0 : i32
        %get3A_411 = arith.constant 0 : i32
        %get3A_412 = tpu.memref_slice %arg6[%scan3A_119, %get3A_410, %get3A_411] : memref<2x200x64xf32, #tpu.memory_space<vmem>> -> memref<1x200x64xf32, #tpu.memory_space<vmem>>
        %get3A_413 = tpu.memref_squeeze %get3A_412 : memref<1x200x64xf32, #tpu.memory_space<vmem>> -> memref<200x64xf32, #tpu.memory_space<vmem>>
        %get3A_414 = arith.index_cast %add3A_409 : i32 to index
        %get3A_415 = arith.constant 16 : index
        %get3A_416 = tpu.vector_load %get3A_413[%get3A_414, %get3A_415] {strides = array<i32>} : memref<200x64xf32, #tpu.memory_space<vmem>>, vector<1x16xf32>,
        %get3A_417 = vector.shape_cast %get3A_416 : vector<1x16xf32> to vector<16xf32>
        %add3A_418 = arith.addf %add3A_374, %get3A_417 : vector<16xf32>
        %add3A_419 = arith.constant 4 : i32
        %add3A_420 = arith.addi %mul3A_221, %add3A_419 : i32
        %get3A_421 = arith.constant 0 : i32
        %get3A_422 = arith.constant 0 : i32
        %get3A_423 = tpu.memref_slice %arg6[%scan3A_119, %get3A_421, %get3A_422] : memref<2x200x64xf32, #tpu.memory_space<vmem>> -> memref<1x200x64xf32, #tpu.memory_space<vmem>>
        %get3A_424 = tpu.memref_squeeze %get3A_423 : memref<1x200x64xf32, #tpu.memory_space<vmem>> -> memref<200x64xf32, #tpu.memory_space<vmem>>
        %get3A_425 = arith.index_cast %add3A_420 : i32 to index
        %get3A_426 = arith.constant 32 : index
        %get3A_427 = tpu.vector_load %get3A_424[%get3A_425, %get3A_426] {strides = array<i32>} : memref<200x64xf32, #tpu.memory_space<vmem>>, vector<1x16xf32>,
        %get3A_428 = vector.shape_cast %get3A_427 : vector<1x16xf32> to vector<16xf32>
        %add3A_429 = arith.addf %add3A_385, %get3A_428 : vector<16xf32>
        %add3A_430 = arith.constant 4 : i32
        %add3A_431 = arith.addi %mul3A_221, %add3A_430 : i32
        %get3A_432 = arith.constant 0 : i32
        %get3A_433 = arith.constant 0 : i32
        %get3A_434 = tpu.memref_slice %arg6[%scan3A_119, %get3A_432, %get3A_433] : memref<2x200x64xf32, #tpu.memory_space<vmem>> -> memref<1x200x64xf32, #tpu.memory_space<vmem>>
        %get3A_435 = tpu.memref_squeeze %get3A_434 : memref<1x200x64xf32, #tpu.memory_space<vmem>> -> memref<200x64xf32, #tpu.memory_space<vmem>>
        %get3A_436 = arith.index_cast %add3A_431 : i32 to index
        %get3A_437 = arith.constant 48 : index
        %get3A_438 = tpu.vector_load %get3A_435[%get3A_436, %get3A_437] {strides = array<i32>} : memref<200x64xf32, #tpu.memory_space<vmem>>, vector<1x16xf32>,
        %get3A_439 = vector.shape_cast %get3A_438 : vector<1x16xf32> to vector<16xf32>
        %add3A_440 = arith.addf %add3A_396, %get3A_439 : vector<16xf32>
        %add3A_441 = arith.constant 5 : i32
        %add3A_442 = arith.addi %mul3A_221, %add3A_441 : i32
        %get3A_443 = arith.constant 0 : i32
        %get3A_444 = arith.constant 0 : i32
        %get3A_445 = tpu.memref_slice %arg6[%scan3A_119, %get3A_443, %get3A_444] : memref<2x200x64xf32, #tpu.memory_space<vmem>> -> memref<1x200x64xf32, #tpu.memory_space<vmem>>
        %get3A_446 = tpu.memref_squeeze %get3A_445 : memref<1x200x64xf32, #tpu.memory_space<vmem>> -> memref<200x64xf32, #tpu.memory_space<vmem>>
        %get3A_447 = arith.index_cast %add3A_442 : i32 to index
        %get3A_448 = arith.constant 0 : index
        %get3A_449 = tpu.vector_load %get3A_446[%get3A_447, %get3A_448] {strides = array<i32>} : memref<200x64xf32, #tpu.memory_space<vmem>>, vector<1x16xf32>,
        %get3A_450 = vector.shape_cast %get3A_449 : vector<1x16xf32> to vector<16xf32>
        %add3A_451 = arith.addf %add3A_407, %get3A_450 : vector<16xf32>
        %add3A_452 = arith.constant 5 : i32
        %add3A_453 = arith.addi %mul3A_221, %add3A_452 : i32
        %get3A_454 = arith.constant 0 : i32
        %get3A_455 = arith.constant 0 : i32
        %get3A_456 = tpu.memref_slice %arg6[%scan3A_119, %get3A_454, %get3A_455] : memref<2x200x64xf32, #tpu.memory_space<vmem>> -> memref<1x200x64xf32, #tpu.memory_space<vmem>>
        %get3A_457 = tpu.memref_squeeze %get3A_456 : memref<1x200x64xf32, #tpu.memory_space<vmem>> -> memref<200x64xf32, #tpu.memory_space<vmem>>
        %get3A_458 = arith.index_cast %add3A_453 : i32 to index
        %get3A_459 = arith.constant 16 : index
        %get3A_460 = tpu.vector_load %get3A_457[%get3A_458, %get3A_459] {strides = array<i32>} : memref<200x64xf32, #tpu.memory_space<vmem>>, vector<1x16xf32>,
        %get3A_461 = vector.shape_cast %get3A_460 : vector<1x16xf32> to vector<16xf32>
        %add3A_462 = arith.addf %add3A_418, %get3A_461 : vector<16xf32>
        %add3A_463 = arith.constant 5 : i32
        %add3A_464 = arith.addi %mul3A_221, %add3A_463 : i32
        %get3A_465 = arith.constant 0 : i32
        %get3A_466 = arith.constant 0 : i32
        %get3A_467 = tpu.memref_slice %arg6[%scan3A_119, %get3A_465, %get3A_466] : memref<2x200x64xf32, #tpu.memory_space<vmem>> -> memref<1x200x64xf32, #tpu.memory_space<vmem>>
        %get3A_468 = tpu.memref_squeeze %get3A_467 : memref<1x200x64xf32, #tpu.memory_space<vmem>> -> memref<200x64xf32, #tpu.memory_space<vmem>>
        %get3A_469 = arith.index_cast %add3A_464 : i32 to index
        %get3A_470 = arith.constant 32 : index
        %get3A_471 = tpu.vector_load %get3A_468[%get3A_469, %get3A_470] {strides = array<i32>} : memref<200x64xf32, #tpu.memory_space<vmem>>, vector<1x16xf32>,
        %get3A_472 = vector.shape_cast %get3A_471 : vector<1x16xf32> to vector<16xf32>
        %add3A_473 = arith.addf %add3A_429, %get3A_472 : vector<16xf32>
        %add3A_474 = arith.constant 5 : i32
        %add3A_475 = arith.addi %mul3A_221, %add3A_474 : i32
        %get3A_476 = arith.constant 0 : i32
        %get3A_477 = arith.constant 0 : i32
        %get3A_478 = tpu.memref_slice %arg6[%scan3A_119, %get3A_476, %get3A_477] : memref<2x200x64xf32, #tpu.memory_space<vmem>> -> memref<1x200x64xf32, #tpu.memory_space<vmem>>
        %get3A_479 = tpu.memref_squeeze %get3A_478 : memref<1x200x64xf32, #tpu.memory_space<vmem>> -> memref<200x64xf32, #tpu.memory_space<vmem>>
        %get3A_480 = arith.index_cast %add3A_475 : i32 to index
        %get3A_481 = arith.constant 48 : index
        %get3A_482 = tpu.vector_load %get3A_479[%get3A_480, %get3A_481] {strides = array<i32>} : memref<200x64xf32, #tpu.memory_space<vmem>>, vector<1x16xf32>,
        %get3A_483 = vector.shape_cast %get3A_482 : vector<1x16xf32> to vector<16xf32>
        %add3A_484 = arith.addf %add3A_440, %get3A_483 : vector<16xf32>
        %add3A_485 = arith.constant 6 : i32
        %add3A_486 = arith.addi %mul3A_221, %add3A_485 : i32
        %get3A_487 = arith.constant 0 : i32
        %get3A_488 = arith.constant 0 : i32
        %get3A_489 = tpu.memref_slice %arg6[%scan3A_119, %get3A_487, %get3A_488] : memref<2x200x64xf32, #tpu.memory_space<vmem>> -> memref<1x200x64xf32, #tpu.memory_space<vmem>>
        %get3A_490 = tpu.memref_squeeze %get3A_489 : memref<1x200x64xf32, #tpu.memory_space<vmem>> -> memref<200x64xf32, #tpu.memory_space<vmem>>
        %get3A_491 = arith.index_cast %add3A_486 : i32 to index
        %get3A_492 = arith.constant 0 : index
        %get3A_493 = tpu.vector_load %get3A_490[%get3A_491, %get3A_492] {strides = array<i32>} : memref<200x64xf32, #tpu.memory_space<vmem>>, vector<1x16xf32>,
        %get3A_494 = vector.shape_cast %get3A_493 : vector<1x16xf32> to vector<16xf32>
        %add3A_495 = arith.addf %add3A_451, %get3A_494 : vector<16xf32>
        %add3A_496 = arith.constant 6 : i32
        %add3A_497 = arith.addi %mul3A_221, %add3A_496 : i32
        %get3A_498 = arith.constant 0 : i32
        %get3A_499 = arith.constant 0 : i32
        %get3A_500 = tpu.memref_slice %arg6[%scan3A_119, %get3A_498, %get3A_499] : memref<2x200x64xf32, #tpu.memory_space<vmem>> -> memref<1x200x64xf32, #tpu.memory_space<vmem>>
        %get3A_501 = tpu.memref_squeeze %get3A_500 : memref<1x200x64xf32, #tpu.memory_space<vmem>> -> memref<200x64xf32, #tpu.memory_space<vmem>>
        %get3A_502 = arith.index_cast %add3A_497 : i32 to index
        %get3A_503 = arith.constant 16 : index
        %get3A_504 = tpu.vector_load %get3A_501[%get3A_502, %get3A_503] {strides = array<i32>} : memref<200x64xf32, #tpu.memory_space<vmem>>, vector<1x16xf32>,
        %get3A_505 = vector.shape_cast %get3A_504 : vector<1x16xf32> to vector<16xf32>
        %add3A_506 = arith.addf %add3A_462, %get3A_505 : vector<16xf32>
        %add3A_507 = arith.constant 6 : i32
        %add3A_508 = arith.addi %mul3A_221, %add3A_507 : i32
        %get3A_509 = arith.constant 0 : i32
        %get3A_510 = arith.constant 0 : i32
        %get3A_511 = tpu.memref_slice %arg6[%scan3A_119, %get3A_509, %get3A_510] : memref<2x200x64xf32, #tpu.memory_space<vmem>> -> memref<1x200x64xf32, #tpu.memory_space<vmem>>
        %get3A_512 = tpu.memref_squeeze %get3A_511 : memref<1x200x64xf32, #tpu.memory_space<vmem>> -> memref<200x64xf32, #tpu.memory_space<vmem>>
        %get3A_513 = arith.index_cast %add3A_508 : i32 to index
        %get3A_514 = arith.constant 32 : index
        %get3A_515 = tpu.vector_load %get3A_512[%get3A_513, %get3A_514] {strides = array<i32>} : memref<200x64xf32, #tpu.memory_space<vmem>>, vector<1x16xf32>,
        %get3A_516 = vector.shape_cast %get3A_515 : vector<1x16xf32> to vector<16xf32>
        %add3A_517 = arith.addf %add3A_473, %get3A_516 : vector<16xf32>
        %add3A_518 = arith.constant 6 : i32
        %add3A_519 = arith.addi %mul3A_221, %add3A_518 : i32
        %get3A_520 = arith.constant 0 : i32
        %get3A_521 = arith.constant 0 : i32
        %get3A_522 = tpu.memref_slice %arg6[%scan3A_119, %get3A_520, %get3A_521] : memref<2x200x64xf32, #tpu.memory_space<vmem>> -> memref<1x200x64xf32, #tpu.memory_space<vmem>>
        %get3A_523 = tpu.memref_squeeze %get3A_522 : memref<1x200x64xf32, #tpu.memory_space<vmem>> -> memref<200x64xf32, #tpu.memory_space<vmem>>
        %get3A_524 = arith.index_cast %add3A_519 : i32 to index
        %get3A_525 = arith.constant 48 : index
        %get3A_526 = tpu.vector_load %get3A_523[%get3A_524, %get3A_525] {strides = array<i32>} : memref<200x64xf32, #tpu.memory_space<vmem>>, vector<1x16xf32>,
        %get3A_527 = vector.shape_cast %get3A_526 : vector<1x16xf32> to vector<16xf32>
        %add3A_528 = arith.addf %add3A_484, %get3A_527 : vector<16xf32>
        %add3A_529 = arith.constant 7 : i32
        %add3A_530 = arith.addi %mul3A_221, %add3A_529 : i32
        %get3A_531 = arith.constant 0 : i32
        %get3A_532 = arith.constant 0 : i32
        %get3A_533 = tpu.memref_slice %arg6[%scan3A_119, %get3A_531, %get3A_532] : memref<2x200x64xf32, #tpu.memory_space<vmem>> -> memref<1x200x64xf32, #tpu.memory_space<vmem>>
        %get3A_534 = tpu.memref_squeeze %get3A_533 : memref<1x200x64xf32, #tpu.memory_space<vmem>> -> memref<200x64xf32, #tpu.memory_space<vmem>>
        %get3A_535 = arith.index_cast %add3A_530 : i32 to index
        %get3A_536 = arith.constant 0 : index
        %get3A_537 = tpu.vector_load %get3A_534[%get3A_535, %get3A_536] {strides = array<i32>} : memref<200x64xf32, #tpu.memory_space<vmem>>, vector<1x16xf32>,
        %get3A_538 = vector.shape_cast %get3A_537 : vector<1x16xf32> to vector<16xf32>
        %add3A_539 = arith.addf %add3A_495, %get3A_538 : vector<16xf32>
        %add3A_540 = arith.constant 7 : i32
        %add3A_541 = arith.addi %mul3A_221, %add3A_540 : i32
        %get3A_542 = arith.constant 0 : i32
        %get3A_543 = arith.constant 0 : i32
        %get3A_544 = tpu.memref_slice %arg6[%scan3A_119, %get3A_542, %get3A_543] : memref<2x200x64xf32, #tpu.memory_space<vmem>> -> memref<1x200x64xf32, #tpu.memory_space<vmem>>
        %get3A_545 = tpu.memref_squeeze %get3A_544 : memref<1x200x64xf32, #tpu.memory_space<vmem>> -> memref<200x64xf32, #tpu.memory_space<vmem>>
        %get3A_546 = arith.index_cast %add3A_541 : i32 to index
        %get3A_547 = arith.constant 16 : index
        %get3A_548 = tpu.vector_load %get3A_545[%get3A_546, %get3A_547] {strides = array<i32>} : memref<200x64xf32, #tpu.memory_space<vmem>>, vector<1x16xf32>,
        %get3A_549 = vector.shape_cast %get3A_548 : vector<1x16xf32> to vector<16xf32>
        %add3A_550 = arith.addf %add3A_506, %get3A_549 : vector<16xf32>
        %add3A_551 = arith.constant 7 : i32
        %add3A_552 = arith.addi %mul3A_221, %add3A_551 : i32
        %get3A_553 = arith.constant 0 : i32
        %get3A_554 = arith.constant 0 : i32
        %get3A_555 = tpu.memref_slice %arg6[%scan3A_119, %get3A_553, %get3A_554] : memref<2x200x64xf32, #tpu.memory_space<vmem>> -> memref<1x200x64xf32, #tpu.memory_space<vmem>>
        %get3A_556 = tpu.memref_squeeze %get3A_555 : memref<1x200x64xf32, #tpu.memory_space<vmem>> -> memref<200x64xf32, #tpu.memory_space<vmem>>
        %get3A_557 = arith.index_cast %add3A_552 : i32 to index
        %get3A_558 = arith.constant 32 : index
        %get3A_559 = tpu.vector_load %get3A_556[%get3A_557, %get3A_558] {strides = array<i32>} : memref<200x64xf32, #tpu.memory_space<vmem>>, vector<1x16xf32>,
        %get3A_560 = vector.shape_cast %get3A_559 : vector<1x16xf32> to vector<16xf32>
        %add3A_561 = arith.addf %add3A_517, %get3A_560 : vector<16xf32>
        %add3A_562 = arith.constant 7 : i32
        %add3A_563 = arith.addi %mul3A_221, %add3A_562 : i32
        %get3A_564 = arith.constant 0 : i32
        %get3A_565 = arith.constant 0 : i32
        %get3A_566 = tpu.memref_slice %arg6[%scan3A_119, %get3A_564, %get3A_565] : memref<2x200x64xf32, #tpu.memory_space<vmem>> -> memref<1x200x64xf32, #tpu.memory_space<vmem>>
        %get3A_567 = tpu.memref_squeeze %get3A_566 : memref<1x200x64xf32, #tpu.memory_space<vmem>> -> memref<200x64xf32, #tpu.memory_space<vmem>>
        %get3A_568 = arith.index_cast %add3A_563 : i32 to index
        %get3A_569 = arith.constant 48 : index
        %get3A_570 = tpu.vector_load %get3A_567[%get3A_568, %get3A_569] {strides = array<i32>} : memref<200x64xf32, #tpu.memory_space<vmem>>, vector<1x16xf32>,
        %get3A_571 = vector.shape_cast %get3A_570 : vector<1x16xf32> to vector<16xf32>
        %add3A_572 = arith.addf %add3A_528, %get3A_571 : vector<16xf32>
        scf.yield %add3A_539, %add3A_550, %add3A_561, %add3A_572 : vector<16xf32>, vector<16xf32>, vector<16xf32>, vector<16xf32>
      }
      %scan3A_125 = arith.constant 25 : i32
      %swap3A = arith.index_cast %mul3A_118 : i32 to index
      %swap3A_126 = arith.constant 0 : index
      %swap3A_127 = tpu.vector_load %arg7[%swap3A, %swap3A_126] {strides = array<i32>} : memref<8x64xf32, #tpu.memory_space<vmem>>, vector<1x16xf32>,
      %swap3A_128 = vector.shape_cast %swap3A_127 : vector<1x16xf32> to vector<16xf32>
      %swap3A_129 = vector.shape_cast %scan3A_124#0 : vector<16xf32> to vector<1x16xf32>
      tpu.vector_store %arg7[%swap3A, %swap3A_126], %swap3A_129 {strides = array<i32>} : memref<8x64xf32, #tpu.memory_space<vmem>>, vector<1x16xf32>,
      %swap3A_130 = arith.index_cast %mul3A_118 : i32 to index
      %swap3A_131 = arith.constant 16 : index
      %swap3A_132 = tpu.vector_load %arg7[%swap3A_130, %swap3A_131] {strides = array<i32>} : memref<8x64xf32, #tpu.memory_space<vmem>>, vector<1x16xf32>,
      %swap3A_133 = vector.shape_cast %swap3A_132 : vector<1x16xf32> to vector<16xf32>
      %swap3A_134 = vector.shape_cast %scan3A_124#1 : vector<16xf32> to vector<1x16xf32>
      tpu.vector_store %arg7[%swap3A_130, %swap3A_131], %swap3A_134 {strides = array<i32>} : memref<8x64xf32, #tpu.memory_space<vmem>>, vector<1x16xf32>,
      %swap3A_135 = arith.index_cast %mul3A_118 : i32 to index
      %swap3A_136 = arith.constant 32 : index
      %swap3A_137 = tpu.vector_load %arg7[%swap3A_135, %swap3A_136] {strides = array<i32>} : memref<8x64xf32, #tpu.memory_space<vmem>>, vector<1x16xf32>,
      %swap3A_138 = vector.shape_cast %swap3A_137 : vector<1x16xf32> to vector<16xf32>
      %swap3A_139 = vector.shape_cast %scan3A_124#2 : vector<16xf32> to vector<1x16xf32>
      tpu.vector_store %arg7[%swap3A_135, %swap3A_136], %swap3A_139 {strides = array<i32>} : memref<8x64xf32, #tpu.memory_space<vmem>>, vector<1x16xf32>,
      %swap3A_140 = arith.index_cast %mul3A_118 : i32 to index
      %swap3A_141 = arith.constant 48 : index
      %swap3A_142 = tpu.vector_load %arg7[%swap3A_140, %swap3A_141] {strides = array<i32>} : memref<8x64xf32, #tpu.memory_space<vmem>>, vector<1x16xf32>,
      %swap3A_143 = vector.shape_cast %swap3A_142 : vector<1x16xf32> to vector<16xf32>
      %swap3A_144 = vector.shape_cast %scan3A_124#3 : vector<16xf32> to vector<1x16xf32>
      tpu.vector_store %arg7[%swap3A_140, %swap3A_141], %swap3A_144 {strides = array<i32>} : memref<8x64xf32, #tpu.memory_space<vmem>>, vector<1x16xf32>,
      %lt3A = arith.constant 3 : i32
      %lt3A_145 = arith.cmpi slt, %scan3A_46, %lt3A : i32
      %convert_element_type3A = arith.extui %lt3A_145 : i1 to i32
      %cond3A = arith.constant 0 : i32
      %cond3A_146 = arith.cmpi ne, %convert_element_type3A, %cond3A : i32
      scf.if %cond3A_146 {
        %mul3A_215 = arith.constant 2 : i32
        %mul3A_216 = arith.muli %mul3A_215, %scan3A_46 : i32
        %add3A_217 = arith.constant 2 : i32
        %add3A_218 = arith.addi %mul3A_216, %add3A_217 : i32
        %mul3A_219 = arith.constant 200 : i32
        %mul3A_220 = arith.muli %add3A_218, %mul3A_219 : i32
        %add3A_221 = arith.constant 0 : i32
        %add3A_222 = arith.addi %mul3A_220, %add3A_221 : i32
        %dma_start3A_223 = arith.constant 0 : i32
        %dma_start3A_224 = arith.constant 0 : i32
        %dma_start3A_225 = arith.constant 0 : i32
        %dma_start3A_226 = tpu.memref_slice %arg6[%dma_start3A_223, %dma_start3A_224, %dma_start3A_225] : memref<2x200x64xf32, #tpu.memory_space<vmem>> -> memref<1x200x64xf32, #tpu.memory_space<vmem>>
        %dma_start3A_227 = tpu.memref_squeeze %dma_start3A_226 : memref<1x200x64xf32, #tpu.memory_space<vmem>> -> memref<200x64xf32, #tpu.memory_space<vmem>>
        %dma_start3A_228 = arith.constant 0 : i32
        %dma_start3A_229 = arith.constant 0 : i32
        %dma_start3A_230 = tpu.memref_slice %dma_start3A_227[%dma_start3A_228, %dma_start3A_229] : memref<200x64xf32, #tpu.memory_space<vmem>> -> memref<128x64xf32, #tpu.memory_space<vmem>>
        %dma_start3A_231 = tpu.memref_slice %arg5[%add3A_222] : memref<1600xi32, #tpu.memory_space<vmem>> -> memref<128xi32, #tpu.memory_space<vmem>>
        %dma_start3A_232 = arith.constant 0 : i32
        %dma_start3A_233 = arith.constant 0 : i32
        %dma_start3A_234 = tpu.memref_slice %arg3[%dma_start3A_232, %dma_start3A_233] : memref<100001x64xf32, #tpu.memory_space<hbm>> -> memref<100001x64xf32, #tpu.memory_space<hbm>>
        tpu.enqueue_indirect_dma source(%dma_start3A_234 : memref<100001x64xf32, #tpu.memory_space<hbm>>) target(%dma_start3A_230 : memref<128x64xf32, #tpu.memory_space<vmem>>) offsets(%dma_start3A_231 : memref<128xi32, #tpu.memory_space<vmem>>) semaphore(%arg8 : memref<!tpu.dma_semaphore, #tpu.memory_space<semaphore_mem>>)
        %mul3A_235 = arith.constant 200 : i32
        %mul3A_236 = arith.muli %add3A_218, %mul3A_235 : i32
        %add3A_237 = arith.constant 128 : i32
        %add3A_238 = arith.addi %mul3A_236, %add3A_237 : i32
        %dma_start3A_239 = arith.constant 0 : i32
        %dma_start3A_240 = arith.constant 0 : i32
        %dma_start3A_241 = arith.constant 0 : i32
        %dma_start3A_242 = tpu.memref_slice %arg6[%dma_start3A_239, %dma_start3A_240, %dma_start3A_241] : memref<2x200x64xf32, #tpu.memory_space<vmem>> -> memref<1x200x64xf32, #tpu.memory_space<vmem>>
        %dma_start3A_243 = tpu.memref_squeeze %dma_start3A_242 : memref<1x200x64xf32, #tpu.memory_space<vmem>> -> memref<200x64xf32, #tpu.memory_space<vmem>>
        %dma_start3A_244 = arith.constant 128 : i32
        %dma_start3A_245 = arith.constant 0 : i32
        %dma_start3A_246 = tpu.memref_slice %dma_start3A_243[%dma_start3A_244, %dma_start3A_245] : memref<200x64xf32, #tpu.memory_space<vmem>> -> memref<72x64xf32, #tpu.memory_space<vmem>>
        %dma_start3A_247 = tpu.memref_slice %arg5[%add3A_238] : memref<1600xi32, #tpu.memory_space<vmem>> -> memref<72xi32, #tpu.memory_space<vmem>>
        %dma_start3A_248 = arith.constant 0 : i32
        %dma_start3A_249 = arith.constant 0 : i32
        %dma_start3A_250 = tpu.memref_slice %arg3[%dma_start3A_248, %dma_start3A_249] : memref<100001x64xf32, #tpu.memory_space<hbm>> -> memref<100001x64xf32, #tpu.memory_space<hbm>>
        tpu.enqueue_indirect_dma source(%dma_start3A_250 : memref<100001x64xf32, #tpu.memory_space<hbm>>) target(%dma_start3A_246 : memref<72x64xf32, #tpu.memory_space<vmem>>) offsets(%dma_start3A_247 : memref<72xi32, #tpu.memory_space<vmem>>) semaphore(%arg8 : memref<!tpu.dma_semaphore, #tpu.memory_space<semaphore_mem>>)
      } else {
      }
      %mul3A_147 = arith.constant 2 : i32
      %mul3A_148 = arith.muli %mul3A_147, %scan3A_46 : i32
      %add3A_149 = arith.constant 1 : i32
      %add3A_150 = arith.addi %mul3A_148, %add3A_149 : i32
      %mul3A_151 = arith.constant 200 : i32
      %mul3A_152 = arith.muli %add3A_150, %mul3A_151 : i32
      %add3A_153 = arith.constant 0 : i32
      %add3A_154 = arith.addi %mul3A_152, %add3A_153 : i32
      %dma_wait3A_155 = arith.constant 1 : i32
      %dma_wait3A_156 = arith.constant 0 : i32
      %dma_wait3A_157 = arith.constant 0 : i32
      %dma_wait3A_158 = tpu.memref_slice %arg6[%dma_wait3A_155, %dma_wait3A_156, %dma_wait3A_157] : memref<2x200x64xf32, #tpu.memory_space<vmem>> -> memref<1x200x64xf32, #tpu.memory_space<vmem>>
      %dma_wait3A_159 = tpu.memref_squeeze %dma_wait3A_158 : memref<1x200x64xf32, #tpu.memory_space<vmem>> -> memref<200x64xf32, #tpu.memory_space<vmem>>
      %dma_wait3A_160 = arith.constant 0 : i32
      %dma_wait3A_161 = arith.constant 0 : i32
      %dma_wait3A_162 = tpu.memref_slice %dma_wait3A_159[%dma_wait3A_160, %dma_wait3A_161] : memref<200x64xf32, #tpu.memory_space<vmem>> -> memref<128x64xf32, #tpu.memory_space<vmem>>
      %dma_wait3A_163 = tpu.memref_slice %arg5[%add3A_154] : memref<1600xi32, #tpu.memory_space<vmem>> -> memref<128xi32, #tpu.memory_space<vmem>>
      %dma_wait3A_164 = arith.constant 0 : i32
      %dma_wait3A_165 = arith.constant 0 : i32
      %dma_wait3A_166 = tpu.memref_slice %arg3[%dma_wait3A_164, %dma_wait3A_165] : memref<100001x64xf32, #tpu.memory_space<hbm>> -> memref<100001x64xf32, #tpu.memory_space<hbm>>
      tpu.wait_indirect_dma semaphore(%arg9 : memref<!tpu.dma_semaphore, #tpu.memory_space<semaphore_mem>>) src(%dma_wait3A_166 : memref<100001x64xf32, #tpu.memory_space<hbm>>) dst(%dma_wait3A_162 : memref<128x64xf32, #tpu.memory_space<vmem>>)
      %mul3A_167 = arith.constant 200 : i32
      %mul3A_168 = arith.muli %add3A_150, %mul3A_167 : i32
      %add3A_169 = arith.constant 128 : i32
      %add3A_170 = arith.addi %mul3A_168, %add3A_169 : i32
      %dma_wait3A_171 = arith.constant 1 : i32
      %dma_wait3A_172 = arith.constant 0 : i32
      %dma_wait3A_173 = arith.constant 0 : i32
      %dma_wait3A_174 = tpu.memref_slice %arg6[%dma_wait3A_171, %dma_wait3A_172, %dma_wait3A_173] : memref<2x200x64xf32, #tpu.memory_space<vmem>> -> memref<1x200x64xf32, #tpu.memory_space<vmem>>
      %dma_wait3A_175 = tpu.memref_squeeze %dma_wait3A_174 : memref<1x200x64xf32, #tpu.memory_space<vmem>> -> memref<200x64xf32, #tpu.memory_space<vmem>>
      %dma_wait3A_176 = arith.constant 128 : i32
      %dma_wait3A_177 = arith.constant 0 : i32
      %dma_wait3A_178 = tpu.memref_slice %dma_wait3A_175[%dma_wait3A_176, %dma_wait3A_177] : memref<200x64xf32, #tpu.memory_space<vmem>> -> memref<72x64xf32, #tpu.memory_space<vmem>>
      %dma_wait3A_179 = tpu.memref_slice %arg5[%add3A_170] : memref<1600xi32, #tpu.memory_space<vmem>> -> memref<72xi32, #tpu.memory_space<vmem>>
      %dma_wait3A_180 = arith.constant 0 : i32
      %dma_wait3A_181 = arith.constant 0 : i32
      %dma_wait3A_182 = tpu.memref_slice %arg3[%dma_wait3A_180, %dma_wait3A_181] : memref<100001x64xf32, #tpu.memory_space<hbm>> -> memref<100001x64xf32, #tpu.memory_space<hbm>>
      tpu.wait_indirect_dma semaphore(%arg9 : memref<!tpu.dma_semaphore, #tpu.memory_space<semaphore_mem>>) src(%dma_wait3A_182 : memref<100001x64xf32, #tpu.memory_space<hbm>>) dst(%dma_wait3A_178 : memref<72x64xf32, #tpu.memory_space<vmem>>)
      %mul3A_183 = arith.constant 2 : i32
      %mul3A_184 = arith.muli %mul3A_183, %scan3A_46 : i32
      %add3A_185 = arith.constant 1 : i32
      %add3A_186 = arith.addi %mul3A_184, %add3A_185 : i32
      %scan3A_187 = arith.constant 1 : i32
      %scan3A_188 = arith.constant 0 : i32
      %scan3A_189 = arith.constant 25 : i32
      %scan3A_190 = arith.addi %scan3A_188, %scan3A_189 : i32
      %scan3A_191 = arith.constant 1 : i32
      %scan3A_192:4 = scf.for %scan3A_215 = %scan3A_188 to %scan3A_190 step %scan3A_191 iter_args(%scan3A_216 = %broadcast_in_dim3A_3, %scan3A_217 = %broadcast_in_dim3A_3, %scan3A_218 = %broadcast_in_dim3A_3, %scan3A_219 = %broadcast_in_dim3A_3) -> (vector<16xf32>, vector<16xf32>, vector<16xf32>, vector<16xf32>)  : i32 {
        %mul3A_220 = arith.constant 8 : i32
        %mul3A_221 = arith.muli %scan3A_215, %mul3A_220 : i32
        %add3A_222 = arith.constant 0 : i32
        %add3A_223 = arith.addi %mul3A_221, %add3A_222 : i32
        %get3A = arith.constant 0 : i32
        %get3A_224 = arith.constant 0 : i32
        %get3A_225 = tpu.memref_slice %arg6[%scan3A_187, %get3A, %get3A_224] : memref<2x200x64xf32, #tpu.memory_space<vmem>> -> memref<1x200x64xf32, #tpu.memory_space<vmem>>
        %get3A_226 = tpu.memref_squeeze %get3A_225 : memref<1x200x64xf32, #tpu.memory_space<vmem>> -> memref<200x64xf32, #tpu.memory_space<vmem>>
        %get3A_227 = arith.index_cast %add3A_223 : i32 to index
        %get3A_228 = arith.constant 0 : index
        %get3A_229 = tpu.vector_load %get3A_226[%get3A_227, %get3A_228] {strides = array<i32>} : memref<200x64xf32, #tpu.memory_space<vmem>>, vector<1x16xf32>,
        %get3A_230 = vector.shape_cast %get3A_229 : vector<1x16xf32> to vector<16xf32>
        %add3A_231 = arith.addf %scan3A_216, %get3A_230 : vector<16xf32>
        %add3A_232 = arith.constant 0 : i32
        %add3A_233 = arith.addi %mul3A_221, %add3A_232 : i32
        %get3A_234 = arith.constant 0 : i32
        %get3A_235 = arith.constant 0 : i32
        %get3A_236 = tpu.memref_slice %arg6[%scan3A_187, %get3A_234, %get3A_235] : memref<2x200x64xf32, #tpu.memory_space<vmem>> -> memref<1x200x64xf32, #tpu.memory_space<vmem>>
        %get3A_237 = tpu.memref_squeeze %get3A_236 : memref<1x200x64xf32, #tpu.memory_space<vmem>> -> memref<200x64xf32, #tpu.memory_space<vmem>>
        %get3A_238 = arith.index_cast %add3A_233 : i32 to index
        %get3A_239 = arith.constant 16 : index
        %get3A_240 = tpu.vector_load %get3A_237[%get3A_238, %get3A_239] {strides = array<i32>} : memref<200x64xf32, #tpu.memory_space<vmem>>, vector<1x16xf32>,
        %get3A_241 = vector.shape_cast %get3A_240 : vector<1x16xf32> to vector<16xf32>
        %add3A_242 = arith.addf %scan3A_217, %get3A_241 : vector<16xf32>
        %add3A_243 = arith.constant 0 : i32
        %add3A_244 = arith.addi %mul3A_221, %add3A_243 : i32
        %get3A_245 = arith.constant 0 : i32
        %get3A_246 = arith.constant 0 : i32
        %get3A_247 = tpu.memref_slice %arg6[%scan3A_187, %get3A_245, %get3A_246] : memref<2x200x64xf32, #tpu.memory_space<vmem>> -> memref<1x200x64xf32, #tpu.memory_space<vmem>>
        %get3A_248 = tpu.memref_squeeze %get3A_247 : memref<1x200x64xf32, #tpu.memory_space<vmem>> -> memref<200x64xf32, #tpu.memory_space<vmem>>
        %get3A_249 = arith.index_cast %add3A_244 : i32 to index
        %get3A_250 = arith.constant 32 : index
        %get3A_251 = tpu.vector_load %get3A_248[%get3A_249, %get3A_250] {strides = array<i32>} : memref<200x64xf32, #tpu.memory_space<vmem>>, vector<1x16xf32>,
        %get3A_252 = vector.shape_cast %get3A_251 : vector<1x16xf32> to vector<16xf32>
        %add3A_253 = arith.addf %scan3A_218, %get3A_252 : vector<16xf32>
        %add3A_254 = arith.constant 0 : i32
        %add3A_255 = arith.addi %mul3A_221, %add3A_254 : i32
        %get3A_256 = arith.constant 0 : i32
        %get3A_257 = arith.constant 0 : i32
        %get3A_258 = tpu.memref_slice %arg6[%scan3A_187, %get3A_256, %get3A_257] : memref<2x200x64xf32, #tpu.memory_space<vmem>> -> memref<1x200x64xf32, #tpu.memory_space<vmem>>
        %get3A_259 = tpu.memref_squeeze %get3A_258 : memref<1x200x64xf32, #tpu.memory_space<vmem>> -> memref<200x64xf32, #tpu.memory_space<vmem>>
        %get3A_260 = arith.index_cast %add3A_255 : i32 to index
        %get3A_261 = arith.constant 48 : index
        %get3A_262 = tpu.vector_load %get3A_259[%get3A_260, %get3A_261] {strides = array<i32>} : memref<200x64xf32, #tpu.memory_space<vmem>>, vector<1x16xf32>,
        %get3A_263 = vector.shape_cast %get3A_262 : vector<1x16xf32> to vector<16xf32>
        %add3A_264 = arith.addf %scan3A_219, %get3A_263 : vector<16xf32>
        %add3A_265 = arith.constant 1 : i32
        %add3A_266 = arith.addi %mul3A_221, %add3A_265 : i32
        %get3A_267 = arith.constant 0 : i32
        %get3A_268 = arith.constant 0 : i32
        %get3A_269 = tpu.memref_slice %arg6[%scan3A_187, %get3A_267, %get3A_268] : memref<2x200x64xf32, #tpu.memory_space<vmem>> -> memref<1x200x64xf32, #tpu.memory_space<vmem>>
        %get3A_270 = tpu.memref_squeeze %get3A_269 : memref<1x200x64xf32, #tpu.memory_space<vmem>> -> memref<200x64xf32, #tpu.memory_space<vmem>>
        %get3A_271 = arith.index_cast %add3A_266 : i32 to index
        %get3A_272 = arith.constant 0 : index
        %get3A_273 = tpu.vector_load %get3A_270[%get3A_271, %get3A_272] {strides = array<i32>} : memref<200x64xf32, #tpu.memory_space<vmem>>, vector<1x16xf32>,
        %get3A_274 = vector.shape_cast %get3A_273 : vector<1x16xf32> to vector<16xf32>
        %add3A_275 = arith.addf %add3A_231, %get3A_274 : vector<16xf32>
        %add3A_276 = arith.constant 1 : i32
        %add3A_277 = arith.addi %mul3A_221, %add3A_276 : i32
        %get3A_278 = arith.constant 0 : i32
        %get3A_279 = arith.constant 0 : i32
        %get3A_280 = tpu.memref_slice %arg6[%scan3A_187, %get3A_278, %get3A_279] : memref<2x200x64xf32, #tpu.memory_space<vmem>> -> memref<1x200x64xf32, #tpu.memory_space<vmem>>
        %get3A_281 = tpu.memref_squeeze %get3A_280 : memref<1x200x64xf32, #tpu.memory_space<vmem>> -> memref<200x64xf32, #tpu.memory_space<vmem>>
        %get3A_282 = arith.index_cast %add3A_277 : i32 to index
        %get3A_283 = arith.constant 16 : index
        %get3A_284 = tpu.vector_load %get3A_281[%get3A_282, %get3A_283] {strides = array<i32>} : memref<200x64xf32, #tpu.memory_space<vmem>>, vector<1x16xf32>,
        %get3A_285 = vector.shape_cast %get3A_284 : vector<1x16xf32> to vector<16xf32>
        %add3A_286 = arith.addf %add3A_242, %get3A_285 : vector<16xf32>
        %add3A_287 = arith.constant 1 : i32
        %add3A_288 = arith.addi %mul3A_221, %add3A_287 : i32
        %get3A_289 = arith.constant 0 : i32
        %get3A_290 = arith.constant 0 : i32
        %get3A_291 = tpu.memref_slice %arg6[%scan3A_187, %get3A_289, %get3A_290] : memref<2x200x64xf32, #tpu.memory_space<vmem>> -> memref<1x200x64xf32, #tpu.memory_space<vmem>>
        %get3A_292 = tpu.memref_squeeze %get3A_291 : memref<1x200x64xf32, #tpu.memory_space<vmem>> -> memref<200x64xf32, #tpu.memory_space<vmem>>
        %get3A_293 = arith.index_cast %add3A_288 : i32 to index
        %get3A_294 = arith.constant 32 : index
        %get3A_295 = tpu.vector_load %get3A_292[%get3A_293, %get3A_294] {strides = array<i32>} : memref<200x64xf32, #tpu.memory_space<vmem>>, vector<1x16xf32>,
        %get3A_296 = vector.shape_cast %get3A_295 : vector<1x16xf32> to vector<16xf32>
        %add3A_297 = arith.addf %add3A_253, %get3A_296 : vector<16xf32>
        %add3A_298 = arith.constant 1 : i32
        %add3A_299 = arith.addi %mul3A_221, %add3A_298 : i32
        %get3A_300 = arith.constant 0 : i32
        %get3A_301 = arith.constant 0 : i32
        %get3A_302 = tpu.memref_slice %arg6[%scan3A_187, %get3A_300, %get3A_301] : memref<2x200x64xf32, #tpu.memory_space<vmem>> -> memref<1x200x64xf32, #tpu.memory_space<vmem>>
        %get3A_303 = tpu.memref_squeeze %get3A_302 : memref<1x200x64xf32, #tpu.memory_space<vmem>> -> memref<200x64xf32, #tpu.memory_space<vmem>>
        %get3A_304 = arith.index_cast %add3A_299 : i32 to index
        %get3A_305 = arith.constant 48 : index
        %get3A_306 = tpu.vector_load %get3A_303[%get3A_304, %get3A_305] {strides = array<i32>} : memref<200x64xf32, #tpu.memory_space<vmem>>, vector<1x16xf32>,
        %get3A_307 = vector.shape_cast %get3A_306 : vector<1x16xf32> to vector<16xf32>
        %add3A_308 = arith.addf %add3A_264, %get3A_307 : vector<16xf32>
        %add3A_309 = arith.constant 2 : i32
        %add3A_310 = arith.addi %mul3A_221, %add3A_309 : i32
        %get3A_311 = arith.constant 0 : i32
        %get3A_312 = arith.constant 0 : i32
        %get3A_313 = tpu.memref_slice %arg6[%scan3A_187, %get3A_311, %get3A_312] : memref<2x200x64xf32, #tpu.memory_space<vmem>> -> memref<1x200x64xf32, #tpu.memory_space<vmem>>
        %get3A_314 = tpu.memref_squeeze %get3A_313 : memref<1x200x64xf32, #tpu.memory_space<vmem>> -> memref<200x64xf32, #tpu.memory_space<vmem>>
        %get3A_315 = arith.index_cast %add3A_310 : i32 to index
        %get3A_316 = arith.constant 0 : index
        %get3A_317 = tpu.vector_load %get3A_314[%get3A_315, %get3A_316] {strides = array<i32>} : memref<200x64xf32, #tpu.memory_space<vmem>>, vector<1x16xf32>,
        %get3A_318 = vector.shape_cast %get3A_317 : vector<1x16xf32> to vector<16xf32>
        %add3A_319 = arith.addf %add3A_275, %get3A_318 : vector<16xf32>
        %add3A_320 = arith.constant 2 : i32
        %add3A_321 = arith.addi %mul3A_221, %add3A_320 : i32
        %get3A_322 = arith.constant 0 : i32
        %get3A_323 = arith.constant 0 : i32
        %get3A_324 = tpu.memref_slice %arg6[%scan3A_187, %get3A_322, %get3A_323] : memref<2x200x64xf32, #tpu.memory_space<vmem>> -> memref<1x200x64xf32, #tpu.memory_space<vmem>>
        %get3A_325 = tpu.memref_squeeze %get3A_324 : memref<1x200x64xf32, #tpu.memory_space<vmem>> -> memref<200x64xf32, #tpu.memory_space<vmem>>
        %get3A_326 = arith.index_cast %add3A_321 : i32 to index
        %get3A_327 = arith.constant 16 : index
        %get3A_328 = tpu.vector_load %get3A_325[%get3A_326, %get3A_327] {strides = array<i32>} : memref<200x64xf32, #tpu.memory_space<vmem>>, vector<1x16xf32>,
        %get3A_329 = vector.shape_cast %get3A_328 : vector<1x16xf32> to vector<16xf32>
        %add3A_330 = arith.addf %add3A_286, %get3A_329 : vector<16xf32>
        %add3A_331 = arith.constant 2 : i32
        %add3A_332 = arith.addi %mul3A_221, %add3A_331 : i32
        %get3A_333 = arith.constant 0 : i32
        %get3A_334 = arith.constant 0 : i32
        %get3A_335 = tpu.memref_slice %arg6[%scan3A_187, %get3A_333, %get3A_334] : memref<2x200x64xf32, #tpu.memory_space<vmem>> -> memref<1x200x64xf32, #tpu.memory_space<vmem>>
        %get3A_336 = tpu.memref_squeeze %get3A_335 : memref<1x200x64xf32, #tpu.memory_space<vmem>> -> memref<200x64xf32, #tpu.memory_space<vmem>>
        %get3A_337 = arith.index_cast %add3A_332 : i32 to index
        %get3A_338 = arith.constant 32 : index
        %get3A_339 = tpu.vector_load %get3A_336[%get3A_337, %get3A_338] {strides = array<i32>} : memref<200x64xf32, #tpu.memory_space<vmem>>, vector<1x16xf32>,
        %get3A_340 = vector.shape_cast %get3A_339 : vector<1x16xf32> to vector<16xf32>
        %add3A_341 = arith.addf %add3A_297, %get3A_340 : vector<16xf32>
        %add3A_342 = arith.constant 2 : i32
        %add3A_343 = arith.addi %mul3A_221, %add3A_342 : i32
        %get3A_344 = arith.constant 0 : i32
        %get3A_345 = arith.constant 0 : i32
        %get3A_346 = tpu.memref_slice %arg6[%scan3A_187, %get3A_344, %get3A_345] : memref<2x200x64xf32, #tpu.memory_space<vmem>> -> memref<1x200x64xf32, #tpu.memory_space<vmem>>
        %get3A_347 = tpu.memref_squeeze %get3A_346 : memref<1x200x64xf32, #tpu.memory_space<vmem>> -> memref<200x64xf32, #tpu.memory_space<vmem>>
        %get3A_348 = arith.index_cast %add3A_343 : i32 to index
        %get3A_349 = arith.constant 48 : index
        %get3A_350 = tpu.vector_load %get3A_347[%get3A_348, %get3A_349] {strides = array<i32>} : memref<200x64xf32, #tpu.memory_space<vmem>>, vector<1x16xf32>,
        %get3A_351 = vector.shape_cast %get3A_350 : vector<1x16xf32> to vector<16xf32>
        %add3A_352 = arith.addf %add3A_308, %get3A_351 : vector<16xf32>
        %add3A_353 = arith.constant 3 : i32
        %add3A_354 = arith.addi %mul3A_221, %add3A_353 : i32
        %get3A_355 = arith.constant 0 : i32
        %get3A_356 = arith.constant 0 : i32
        %get3A_357 = tpu.memref_slice %arg6[%scan3A_187, %get3A_355, %get3A_356] : memref<2x200x64xf32, #tpu.memory_space<vmem>> -> memref<1x200x64xf32, #tpu.memory_space<vmem>>
        %get3A_358 = tpu.memref_squeeze %get3A_357 : memref<1x200x64xf32, #tpu.memory_space<vmem>> -> memref<200x64xf32, #tpu.memory_space<vmem>>
        %get3A_359 = arith.index_cast %add3A_354 : i32 to index
        %get3A_360 = arith.constant 0 : index
        %get3A_361 = tpu.vector_load %get3A_358[%get3A_359, %get3A_360] {strides = array<i32>} : memref<200x64xf32, #tpu.memory_space<vmem>>, vector<1x16xf32>,
        %get3A_362 = vector.shape_cast %get3A_361 : vector<1x16xf32> to vector<16xf32>
        %add3A_363 = arith.addf %add3A_319, %get3A_362 : vector<16xf32>
        %add3A_364 = arith.constant 3 : i32
        %add3A_365 = arith.addi %mul3A_221, %add3A_364 : i32
        %get3A_366 = arith.constant 0 : i32
        %get3A_367 = arith.constant 0 : i32
        %get3A_368 = tpu.memref_slice %arg6[%scan3A_187, %get3A_366, %get3A_367] : memref<2x200x64xf32, #tpu.memory_space<vmem>> -> memref<1x200x64xf32, #tpu.memory_space<vmem>>
        %get3A_369 = tpu.memref_squeeze %get3A_368 : memref<1x200x64xf32, #tpu.memory_space<vmem>> -> memref<200x64xf32, #tpu.memory_space<vmem>>
        %get3A_370 = arith.index_cast %add3A_365 : i32 to index
        %get3A_371 = arith.constant 16 : index
        %get3A_372 = tpu.vector_load %get3A_369[%get3A_370, %get3A_371] {strides = array<i32>} : memref<200x64xf32, #tpu.memory_space<vmem>>, vector<1x16xf32>,
        %get3A_373 = vector.shape_cast %get3A_372 : vector<1x16xf32> to vector<16xf32>
        %add3A_374 = arith.addf %add3A_330, %get3A_373 : vector<16xf32>
        %add3A_375 = arith.constant 3 : i32
        %add3A_376 = arith.addi %mul3A_221, %add3A_375 : i32
        %get3A_377 = arith.constant 0 : i32
        %get3A_378 = arith.constant 0 : i32
        %get3A_379 = tpu.memref_slice %arg6[%scan3A_187, %get3A_377, %get3A_378] : memref<2x200x64xf32, #tpu.memory_space<vmem>> -> memref<1x200x64xf32, #tpu.memory_space<vmem>>
        %get3A_380 = tpu.memref_squeeze %get3A_379 : memref<1x200x64xf32, #tpu.memory_space<vmem>> -> memref<200x64xf32, #tpu.memory_space<vmem>>
        %get3A_381 = arith.index_cast %add3A_376 : i32 to index
        %get3A_382 = arith.constant 32 : index
        %get3A_383 = tpu.vector_load %get3A_380[%get3A_381, %get3A_382] {strides = array<i32>} : memref<200x64xf32, #tpu.memory_space<vmem>>, vector<1x16xf32>,
        %get3A_384 = vector.shape_cast %get3A_383 : vector<1x16xf32> to vector<16xf32>
        %add3A_385 = arith.addf %add3A_341, %get3A_384 : vector<16xf32>
        %add3A_386 = arith.constant 3 : i32
        %add3A_387 = arith.addi %mul3A_221, %add3A_386 : i32
        %get3A_388 = arith.constant 0 : i32
        %get3A_389 = arith.constant 0 : i32
        %get3A_390 = tpu.memref_slice %arg6[%scan3A_187, %get3A_388, %get3A_389] : memref<2x200x64xf32, #tpu.memory_space<vmem>> -> memref<1x200x64xf32, #tpu.memory_space<vmem>>
        %get3A_391 = tpu.memref_squeeze %get3A_390 : memref<1x200x64xf32, #tpu.memory_space<vmem>> -> memref<200x64xf32, #tpu.memory_space<vmem>>
        %get3A_392 = arith.index_cast %add3A_387 : i32 to index
        %get3A_393 = arith.constant 48 : index
        %get3A_394 = tpu.vector_load %get3A_391[%get3A_392, %get3A_393] {strides = array<i32>} : memref<200x64xf32, #tpu.memory_space<vmem>>, vector<1x16xf32>,
        %get3A_395 = vector.shape_cast %get3A_394 : vector<1x16xf32> to vector<16xf32>
        %add3A_396 = arith.addf %add3A_352, %get3A_395 : vector<16xf32>
        %add3A_397 = arith.constant 4 : i32
        %add3A_398 = arith.addi %mul3A_221, %add3A_397 : i32
        %get3A_399 = arith.constant 0 : i32
        %get3A_400 = arith.constant 0 : i32
        %get3A_401 = tpu.memref_slice %arg6[%scan3A_187, %get3A_399, %get3A_400] : memref<2x200x64xf32, #tpu.memory_space<vmem>> -> memref<1x200x64xf32, #tpu.memory_space<vmem>>
        %get3A_402 = tpu.memref_squeeze %get3A_401 : memref<1x200x64xf32, #tpu.memory_space<vmem>> -> memref<200x64xf32, #tpu.memory_space<vmem>>
        %get3A_403 = arith.index_cast %add3A_398 : i32 to index
        %get3A_404 = arith.constant 0 : index
        %get3A_405 = tpu.vector_load %get3A_402[%get3A_403, %get3A_404] {strides = array<i32>} : memref<200x64xf32, #tpu.memory_space<vmem>>, vector<1x16xf32>,
        %get3A_406 = vector.shape_cast %get3A_405 : vector<1x16xf32> to vector<16xf32>
        %add3A_407 = arith.addf %add3A_363, %get3A_406 : vector<16xf32>
        %add3A_408 = arith.constant 4 : i32
        %add3A_409 = arith.addi %mul3A_221, %add3A_408 : i32
        %get3A_410 = arith.constant 0 : i32
        %get3A_411 = arith.constant 0 : i32
        %get3A_412 = tpu.memref_slice %arg6[%scan3A_187, %get3A_410, %get3A_411] : memref<2x200x64xf32, #tpu.memory_space<vmem>> -> memref<1x200x64xf32, #tpu.memory_space<vmem>>
        %get3A_413 = tpu.memref_squeeze %get3A_412 : memref<1x200x64xf32, #tpu.memory_space<vmem>> -> memref<200x64xf32, #tpu.memory_space<vmem>>
        %get3A_414 = arith.index_cast %add3A_409 : i32 to index
        %get3A_415 = arith.constant 16 : index
        %get3A_416 = tpu.vector_load %get3A_413[%get3A_414, %get3A_415] {strides = array<i32>} : memref<200x64xf32, #tpu.memory_space<vmem>>, vector<1x16xf32>,
        %get3A_417 = vector.shape_cast %get3A_416 : vector<1x16xf32> to vector<16xf32>
        %add3A_418 = arith.addf %add3A_374, %get3A_417 : vector<16xf32>
        %add3A_419 = arith.constant 4 : i32
        %add3A_420 = arith.addi %mul3A_221, %add3A_419 : i32
        %get3A_421 = arith.constant 0 : i32
        %get3A_422 = arith.constant 0 : i32
        %get3A_423 = tpu.memref_slice %arg6[%scan3A_187, %get3A_421, %get3A_422] : memref<2x200x64xf32, #tpu.memory_space<vmem>> -> memref<1x200x64xf32, #tpu.memory_space<vmem>>
        %get3A_424 = tpu.memref_squeeze %get3A_423 : memref<1x200x64xf32, #tpu.memory_space<vmem>> -> memref<200x64xf32, #tpu.memory_space<vmem>>
        %get3A_425 = arith.index_cast %add3A_420 : i32 to index
        %get3A_426 = arith.constant 32 : index
        %get3A_427 = tpu.vector_load %get3A_424[%get3A_425, %get3A_426] {strides = array<i32>} : memref<200x64xf32, #tpu.memory_space<vmem>>, vector<1x16xf32>,
        %get3A_428 = vector.shape_cast %get3A_427 : vector<1x16xf32> to vector<16xf32>
        %add3A_429 = arith.addf %add3A_385, %get3A_428 : vector<16xf32>
        %add3A_430 = arith.constant 4 : i32
        %add3A_431 = arith.addi %mul3A_221, %add3A_430 : i32
        %get3A_432 = arith.constant 0 : i32
        %get3A_433 = arith.constant 0 : i32
        %get3A_434 = tpu.memref_slice %arg6[%scan3A_187, %get3A_432, %get3A_433] : memref<2x200x64xf32, #tpu.memory_space<vmem>> -> memref<1x200x64xf32, #tpu.memory_space<vmem>>
        %get3A_435 = tpu.memref_squeeze %get3A_434 : memref<1x200x64xf32, #tpu.memory_space<vmem>> -> memref<200x64xf32, #tpu.memory_space<vmem>>
        %get3A_436 = arith.index_cast %add3A_431 : i32 to index
        %get3A_437 = arith.constant 48 : index
        %get3A_438 = tpu.vector_load %get3A_435[%get3A_436, %get3A_437] {strides = array<i32>} : memref<200x64xf32, #tpu.memory_space<vmem>>, vector<1x16xf32>,
        %get3A_439 = vector.shape_cast %get3A_438 : vector<1x16xf32> to vector<16xf32>
        %add3A_440 = arith.addf %add3A_396, %get3A_439 : vector<16xf32>
        %add3A_441 = arith.constant 5 : i32
        %add3A_442 = arith.addi %mul3A_221, %add3A_441 : i32
        %get3A_443 = arith.constant 0 : i32
        %get3A_444 = arith.constant 0 : i32
        %get3A_445 = tpu.memref_slice %arg6[%scan3A_187, %get3A_443, %get3A_444] : memref<2x200x64xf32, #tpu.memory_space<vmem>> -> memref<1x200x64xf32, #tpu.memory_space<vmem>>
        %get3A_446 = tpu.memref_squeeze %get3A_445 : memref<1x200x64xf32, #tpu.memory_space<vmem>> -> memref<200x64xf32, #tpu.memory_space<vmem>>
        %get3A_447 = arith.index_cast %add3A_442 : i32 to index
        %get3A_448 = arith.constant 0 : index
        %get3A_449 = tpu.vector_load %get3A_446[%get3A_447, %get3A_448] {strides = array<i32>} : memref<200x64xf32, #tpu.memory_space<vmem>>, vector<1x16xf32>,
        %get3A_450 = vector.shape_cast %get3A_449 : vector<1x16xf32> to vector<16xf32>
        %add3A_451 = arith.addf %add3A_407, %get3A_450 : vector<16xf32>
        %add3A_452 = arith.constant 5 : i32
        %add3A_453 = arith.addi %mul3A_221, %add3A_452 : i32
        %get3A_454 = arith.constant 0 : i32
        %get3A_455 = arith.constant 0 : i32
        %get3A_456 = tpu.memref_slice %arg6[%scan3A_187, %get3A_454, %get3A_455] : memref<2x200x64xf32, #tpu.memory_space<vmem>> -> memref<1x200x64xf32, #tpu.memory_space<vmem>>
        %get3A_457 = tpu.memref_squeeze %get3A_456 : memref<1x200x64xf32, #tpu.memory_space<vmem>> -> memref<200x64xf32, #tpu.memory_space<vmem>>
        %get3A_458 = arith.index_cast %add3A_453 : i32 to index
        %get3A_459 = arith.constant 16 : index
        %get3A_460 = tpu.vector_load %get3A_457[%get3A_458, %get3A_459] {strides = array<i32>} : memref<200x64xf32, #tpu.memory_space<vmem>>, vector<1x16xf32>,
        %get3A_461 = vector.shape_cast %get3A_460 : vector<1x16xf32> to vector<16xf32>
        %add3A_462 = arith.addf %add3A_418, %get3A_461 : vector<16xf32>
        %add3A_463 = arith.constant 5 : i32
        %add3A_464 = arith.addi %mul3A_221, %add3A_463 : i32
        %get3A_465 = arith.constant 0 : i32
        %get3A_466 = arith.constant 0 : i32
        %get3A_467 = tpu.memref_slice %arg6[%scan3A_187, %get3A_465, %get3A_466] : memref<2x200x64xf32, #tpu.memory_space<vmem>> -> memref<1x200x64xf32, #tpu.memory_space<vmem>>
        %get3A_468 = tpu.memref_squeeze %get3A_467 : memref<1x200x64xf32, #tpu.memory_space<vmem>> -> memref<200x64xf32, #tpu.memory_space<vmem>>
        %get3A_469 = arith.index_cast %add3A_464 : i32 to index
        %get3A_470 = arith.constant 32 : index
        %get3A_471 = tpu.vector_load %get3A_468[%get3A_469, %get3A_470] {strides = array<i32>} : memref<200x64xf32, #tpu.memory_space<vmem>>, vector<1x16xf32>,
        %get3A_472 = vector.shape_cast %get3A_471 : vector<1x16xf32> to vector<16xf32>
        %add3A_473 = arith.addf %add3A_429, %get3A_472 : vector<16xf32>
        %add3A_474 = arith.constant 5 : i32
        %add3A_475 = arith.addi %mul3A_221, %add3A_474 : i32
        %get3A_476 = arith.constant 0 : i32
        %get3A_477 = arith.constant 0 : i32
        %get3A_478 = tpu.memref_slice %arg6[%scan3A_187, %get3A_476, %get3A_477] : memref<2x200x64xf32, #tpu.memory_space<vmem>> -> memref<1x200x64xf32, #tpu.memory_space<vmem>>
        %get3A_479 = tpu.memref_squeeze %get3A_478 : memref<1x200x64xf32, #tpu.memory_space<vmem>> -> memref<200x64xf32, #tpu.memory_space<vmem>>
        %get3A_480 = arith.index_cast %add3A_475 : i32 to index
        %get3A_481 = arith.constant 48 : index
        %get3A_482 = tpu.vector_load %get3A_479[%get3A_480, %get3A_481] {strides = array<i32>} : memref<200x64xf32, #tpu.memory_space<vmem>>, vector<1x16xf32>,
        %get3A_483 = vector.shape_cast %get3A_482 : vector<1x16xf32> to vector<16xf32>
        %add3A_484 = arith.addf %add3A_440, %get3A_483 : vector<16xf32>
        %add3A_485 = arith.constant 6 : i32
        %add3A_486 = arith.addi %mul3A_221, %add3A_485 : i32
        %get3A_487 = arith.constant 0 : i32
        %get3A_488 = arith.constant 0 : i32
        %get3A_489 = tpu.memref_slice %arg6[%scan3A_187, %get3A_487, %get3A_488] : memref<2x200x64xf32, #tpu.memory_space<vmem>> -> memref<1x200x64xf32, #tpu.memory_space<vmem>>
        %get3A_490 = tpu.memref_squeeze %get3A_489 : memref<1x200x64xf32, #tpu.memory_space<vmem>> -> memref<200x64xf32, #tpu.memory_space<vmem>>
        %get3A_491 = arith.index_cast %add3A_486 : i32 to index
        %get3A_492 = arith.constant 0 : index
        %get3A_493 = tpu.vector_load %get3A_490[%get3A_491, %get3A_492] {strides = array<i32>} : memref<200x64xf32, #tpu.memory_space<vmem>>, vector<1x16xf32>,
        %get3A_494 = vector.shape_cast %get3A_493 : vector<1x16xf32> to vector<16xf32>
        %add3A_495 = arith.addf %add3A_451, %get3A_494 : vector<16xf32>
        %add3A_496 = arith.constant 6 : i32
        %add3A_497 = arith.addi %mul3A_221, %add3A_496 : i32
        %get3A_498 = arith.constant 0 : i32
        %get3A_499 = arith.constant 0 : i32
        %get3A_500 = tpu.memref_slice %arg6[%scan3A_187, %get3A_498, %get3A_499] : memref<2x200x64xf32, #tpu.memory_space<vmem>> -> memref<1x200x64xf32, #tpu.memory_space<vmem>>
        %get3A_501 = tpu.memref_squeeze %get3A_500 : memref<1x200x64xf32, #tpu.memory_space<vmem>> -> memref<200x64xf32, #tpu.memory_space<vmem>>
        %get3A_502 = arith.index_cast %add3A_497 : i32 to index
        %get3A_503 = arith.constant 16 : index
        %get3A_504 = tpu.vector_load %get3A_501[%get3A_502, %get3A_503] {strides = array<i32>} : memref<200x64xf32, #tpu.memory_space<vmem>>, vector<1x16xf32>,
        %get3A_505 = vector.shape_cast %get3A_504 : vector<1x16xf32> to vector<16xf32>
        %add3A_506 = arith.addf %add3A_462, %get3A_505 : vector<16xf32>
        %add3A_507 = arith.constant 6 : i32
        %add3A_508 = arith.addi %mul3A_221, %add3A_507 : i32
        %get3A_509 = arith.constant 0 : i32
        %get3A_510 = arith.constant 0 : i32
        %get3A_511 = tpu.memref_slice %arg6[%scan3A_187, %get3A_509, %get3A_510] : memref<2x200x64xf32, #tpu.memory_space<vmem>> -> memref<1x200x64xf32, #tpu.memory_space<vmem>>
        %get3A_512 = tpu.memref_squeeze %get3A_511 : memref<1x200x64xf32, #tpu.memory_space<vmem>> -> memref<200x64xf32, #tpu.memory_space<vmem>>
        %get3A_513 = arith.index_cast %add3A_508 : i32 to index
        %get3A_514 = arith.constant 32 : index
        %get3A_515 = tpu.vector_load %get3A_512[%get3A_513, %get3A_514] {strides = array<i32>} : memref<200x64xf32, #tpu.memory_space<vmem>>, vector<1x16xf32>,
        %get3A_516 = vector.shape_cast %get3A_515 : vector<1x16xf32> to vector<16xf32>
        %add3A_517 = arith.addf %add3A_473, %get3A_516 : vector<16xf32>
        %add3A_518 = arith.constant 6 : i32
        %add3A_519 = arith.addi %mul3A_221, %add3A_518 : i32
        %get3A_520 = arith.constant 0 : i32
        %get3A_521 = arith.constant 0 : i32
        %get3A_522 = tpu.memref_slice %arg6[%scan3A_187, %get3A_520, %get3A_521] : memref<2x200x64xf32, #tpu.memory_space<vmem>> -> memref<1x200x64xf32, #tpu.memory_space<vmem>>
        %get3A_523 = tpu.memref_squeeze %get3A_522 : memref<1x200x64xf32, #tpu.memory_space<vmem>> -> memref<200x64xf32, #tpu.memory_space<vmem>>
        %get3A_524 = arith.index_cast %add3A_519 : i32 to index
        %get3A_525 = arith.constant 48 : index
        %get3A_526 = tpu.vector_load %get3A_523[%get3A_524, %get3A_525] {strides = array<i32>} : memref<200x64xf32, #tpu.memory_space<vmem>>, vector<1x16xf32>,
        %get3A_527 = vector.shape_cast %get3A_526 : vector<1x16xf32> to vector<16xf32>
        %add3A_528 = arith.addf %add3A_484, %get3A_527 : vector<16xf32>
        %add3A_529 = arith.constant 7 : i32
        %add3A_530 = arith.addi %mul3A_221, %add3A_529 : i32
        %get3A_531 = arith.constant 0 : i32
        %get3A_532 = arith.constant 0 : i32
        %get3A_533 = tpu.memref_slice %arg6[%scan3A_187, %get3A_531, %get3A_532] : memref<2x200x64xf32, #tpu.memory_space<vmem>> -> memref<1x200x64xf32, #tpu.memory_space<vmem>>
        %get3A_534 = tpu.memref_squeeze %get3A_533 : memref<1x200x64xf32, #tpu.memory_space<vmem>> -> memref<200x64xf32, #tpu.memory_space<vmem>>
        %get3A_535 = arith.index_cast %add3A_530 : i32 to index
        %get3A_536 = arith.constant 0 : index
        %get3A_537 = tpu.vector_load %get3A_534[%get3A_535, %get3A_536] {strides = array<i32>} : memref<200x64xf32, #tpu.memory_space<vmem>>, vector<1x16xf32>,
        %get3A_538 = vector.shape_cast %get3A_537 : vector<1x16xf32> to vector<16xf32>
        %add3A_539 = arith.addf %add3A_495, %get3A_538 : vector<16xf32>
        %add3A_540 = arith.constant 7 : i32
        %add3A_541 = arith.addi %mul3A_221, %add3A_540 : i32
        %get3A_542 = arith.constant 0 : i32
        %get3A_543 = arith.constant 0 : i32
        %get3A_544 = tpu.memref_slice %arg6[%scan3A_187, %get3A_542, %get3A_543] : memref<2x200x64xf32, #tpu.memory_space<vmem>> -> memref<1x200x64xf32, #tpu.memory_space<vmem>>
        %get3A_545 = tpu.memref_squeeze %get3A_544 : memref<1x200x64xf32, #tpu.memory_space<vmem>> -> memref<200x64xf32, #tpu.memory_space<vmem>>
        %get3A_546 = arith.index_cast %add3A_541 : i32 to index
        %get3A_547 = arith.constant 16 : index
        %get3A_548 = tpu.vector_load %get3A_545[%get3A_546, %get3A_547] {strides = array<i32>} : memref<200x64xf32, #tpu.memory_space<vmem>>, vector<1x16xf32>,
        %get3A_549 = vector.shape_cast %get3A_548 : vector<1x16xf32> to vector<16xf32>
        %add3A_550 = arith.addf %add3A_506, %get3A_549 : vector<16xf32>
        %add3A_551 = arith.constant 7 : i32
        %add3A_552 = arith.addi %mul3A_221, %add3A_551 : i32
        %get3A_553 = arith.constant 0 : i32
        %get3A_554 = arith.constant 0 : i32
        %get3A_555 = tpu.memref_slice %arg6[%scan3A_187, %get3A_553, %get3A_554] : memref<2x200x64xf32, #tpu.memory_space<vmem>> -> memref<1x200x64xf32, #tpu.memory_space<vmem>>
        %get3A_556 = tpu.memref_squeeze %get3A_555 : memref<1x200x64xf32, #tpu.memory_space<vmem>> -> memref<200x64xf32, #tpu.memory_space<vmem>>
        %get3A_557 = arith.index_cast %add3A_552 : i32 to index
        %get3A_558 = arith.constant 32 : index
        %get3A_559 = tpu.vector_load %get3A_556[%get3A_557, %get3A_558] {strides = array<i32>} : memref<200x64xf32, #tpu.memory_space<vmem>>, vector<1x16xf32>,
        %get3A_560 = vector.shape_cast %get3A_559 : vector<1x16xf32> to vector<16xf32>
        %add3A_561 = arith.addf %add3A_517, %get3A_560 : vector<16xf32>
        %add3A_562 = arith.constant 7 : i32
        %add3A_563 = arith.addi %mul3A_221, %add3A_562 : i32
        %get3A_564 = arith.constant 0 : i32
        %get3A_565 = arith.constant 0 : i32
        %get3A_566 = tpu.memref_slice %arg6[%scan3A_187, %get3A_564, %get3A_565] : memref<2x200x64xf32, #tpu.memory_space<vmem>> -> memref<1x200x64xf32, #tpu.memory_space<vmem>>
        %get3A_567 = tpu.memref_squeeze %get3A_566 : memref<1x200x64xf32, #tpu.memory_space<vmem>> -> memref<200x64xf32, #tpu.memory_space<vmem>>
        %get3A_568 = arith.index_cast %add3A_563 : i32 to index
        %get3A_569 = arith.constant 48 : index
        %get3A_570 = tpu.vector_load %get3A_567[%get3A_568, %get3A_569] {strides = array<i32>} : memref<200x64xf32, #tpu.memory_space<vmem>>, vector<1x16xf32>,
        %get3A_571 = vector.shape_cast %get3A_570 : vector<1x16xf32> to vector<16xf32>
        %add3A_572 = arith.addf %add3A_528, %get3A_571 : vector<16xf32>
        scf.yield %add3A_539, %add3A_550, %add3A_561, %add3A_572 : vector<16xf32>, vector<16xf32>, vector<16xf32>, vector<16xf32>
      }
      %scan3A_193 = arith.constant 25 : i32
      %swap3A_194 = arith.index_cast %add3A_186 : i32 to index
      %swap3A_195 = arith.constant 0 : index
      %swap3A_196 = tpu.vector_load %arg7[%swap3A_194, %swap3A_195] {strides = array<i32>} : memref<8x64xf32, #tpu.memory_space<vmem>>, vector<1x16xf32>,
      %swap3A_197 = vector.shape_cast %swap3A_196 : vector<1x16xf32> to vector<16xf32>
      %swap3A_198 = vector.shape_cast %scan3A_192#0 : vector<16xf32> to vector<1x16xf32>
      tpu.vector_store %arg7[%swap3A_194, %swap3A_195], %swap3A_198 {strides = array<i32>} : memref<8x64xf32, #tpu.memory_space<vmem>>, vector<1x16xf32>,
      %swap3A_199 = arith.index_cast %add3A_186 : i32 to index
      %swap3A_200 = arith.constant 16 : index
      %swap3A_201 = tpu.vector_load %arg7[%swap3A_199, %swap3A_200] {strides = array<i32>} : memref<8x64xf32, #tpu.memory_space<vmem>>, vector<1x16xf32>,
      %swap3A_202 = vector.shape_cast %swap3A_201 : vector<1x16xf32> to vector<16xf32>
      %swap3A_203 = vector.shape_cast %scan3A_192#1 : vector<16xf32> to vector<1x16xf32>
      tpu.vector_store %arg7[%swap3A_199, %swap3A_200], %swap3A_203 {strides = array<i32>} : memref<8x64xf32, #tpu.memory_space<vmem>>, vector<1x16xf32>,
      %swap3A_204 = arith.index_cast %add3A_186 : i32 to index
      %swap3A_205 = arith.constant 32 : index
      %swap3A_206 = tpu.vector_load %arg7[%swap3A_204, %swap3A_205] {strides = array<i32>} : memref<8x64xf32, #tpu.memory_space<vmem>>, vector<1x16xf32>,
      %swap3A_207 = vector.shape_cast %swap3A_206 : vector<1x16xf32> to vector<16xf32>
      %swap3A_208 = vector.shape_cast %scan3A_192#2 : vector<16xf32> to vector<1x16xf32>
      tpu.vector_store %arg7[%swap3A_204, %swap3A_205], %swap3A_208 {strides = array<i32>} : memref<8x64xf32, #tpu.memory_space<vmem>>, vector<1x16xf32>,
      %swap3A_209 = arith.index_cast %add3A_186 : i32 to index
      %swap3A_210 = arith.constant 48 : index
      %swap3A_211 = tpu.vector_load %arg7[%swap3A_209, %swap3A_210] {strides = array<i32>} : memref<8x64xf32, #tpu.memory_space<vmem>>, vector<1x16xf32>,
      %swap3A_212 = vector.shape_cast %swap3A_211 : vector<1x16xf32> to vector<16xf32>
      %swap3A_213 = vector.shape_cast %scan3A_192#3 : vector<16xf32> to vector<1x16xf32>
      tpu.vector_store %arg7[%swap3A_209, %swap3A_210], %swap3A_213 {strides = array<i32>} : memref<8x64xf32, #tpu.memory_space<vmem>>, vector<1x16xf32>,
      %scan3A_214 = arith.constant 0 : i32
      scf.yield %scan3A_214 : i32
    }
    %scan3A_45 = arith.constant 4 : i32
    "tpu.region"() ({
      %run_scoped3A = tpu.sem_alloc : memref<!tpu.dma_semaphore, #tpu.memory_space<semaphore_mem>>
      %dma_start3A_46 = arith.constant 0 : i32
      %dma_start3A_47 = tpu.memref_slice %arg4[%mul3A_2, %dma_start3A_46] : memref<256x64xf32, #tpu.memory_space<hbm>> -> memref<8x64xf32, #tpu.memory_space<hbm>>
      %dma_start3A_48 = arith.constant 0 : i32
      %dma_start3A_49 = tpu.memref_slice %arg4[%mul3A_2, %dma_start3A_48] : memref<256x64xf32, #tpu.memory_space<hbm>> -> memref<8x64xf32, #tpu.memory_space<hbm>>
      tpu.enqueue_dma source(%arg7 : memref<8x64xf32, #tpu.memory_space<vmem>>) target(%dma_start3A_49 : memref<8x64xf32, #tpu.memory_space<hbm>>) target_semaphore(%run_scoped3A : memref<!tpu.dma_semaphore, #tpu.memory_space<semaphore_mem>>)
      %dma_wait3A = arith.constant 0 : i32
      %dma_wait3A_50 = tpu.memref_slice %arg4[%mul3A_2, %dma_wait3A] : memref<256x64xf32, #tpu.memory_space<hbm>> -> memref<8x64xf32, #tpu.memory_space<hbm>>
      %dma_wait3A_51 = arith.constant 0 : i32
      %dma_wait3A_52 = tpu.memref_slice %arg4[%mul3A_2, %dma_wait3A_51] : memref<256x64xf32, #tpu.memory_space<hbm>> -> memref<8x64xf32, #tpu.memory_space<hbm>>
      tpu.wait_dma2 semaphore(%run_scoped3A : memref<!tpu.dma_semaphore, #tpu.memory_space<semaphore_mem>>) src(%arg7 : memref<8x64xf32, #tpu.memory_space<vmem>>) dst(%dma_wait3A_52 : memref<8x64xf32, #tpu.memory_space<hbm>>)
      tpu.yield
    }) : () -> ()
    return
  }
}

#map = affine_map<(d0, d1) -> (0)>
#map1 = affine_map<(d0, d1) -> (0, 0)>
module attributes {stable_mosaic.version = 14 : i64} {
  func.func @pool(%arg0: i32, %arg1: i32, %arg2: memref<51200xi32, #tpu.memory_space<hbm>>, %arg3: memref<100001x64xf32, #tpu.memory_space<hbm>>, %arg4: memref<256x64xf32, #tpu.memory_space<hbm>>, %arg5: memref<1600xi32, #tpu.memory_space<vmem>>, %arg6: memref<2x200x64xf32, #tpu.memory_space<vmem>>, %arg7: memref<8x64xf32, #tpu.memory_space<vmem>>, %arg8: memref<!tpu.dma_semaphore, #tpu.memory_space<semaphore_mem>>, %arg9: memref<!tpu.dma_semaphore, #tpu.memory_space<semaphore_mem>>) attributes {dimension_semantics = [#tpu.dimension_semantics<core_parallel>, #tpu.dimension_semantics<subcore_parallel>], iteration_bounds = array<i64: 2, 16>, scalar_prefetch = 0 : i64, scratch_operands = 5 : i64, tpu.core_type = #tpu.core_type<sc_vector_subcore>, window_params = [{transform_indices = #map}, {transform_indices = #map1}, {transform_indices = #map1}]} {
    %mul3A = arith.constant 2 : i32
    %mul3A_0 = arith.muli %arg1, %mul3A : i32
    %add3A = arith.addi %mul3A_0, %arg0 : i32
    %mul3A_1 = arith.constant 8 : i32
    %mul3A_2 = arith.muli %add3A, %mul3A_1 : i32
    %broadcast_in_dim3A = arith.constant 0.000000e+00 : f32
    %broadcast_in_dim3A_3 = vector.broadcast %broadcast_in_dim3A : f32 to vector<16xf32>
    %broadcast_in_dim3A_4 = arith.constant 1 : i32
    %broadcast_in_dim3A_5 = vector.broadcast %broadcast_in_dim3A_4 : i32 to vector<16xi32>
    %mul3A_6 = arith.constant 1600 : i32
    %mul3A_7 = arith.muli %add3A, %mul3A_6 : i32
    "tpu.region"() ({
      %run_scoped3A = tpu.sem_alloc : memref<!tpu.dma_semaphore, #tpu.memory_space<semaphore_mem>>
      %dma_start3A_46 = tpu.memref_slice %arg2[%mul3A_7] : memref<51200xi32, #tpu.memory_space<hbm>> -> memref<1600xi32, #tpu.memory_space<hbm>>
      %dma_start3A_47 = tpu.memref_slice %arg2[%mul3A_7] : memref<51200xi32, #tpu.memory_space<hbm>> -> memref<1600xi32, #tpu.memory_space<hbm>>
      tpu.enqueue_dma source(%dma_start3A_47 : memref<1600xi32, #tpu.memory_space<hbm>>) target(%arg5 : memref<1600xi32, #tpu.memory_space<vmem>>) target_semaphore(%run_scoped3A : memref<!tpu.dma_semaphore, #tpu.memory_space<semaphore_mem>>)
      %dma_wait3A = tpu.memref_slice %arg2[%mul3A_7] : memref<51200xi32, #tpu.memory_space<hbm>> -> memref<1600xi32, #tpu.memory_space<hbm>>
      %dma_wait3A_48 = tpu.memref_slice %arg2[%mul3A_7] : memref<51200xi32, #tpu.memory_space<hbm>> -> memref<1600xi32, #tpu.memory_space<hbm>>
      tpu.wait_dma2 semaphore(%run_scoped3A : memref<!tpu.dma_semaphore, #tpu.memory_space<semaphore_mem>>) src(%dma_wait3A_48 : memref<1600xi32, #tpu.memory_space<hbm>>) dst(%arg5 : memref<1600xi32, #tpu.memory_space<vmem>>)
      tpu.yield
    }) : () -> ()
    %scan3A = arith.constant 0 : i32
    %scan3A_8 = arith.constant 0 : i32
    %scan3A_9 = arith.constant 25 : i32
    %scan3A_10 = arith.addi %scan3A_8, %scan3A_9 : i32
    %scan3A_11 = arith.constant 1 : i32
    %scan3A_12 = scf.for %scan3A_46 = %scan3A_8 to %scan3A_10 step %scan3A_11 iter_args(%scan3A_47 = %scan3A) -> (i32)  : i32 {
      %mul3A_48 = arith.constant 64 : i32
      %mul3A_49 = arith.muli %scan3A_46, %mul3A_48 : i32
      %add3A_50 = arith.constant 0 : i32
      %add3A_51 = arith.addi %mul3A_49, %add3A_50 : i32
      %get3A = arith.index_cast %add3A_51 : i32 to index
      %get3A_52 = tpu.vector_load %arg5[%get3A] {strides = array<i32>} : memref<1600xi32, #tpu.memory_space<vmem>>, vector<16xi32>,
      %get3A_53 = vector.shape_cast %get3A_52 : vector<16xi32> to vector<16xi32>
      %add3A_54 = arith.addi %get3A_53, %broadcast_in_dim3A_5 : vector<16xi32>
      %swap3A = arith.index_cast %add3A_51 : i32 to index
      %swap3A_55 = tpu.vector_load %arg5[%swap3A] {strides = array<i32>} : memref<1600xi32, #tpu.memory_space<vmem>>, vector<16xi32>,
      %swap3A_56 = vector.shape_cast %swap3A_55 : vector<16xi32> to vector<16xi32>
      %swap3A_57 = vector.shape_cast %add3A_54 : vector<16xi32> to vector<16xi32>
      tpu.vector_store %arg5[%swap3A], %swap3A_57 {strides = array<i32>} : memref<1600xi32, #tpu.memory_space<vmem>>, vector<16xi32>,
      %mul3A_58 = arith.constant 64 : i32
      %mul3A_59 = arith.muli %scan3A_46, %mul3A_58 : i32
      %add3A_60 = arith.constant 16 : i32
      %add3A_61 = arith.addi %mul3A_59, %add3A_60 : i32
      %get3A_62 = arith.index_cast %add3A_61 : i32 to index
      %get3A_63 = tpu.vector_load %arg5[%get3A_62] {strides = array<i32>} : memref<1600xi32, #tpu.memory_space<vmem>>, vector<16xi32>,
      %get3A_64 = vector.shape_cast %get3A_63 : vector<16xi32> to vector<16xi32>
      %add3A_65 = arith.addi %get3A_64, %broadcast_in_dim3A_5 : vector<16xi32>
      %swap3A_66 = arith.index_cast %add3A_61 : i32 to index
      %swap3A_67 = tpu.vector_load %arg5[%swap3A_66] {strides = array<i32>} : memref<1600xi32, #tpu.memory_space<vmem>>, vector<16xi32>,
      %swap3A_68 = vector.shape_cast %swap3A_67 : vector<16xi32> to vector<16xi32>
      %swap3A_69 = vector.shape_cast %add3A_65 : vector<16xi32> to vector<16xi32>
      tpu.vector_store %arg5[%swap3A_66], %swap3A_69 {strides = array<i32>} : memref<1600xi32, #tpu.memory_space<vmem>>, vector<16xi32>,
      %mul3A_70 = arith.constant 64 : i32
      %mul3A_71 = arith.muli %scan3A_46, %mul3A_70 : i32
      %add3A_72 = arith.constant 32 : i32
      %add3A_73 = arith.addi %mul3A_71, %add3A_72 : i32
      %get3A_74 = arith.index_cast %add3A_73 : i32 to index
      %get3A_75 = tpu.vector_load %arg5[%get3A_74] {strides = array<i32>} : memref<1600xi32, #tpu.memory_space<vmem>>, vector<16xi32>,
      %get3A_76 = vector.shape_cast %get3A_75 : vector<16xi32> to vector<16xi32>
      %add3A_77 = arith.addi %get3A_76, %broadcast_in_dim3A_5 : vector<16xi32>
      %swap3A_78 = arith.index_cast %add3A_73 : i32 to index
      %swap3A_79 = tpu.vector_load %arg5[%swap3A_78] {strides = array<i32>} : memref<1600xi32, #tpu.memory_space<vmem>>, vector<16xi32>,
      %swap3A_80 = vector.shape_cast %swap3A_79 : vector<16xi32> to vector<16xi32>
      %swap3A_81 = vector.shape_cast %add3A_77 : vector<16xi32> to vector<16xi32>
      tpu.vector_store %arg5[%swap3A_78], %swap3A_81 {strides = array<i32>} : memref<1600xi32, #tpu.memory_space<vmem>>, vector<16xi32>,
      %mul3A_82 = arith.constant 64 : i32
      %mul3A_83 = arith.muli %scan3A_46, %mul3A_82 : i32
      %add3A_84 = arith.constant 48 : i32
      %add3A_85 = arith.addi %mul3A_83, %add3A_84 : i32
      %get3A_86 = arith.index_cast %add3A_85 : i32 to index
      %get3A_87 = tpu.vector_load %arg5[%get3A_86] {strides = array<i32>} : memref<1600xi32, #tpu.memory_space<vmem>>, vector<16xi32>,
      %get3A_88 = vector.shape_cast %get3A_87 : vector<16xi32> to vector<16xi32>
      %add3A_89 = arith.addi %get3A_88, %broadcast_in_dim3A_5 : vector<16xi32>
      %swap3A_90 = arith.index_cast %add3A_85 : i32 to index
      %swap3A_91 = tpu.vector_load %arg5[%swap3A_90] {strides = array<i32>} : memref<1600xi32, #tpu.memory_space<vmem>>, vector<16xi32>,
      %swap3A_92 = vector.shape_cast %swap3A_91 : vector<16xi32> to vector<16xi32>
      %swap3A_93 = vector.shape_cast %add3A_89 : vector<16xi32> to vector<16xi32>
      tpu.vector_store %arg5[%swap3A_90], %swap3A_93 {strides = array<i32>} : memref<1600xi32, #tpu.memory_space<vmem>>, vector<16xi32>,
      %scan3A_94 = arith.constant 0 : i32
      scf.yield %scan3A_94 : i32
    }
    %scan3A_13 = arith.constant 25 : i32
    %dma_start3A = arith.constant 0 : i32
    %dma_start3A_14 = arith.constant 0 : i32
    %dma_start3A_15 = arith.constant 0 : i32
    %dma_start3A_16 = tpu.memref_slice %arg6[%dma_start3A, %dma_start3A_14, %dma_start3A_15] : memref<2x200x64xf32, #tpu.memory_space<vmem>> -> memref<1x200x64xf32, #tpu.memory_space<vmem>>
    %dma_start3A_17 = tpu.memref_squeeze %dma_start3A_16 : memref<1x200x64xf32, #tpu.memory_space<vmem>> -> memref<200x64xf32, #tpu.memory_space<vmem>>
    %dma_start3A_18 = arith.constant 0 : i32
    %dma_start3A_19 = arith.constant 0 : i32
    %dma_start3A_20 = tpu.memref_slice %dma_start3A_17[%dma_start3A_18, %dma_start3A_19] : memref<200x64xf32, #tpu.memory_space<vmem>> -> memref<128x64xf32, #tpu.memory_space<vmem>>
    %dma_start3A_21 = arith.constant 0 : i32
    %dma_start3A_22 = tpu.memref_slice %arg5[%dma_start3A_21] : memref<1600xi32, #tpu.memory_space<vmem>> -> memref<128xi32, #tpu.memory_space<vmem>>
    %dma_start3A_23 = arith.constant 0 : i32
    %dma_start3A_24 = arith.constant 0 : i32
    %dma_start3A_25 = tpu.memref_slice %arg3[%dma_start3A_23, %dma_start3A_24] : memref<100001x64xf32, #tpu.memory_space<hbm>> -> memref<100001x64xf32, #tpu.memory_space<hbm>>
    tpu.enqueue_indirect_dma source(%dma_start3A_25 : memref<100001x64xf32, #tpu.memory_space<hbm>>) target(%dma_start3A_20 : memref<128x64xf32, #tpu.memory_space<vmem>>) offsets(%dma_start3A_22 : memref<128xi32, #tpu.memory_space<vmem>>) semaphore(%arg8 : memref<!tpu.dma_semaphore, #tpu.memory_space<semaphore_mem>>)
    %dma_start3A_26 = arith.constant 0 : i32
    %dma_start3A_27 = arith.constant 0 : i32
    %dma_start3A_28 = arith.constant 0 : i32
    %dma_start3A_29 = tpu.memref_slice %arg6[%dma_start3A_26, %dma_start3A_27, %dma_start3A_28] : memref<2x200x64xf32, #tpu.memory_space<vmem>> -> memref<1x200x64xf32, #tpu.memory_space<vmem>>
    %dma_start3A_30 = tpu.memref_squeeze %dma_start3A_29 : memref<1x200x64xf32, #tpu.memory_space<vmem>> -> memref<200x64xf32, #tpu.memory_space<vmem>>
    %dma_start3A_31 = arith.constant 128 : i32
    %dma_start3A_32 = arith.constant 0 : i32
    %dma_start3A_33 = tpu.memref_slice %dma_start3A_30[%dma_start3A_31, %dma_start3A_32] : memref<200x64xf32, #tpu.memory_space<vmem>> -> memref<72x64xf32, #tpu.memory_space<vmem>>
    %dma_start3A_34 = arith.constant 128 : i32
    %dma_start3A_35 = tpu.memref_slice %arg5[%dma_start3A_34] : memref<1600xi32, #tpu.memory_space<vmem>> -> memref<72xi32, #tpu.memory_space<vmem>>
    %dma_start3A_36 = arith.constant 0 : i32
    %dma_start3A_37 = arith.constant 0 : i32
    %dma_start3A_38 = tpu.memref_slice %arg3[%dma_start3A_36, %dma_start3A_37] : memref<100001x64xf32, #tpu.memory_space<hbm>> -> memref<100001x64xf32, #tpu.memory_space<hbm>>
    tpu.enqueue_indirect_dma source(%dma_start3A_38 : memref<100001x64xf32, #tpu.memory_space<hbm>>) target(%dma_start3A_33 : memref<72x64xf32, #tpu.memory_space<vmem>>) offsets(%dma_start3A_35 : memref<72xi32, #tpu.memory_space<vmem>>) semaphore(%arg8 : memref<!tpu.dma_semaphore, #tpu.memory_space<semaphore_mem>>)
    %scan3A_39 = arith.constant 0 : i32
    %scan3A_40 = arith.constant 0 : i32
    %scan3A_41 = arith.constant 4 : i32
    %scan3A_42 = arith.addi %scan3A_40, %scan3A_41 : i32
    %scan3A_43 = arith.constant 1 : i32
    %scan3A_44 = scf.for %scan3A_46 = %scan3A_40 to %scan3A_42 step %scan3A_43 iter_args(%scan3A_47 = %scan3A_39) -> (i32)  : i32 {
      %mul3A_48 = arith.constant 2 : i32
      %mul3A_49 = arith.muli %mul3A_48, %scan3A_46 : i32
      %add3A_50 = arith.constant 1 : i32
      %add3A_51 = arith.addi %mul3A_49, %add3A_50 : i32
      %mul3A_52 = arith.constant 200 : i32
      %mul3A_53 = arith.muli %add3A_51, %mul3A_52 : i32
      %add3A_54 = arith.constant 0 : i32
      %add3A_55 = arith.addi %mul3A_53, %add3A_54 : i32
      %dma_start3A_56 = arith.constant 1 : i32
      %dma_start3A_57 = arith.constant 0 : i32
      %dma_start3A_58 = arith.constant 0 : i32
      %dma_start3A_59 = tpu.memref_slice %arg6[%dma_start3A_56, %dma_start3A_57, %dma_start3A_58] : memref<2x200x64xf32, #tpu.memory_space<vmem>> -> memref<1x200x64xf32, #tpu.memory_space<vmem>>
      %dma_start3A_60 = tpu.memref_squeeze %dma_start3A_59 : memref<1x200x64xf32, #tpu.memory_space<vmem>> -> memref<200x64xf32, #tpu.memory_space<vmem>>
      %dma_start3A_61 = arith.constant 0 : i32
      %dma_start3A_62 = arith.constant 0 : i32
      %dma_start3A_63 = tpu.memref_slice %dma_start3A_60[%dma_start3A_61, %dma_start3A_62] : memref<200x64xf32, #tpu.memory_space<vmem>> -> memref<128x64xf32, #tpu.memory_space<vmem>>
      %dma_start3A_64 = tpu.memref_slice %arg5[%add3A_55] : memref<1600xi32, #tpu.memory_space<vmem>> -> memref<128xi32, #tpu.memory_space<vmem>>
      %dma_start3A_65 = arith.constant 0 : i32
      %dma_start3A_66 = arith.constant 0 : i32
      %dma_start3A_67 = tpu.memref_slice %arg3[%dma_start3A_65, %dma_start3A_66] : memref<100001x64xf32, #tpu.memory_space<hbm>> -> memref<100001x64xf32, #tpu.memory_space<hbm>>
      tpu.enqueue_indirect_dma source(%dma_start3A_67 : memref<100001x64xf32, #tpu.memory_space<hbm>>) target(%dma_start3A_63 : memref<128x64xf32, #tpu.memory_space<vmem>>) offsets(%dma_start3A_64 : memref<128xi32, #tpu.memory_space<vmem>>) semaphore(%arg9 : memref<!tpu.dma_semaphore, #tpu.memory_space<semaphore_mem>>)
      %mul3A_68 = arith.constant 200 : i32
      %mul3A_69 = arith.muli %add3A_51, %mul3A_68 : i32
      %add3A_70 = arith.constant 128 : i32
      %add3A_71 = arith.addi %mul3A_69, %add3A_70 : i32
      %dma_start3A_72 = arith.constant 1 : i32
      %dma_start3A_73 = arith.constant 0 : i32
      %dma_start3A_74 = arith.constant 0 : i32
      %dma_start3A_75 = tpu.memref_slice %arg6[%dma_start3A_72, %dma_start3A_73, %dma_start3A_74] : memref<2x200x64xf32, #tpu.memory_space<vmem>> -> memref<1x200x64xf32, #tpu.memory_space<vmem>>
      %dma_start3A_76 = tpu.memref_squeeze %dma_start3A_75 : memref<1x200x64xf32, #tpu.memory_space<vmem>> -> memref<200x64xf32, #tpu.memory_space<vmem>>
      %dma_start3A_77 = arith.constant 128 : i32
      %dma_start3A_78 = arith.constant 0 : i32
      %dma_start3A_79 = tpu.memref_slice %dma_start3A_76[%dma_start3A_77, %dma_start3A_78] : memref<200x64xf32, #tpu.memory_space<vmem>> -> memref<72x64xf32, #tpu.memory_space<vmem>>
      %dma_start3A_80 = tpu.memref_slice %arg5[%add3A_71] : memref<1600xi32, #tpu.memory_space<vmem>> -> memref<72xi32, #tpu.memory_space<vmem>>
      %dma_start3A_81 = arith.constant 0 : i32
      %dma_start3A_82 = arith.constant 0 : i32
      %dma_start3A_83 = tpu.memref_slice %arg3[%dma_start3A_81, %dma_start3A_82] : memref<100001x64xf32, #tpu.memory_space<hbm>> -> memref<100001x64xf32, #tpu.memory_space<hbm>>
      tpu.enqueue_indirect_dma source(%dma_start3A_83 : memref<100001x64xf32, #tpu.memory_space<hbm>>) target(%dma_start3A_79 : memref<72x64xf32, #tpu.memory_space<vmem>>) offsets(%dma_start3A_80 : memref<72xi32, #tpu.memory_space<vmem>>) semaphore(%arg9 : memref<!tpu.dma_semaphore, #tpu.memory_space<semaphore_mem>>)
      %mul3A_84 = arith.constant 2 : i32
      %mul3A_85 = arith.muli %mul3A_84, %scan3A_46 : i32
      %mul3A_86 = arith.constant 200 : i32
      %mul3A_87 = arith.muli %mul3A_85, %mul3A_86 : i32
      %add3A_88 = arith.constant 0 : i32
      %add3A_89 = arith.addi %mul3A_87, %add3A_88 : i32
      %dma_wait3A = arith.constant 0 : i32
      %dma_wait3A_90 = arith.constant 0 : i32
      %dma_wait3A_91 = arith.constant 0 : i32
      %dma_wait3A_92 = tpu.memref_slice %arg6[%dma_wait3A, %dma_wait3A_90, %dma_wait3A_91] : memref<2x200x64xf32, #tpu.memory_space<vmem>> -> memref<1x200x64xf32, #tpu.memory_space<vmem>>
      %dma_wait3A_93 = tpu.memref_squeeze %dma_wait3A_92 : memref<1x200x64xf32, #tpu.memory_space<vmem>> -> memref<200x64xf32, #tpu.memory_space<vmem>>
      %dma_wait3A_94 = arith.constant 0 : i32
      %dma_wait3A_95 = arith.constant 0 : i32
      %dma_wait3A_96 = tpu.memref_slice %dma_wait3A_93[%dma_wait3A_94, %dma_wait3A_95] : memref<200x64xf32, #tpu.memory_space<vmem>> -> memref<128x64xf32, #tpu.memory_space<vmem>>
      %dma_wait3A_97 = tpu.memref_slice %arg5[%add3A_89] : memref<1600xi32, #tpu.memory_space<vmem>> -> memref<128xi32, #tpu.memory_space<vmem>>
      %dma_wait3A_98 = arith.constant 0 : i32
      %dma_wait3A_99 = arith.constant 0 : i32
      %dma_wait3A_100 = tpu.memref_slice %arg3[%dma_wait3A_98, %dma_wait3A_99] : memref<100001x64xf32, #tpu.memory_space<hbm>> -> memref<100001x64xf32, #tpu.memory_space<hbm>>
      tpu.wait_indirect_dma semaphore(%arg8 : memref<!tpu.dma_semaphore, #tpu.memory_space<semaphore_mem>>) src(%dma_wait3A_100 : memref<100001x64xf32, #tpu.memory_space<hbm>>) dst(%dma_wait3A_96 : memref<128x64xf32, #tpu.memory_space<vmem>>)
      %mul3A_101 = arith.constant 200 : i32
      %mul3A_102 = arith.muli %mul3A_85, %mul3A_101 : i32
      %add3A_103 = arith.constant 128 : i32
      %add3A_104 = arith.addi %mul3A_102, %add3A_103 : i32
      %dma_wait3A_105 = arith.constant 0 : i32
      %dma_wait3A_106 = arith.constant 0 : i32
      %dma_wait3A_107 = arith.constant 0 : i32
      %dma_wait3A_108 = tpu.memref_slice %arg6[%dma_wait3A_105, %dma_wait3A_106, %dma_wait3A_107] : memref<2x200x64xf32, #tpu.memory_space<vmem>> -> memref<1x200x64xf32, #tpu.memory_space<vmem>>
      %dma_wait3A_109 = tpu.memref_squeeze %dma_wait3A_108 : memref<1x200x64xf32, #tpu.memory_space<vmem>> -> memref<200x64xf32, #tpu.memory_space<vmem>>
      %dma_wait3A_110 = arith.constant 128 : i32
      %dma_wait3A_111 = arith.constant 0 : i32
      %dma_wait3A_112 = tpu.memref_slice %dma_wait3A_109[%dma_wait3A_110, %dma_wait3A_111] : memref<200x64xf32, #tpu.memory_space<vmem>> -> memref<72x64xf32, #tpu.memory_space<vmem>>
      %dma_wait3A_113 = tpu.memref_slice %arg5[%add3A_104] : memref<1600xi32, #tpu.memory_space<vmem>> -> memref<72xi32, #tpu.memory_space<vmem>>
      %dma_wait3A_114 = arith.constant 0 : i32
      %dma_wait3A_115 = arith.constant 0 : i32
      %dma_wait3A_116 = tpu.memref_slice %arg3[%dma_wait3A_114, %dma_wait3A_115] : memref<100001x64xf32, #tpu.memory_space<hbm>> -> memref<100001x64xf32, #tpu.memory_space<hbm>>
      tpu.wait_indirect_dma semaphore(%arg8 : memref<!tpu.dma_semaphore, #tpu.memory_space<semaphore_mem>>) src(%dma_wait3A_116 : memref<100001x64xf32, #tpu.memory_space<hbm>>) dst(%dma_wait3A_112 : memref<72x64xf32, #tpu.memory_space<vmem>>)
      %mul3A_117 = arith.constant 2 : i32
      %mul3A_118 = arith.muli %mul3A_117, %scan3A_46 : i32
      %scan3A_119 = arith.constant 0 : i32
      %scan3A_120 = arith.constant 0 : i32
      %scan3A_121 = arith.constant 25 : i32
      %scan3A_122 = arith.addi %scan3A_120, %scan3A_121 : i32
      %scan3A_123 = arith.constant 1 : i32
      %scan3A_124:4 = scf.for %scan3A_215 = %scan3A_120 to %scan3A_122 step %scan3A_123 iter_args(%scan3A_216 = %broadcast_in_dim3A_3, %scan3A_217 = %broadcast_in_dim3A_3, %scan3A_218 = %broadcast_in_dim3A_3, %scan3A_219 = %broadcast_in_dim3A_3) -> (vector<16xf32>, vector<16xf32>, vector<16xf32>, vector<16xf32>)  : i32 {
        %mul3A_220 = arith.constant 8 : i32
        %mul3A_221 = arith.muli %scan3A_215, %mul3A_220 : i32
        %add3A_222 = arith.constant 0 : i32
        %add3A_223 = arith.addi %mul3A_221, %add3A_222 : i32
        %get3A = arith.constant 0 : i32
        %get3A_224 = arith.constant 0 : i32
        %get3A_225 = tpu.memref_slice %arg6[%scan3A_119, %get3A, %get3A_224] : memref<2x200x64xf32, #tpu.memory_space<vmem>> -> memref<1x200x64xf32, #tpu.memory_space<vmem>>
        %get3A_226 = tpu.memref_squeeze %get3A_225 : memref<1x200x64xf32, #tpu.memory_space<vmem>> -> memref<200x64xf32, #tpu.memory_space<vmem>>
        %get3A_227 = arith.index_cast %add3A_223 : i32 to index
        %get3A_228 = arith.constant 0 : index
        %get3A_229 = tpu.vector_load %get3A_226[%get3A_227, %get3A_228] {strides = array<i32>} : memref<200x64xf32, #tpu.memory_space<vmem>>, vector<1x16xf32>,
        %get3A_230 = vector.shape_cast %get3A_229 : vector<1x16xf32> to vector<16xf32>
        %add3A_231 = arith.addf %scan3A_216, %get3A_230 : vector<16xf32>
        %add3A_232 = arith.constant 0 : i32
        %add3A_233 = arith.addi %mul3A_221, %add3A_232 : i32
        %get3A_234 = arith.constant 0 : i32
        %get3A_235 = arith.constant 0 : i32
        %get3A_236 = tpu.memref_slice %arg6[%scan3A_119, %get3A_234, %get3A_235] : memref<2x200x64xf32, #tpu.memory_space<vmem>> -> memref<1x200x64xf32, #tpu.memory_space<vmem>>
        %get3A_237 = tpu.memref_squeeze %get3A_236 : memref<1x200x64xf32, #tpu.memory_space<vmem>> -> memref<200x64xf32, #tpu.memory_space<vmem>>
        %get3A_238 = arith.index_cast %add3A_233 : i32 to index
        %get3A_239 = arith.constant 16 : index
        %get3A_240 = tpu.vector_load %get3A_237[%get3A_238, %get3A_239] {strides = array<i32>} : memref<200x64xf32, #tpu.memory_space<vmem>>, vector<1x16xf32>,
        %get3A_241 = vector.shape_cast %get3A_240 : vector<1x16xf32> to vector<16xf32>
        %add3A_242 = arith.addf %scan3A_217, %get3A_241 : vector<16xf32>
        %add3A_243 = arith.constant 0 : i32
        %add3A_244 = arith.addi %mul3A_221, %add3A_243 : i32
        %get3A_245 = arith.constant 0 : i32
        %get3A_246 = arith.constant 0 : i32
        %get3A_247 = tpu.memref_slice %arg6[%scan3A_119, %get3A_245, %get3A_246] : memref<2x200x64xf32, #tpu.memory_space<vmem>> -> memref<1x200x64xf32, #tpu.memory_space<vmem>>
        %get3A_248 = tpu.memref_squeeze %get3A_247 : memref<1x200x64xf32, #tpu.memory_space<vmem>> -> memref<200x64xf32, #tpu.memory_space<vmem>>
        %get3A_249 = arith.index_cast %add3A_244 : i32 to index
        %get3A_250 = arith.constant 32 : index
        %get3A_251 = tpu.vector_load %get3A_248[%get3A_249, %get3A_250] {strides = array<i32>} : memref<200x64xf32, #tpu.memory_space<vmem>>, vector<1x16xf32>,
        %get3A_252 = vector.shape_cast %get3A_251 : vector<1x16xf32> to vector<16xf32>
        %add3A_253 = arith.addf %scan3A_218, %get3A_252 : vector<16xf32>
        %add3A_254 = arith.constant 0 : i32
        %add3A_255 = arith.addi %mul3A_221, %add3A_254 : i32
        %get3A_256 = arith.constant 0 : i32
        %get3A_257 = arith.constant 0 : i32
        %get3A_258 = tpu.memref_slice %arg6[%scan3A_119, %get3A_256, %get3A_257] : memref<2x200x64xf32, #tpu.memory_space<vmem>> -> memref<1x200x64xf32, #tpu.memory_space<vmem>>
        %get3A_259 = tpu.memref_squeeze %get3A_258 : memref<1x200x64xf32, #tpu.memory_space<vmem>> -> memref<200x64xf32, #tpu.memory_space<vmem>>
        %get3A_260 = arith.index_cast %add3A_255 : i32 to index
        %get3A_261 = arith.constant 48 : index
        %get3A_262 = tpu.vector_load %get3A_259[%get3A_260, %get3A_261] {strides = array<i32>} : memref<200x64xf32, #tpu.memory_space<vmem>>, vector<1x16xf32>,
        %get3A_263 = vector.shape_cast %get3A_262 : vector<1x16xf32> to vector<16xf32>
        %add3A_264 = arith.addf %scan3A_219, %get3A_263 : vector<16xf32>
        %add3A_265 = arith.constant 1 : i32
        %add3A_266 = arith.addi %mul3A_221, %add3A_265 : i32
        %get3A_267 = arith.constant 0 : i32
        %get3A_268 = arith.constant 0 : i32
        %get3A_269 = tpu.memref_slice %arg6[%scan3A_119, %get3A_267, %get3A_268] : memref<2x200x64xf32, #tpu.memory_space<vmem>> -> memref<1x200x64xf32, #tpu.memory_space<vmem>>
        %get3A_270 = tpu.memref_squeeze %get3A_269 : memref<1x200x64xf32, #tpu.memory_space<vmem>> -> memref<200x64xf32, #tpu.memory_space<vmem>>
        %get3A_271 = arith.index_cast %add3A_266 : i32 to index
        %get3A_272 = arith.constant 0 : index
        %get3A_273 = tpu.vector_load %get3A_270[%get3A_271, %get3A_272] {strides = array<i32>} : memref<200x64xf32, #tpu.memory_space<vmem>>, vector<1x16xf32>,
        %get3A_274 = vector.shape_cast %get3A_273 : vector<1x16xf32> to vector<16xf32>
        %add3A_275 = arith.addf %add3A_231, %get3A_274 : vector<16xf32>
        %add3A_276 = arith.constant 1 : i32
        %add3A_277 = arith.addi %mul3A_221, %add3A_276 : i32
        %get3A_278 = arith.constant 0 : i32
        %get3A_279 = arith.constant 0 : i32
        %get3A_280 = tpu.memref_slice %arg6[%scan3A_119, %get3A_278, %get3A_279] : memref<2x200x64xf32, #tpu.memory_space<vmem>> -> memref<1x200x64xf32, #tpu.memory_space<vmem>>
        %get3A_281 = tpu.memref_squeeze %get3A_280 : memref<1x200x64xf32, #tpu.memory_space<vmem>> -> memref<200x64xf32, #tpu.memory_space<vmem>>
        %get3A_282 = arith.index_cast %add3A_277 : i32 to index
        %get3A_283 = arith.constant 16 : index
        %get3A_284 = tpu.vector_load %get3A_281[%get3A_282, %get3A_283] {strides = array<i32>} : memref<200x64xf32, #tpu.memory_space<vmem>>, vector<1x16xf32>,
        %get3A_285 = vector.shape_cast %get3A_284 : vector<1x16xf32> to vector<16xf32>
        %add3A_286 = arith.addf %add3A_242, %get3A_285 : vector<16xf32>
        %add3A_287 = arith.constant 1 : i32
        %add3A_288 = arith.addi %mul3A_221, %add3A_287 : i32
        %get3A_289 = arith.constant 0 : i32
        %get3A_290 = arith.constant 0 : i32
        %get3A_291 = tpu.memref_slice %arg6[%scan3A_119, %get3A_289, %get3A_290] : memref<2x200x64xf32, #tpu.memory_space<vmem>> -> memref<1x200x64xf32, #tpu.memory_space<vmem>>
        %get3A_292 = tpu.memref_squeeze %get3A_291 : memref<1x200x64xf32, #tpu.memory_space<vmem>> -> memref<200x64xf32, #tpu.memory_space<vmem>>
        %get3A_293 = arith.index_cast %add3A_288 : i32 to index
        %get3A_294 = arith.constant 32 : index
        %get3A_295 = tpu.vector_load %get3A_292[%get3A_293, %get3A_294] {strides = array<i32>} : memref<200x64xf32, #tpu.memory_space<vmem>>, vector<1x16xf32>,
        %get3A_296 = vector.shape_cast %get3A_295 : vector<1x16xf32> to vector<16xf32>
        %add3A_297 = arith.addf %add3A_253, %get3A_296 : vector<16xf32>
        %add3A_298 = arith.constant 1 : i32
        %add3A_299 = arith.addi %mul3A_221, %add3A_298 : i32
        %get3A_300 = arith.constant 0 : i32
        %get3A_301 = arith.constant 0 : i32
        %get3A_302 = tpu.memref_slice %arg6[%scan3A_119, %get3A_300, %get3A_301] : memref<2x200x64xf32, #tpu.memory_space<vmem>> -> memref<1x200x64xf32, #tpu.memory_space<vmem>>
        %get3A_303 = tpu.memref_squeeze %get3A_302 : memref<1x200x64xf32, #tpu.memory_space<vmem>> -> memref<200x64xf32, #tpu.memory_space<vmem>>
        %get3A_304 = arith.index_cast %add3A_299 : i32 to index
        %get3A_305 = arith.constant 48 : index
        %get3A_306 = tpu.vector_load %get3A_303[%get3A_304, %get3A_305] {strides = array<i32>} : memref<200x64xf32, #tpu.memory_space<vmem>>, vector<1x16xf32>,
        %get3A_307 = vector.shape_cast %get3A_306 : vector<1x16xf32> to vector<16xf32>
        %add3A_308 = arith.addf %add3A_264, %get3A_307 : vector<16xf32>
        %add3A_309 = arith.constant 2 : i32
        %add3A_310 = arith.addi %mul3A_221, %add3A_309 : i32
        %get3A_311 = arith.constant 0 : i32
        %get3A_312 = arith.constant 0 : i32
        %get3A_313 = tpu.memref_slice %arg6[%scan3A_119, %get3A_311, %get3A_312] : memref<2x200x64xf32, #tpu.memory_space<vmem>> -> memref<1x200x64xf32, #tpu.memory_space<vmem>>
        %get3A_314 = tpu.memref_squeeze %get3A_313 : memref<1x200x64xf32, #tpu.memory_space<vmem>> -> memref<200x64xf32, #tpu.memory_space<vmem>>
        %get3A_315 = arith.index_cast %add3A_310 : i32 to index
        %get3A_316 = arith.constant 0 : index
        %get3A_317 = tpu.vector_load %get3A_314[%get3A_315, %get3A_316] {strides = array<i32>} : memref<200x64xf32, #tpu.memory_space<vmem>>, vector<1x16xf32>,
        %get3A_318 = vector.shape_cast %get3A_317 : vector<1x16xf32> to vector<16xf32>
        %add3A_319 = arith.addf %add3A_275, %get3A_318 : vector<16xf32>
        %add3A_320 = arith.constant 2 : i32
        %add3A_321 = arith.addi %mul3A_221, %add3A_320 : i32
        %get3A_322 = arith.constant 0 : i32
        %get3A_323 = arith.constant 0 : i32
        %get3A_324 = tpu.memref_slice %arg6[%scan3A_119, %get3A_322, %get3A_323] : memref<2x200x64xf32, #tpu.memory_space<vmem>> -> memref<1x200x64xf32, #tpu.memory_space<vmem>>
        %get3A_325 = tpu.memref_squeeze %get3A_324 : memref<1x200x64xf32, #tpu.memory_space<vmem>> -> memref<200x64xf32, #tpu.memory_space<vmem>>
        %get3A_326 = arith.index_cast %add3A_321 : i32 to index
        %get3A_327 = arith.constant 16 : index
        %get3A_328 = tpu.vector_load %get3A_325[%get3A_326, %get3A_327] {strides = array<i32>} : memref<200x64xf32, #tpu.memory_space<vmem>>, vector<1x16xf32>,
        %get3A_329 = vector.shape_cast %get3A_328 : vector<1x16xf32> to vector<16xf32>
        %add3A_330 = arith.addf %add3A_286, %get3A_329 : vector<16xf32>
        %add3A_331 = arith.constant 2 : i32
        %add3A_332 = arith.addi %mul3A_221, %add3A_331 : i32
        %get3A_333 = arith.constant 0 : i32
        %get3A_334 = arith.constant 0 : i32
        %get3A_335 = tpu.memref_slice %arg6[%scan3A_119, %get3A_333, %get3A_334] : memref<2x200x64xf32, #tpu.memory_space<vmem>> -> memref<1x200x64xf32, #tpu.memory_space<vmem>>
        %get3A_336 = tpu.memref_squeeze %get3A_335 : memref<1x200x64xf32, #tpu.memory_space<vmem>> -> memref<200x64xf32, #tpu.memory_space<vmem>>
        %get3A_337 = arith.index_cast %add3A_332 : i32 to index
        %get3A_338 = arith.constant 32 : index
        %get3A_339 = tpu.vector_load %get3A_336[%get3A_337, %get3A_338] {strides = array<i32>} : memref<200x64xf32, #tpu.memory_space<vmem>>, vector<1x16xf32>,
        %get3A_340 = vector.shape_cast %get3A_339 : vector<1x16xf32> to vector<16xf32>
        %add3A_341 = arith.addf %add3A_297, %get3A_340 : vector<16xf32>
        %add3A_342 = arith.constant 2 : i32
        %add3A_343 = arith.addi %mul3A_221, %add3A_342 : i32
        %get3A_344 = arith.constant 0 : i32
        %get3A_345 = arith.constant 0 : i32
        %get3A_346 = tpu.memref_slice %arg6[%scan3A_119, %get3A_344, %get3A_345] : memref<2x200x64xf32, #tpu.memory_space<vmem>> -> memref<1x200x64xf32, #tpu.memory_space<vmem>>
        %get3A_347 = tpu.memref_squeeze %get3A_346 : memref<1x200x64xf32, #tpu.memory_space<vmem>> -> memref<200x64xf32, #tpu.memory_space<vmem>>
        %get3A_348 = arith.index_cast %add3A_343 : i32 to index
        %get3A_349 = arith.constant 48 : index
        %get3A_350 = tpu.vector_load %get3A_347[%get3A_348, %get3A_349] {strides = array<i32>} : memref<200x64xf32, #tpu.memory_space<vmem>>, vector<1x16xf32>,
        %get3A_351 = vector.shape_cast %get3A_350 : vector<1x16xf32> to vector<16xf32>
        %add3A_352 = arith.addf %add3A_308, %get3A_351 : vector<16xf32>
        %add3A_353 = arith.constant 3 : i32
        %add3A_354 = arith.addi %mul3A_221, %add3A_353 : i32
        %get3A_355 = arith.constant 0 : i32
        %get3A_356 = arith.constant 0 : i32
        %get3A_357 = tpu.memref_slice %arg6[%scan3A_119, %get3A_355, %get3A_356] : memref<2x200x64xf32, #tpu.memory_space<vmem>> -> memref<1x200x64xf32, #tpu.memory_space<vmem>>
        %get3A_358 = tpu.memref_squeeze %get3A_357 : memref<1x200x64xf32, #tpu.memory_space<vmem>> -> memref<200x64xf32, #tpu.memory_space<vmem>>
        %get3A_359 = arith.index_cast %add3A_354 : i32 to index
        %get3A_360 = arith.constant 0 : index
        %get3A_361 = tpu.vector_load %get3A_358[%get3A_359, %get3A_360] {strides = array<i32>} : memref<200x64xf32, #tpu.memory_space<vmem>>, vector<1x16xf32>,
        %get3A_362 = vector.shape_cast %get3A_361 : vector<1x16xf32> to vector<16xf32>
        %add3A_363 = arith.addf %add3A_319, %get3A_362 : vector<16xf32>
        %add3A_364 = arith.constant 3 : i32
        %add3A_365 = arith.addi %mul3A_221, %add3A_364 : i32
        %get3A_366 = arith.constant 0 : i32
        %get3A_367 = arith.constant 0 : i32
        %get3A_368 = tpu.memref_slice %arg6[%scan3A_119, %get3A_366, %get3A_367] : memref<2x200x64xf32, #tpu.memory_space<vmem>> -> memref<1x200x64xf32, #tpu.memory_space<vmem>>
        %get3A_369 = tpu.memref_squeeze %get3A_368 : memref<1x200x64xf32, #tpu.memory_space<vmem>> -> memref<200x64xf32, #tpu.memory_space<vmem>>
        %get3A_370 = arith.index_cast %add3A_365 : i32 to index
        %get3A_371 = arith.constant 16 : index
        %get3A_372 = tpu.vector_load %get3A_369[%get3A_370, %get3A_371] {strides = array<i32>} : memref<200x64xf32, #tpu.memory_space<vmem>>, vector<1x16xf32>,
        %get3A_373 = vector.shape_cast %get3A_372 : vector<1x16xf32> to vector<16xf32>
        %add3A_374 = arith.addf %add3A_330, %get3A_373 : vector<16xf32>
        %add3A_375 = arith.constant 3 : i32
        %add3A_376 = arith.addi %mul3A_221, %add3A_375 : i32
        %get3A_377 = arith.constant 0 : i32
        %get3A_378 = arith.constant 0 : i32
        %get3A_379 = tpu.memref_slice %arg6[%scan3A_119, %get3A_377, %get3A_378] : memref<2x200x64xf32, #tpu.memory_space<vmem>> -> memref<1x200x64xf32, #tpu.memory_space<vmem>>
        %get3A_380 = tpu.memref_squeeze %get3A_379 : memref<1x200x64xf32, #tpu.memory_space<vmem>> -> memref<200x64xf32, #tpu.memory_space<vmem>>
        %get3A_381 = arith.index_cast %add3A_376 : i32 to index
        %get3A_382 = arith.constant 32 : index
        %get3A_383 = tpu.vector_load %get3A_380[%get3A_381, %get3A_382] {strides = array<i32>} : memref<200x64xf32, #tpu.memory_space<vmem>>, vector<1x16xf32>,
        %get3A_384 = vector.shape_cast %get3A_383 : vector<1x16xf32> to vector<16xf32>
        %add3A_385 = arith.addf %add3A_341, %get3A_384 : vector<16xf32>
        %add3A_386 = arith.constant 3 : i32
        %add3A_387 = arith.addi %mul3A_221, %add3A_386 : i32
        %get3A_388 = arith.constant 0 : i32
        %get3A_389 = arith.constant 0 : i32
        %get3A_390 = tpu.memref_slice %arg6[%scan3A_119, %get3A_388, %get3A_389] : memref<2x200x64xf32, #tpu.memory_space<vmem>> -> memref<1x200x64xf32, #tpu.memory_space<vmem>>
        %get3A_391 = tpu.memref_squeeze %get3A_390 : memref<1x200x64xf32, #tpu.memory_space<vmem>> -> memref<200x64xf32, #tpu.memory_space<vmem>>
        %get3A_392 = arith.index_cast %add3A_387 : i32 to index
        %get3A_393 = arith.constant 48 : index
        %get3A_394 = tpu.vector_load %get3A_391[%get3A_392, %get3A_393] {strides = array<i32>} : memref<200x64xf32, #tpu.memory_space<vmem>>, vector<1x16xf32>,
        %get3A_395 = vector.shape_cast %get3A_394 : vector<1x16xf32> to vector<16xf32>
        %add3A_396 = arith.addf %add3A_352, %get3A_395 : vector<16xf32>
        %add3A_397 = arith.constant 4 : i32
        %add3A_398 = arith.addi %mul3A_221, %add3A_397 : i32
        %get3A_399 = arith.constant 0 : i32
        %get3A_400 = arith.constant 0 : i32
        %get3A_401 = tpu.memref_slice %arg6[%scan3A_119, %get3A_399, %get3A_400] : memref<2x200x64xf32, #tpu.memory_space<vmem>> -> memref<1x200x64xf32, #tpu.memory_space<vmem>>
        %get3A_402 = tpu.memref_squeeze %get3A_401 : memref<1x200x64xf32, #tpu.memory_space<vmem>> -> memref<200x64xf32, #tpu.memory_space<vmem>>
        %get3A_403 = arith.index_cast %add3A_398 : i32 to index
        %get3A_404 = arith.constant 0 : index
        %get3A_405 = tpu.vector_load %get3A_402[%get3A_403, %get3A_404] {strides = array<i32>} : memref<200x64xf32, #tpu.memory_space<vmem>>, vector<1x16xf32>,
        %get3A_406 = vector.shape_cast %get3A_405 : vector<1x16xf32> to vector<16xf32>
        %add3A_407 = arith.addf %add3A_363, %get3A_406 : vector<16xf32>
        %add3A_408 = arith.constant 4 : i32
        %add3A_409 = arith.addi %mul3A_221, %add3A_408 : i32
        %get3A_410 = arith.constant 0 : i32
        %get3A_411 = arith.constant 0 : i32
        %get3A_412 = tpu.memref_slice %arg6[%scan3A_119, %get3A_410, %get3A_411] : memref<2x200x64xf32, #tpu.memory_space<vmem>> -> memref<1x200x64xf32, #tpu.memory_space<vmem>>
        %get3A_413 = tpu.memref_squeeze %get3A_412 : memref<1x200x64xf32, #tpu.memory_space<vmem>> -> memref<200x64xf32, #tpu.memory_space<vmem>>
        %get3A_414 = arith.index_cast %add3A_409 : i32 to index
        %get3A_415 = arith.constant 16 : index
        %get3A_416 = tpu.vector_load %get3A_413[%get3A_414, %get3A_415] {strides = array<i32>} : memref<200x64xf32, #tpu.memory_space<vmem>>, vector<1x16xf32>,
        %get3A_417 = vector.shape_cast %get3A_416 : vector<1x16xf32> to vector<16xf32>
        %add3A_418 = arith.addf %add3A_374, %get3A_417 : vector<16xf32>
        %add3A_419 = arith.constant 4 : i32
        %add3A_420 = arith.addi %mul3A_221, %add3A_419 : i32
        %get3A_421 = arith.constant 0 : i32
        %get3A_422 = arith.constant 0 : i32
        %get3A_423 = tpu.memref_slice %arg6[%scan3A_119, %get3A_421, %get3A_422] : memref<2x200x64xf32, #tpu.memory_space<vmem>> -> memref<1x200x64xf32, #tpu.memory_space<vmem>>
        %get3A_424 = tpu.memref_squeeze %get3A_423 : memref<1x200x64xf32, #tpu.memory_space<vmem>> -> memref<200x64xf32, #tpu.memory_space<vmem>>
        %get3A_425 = arith.index_cast %add3A_420 : i32 to index
        %get3A_426 = arith.constant 32 : index
        %get3A_427 = tpu.vector_load %get3A_424[%get3A_425, %get3A_426] {strides = array<i32>} : memref<200x64xf32, #tpu.memory_space<vmem>>, vector<1x16xf32>,
        %get3A_428 = vector.shape_cast %get3A_427 : vector<1x16xf32> to vector<16xf32>
        %add3A_429 = arith.addf %add3A_385, %get3A_428 : vector<16xf32>
        %add3A_430 = arith.constant 4 : i32
        %add3A_431 = arith.addi %mul3A_221, %add3A_430 : i32
        %get3A_432 = arith.constant 0 : i32
        %get3A_433 = arith.constant 0 : i32
        %get3A_434 = tpu.memref_slice %arg6[%scan3A_119, %get3A_432, %get3A_433] : memref<2x200x64xf32, #tpu.memory_space<vmem>> -> memref<1x200x64xf32, #tpu.memory_space<vmem>>
        %get3A_435 = tpu.memref_squeeze %get3A_434 : memref<1x200x64xf32, #tpu.memory_space<vmem>> -> memref<200x64xf32, #tpu.memory_space<vmem>>
        %get3A_436 = arith.index_cast %add3A_431 : i32 to index
        %get3A_437 = arith.constant 48 : index
        %get3A_438 = tpu.vector_load %get3A_435[%get3A_436, %get3A_437] {strides = array<i32>} : memref<200x64xf32, #tpu.memory_space<vmem>>, vector<1x16xf32>,
        %get3A_439 = vector.shape_cast %get3A_438 : vector<1x16xf32> to vector<16xf32>
        %add3A_440 = arith.addf %add3A_396, %get3A_439 : vector<16xf32>
        %add3A_441 = arith.constant 5 : i32
        %add3A_442 = arith.addi %mul3A_221, %add3A_441 : i32
        %get3A_443 = arith.constant 0 : i32
        %get3A_444 = arith.constant 0 : i32
        %get3A_445 = tpu.memref_slice %arg6[%scan3A_119, %get3A_443, %get3A_444] : memref<2x200x64xf32, #tpu.memory_space<vmem>> -> memref<1x200x64xf32, #tpu.memory_space<vmem>>
        %get3A_446 = tpu.memref_squeeze %get3A_445 : memref<1x200x64xf32, #tpu.memory_space<vmem>> -> memref<200x64xf32, #tpu.memory_space<vmem>>
        %get3A_447 = arith.index_cast %add3A_442 : i32 to index
        %get3A_448 = arith.constant 0 : index
        %get3A_449 = tpu.vector_load %get3A_446[%get3A_447, %get3A_448] {strides = array<i32>} : memref<200x64xf32, #tpu.memory_space<vmem>>, vector<1x16xf32>,
        %get3A_450 = vector.shape_cast %get3A_449 : vector<1x16xf32> to vector<16xf32>
        %add3A_451 = arith.addf %add3A_407, %get3A_450 : vector<16xf32>
        %add3A_452 = arith.constant 5 : i32
        %add3A_453 = arith.addi %mul3A_221, %add3A_452 : i32
        %get3A_454 = arith.constant 0 : i32
        %get3A_455 = arith.constant 0 : i32
        %get3A_456 = tpu.memref_slice %arg6[%scan3A_119, %get3A_454, %get3A_455] : memref<2x200x64xf32, #tpu.memory_space<vmem>> -> memref<1x200x64xf32, #tpu.memory_space<vmem>>
        %get3A_457 = tpu.memref_squeeze %get3A_456 : memref<1x200x64xf32, #tpu.memory_space<vmem>> -> memref<200x64xf32, #tpu.memory_space<vmem>>
        %get3A_458 = arith.index_cast %add3A_453 : i32 to index
        %get3A_459 = arith.constant 16 : index
        %get3A_460 = tpu.vector_load %get3A_457[%get3A_458, %get3A_459] {strides = array<i32>} : memref<200x64xf32, #tpu.memory_space<vmem>>, vector<1x16xf32>,
        %get3A_461 = vector.shape_cast %get3A_460 : vector<1x16xf32> to vector<16xf32>
        %add3A_462 = arith.addf %add3A_418, %get3A_461 : vector<16xf32>
        %add3A_463 = arith.constant 5 : i32
        %add3A_464 = arith.addi %mul3A_221, %add3A_463 : i32
        %get3A_465 = arith.constant 0 : i32
        %get3A_466 = arith.constant 0 : i32
        %get3A_467 = tpu.memref_slice %arg6[%scan3A_119, %get3A_465, %get3A_466] : memref<2x200x64xf32, #tpu.memory_space<vmem>> -> memref<1x200x64xf32, #tpu.memory_space<vmem>>
        %get3A_468 = tpu.memref_squeeze %get3A_467 : memref<1x200x64xf32, #tpu.memory_space<vmem>> -> memref<200x64xf32, #tpu.memory_space<vmem>>
        %get3A_469 = arith.index_cast %add3A_464 : i32 to index
        %get3A_470 = arith.constant 32 : index
        %get3A_471 = tpu.vector_load %get3A_468[%get3A_469, %get3A_470] {strides = array<i32>} : memref<200x64xf32, #tpu.memory_space<vmem>>, vector<1x16xf32>,
        %get3A_472 = vector.shape_cast %get3A_471 : vector<1x16xf32> to vector<16xf32>
        %add3A_473 = arith.addf %add3A_429, %get3A_472 : vector<16xf32>
        %add3A_474 = arith.constant 5 : i32
        %add3A_475 = arith.addi %mul3A_221, %add3A_474 : i32
        %get3A_476 = arith.constant 0 : i32
        %get3A_477 = arith.constant 0 : i32
        %get3A_478 = tpu.memref_slice %arg6[%scan3A_119, %get3A_476, %get3A_477] : memref<2x200x64xf32, #tpu.memory_space<vmem>> -> memref<1x200x64xf32, #tpu.memory_space<vmem>>
        %get3A_479 = tpu.memref_squeeze %get3A_478 : memref<1x200x64xf32, #tpu.memory_space<vmem>> -> memref<200x64xf32, #tpu.memory_space<vmem>>
        %get3A_480 = arith.index_cast %add3A_475 : i32 to index
        %get3A_481 = arith.constant 48 : index
        %get3A_482 = tpu.vector_load %get3A_479[%get3A_480, %get3A_481] {strides = array<i32>} : memref<200x64xf32, #tpu.memory_space<vmem>>, vector<1x16xf32>,
        %get3A_483 = vector.shape_cast %get3A_482 : vector<1x16xf32> to vector<16xf32>
        %add3A_484 = arith.addf %add3A_440, %get3A_483 : vector<16xf32>
        %add3A_485 = arith.constant 6 : i32
        %add3A_486 = arith.addi %mul3A_221, %add3A_485 : i32
        %get3A_487 = arith.constant 0 : i32
        %get3A_488 = arith.constant 0 : i32
        %get3A_489 = tpu.memref_slice %arg6[%scan3A_119, %get3A_487, %get3A_488] : memref<2x200x64xf32, #tpu.memory_space<vmem>> -> memref<1x200x64xf32, #tpu.memory_space<vmem>>
        %get3A_490 = tpu.memref_squeeze %get3A_489 : memref<1x200x64xf32, #tpu.memory_space<vmem>> -> memref<200x64xf32, #tpu.memory_space<vmem>>
        %get3A_491 = arith.index_cast %add3A_486 : i32 to index
        %get3A_492 = arith.constant 0 : index
        %get3A_493 = tpu.vector_load %get3A_490[%get3A_491, %get3A_492] {strides = array<i32>} : memref<200x64xf32, #tpu.memory_space<vmem>>, vector<1x16xf32>,
        %get3A_494 = vector.shape_cast %get3A_493 : vector<1x16xf32> to vector<16xf32>
        %add3A_495 = arith.addf %add3A_451, %get3A_494 : vector<16xf32>
        %add3A_496 = arith.constant 6 : i32
        %add3A_497 = arith.addi %mul3A_221, %add3A_496 : i32
        %get3A_498 = arith.constant 0 : i32
        %get3A_499 = arith.constant 0 : i32
        %get3A_500 = tpu.memref_slice %arg6[%scan3A_119, %get3A_498, %get3A_499] : memref<2x200x64xf32, #tpu.memory_space<vmem>> -> memref<1x200x64xf32, #tpu.memory_space<vmem>>
        %get3A_501 = tpu.memref_squeeze %get3A_500 : memref<1x200x64xf32, #tpu.memory_space<vmem>> -> memref<200x64xf32, #tpu.memory_space<vmem>>
        %get3A_502 = arith.index_cast %add3A_497 : i32 to index
        %get3A_503 = arith.constant 16 : index
        %get3A_504 = tpu.vector_load %get3A_501[%get3A_502, %get3A_503] {strides = array<i32>} : memref<200x64xf32, #tpu.memory_space<vmem>>, vector<1x16xf32>,
        %get3A_505 = vector.shape_cast %get3A_504 : vector<1x16xf32> to vector<16xf32>
        %add3A_506 = arith.addf %add3A_462, %get3A_505 : vector<16xf32>
        %add3A_507 = arith.constant 6 : i32
        %add3A_508 = arith.addi %mul3A_221, %add3A_507 : i32
        %get3A_509 = arith.constant 0 : i32
        %get3A_510 = arith.constant 0 : i32
        %get3A_511 = tpu.memref_slice %arg6[%scan3A_119, %get3A_509, %get3A_510] : memref<2x200x64xf32, #tpu.memory_space<vmem>> -> memref<1x200x64xf32, #tpu.memory_space<vmem>>
        %get3A_512 = tpu.memref_squeeze %get3A_511 : memref<1x200x64xf32, #tpu.memory_space<vmem>> -> memref<200x64xf32, #tpu.memory_space<vmem>>
        %get3A_513 = arith.index_cast %add3A_508 : i32 to index
        %get3A_514 = arith.constant 32 : index
        %get3A_515 = tpu.vector_load %get3A_512[%get3A_513, %get3A_514] {strides = array<i32>} : memref<200x64xf32, #tpu.memory_space<vmem>>, vector<1x16xf32>,
        %get3A_516 = vector.shape_cast %get3A_515 : vector<1x16xf32> to vector<16xf32>
        %add3A_517 = arith.addf %add3A_473, %get3A_516 : vector<16xf32>
        %add3A_518 = arith.constant 6 : i32
        %add3A_519 = arith.addi %mul3A_221, %add3A_518 : i32
        %get3A_520 = arith.constant 0 : i32
        %get3A_521 = arith.constant 0 : i32
        %get3A_522 = tpu.memref_slice %arg6[%scan3A_119, %get3A_520, %get3A_521] : memref<2x200x64xf32, #tpu.memory_space<vmem>> -> memref<1x200x64xf32, #tpu.memory_space<vmem>>
        %get3A_523 = tpu.memref_squeeze %get3A_522 : memref<1x200x64xf32, #tpu.memory_space<vmem>> -> memref<200x64xf32, #tpu.memory_space<vmem>>
        %get3A_524 = arith.index_cast %add3A_519 : i32 to index
        %get3A_525 = arith.constant 48 : index
        %get3A_526 = tpu.vector_load %get3A_523[%get3A_524, %get3A_525] {strides = array<i32>} : memref<200x64xf32, #tpu.memory_space<vmem>>, vector<1x16xf32>,
        %get3A_527 = vector.shape_cast %get3A_526 : vector<1x16xf32> to vector<16xf32>
        %add3A_528 = arith.addf %add3A_484, %get3A_527 : vector<16xf32>
        %add3A_529 = arith.constant 7 : i32
        %add3A_530 = arith.addi %mul3A_221, %add3A_529 : i32
        %get3A_531 = arith.constant 0 : i32
        %get3A_532 = arith.constant 0 : i32
        %get3A_533 = tpu.memref_slice %arg6[%scan3A_119, %get3A_531, %get3A_532] : memref<2x200x64xf32, #tpu.memory_space<vmem>> -> memref<1x200x64xf32, #tpu.memory_space<vmem>>
        %get3A_534 = tpu.memref_squeeze %get3A_533 : memref<1x200x64xf32, #tpu.memory_space<vmem>> -> memref<200x64xf32, #tpu.memory_space<vmem>>
        %get3A_535 = arith.index_cast %add3A_530 : i32 to index
        %get3A_536 = arith.constant 0 : index
        %get3A_537 = tpu.vector_load %get3A_534[%get3A_535, %get3A_536] {strides = array<i32>} : memref<200x64xf32, #tpu.memory_space<vmem>>, vector<1x16xf32>,
        %get3A_538 = vector.shape_cast %get3A_537 : vector<1x16xf32> to vector<16xf32>
        %add3A_539 = arith.addf %add3A_495, %get3A_538 : vector<16xf32>
        %add3A_540 = arith.constant 7 : i32
        %add3A_541 = arith.addi %mul3A_221, %add3A_540 : i32
        %get3A_542 = arith.constant 0 : i32
        %get3A_543 = arith.constant 0 : i32
        %get3A_544 = tpu.memref_slice %arg6[%scan3A_119, %get3A_542, %get3A_543] : memref<2x200x64xf32, #tpu.memory_space<vmem>> -> memref<1x200x64xf32, #tpu.memory_space<vmem>>
        %get3A_545 = tpu.memref_squeeze %get3A_544 : memref<1x200x64xf32, #tpu.memory_space<vmem>> -> memref<200x64xf32, #tpu.memory_space<vmem>>
        %get3A_546 = arith.index_cast %add3A_541 : i32 to index
        %get3A_547 = arith.constant 16 : index
        %get3A_548 = tpu.vector_load %get3A_545[%get3A_546, %get3A_547] {strides = array<i32>} : memref<200x64xf32, #tpu.memory_space<vmem>>, vector<1x16xf32>,
        %get3A_549 = vector.shape_cast %get3A_548 : vector<1x16xf32> to vector<16xf32>
        %add3A_550 = arith.addf %add3A_506, %get3A_549 : vector<16xf32>
        %add3A_551 = arith.constant 7 : i32
        %add3A_552 = arith.addi %mul3A_221, %add3A_551 : i32
        %get3A_553 = arith.constant 0 : i32
        %get3A_554 = arith.constant 0 : i32
        %get3A_555 = tpu.memref_slice %arg6[%scan3A_119, %get3A_553, %get3A_554] : memref<2x200x64xf32, #tpu.memory_space<vmem>> -> memref<1x200x64xf32, #tpu.memory_space<vmem>>
        %get3A_556 = tpu.memref_squeeze %get3A_555 : memref<1x200x64xf32, #tpu.memory_space<vmem>> -> memref<200x64xf32, #tpu.memory_space<vmem>>
        %get3A_557 = arith.index_cast %add3A_552 : i32 to index
        %get3A_558 = arith.constant 32 : index
        %get3A_559 = tpu.vector_load %get3A_556[%get3A_557, %get3A_558] {strides = array<i32>} : memref<200x64xf32, #tpu.memory_space<vmem>>, vector<1x16xf32>,
        %get3A_560 = vector.shape_cast %get3A_559 : vector<1x16xf32> to vector<16xf32>
        %add3A_561 = arith.addf %add3A_517, %get3A_560 : vector<16xf32>
        %add3A_562 = arith.constant 7 : i32
        %add3A_563 = arith.addi %mul3A_221, %add3A_562 : i32
        %get3A_564 = arith.constant 0 : i32
        %get3A_565 = arith.constant 0 : i32
        %get3A_566 = tpu.memref_slice %arg6[%scan3A_119, %get3A_564, %get3A_565] : memref<2x200x64xf32, #tpu.memory_space<vmem>> -> memref<1x200x64xf32, #tpu.memory_space<vmem>>
        %get3A_567 = tpu.memref_squeeze %get3A_566 : memref<1x200x64xf32, #tpu.memory_space<vmem>> -> memref<200x64xf32, #tpu.memory_space<vmem>>
        %get3A_568 = arith.index_cast %add3A_563 : i32 to index
        %get3A_569 = arith.constant 48 : index
        %get3A_570 = tpu.vector_load %get3A_567[%get3A_568, %get3A_569] {strides = array<i32>} : memref<200x64xf32, #tpu.memory_space<vmem>>, vector<1x16xf32>,
        %get3A_571 = vector.shape_cast %get3A_570 : vector<1x16xf32> to vector<16xf32>
        %add3A_572 = arith.addf %add3A_528, %get3A_571 : vector<16xf32>
        scf.yield %add3A_539, %add3A_550, %add3A_561, %add3A_572 : vector<16xf32>, vector<16xf32>, vector<16xf32>, vector<16xf32>
      }
      %scan3A_125 = arith.constant 25 : i32
      %swap3A = arith.index_cast %mul3A_118 : i32 to index
      %swap3A_126 = arith.constant 0 : index
      %swap3A_127 = tpu.vector_load %arg7[%swap3A, %swap3A_126] {strides = array<i32>} : memref<8x64xf32, #tpu.memory_space<vmem>>, vector<1x16xf32>,
      %swap3A_128 = vector.shape_cast %swap3A_127 : vector<1x16xf32> to vector<16xf32>
      %swap3A_129 = vector.shape_cast %scan3A_124#0 : vector<16xf32> to vector<1x16xf32>
      tpu.vector_store %arg7[%swap3A, %swap3A_126], %swap3A_129 {strides = array<i32>} : memref<8x64xf32, #tpu.memory_space<vmem>>, vector<1x16xf32>,
      %swap3A_130 = arith.index_cast %mul3A_118 : i32 to index
      %swap3A_131 = arith.constant 16 : index
      %swap3A_132 = tpu.vector_load %arg7[%swap3A_130, %swap3A_131] {strides = array<i32>} : memref<8x64xf32, #tpu.memory_space<vmem>>, vector<1x16xf32>,
      %swap3A_133 = vector.shape_cast %swap3A_132 : vector<1x16xf32> to vector<16xf32>
      %swap3A_134 = vector.shape_cast %scan3A_124#1 : vector<16xf32> to vector<1x16xf32>
      tpu.vector_store %arg7[%swap3A_130, %swap3A_131], %swap3A_134 {strides = array<i32>} : memref<8x64xf32, #tpu.memory_space<vmem>>, vector<1x16xf32>,
      %swap3A_135 = arith.index_cast %mul3A_118 : i32 to index
      %swap3A_136 = arith.constant 32 : index
      %swap3A_137 = tpu.vector_load %arg7[%swap3A_135, %swap3A_136] {strides = array<i32>} : memref<8x64xf32, #tpu.memory_space<vmem>>, vector<1x16xf32>,
      %swap3A_138 = vector.shape_cast %swap3A_137 : vector<1x16xf32> to vector<16xf32>
      %swap3A_139 = vector.shape_cast %scan3A_124#2 : vector<16xf32> to vector<1x16xf32>
      tpu.vector_store %arg7[%swap3A_135, %swap3A_136], %swap3A_139 {strides = array<i32>} : memref<8x64xf32, #tpu.memory_space<vmem>>, vector<1x16xf32>,
      %swap3A_140 = arith.index_cast %mul3A_118 : i32 to index
      %swap3A_141 = arith.constant 48 : index
      %swap3A_142 = tpu.vector_load %arg7[%swap3A_140, %swap3A_141] {strides = array<i32>} : memref<8x64xf32, #tpu.memory_space<vmem>>, vector<1x16xf32>,
      %swap3A_143 = vector.shape_cast %swap3A_142 : vector<1x16xf32> to vector<16xf32>
      %swap3A_144 = vector.shape_cast %scan3A_124#3 : vector<16xf32> to vector<1x16xf32>
      tpu.vector_store %arg7[%swap3A_140, %swap3A_141], %swap3A_144 {strides = array<i32>} : memref<8x64xf32, #tpu.memory_space<vmem>>, vector<1x16xf32>,
      %lt3A = arith.constant 3 : i32
      %lt3A_145 = arith.cmpi slt, %scan3A_46, %lt3A : i32
      %convert_element_type3A = arith.extui %lt3A_145 : i1 to i32
      %cond3A = arith.constant 0 : i32
      %cond3A_146 = arith.cmpi ne, %convert_element_type3A, %cond3A : i32
      scf.if %cond3A_146 {
        %mul3A_215 = arith.constant 2 : i32
        %mul3A_216 = arith.muli %mul3A_215, %scan3A_46 : i32
        %add3A_217 = arith.constant 2 : i32
        %add3A_218 = arith.addi %mul3A_216, %add3A_217 : i32
        %mul3A_219 = arith.constant 200 : i32
        %mul3A_220 = arith.muli %add3A_218, %mul3A_219 : i32
        %add3A_221 = arith.constant 0 : i32
        %add3A_222 = arith.addi %mul3A_220, %add3A_221 : i32
        %dma_start3A_223 = arith.constant 0 : i32
        %dma_start3A_224 = arith.constant 0 : i32
        %dma_start3A_225 = arith.constant 0 : i32
        %dma_start3A_226 = tpu.memref_slice %arg6[%dma_start3A_223, %dma_start3A_224, %dma_start3A_225] : memref<2x200x64xf32, #tpu.memory_space<vmem>> -> memref<1x200x64xf32, #tpu.memory_space<vmem>>
        %dma_start3A_227 = tpu.memref_squeeze %dma_start3A_226 : memref<1x200x64xf32, #tpu.memory_space<vmem>> -> memref<200x64xf32, #tpu.memory_space<vmem>>
        %dma_start3A_228 = arith.constant 0 : i32
        %dma_start3A_229 = arith.constant 0 : i32
        %dma_start3A_230 = tpu.memref_slice %dma_start3A_227[%dma_start3A_228, %dma_start3A_229] : memref<200x64xf32, #tpu.memory_space<vmem>> -> memref<128x64xf32, #tpu.memory_space<vmem>>
        %dma_start3A_231 = tpu.memref_slice %arg5[%add3A_222] : memref<1600xi32, #tpu.memory_space<vmem>> -> memref<128xi32, #tpu.memory_space<vmem>>
        %dma_start3A_232 = arith.constant 0 : i32
        %dma_start3A_233 = arith.constant 0 : i32
        %dma_start3A_234 = tpu.memref_slice %arg3[%dma_start3A_232, %dma_start3A_233] : memref<100001x64xf32, #tpu.memory_space<hbm>> -> memref<100001x64xf32, #tpu.memory_space<hbm>>
        tpu.enqueue_indirect_dma source(%dma_start3A_234 : memref<100001x64xf32, #tpu.memory_space<hbm>>) target(%dma_start3A_230 : memref<128x64xf32, #tpu.memory_space<vmem>>) offsets(%dma_start3A_231 : memref<128xi32, #tpu.memory_space<vmem>>) semaphore(%arg8 : memref<!tpu.dma_semaphore, #tpu.memory_space<semaphore_mem>>)
        %mul3A_235 = arith.constant 200 : i32
        %mul3A_236 = arith.muli %add3A_218, %mul3A_235 : i32
        %add3A_237 = arith.constant 128 : i32
        %add3A_238 = arith.addi %mul3A_236, %add3A_237 : i32
        %dma_start3A_239 = arith.constant 0 : i32
        %dma_start3A_240 = arith.constant 0 : i32
        %dma_start3A_241 = arith.constant 0 : i32
        %dma_start3A_242 = tpu.memref_slice %arg6[%dma_start3A_239, %dma_start3A_240, %dma_start3A_241] : memref<2x200x64xf32, #tpu.memory_space<vmem>> -> memref<1x200x64xf32, #tpu.memory_space<vmem>>
        %dma_start3A_243 = tpu.memref_squeeze %dma_start3A_242 : memref<1x200x64xf32, #tpu.memory_space<vmem>> -> memref<200x64xf32, #tpu.memory_space<vmem>>
        %dma_start3A_244 = arith.constant 128 : i32
        %dma_start3A_245 = arith.constant 0 : i32
        %dma_start3A_246 = tpu.memref_slice %dma_start3A_243[%dma_start3A_244, %dma_start3A_245] : memref<200x64xf32, #tpu.memory_space<vmem>> -> memref<72x64xf32, #tpu.memory_space<vmem>>
        %dma_start3A_247 = tpu.memref_slice %arg5[%add3A_238] : memref<1600xi32, #tpu.memory_space<vmem>> -> memref<72xi32, #tpu.memory_space<vmem>>
        %dma_start3A_248 = arith.constant 0 : i32
        %dma_start3A_249 = arith.constant 0 : i32
        %dma_start3A_250 = tpu.memref_slice %arg3[%dma_start3A_248, %dma_start3A_249] : memref<100001x64xf32, #tpu.memory_space<hbm>> -> memref<100001x64xf32, #tpu.memory_space<hbm>>
        tpu.enqueue_indirect_dma source(%dma_start3A_250 : memref<100001x64xf32, #tpu.memory_space<hbm>>) target(%dma_start3A_246 : memref<72x64xf32, #tpu.memory_space<vmem>>) offsets(%dma_start3A_247 : memref<72xi32, #tpu.memory_space<vmem>>) semaphore(%arg8 : memref<!tpu.dma_semaphore, #tpu.memory_space<semaphore_mem>>)
      } else {
      }
      %mul3A_147 = arith.constant 2 : i32
      %mul3A_148 = arith.muli %mul3A_147, %scan3A_46 : i32
      %add3A_149 = arith.constant 1 : i32
      %add3A_150 = arith.addi %mul3A_148, %add3A_149 : i32
      %mul3A_151 = arith.constant 200 : i32
      %mul3A_152 = arith.muli %add3A_150, %mul3A_151 : i32
      %add3A_153 = arith.constant 0 : i32
      %add3A_154 = arith.addi %mul3A_152, %add3A_153 : i32
      %dma_wait3A_155 = arith.constant 1 : i32
      %dma_wait3A_156 = arith.constant 0 : i32
      %dma_wait3A_157 = arith.constant 0 : i32
      %dma_wait3A_158 = tpu.memref_slice %arg6[%dma_wait3A_155, %dma_wait3A_156, %dma_wait3A_157] : memref<2x200x64xf32, #tpu.memory_space<vmem>> -> memref<1x200x64xf32, #tpu.memory_space<vmem>>
      %dma_wait3A_159 = tpu.memref_squeeze %dma_wait3A_158 : memref<1x200x64xf32, #tpu.memory_space<vmem>> -> memref<200x64xf32, #tpu.memory_space<vmem>>
      %dma_wait3A_160 = arith.constant 0 : i32
      %dma_wait3A_161 = arith.constant 0 : i32
      %dma_wait3A_162 = tpu.memref_slice %dma_wait3A_159[%dma_wait3A_160, %dma_wait3A_161] : memref<200x64xf32, #tpu.memory_space<vmem>> -> memref<128x64xf32, #tpu.memory_space<vmem>>
      %dma_wait3A_163 = tpu.memref_slice %arg5[%add3A_154] : memref<1600xi32, #tpu.memory_space<vmem>> -> memref<128xi32, #tpu.memory_space<vmem>>
      %dma_wait3A_164 = arith.constant 0 : i32
      %dma_wait3A_165 = arith.constant 0 : i32
      %dma_wait3A_166 = tpu.memref_slice %arg3[%dma_wait3A_164, %dma_wait3A_165] : memref<100001x64xf32, #tpu.memory_space<hbm>> -> memref<100001x64xf32, #tpu.memory_space<hbm>>
      tpu.wait_indirect_dma semaphore(%arg9 : memref<!tpu.dma_semaphore, #tpu.memory_space<semaphore_mem>>) src(%dma_wait3A_166 : memref<100001x64xf32, #tpu.memory_space<hbm>>) dst(%dma_wait3A_162 : memref<128x64xf32, #tpu.memory_space<vmem>>)
      %mul3A_167 = arith.constant 200 : i32
      %mul3A_168 = arith.muli %add3A_150, %mul3A_167 : i32
      %add3A_169 = arith.constant 128 : i32
      %add3A_170 = arith.addi %mul3A_168, %add3A_169 : i32
      %dma_wait3A_171 = arith.constant 1 : i32
      %dma_wait3A_172 = arith.constant 0 : i32
      %dma_wait3A_173 = arith.constant 0 : i32
      %dma_wait3A_174 = tpu.memref_slice %arg6[%dma_wait3A_171, %dma_wait3A_172, %dma_wait3A_173] : memref<2x200x64xf32, #tpu.memory_space<vmem>> -> memref<1x200x64xf32, #tpu.memory_space<vmem>>
      %dma_wait3A_175 = tpu.memref_squeeze %dma_wait3A_174 : memref<1x200x64xf32, #tpu.memory_space<vmem>> -> memref<200x64xf32, #tpu.memory_space<vmem>>
      %dma_wait3A_176 = arith.constant 128 : i32
      %dma_wait3A_177 = arith.constant 0 : i32
      %dma_wait3A_178 = tpu.memref_slice %dma_wait3A_175[%dma_wait3A_176, %dma_wait3A_177] : memref<200x64xf32, #tpu.memory_space<vmem>> -> memref<72x64xf32, #tpu.memory_space<vmem>>
      %dma_wait3A_179 = tpu.memref_slice %arg5[%add3A_170] : memref<1600xi32, #tpu.memory_space<vmem>> -> memref<72xi32, #tpu.memory_space<vmem>>
      %dma_wait3A_180 = arith.constant 0 : i32
      %dma_wait3A_181 = arith.constant 0 : i32
      %dma_wait3A_182 = tpu.memref_slice %arg3[%dma_wait3A_180, %dma_wait3A_181] : memref<100001x64xf32, #tpu.memory_space<hbm>> -> memref<100001x64xf32, #tpu.memory_space<hbm>>
      tpu.wait_indirect_dma semaphore(%arg9 : memref<!tpu.dma_semaphore, #tpu.memory_space<semaphore_mem>>) src(%dma_wait3A_182 : memref<100001x64xf32, #tpu.memory_space<hbm>>) dst(%dma_wait3A_178 : memref<72x64xf32, #tpu.memory_space<vmem>>)
      %mul3A_183 = arith.constant 2 : i32
      %mul3A_184 = arith.muli %mul3A_183, %scan3A_46 : i32
      %add3A_185 = arith.constant 1 : i32
      %add3A_186 = arith.addi %mul3A_184, %add3A_185 : i32
      %scan3A_187 = arith.constant 1 : i32
      %scan3A_188 = arith.constant 0 : i32
      %scan3A_189 = arith.constant 25 : i32
      %scan3A_190 = arith.addi %scan3A_188, %scan3A_189 : i32
      %scan3A_191 = arith.constant 1 : i32
      %scan3A_192:4 = scf.for %scan3A_215 = %scan3A_188 to %scan3A_190 step %scan3A_191 iter_args(%scan3A_216 = %broadcast_in_dim3A_3, %scan3A_217 = %broadcast_in_dim3A_3, %scan3A_218 = %broadcast_in_dim3A_3, %scan3A_219 = %broadcast_in_dim3A_3) -> (vector<16xf32>, vector<16xf32>, vector<16xf32>, vector<16xf32>)  : i32 {
        %mul3A_220 = arith.constant 8 : i32
        %mul3A_221 = arith.muli %scan3A_215, %mul3A_220 : i32
        %add3A_222 = arith.constant 0 : i32
        %add3A_223 = arith.addi %mul3A_221, %add3A_222 : i32
        %get3A = arith.constant 0 : i32
        %get3A_224 = arith.constant 0 : i32
        %get3A_225 = tpu.memref_slice %arg6[%scan3A_187, %get3A, %get3A_224] : memref<2x200x64xf32, #tpu.memory_space<vmem>> -> memref<1x200x64xf32, #tpu.memory_space<vmem>>
        %get3A_226 = tpu.memref_squeeze %get3A_225 : memref<1x200x64xf32, #tpu.memory_space<vmem>> -> memref<200x64xf32, #tpu.memory_space<vmem>>
        %get3A_227 = arith.index_cast %add3A_223 : i32 to index
        %get3A_228 = arith.constant 0 : index
        %get3A_229 = tpu.vector_load %get3A_226[%get3A_227, %get3A_228] {strides = array<i32>} : memref<200x64xf32, #tpu.memory_space<vmem>>, vector<1x16xf32>,
        %get3A_230 = vector.shape_cast %get3A_229 : vector<1x16xf32> to vector<16xf32>
        %add3A_231 = arith.addf %scan3A_216, %get3A_230 : vector<16xf32>
        %add3A_232 = arith.constant 0 : i32
        %add3A_233 = arith.addi %mul3A_221, %add3A_232 : i32
        %get3A_234 = arith.constant 0 : i32
        %get3A_235 = arith.constant 0 : i32
        %get3A_236 = tpu.memref_slice %arg6[%scan3A_187, %get3A_234, %get3A_235] : memref<2x200x64xf32, #tpu.memory_space<vmem>> -> memref<1x200x64xf32, #tpu.memory_space<vmem>>
        %get3A_237 = tpu.memref_squeeze %get3A_236 : memref<1x200x64xf32, #tpu.memory_space<vmem>> -> memref<200x64xf32, #tpu.memory_space<vmem>>
        %get3A_238 = arith.index_cast %add3A_233 : i32 to index
        %get3A_239 = arith.constant 16 : index
        %get3A_240 = tpu.vector_load %get3A_237[%get3A_238, %get3A_239] {strides = array<i32>} : memref<200x64xf32, #tpu.memory_space<vmem>>, vector<1x16xf32>,
        %get3A_241 = vector.shape_cast %get3A_240 : vector<1x16xf32> to vector<16xf32>
        %add3A_242 = arith.addf %scan3A_217, %get3A_241 : vector<16xf32>
        %add3A_243 = arith.constant 0 : i32
        %add3A_244 = arith.addi %mul3A_221, %add3A_243 : i32
        %get3A_245 = arith.constant 0 : i32
        %get3A_246 = arith.constant 0 : i32
        %get3A_247 = tpu.memref_slice %arg6[%scan3A_187, %get3A_245, %get3A_246] : memref<2x200x64xf32, #tpu.memory_space<vmem>> -> memref<1x200x64xf32, #tpu.memory_space<vmem>>
        %get3A_248 = tpu.memref_squeeze %get3A_247 : memref<1x200x64xf32, #tpu.memory_space<vmem>> -> memref<200x64xf32, #tpu.memory_space<vmem>>
        %get3A_249 = arith.index_cast %add3A_244 : i32 to index
        %get3A_250 = arith.constant 32 : index
        %get3A_251 = tpu.vector_load %get3A_248[%get3A_249, %get3A_250] {strides = array<i32>} : memref<200x64xf32, #tpu.memory_space<vmem>>, vector<1x16xf32>,
        %get3A_252 = vector.shape_cast %get3A_251 : vector<1x16xf32> to vector<16xf32>
        %add3A_253 = arith.addf %scan3A_218, %get3A_252 : vector<16xf32>
        %add3A_254 = arith.constant 0 : i32
        %add3A_255 = arith.addi %mul3A_221, %add3A_254 : i32
        %get3A_256 = arith.constant 0 : i32
        %get3A_257 = arith.constant 0 : i32
        %get3A_258 = tpu.memref_slice %arg6[%scan3A_187, %get3A_256, %get3A_257] : memref<2x200x64xf32, #tpu.memory_space<vmem>> -> memref<1x200x64xf32, #tpu.memory_space<vmem>>
        %get3A_259 = tpu.memref_squeeze %get3A_258 : memref<1x200x64xf32, #tpu.memory_space<vmem>> -> memref<200x64xf32, #tpu.memory_space<vmem>>
        %get3A_260 = arith.index_cast %add3A_255 : i32 to index
        %get3A_261 = arith.constant 48 : index
        %get3A_262 = tpu.vector_load %get3A_259[%get3A_260, %get3A_261] {strides = array<i32>} : memref<200x64xf32, #tpu.memory_space<vmem>>, vector<1x16xf32>,
        %get3A_263 = vector.shape_cast %get3A_262 : vector<1x16xf32> to vector<16xf32>
        %add3A_264 = arith.addf %scan3A_219, %get3A_263 : vector<16xf32>
        %add3A_265 = arith.constant 1 : i32
        %add3A_266 = arith.addi %mul3A_221, %add3A_265 : i32
        %get3A_267 = arith.constant 0 : i32
        %get3A_268 = arith.constant 0 : i32
        %get3A_269 = tpu.memref_slice %arg6[%scan3A_187, %get3A_267, %get3A_268] : memref<2x200x64xf32, #tpu.memory_space<vmem>> -> memref<1x200x64xf32, #tpu.memory_space<vmem>>
        %get3A_270 = tpu.memref_squeeze %get3A_269 : memref<1x200x64xf32, #tpu.memory_space<vmem>> -> memref<200x64xf32, #tpu.memory_space<vmem>>
        %get3A_271 = arith.index_cast %add3A_266 : i32 to index
        %get3A_272 = arith.constant 0 : index
        %get3A_273 = tpu.vector_load %get3A_270[%get3A_271, %get3A_272] {strides = array<i32>} : memref<200x64xf32, #tpu.memory_space<vmem>>, vector<1x16xf32>,
        %get3A_274 = vector.shape_cast %get3A_273 : vector<1x16xf32> to vector<16xf32>
        %add3A_275 = arith.addf %add3A_231, %get3A_274 : vector<16xf32>
        %add3A_276 = arith.constant 1 : i32
        %add3A_277 = arith.addi %mul3A_221, %add3A_276 : i32
        %get3A_278 = arith.constant 0 : i32
        %get3A_279 = arith.constant 0 : i32
        %get3A_280 = tpu.memref_slice %arg6[%scan3A_187, %get3A_278, %get3A_279] : memref<2x200x64xf32, #tpu.memory_space<vmem>> -> memref<1x200x64xf32, #tpu.memory_space<vmem>>
        %get3A_281 = tpu.memref_squeeze %get3A_280 : memref<1x200x64xf32, #tpu.memory_space<vmem>> -> memref<200x64xf32, #tpu.memory_space<vmem>>
        %get3A_282 = arith.index_cast %add3A_277 : i32 to index
        %get3A_283 = arith.constant 16 : index
        %get3A_284 = tpu.vector_load %get3A_281[%get3A_282, %get3A_283] {strides = array<i32>} : memref<200x64xf32, #tpu.memory_space<vmem>>, vector<1x16xf32>,
        %get3A_285 = vector.shape_cast %get3A_284 : vector<1x16xf32> to vector<16xf32>
        %add3A_286 = arith.addf %add3A_242, %get3A_285 : vector<16xf32>
        %add3A_287 = arith.constant 1 : i32
        %add3A_288 = arith.addi %mul3A_221, %add3A_287 : i32
        %get3A_289 = arith.constant 0 : i32
        %get3A_290 = arith.constant 0 : i32
        %get3A_291 = tpu.memref_slice %arg6[%scan3A_187, %get3A_289, %get3A_290] : memref<2x200x64xf32, #tpu.memory_space<vmem>> -> memref<1x200x64xf32, #tpu.memory_space<vmem>>
        %get3A_292 = tpu.memref_squeeze %get3A_291 : memref<1x200x64xf32, #tpu.memory_space<vmem>> -> memref<200x64xf32, #tpu.memory_space<vmem>>
        %get3A_293 = arith.index_cast %add3A_288 : i32 to index
        %get3A_294 = arith.constant 32 : index
        %get3A_295 = tpu.vector_load %get3A_292[%get3A_293, %get3A_294] {strides = array<i32>} : memref<200x64xf32, #tpu.memory_space<vmem>>, vector<1x16xf32>,
        %get3A_296 = vector.shape_cast %get3A_295 : vector<1x16xf32> to vector<16xf32>
        %add3A_297 = arith.addf %add3A_253, %get3A_296 : vector<16xf32>
        %add3A_298 = arith.constant 1 : i32
        %add3A_299 = arith.addi %mul3A_221, %add3A_298 : i32
        %get3A_300 = arith.constant 0 : i32
        %get3A_301 = arith.constant 0 : i32
        %get3A_302 = tpu.memref_slice %arg6[%scan3A_187, %get3A_300, %get3A_301] : memref<2x200x64xf32, #tpu.memory_space<vmem>> -> memref<1x200x64xf32, #tpu.memory_space<vmem>>
        %get3A_303 = tpu.memref_squeeze %get3A_302 : memref<1x200x64xf32, #tpu.memory_space<vmem>> -> memref<200x64xf32, #tpu.memory_space<vmem>>
        %get3A_304 = arith.index_cast %add3A_299 : i32 to index
        %get3A_305 = arith.constant 48 : index
        %get3A_306 = tpu.vector_load %get3A_303[%get3A_304, %get3A_305] {strides = array<i32>} : memref<200x64xf32, #tpu.memory_space<vmem>>, vector<1x16xf32>,
        %get3A_307 = vector.shape_cast %get3A_306 : vector<1x16xf32> to vector<16xf32>
        %add3A_308 = arith.addf %add3A_264, %get3A_307 : vector<16xf32>
        %add3A_309 = arith.constant 2 : i32
        %add3A_310 = arith.addi %mul3A_221, %add3A_309 : i32
        %get3A_311 = arith.constant 0 : i32
        %get3A_312 = arith.constant 0 : i32
        %get3A_313 = tpu.memref_slice %arg6[%scan3A_187, %get3A_311, %get3A_312] : memref<2x200x64xf32, #tpu.memory_space<vmem>> -> memref<1x200x64xf32, #tpu.memory_space<vmem>>
        %get3A_314 = tpu.memref_squeeze %get3A_313 : memref<1x200x64xf32, #tpu.memory_space<vmem>> -> memref<200x64xf32, #tpu.memory_space<vmem>>
        %get3A_315 = arith.index_cast %add3A_310 : i32 to index
        %get3A_316 = arith.constant 0 : index
        %get3A_317 = tpu.vector_load %get3A_314[%get3A_315, %get3A_316] {strides = array<i32>} : memref<200x64xf32, #tpu.memory_space<vmem>>, vector<1x16xf32>,
        %get3A_318 = vector.shape_cast %get3A_317 : vector<1x16xf32> to vector<16xf32>
        %add3A_319 = arith.addf %add3A_275, %get3A_318 : vector<16xf32>
        %add3A_320 = arith.constant 2 : i32
        %add3A_321 = arith.addi %mul3A_221, %add3A_320 : i32
        %get3A_322 = arith.constant 0 : i32
        %get3A_323 = arith.constant 0 : i32
        %get3A_324 = tpu.memref_slice %arg6[%scan3A_187, %get3A_322, %get3A_323] : memref<2x200x64xf32, #tpu.memory_space<vmem>> -> memref<1x200x64xf32, #tpu.memory_space<vmem>>
        %get3A_325 = tpu.memref_squeeze %get3A_324 : memref<1x200x64xf32, #tpu.memory_space<vmem>> -> memref<200x64xf32, #tpu.memory_space<vmem>>
        %get3A_326 = arith.index_cast %add3A_321 : i32 to index
        %get3A_327 = arith.constant 16 : index
        %get3A_328 = tpu.vector_load %get3A_325[%get3A_326, %get3A_327] {strides = array<i32>} : memref<200x64xf32, #tpu.memory_space<vmem>>, vector<1x16xf32>,
        %get3A_329 = vector.shape_cast %get3A_328 : vector<1x16xf32> to vector<16xf32>
        %add3A_330 = arith.addf %add3A_286, %get3A_329 : vector<16xf32>
        %add3A_331 = arith.constant 2 : i32
        %add3A_332 = arith.addi %mul3A_221, %add3A_331 : i32
        %get3A_333 = arith.constant 0 : i32
        %get3A_334 = arith.constant 0 : i32
        %get3A_335 = tpu.memref_slice %arg6[%scan3A_187, %get3A_333, %get3A_334] : memref<2x200x64xf32, #tpu.memory_space<vmem>> -> memref<1x200x64xf32, #tpu.memory_space<vmem>>
        %get3A_336 = tpu.memref_squeeze %get3A_335 : memref<1x200x64xf32, #tpu.memory_space<vmem>> -> memref<200x64xf32, #tpu.memory_space<vmem>>
        %get3A_337 = arith.index_cast %add3A_332 : i32 to index
        %get3A_338 = arith.constant 32 : index
        %get3A_339 = tpu.vector_load %get3A_336[%get3A_337, %get3A_338] {strides = array<i32>} : memref<200x64xf32, #tpu.memory_space<vmem>>, vector<1x16xf32>,
        %get3A_340 = vector.shape_cast %get3A_339 : vector<1x16xf32> to vector<16xf32>
        %add3A_341 = arith.addf %add3A_297, %get3A_340 : vector<16xf32>
        %add3A_342 = arith.constant 2 : i32
        %add3A_343 = arith.addi %mul3A_221, %add3A_342 : i32
        %get3A_344 = arith.constant 0 : i32
        %get3A_345 = arith.constant 0 : i32
        %get3A_346 = tpu.memref_slice %arg6[%scan3A_187, %get3A_344, %get3A_345] : memref<2x200x64xf32, #tpu.memory_space<vmem>> -> memref<1x200x64xf32, #tpu.memory_space<vmem>>
        %get3A_347 = tpu.memref_squeeze %get3A_346 : memref<1x200x64xf32, #tpu.memory_space<vmem>> -> memref<200x64xf32, #tpu.memory_space<vmem>>
        %get3A_348 = arith.index_cast %add3A_343 : i32 to index
        %get3A_349 = arith.constant 48 : index
        %get3A_350 = tpu.vector_load %get3A_347[%get3A_348, %get3A_349] {strides = array<i32>} : memref<200x64xf32, #tpu.memory_space<vmem>>, vector<1x16xf32>,
        %get3A_351 = vector.shape_cast %get3A_350 : vector<1x16xf32> to vector<16xf32>
        %add3A_352 = arith.addf %add3A_308, %get3A_351 : vector<16xf32>
        %add3A_353 = arith.constant 3 : i32
        %add3A_354 = arith.addi %mul3A_221, %add3A_353 : i32
        %get3A_355 = arith.constant 0 : i32
        %get3A_356 = arith.constant 0 : i32
        %get3A_357 = tpu.memref_slice %arg6[%scan3A_187, %get3A_355, %get3A_356] : memref<2x200x64xf32, #tpu.memory_space<vmem>> -> memref<1x200x64xf32, #tpu.memory_space<vmem>>
        %get3A_358 = tpu.memref_squeeze %get3A_357 : memref<1x200x64xf32, #tpu.memory_space<vmem>> -> memref<200x64xf32, #tpu.memory_space<vmem>>
        %get3A_359 = arith.index_cast %add3A_354 : i32 to index
        %get3A_360 = arith.constant 0 : index
        %get3A_361 = tpu.vector_load %get3A_358[%get3A_359, %get3A_360] {strides = array<i32>} : memref<200x64xf32, #tpu.memory_space<vmem>>, vector<1x16xf32>,
        %get3A_362 = vector.shape_cast %get3A_361 : vector<1x16xf32> to vector<16xf32>
        %add3A_363 = arith.addf %add3A_319, %get3A_362 : vector<16xf32>
        %add3A_364 = arith.constant 3 : i32
        %add3A_365 = arith.addi %mul3A_221, %add3A_364 : i32
        %get3A_366 = arith.constant 0 : i32
        %get3A_367 = arith.constant 0 : i32
        %get3A_368 = tpu.memref_slice %arg6[%scan3A_187, %get3A_366, %get3A_367] : memref<2x200x64xf32, #tpu.memory_space<vmem>> -> memref<1x200x64xf32, #tpu.memory_space<vmem>>
        %get3A_369 = tpu.memref_squeeze %get3A_368 : memref<1x200x64xf32, #tpu.memory_space<vmem>> -> memref<200x64xf32, #tpu.memory_space<vmem>>
        %get3A_370 = arith.index_cast %add3A_365 : i32 to index
        %get3A_371 = arith.constant 16 : index
        %get3A_372 = tpu.vector_load %get3A_369[%get3A_370, %get3A_371] {strides = array<i32>} : memref<200x64xf32, #tpu.memory_space<vmem>>, vector<1x16xf32>,
        %get3A_373 = vector.shape_cast %get3A_372 : vector<1x16xf32> to vector<16xf32>
        %add3A_374 = arith.addf %add3A_330, %get3A_373 : vector<16xf32>
        %add3A_375 = arith.constant 3 : i32
        %add3A_376 = arith.addi %mul3A_221, %add3A_375 : i32
        %get3A_377 = arith.constant 0 : i32
        %get3A_378 = arith.constant 0 : i32
        %get3A_379 = tpu.memref_slice %arg6[%scan3A_187, %get3A_377, %get3A_378] : memref<2x200x64xf32, #tpu.memory_space<vmem>> -> memref<1x200x64xf32, #tpu.memory_space<vmem>>
        %get3A_380 = tpu.memref_squeeze %get3A_379 : memref<1x200x64xf32, #tpu.memory_space<vmem>> -> memref<200x64xf32, #tpu.memory_space<vmem>>
        %get3A_381 = arith.index_cast %add3A_376 : i32 to index
        %get3A_382 = arith.constant 32 : index
        %get3A_383 = tpu.vector_load %get3A_380[%get3A_381, %get3A_382] {strides = array<i32>} : memref<200x64xf32, #tpu.memory_space<vmem>>, vector<1x16xf32>,
        %get3A_384 = vector.shape_cast %get3A_383 : vector<1x16xf32> to vector<16xf32>
        %add3A_385 = arith.addf %add3A_341, %get3A_384 : vector<16xf32>
        %add3A_386 = arith.constant 3 : i32
        %add3A_387 = arith.addi %mul3A_221, %add3A_386 : i32
        %get3A_388 = arith.constant 0 : i32
        %get3A_389 = arith.constant 0 : i32
        %get3A_390 = tpu.memref_slice %arg6[%scan3A_187, %get3A_388, %get3A_389] : memref<2x200x64xf32, #tpu.memory_space<vmem>> -> memref<1x200x64xf32, #tpu.memory_space<vmem>>
        %get3A_391 = tpu.memref_squeeze %get3A_390 : memref<1x200x64xf32, #tpu.memory_space<vmem>> -> memref<200x64xf32, #tpu.memory_space<vmem>>
        %get3A_392 = arith.index_cast %add3A_387 : i32 to index
        %get3A_393 = arith.constant 48 : index
        %get3A_394 = tpu.vector_load %get3A_391[%get3A_392, %get3A_393] {strides = array<i32>} : memref<200x64xf32, #tpu.memory_space<vmem>>, vector<1x16xf32>,
        %get3A_395 = vector.shape_cast %get3A_394 : vector<1x16xf32> to vector<16xf32>
        %add3A_396 = arith.addf %add3A_352, %get3A_395 : vector<16xf32>
        %add3A_397 = arith.constant 4 : i32
        %add3A_398 = arith.addi %mul3A_221, %add3A_397 : i32
        %get3A_399 = arith.constant 0 : i32
        %get3A_400 = arith.constant 0 : i32
        %get3A_401 = tpu.memref_slice %arg6[%scan3A_187, %get3A_399, %get3A_400] : memref<2x200x64xf32, #tpu.memory_space<vmem>> -> memref<1x200x64xf32, #tpu.memory_space<vmem>>
        %get3A_402 = tpu.memref_squeeze %get3A_401 : memref<1x200x64xf32, #tpu.memory_space<vmem>> -> memref<200x64xf32, #tpu.memory_space<vmem>>
        %get3A_403 = arith.index_cast %add3A_398 : i32 to index
        %get3A_404 = arith.constant 0 : index
        %get3A_405 = tpu.vector_load %get3A_402[%get3A_403, %get3A_404] {strides = array<i32>} : memref<200x64xf32, #tpu.memory_space<vmem>>, vector<1x16xf32>,
        %get3A_406 = vector.shape_cast %get3A_405 : vector<1x16xf32> to vector<16xf32>
        %add3A_407 = arith.addf %add3A_363, %get3A_406 : vector<16xf32>
        %add3A_408 = arith.constant 4 : i32
        %add3A_409 = arith.addi %mul3A_221, %add3A_408 : i32
        %get3A_410 = arith.constant 0 : i32
        %get3A_411 = arith.constant 0 : i32
        %get3A_412 = tpu.memref_slice %arg6[%scan3A_187, %get3A_410, %get3A_411] : memref<2x200x64xf32, #tpu.memory_space<vmem>> -> memref<1x200x64xf32, #tpu.memory_space<vmem>>
        %get3A_413 = tpu.memref_squeeze %get3A_412 : memref<1x200x64xf32, #tpu.memory_space<vmem>> -> memref<200x64xf32, #tpu.memory_space<vmem>>
        %get3A_414 = arith.index_cast %add3A_409 : i32 to index
        %get3A_415 = arith.constant 16 : index
        %get3A_416 = tpu.vector_load %get3A_413[%get3A_414, %get3A_415] {strides = array<i32>} : memref<200x64xf32, #tpu.memory_space<vmem>>, vector<1x16xf32>,
        %get3A_417 = vector.shape_cast %get3A_416 : vector<1x16xf32> to vector<16xf32>
        %add3A_418 = arith.addf %add3A_374, %get3A_417 : vector<16xf32>
        %add3A_419 = arith.constant 4 : i32
        %add3A_420 = arith.addi %mul3A_221, %add3A_419 : i32
        %get3A_421 = arith.constant 0 : i32
        %get3A_422 = arith.constant 0 : i32
        %get3A_423 = tpu.memref_slice %arg6[%scan3A_187, %get3A_421, %get3A_422] : memref<2x200x64xf32, #tpu.memory_space<vmem>> -> memref<1x200x64xf32, #tpu.memory_space<vmem>>
        %get3A_424 = tpu.memref_squeeze %get3A_423 : memref<1x200x64xf32, #tpu.memory_space<vmem>> -> memref<200x64xf32, #tpu.memory_space<vmem>>
        %get3A_425 = arith.index_cast %add3A_420 : i32 to index
        %get3A_426 = arith.constant 32 : index
        %get3A_427 = tpu.vector_load %get3A_424[%get3A_425, %get3A_426] {strides = array<i32>} : memref<200x64xf32, #tpu.memory_space<vmem>>, vector<1x16xf32>,
        %get3A_428 = vector.shape_cast %get3A_427 : vector<1x16xf32> to vector<16xf32>
        %add3A_429 = arith.addf %add3A_385, %get3A_428 : vector<16xf32>
        %add3A_430 = arith.constant 4 : i32
        %add3A_431 = arith.addi %mul3A_221, %add3A_430 : i32
        %get3A_432 = arith.constant 0 : i32
        %get3A_433 = arith.constant 0 : i32
        %get3A_434 = tpu.memref_slice %arg6[%scan3A_187, %get3A_432, %get3A_433] : memref<2x200x64xf32, #tpu.memory_space<vmem>> -> memref<1x200x64xf32, #tpu.memory_space<vmem>>
        %get3A_435 = tpu.memref_squeeze %get3A_434 : memref<1x200x64xf32, #tpu.memory_space<vmem>> -> memref<200x64xf32, #tpu.memory_space<vmem>>
        %get3A_436 = arith.index_cast %add3A_431 : i32 to index
        %get3A_437 = arith.constant 48 : index
        %get3A_438 = tpu.vector_load %get3A_435[%get3A_436, %get3A_437] {strides = array<i32>} : memref<200x64xf32, #tpu.memory_space<vmem>>, vector<1x16xf32>,
        %get3A_439 = vector.shape_cast %get3A_438 : vector<1x16xf32> to vector<16xf32>
        %add3A_440 = arith.addf %add3A_396, %get3A_439 : vector<16xf32>
        %add3A_441 = arith.constant 5 : i32
        %add3A_442 = arith.addi %mul3A_221, %add3A_441 : i32
        %get3A_443 = arith.constant 0 : i32
        %get3A_444 = arith.constant 0 : i32
        %get3A_445 = tpu.memref_slice %arg6[%scan3A_187, %get3A_443, %get3A_444] : memref<2x200x64xf32, #tpu.memory_space<vmem>> -> memref<1x200x64xf32, #tpu.memory_space<vmem>>
        %get3A_446 = tpu.memref_squeeze %get3A_445 : memref<1x200x64xf32, #tpu.memory_space<vmem>> -> memref<200x64xf32, #tpu.memory_space<vmem>>
        %get3A_447 = arith.index_cast %add3A_442 : i32 to index
        %get3A_448 = arith.constant 0 : index
        %get3A_449 = tpu.vector_load %get3A_446[%get3A_447, %get3A_448] {strides = array<i32>} : memref<200x64xf32, #tpu.memory_space<vmem>>, vector<1x16xf32>,
        %get3A_450 = vector.shape_cast %get3A_449 : vector<1x16xf32> to vector<16xf32>
        %add3A_451 = arith.addf %add3A_407, %get3A_450 : vector<16xf32>
        %add3A_452 = arith.constant 5 : i32
        %add3A_453 = arith.addi %mul3A_221, %add3A_452 : i32
        %get3A_454 = arith.constant 0 : i32
        %get3A_455 = arith.constant 0 : i32
        %get3A_456 = tpu.memref_slice %arg6[%scan3A_187, %get3A_454, %get3A_455] : memref<2x200x64xf32, #tpu.memory_space<vmem>> -> memref<1x200x64xf32, #tpu.memory_space<vmem>>
        %get3A_457 = tpu.memref_squeeze %get3A_456 : memref<1x200x64xf32, #tpu.memory_space<vmem>> -> memref<200x64xf32, #tpu.memory_space<vmem>>
        %get3A_458 = arith.index_cast %add3A_453 : i32 to index
        %get3A_459 = arith.constant 16 : index
        %get3A_460 = tpu.vector_load %get3A_457[%get3A_458, %get3A_459] {strides = array<i32>} : memref<200x64xf32, #tpu.memory_space<vmem>>, vector<1x16xf32>,
        %get3A_461 = vector.shape_cast %get3A_460 : vector<1x16xf32> to vector<16xf32>
        %add3A_462 = arith.addf %add3A_418, %get3A_461 : vector<16xf32>
        %add3A_463 = arith.constant 5 : i32
        %add3A_464 = arith.addi %mul3A_221, %add3A_463 : i32
        %get3A_465 = arith.constant 0 : i32
        %get3A_466 = arith.constant 0 : i32
        %get3A_467 = tpu.memref_slice %arg6[%scan3A_187, %get3A_465, %get3A_466] : memref<2x200x64xf32, #tpu.memory_space<vmem>> -> memref<1x200x64xf32, #tpu.memory_space<vmem>>
        %get3A_468 = tpu.memref_squeeze %get3A_467 : memref<1x200x64xf32, #tpu.memory_space<vmem>> -> memref<200x64xf32, #tpu.memory_space<vmem>>
        %get3A_469 = arith.index_cast %add3A_464 : i32 to index
        %get3A_470 = arith.constant 32 : index
        %get3A_471 = tpu.vector_load %get3A_468[%get3A_469, %get3A_470] {strides = array<i32>} : memref<200x64xf32, #tpu.memory_space<vmem>>, vector<1x16xf32>,
        %get3A_472 = vector.shape_cast %get3A_471 : vector<1x16xf32> to vector<16xf32>
        %add3A_473 = arith.addf %add3A_429, %get3A_472 : vector<16xf32>
        %add3A_474 = arith.constant 5 : i32
        %add3A_475 = arith.addi %mul3A_221, %add3A_474 : i32
        %get3A_476 = arith.constant 0 : i32
        %get3A_477 = arith.constant 0 : i32
        %get3A_478 = tpu.memref_slice %arg6[%scan3A_187, %get3A_476, %get3A_477] : memref<2x200x64xf32, #tpu.memory_space<vmem>> -> memref<1x200x64xf32, #tpu.memory_space<vmem>>
        %get3A_479 = tpu.memref_squeeze %get3A_478 : memref<1x200x64xf32, #tpu.memory_space<vmem>> -> memref<200x64xf32, #tpu.memory_space<vmem>>
        %get3A_480 = arith.index_cast %add3A_475 : i32 to index
        %get3A_481 = arith.constant 48 : index
        %get3A_482 = tpu.vector_load %get3A_479[%get3A_480, %get3A_481] {strides = array<i32>} : memref<200x64xf32, #tpu.memory_space<vmem>>, vector<1x16xf32>,
        %get3A_483 = vector.shape_cast %get3A_482 : vector<1x16xf32> to vector<16xf32>
        %add3A_484 = arith.addf %add3A_440, %get3A_483 : vector<16xf32>
        %add3A_485 = arith.constant 6 : i32
        %add3A_486 = arith.addi %mul3A_221, %add3A_485 : i32
        %get3A_487 = arith.constant 0 : i32
        %get3A_488 = arith.constant 0 : i32
        %get3A_489 = tpu.memref_slice %arg6[%scan3A_187, %get3A_487, %get3A_488] : memref<2x200x64xf32, #tpu.memory_space<vmem>> -> memref<1x200x64xf32, #tpu.memory_space<vmem>>
        %get3A_490 = tpu.memref_squeeze %get3A_489 : memref<1x200x64xf32, #tpu.memory_space<vmem>> -> memref<200x64xf32, #tpu.memory_space<vmem>>
        %get3A_491 = arith.index_cast %add3A_486 : i32 to index
        %get3A_492 = arith.constant 0 : index
        %get3A_493 = tpu.vector_load %get3A_490[%get3A_491, %get3A_492] {strides = array<i32>} : memref<200x64xf32, #tpu.memory_space<vmem>>, vector<1x16xf32>,
        %get3A_494 = vector.shape_cast %get3A_493 : vector<1x16xf32> to vector<16xf32>
        %add3A_495 = arith.addf %add3A_451, %get3A_494 : vector<16xf32>
        %add3A_496 = arith.constant 6 : i32
        %add3A_497 = arith.addi %mul3A_221, %add3A_496 : i32
        %get3A_498 = arith.constant 0 : i32
        %get3A_499 = arith.constant 0 : i32
        %get3A_500 = tpu.memref_slice %arg6[%scan3A_187, %get3A_498, %get3A_499] : memref<2x200x64xf32, #tpu.memory_space<vmem>> -> memref<1x200x64xf32, #tpu.memory_space<vmem>>
        %get3A_501 = tpu.memref_squeeze %get3A_500 : memref<1x200x64xf32, #tpu.memory_space<vmem>> -> memref<200x64xf32, #tpu.memory_space<vmem>>
        %get3A_502 = arith.index_cast %add3A_497 : i32 to index
        %get3A_503 = arith.constant 16 : index
        %get3A_504 = tpu.vector_load %get3A_501[%get3A_502, %get3A_503] {strides = array<i32>} : memref<200x64xf32, #tpu.memory_space<vmem>>, vector<1x16xf32>,
        %get3A_505 = vector.shape_cast %get3A_504 : vector<1x16xf32> to vector<16xf32>
        %add3A_506 = arith.addf %add3A_462, %get3A_505 : vector<16xf32>
        %add3A_507 = arith.constant 6 : i32
        %add3A_508 = arith.addi %mul3A_221, %add3A_507 : i32
        %get3A_509 = arith.constant 0 : i32
        %get3A_510 = arith.constant 0 : i32
        %get3A_511 = tpu.memref_slice %arg6[%scan3A_187, %get3A_509, %get3A_510] : memref<2x200x64xf32, #tpu.memory_space<vmem>> -> memref<1x200x64xf32, #tpu.memory_space<vmem>>
        %get3A_512 = tpu.memref_squeeze %get3A_511 : memref<1x200x64xf32, #tpu.memory_space<vmem>> -> memref<200x64xf32, #tpu.memory_space<vmem>>
        %get3A_513 = arith.index_cast %add3A_508 : i32 to index
        %get3A_514 = arith.constant 32 : index
        %get3A_515 = tpu.vector_load %get3A_512[%get3A_513, %get3A_514] {strides = array<i32>} : memref<200x64xf32, #tpu.memory_space<vmem>>, vector<1x16xf32>,
        %get3A_516 = vector.shape_cast %get3A_515 : vector<1x16xf32> to vector<16xf32>
        %add3A_517 = arith.addf %add3A_473, %get3A_516 : vector<16xf32>
        %add3A_518 = arith.constant 6 : i32
        %add3A_519 = arith.addi %mul3A_221, %add3A_518 : i32
        %get3A_520 = arith.constant 0 : i32
        %get3A_521 = arith.constant 0 : i32
        %get3A_522 = tpu.memref_slice %arg6[%scan3A_187, %get3A_520, %get3A_521] : memref<2x200x64xf32, #tpu.memory_space<vmem>> -> memref<1x200x64xf32, #tpu.memory_space<vmem>>
        %get3A_523 = tpu.memref_squeeze %get3A_522 : memref<1x200x64xf32, #tpu.memory_space<vmem>> -> memref<200x64xf32, #tpu.memory_space<vmem>>
        %get3A_524 = arith.index_cast %add3A_519 : i32 to index
        %get3A_525 = arith.constant 48 : index
        %get3A_526 = tpu.vector_load %get3A_523[%get3A_524, %get3A_525] {strides = array<i32>} : memref<200x64xf32, #tpu.memory_space<vmem>>, vector<1x16xf32>,
        %get3A_527 = vector.shape_cast %get3A_526 : vector<1x16xf32> to vector<16xf32>
        %add3A_528 = arith.addf %add3A_484, %get3A_527 : vector<16xf32>
        %add3A_529 = arith.constant 7 : i32
        %add3A_530 = arith.addi %mul3A_221, %add3A_529 : i32
        %get3A_531 = arith.constant 0 : i32
        %get3A_532 = arith.constant 0 : i32
        %get3A_533 = tpu.memref_slice %arg6[%scan3A_187, %get3A_531, %get3A_532] : memref<2x200x64xf32, #tpu.memory_space<vmem>> -> memref<1x200x64xf32, #tpu.memory_space<vmem>>
        %get3A_534 = tpu.memref_squeeze %get3A_533 : memref<1x200x64xf32, #tpu.memory_space<vmem>> -> memref<200x64xf32, #tpu.memory_space<vmem>>
        %get3A_535 = arith.index_cast %add3A_530 : i32 to index
        %get3A_536 = arith.constant 0 : index
        %get3A_537 = tpu.vector_load %get3A_534[%get3A_535, %get3A_536] {strides = array<i32>} : memref<200x64xf32, #tpu.memory_space<vmem>>, vector<1x16xf32>,
        %get3A_538 = vector.shape_cast %get3A_537 : vector<1x16xf32> to vector<16xf32>
        %add3A_539 = arith.addf %add3A_495, %get3A_538 : vector<16xf32>
        %add3A_540 = arith.constant 7 : i32
        %add3A_541 = arith.addi %mul3A_221, %add3A_540 : i32
        %get3A_542 = arith.constant 0 : i32
        %get3A_543 = arith.constant 0 : i32
        %get3A_544 = tpu.memref_slice %arg6[%scan3A_187, %get3A_542, %get3A_543] : memref<2x200x64xf32, #tpu.memory_space<vmem>> -> memref<1x200x64xf32, #tpu.memory_space<vmem>>
        %get3A_545 = tpu.memref_squeeze %get3A_544 : memref<1x200x64xf32, #tpu.memory_space<vmem>> -> memref<200x64xf32, #tpu.memory_space<vmem>>
        %get3A_546 = arith.index_cast %add3A_541 : i32 to index
        %get3A_547 = arith.constant 16 : index
        %get3A_548 = tpu.vector_load %get3A_545[%get3A_546, %get3A_547] {strides = array<i32>} : memref<200x64xf32, #tpu.memory_space<vmem>>, vector<1x16xf32>,
        %get3A_549 = vector.shape_cast %get3A_548 : vector<1x16xf32> to vector<16xf32>
        %add3A_550 = arith.addf %add3A_506, %get3A_549 : vector<16xf32>
        %add3A_551 = arith.constant 7 : i32
        %add3A_552 = arith.addi %mul3A_221, %add3A_551 : i32
        %get3A_553 = arith.constant 0 : i32
        %get3A_554 = arith.constant 0 : i32
        %get3A_555 = tpu.memref_slice %arg6[%scan3A_187, %get3A_553, %get3A_554] : memref<2x200x64xf32, #tpu.memory_space<vmem>> -> memref<1x200x64xf32, #tpu.memory_space<vmem>>
        %get3A_556 = tpu.memref_squeeze %get3A_555 : memref<1x200x64xf32, #tpu.memory_space<vmem>> -> memref<200x64xf32, #tpu.memory_space<vmem>>
        %get3A_557 = arith.index_cast %add3A_552 : i32 to index
        %get3A_558 = arith.constant 32 : index
        %get3A_559 = tpu.vector_load %get3A_556[%get3A_557, %get3A_558] {strides = array<i32>} : memref<200x64xf32, #tpu.memory_space<vmem>>, vector<1x16xf32>,
        %get3A_560 = vector.shape_cast %get3A_559 : vector<1x16xf32> to vector<16xf32>
        %add3A_561 = arith.addf %add3A_517, %get3A_560 : vector<16xf32>
        %add3A_562 = arith.constant 7 : i32
        %add3A_563 = arith.addi %mul3A_221, %add3A_562 : i32
        %get3A_564 = arith.constant 0 : i32
        %get3A_565 = arith.constant 0 : i32
        %get3A_566 = tpu.memref_slice %arg6[%scan3A_187, %get3A_564, %get3A_565] : memref<2x200x64xf32, #tpu.memory_space<vmem>> -> memref<1x200x64xf32, #tpu.memory_space<vmem>>
        %get3A_567 = tpu.memref_squeeze %get3A_566 : memref<1x200x64xf32, #tpu.memory_space<vmem>> -> memref<200x64xf32, #tpu.memory_space<vmem>>
        %get3A_568 = arith.index_cast %add3A_563 : i32 to index
        %get3A_569 = arith.constant 48 : index
        %get3A_570 = tpu.vector_load %get3A_567[%get3A_568, %get3A_569] {strides = array<i32>} : memref<200x64xf32, #tpu.memory_space<vmem>>, vector<1x16xf32>,
        %get3A_571 = vector.shape_cast %get3A_570 : vector<1x16xf32> to vector<16xf32>
        %add3A_572 = arith.addf %add3A_528, %get3A_571 : vector<16xf32>
        scf.yield %add3A_539, %add3A_550, %add3A_561, %add3A_572 : vector<16xf32>, vector<16xf32>, vector<16xf32>, vector<16xf32>
      }
      %scan3A_193 = arith.constant 25 : i32
      %swap3A_194 = arith.index_cast %add3A_186 : i32 to index
      %swap3A_195 = arith.constant 0 : index
      %swap3A_196 = tpu.vector_load %arg7[%swap3A_194, %swap3A_195] {strides = array<i32>} : memref<8x64xf32, #tpu.memory_space<vmem>>, vector<1x16xf32>,
      %swap3A_197 = vector.shape_cast %swap3A_196 : vector<1x16xf32> to vector<16xf32>
      %swap3A_198 = vector.shape_cast %scan3A_192#0 : vector<16xf32> to vector<1x16xf32>
      tpu.vector_store %arg7[%swap3A_194, %swap3A_195], %swap3A_198 {strides = array<i32>} : memref<8x64xf32, #tpu.memory_space<vmem>>, vector<1x16xf32>,
      %swap3A_199 = arith.index_cast %add3A_186 : i32 to index
      %swap3A_200 = arith.constant 16 : index
      %swap3A_201 = tpu.vector_load %arg7[%swap3A_199, %swap3A_200] {strides = array<i32>} : memref<8x64xf32, #tpu.memory_space<vmem>>, vector<1x16xf32>,
      %swap3A_202 = vector.shape_cast %swap3A_201 : vector<1x16xf32> to vector<16xf32>
      %swap3A_203 = vector.shape_cast %scan3A_192#1 : vector<16xf32> to vector<1x16xf32>
      tpu.vector_store %arg7[%swap3A_199, %swap3A_200], %swap3A_203 {strides = array<i32>} : memref<8x64xf32, #tpu.memory_space<vmem>>, vector<1x16xf32>,
      %swap3A_204 = arith.index_cast %add3A_186 : i32 to index
      %swap3A_205 = arith.constant 32 : index
      %swap3A_206 = tpu.vector_load %arg7[%swap3A_204, %swap3A_205] {strides = array<i32>} : memref<8x64xf32, #tpu.memory_space<vmem>>, vector<1x16xf32>,
      %swap3A_207 = vector.shape_cast %swap3A_206 : vector<1x16xf32> to vector<16xf32>
      %swap3A_208 = vector.shape_cast %scan3A_192#2 : vector<16xf32> to vector<1x16xf32>
      tpu.vector_store %arg7[%swap3A_204, %swap3A_205], %swap3A_208 {strides = array<i32>} : memref<8x64xf32, #tpu.memory_space<vmem>>, vector<1x16xf32>,
      %swap3A_209 = arith.index_cast %add3A_186 : i32 to index
      %swap3A_210 = arith.constant 48 : index
      %swap3A_211 = tpu.vector_load %arg7[%swap3A_209, %swap3A_210] {strides = array<i32>} : memref<8x64xf32, #tpu.memory_space<vmem>>, vector<1x16xf32>,
      %swap3A_212 = vector.shape_cast %swap3A_211 : vector<1x16xf32> to vector<16xf32>
      %swap3A_213 = vector.shape_cast %scan3A_192#3 : vector<16xf32> to vector<1x16xf32>
      tpu.vector_store %arg7[%swap3A_209, %swap3A_210], %swap3A_213 {strides = array<i32>} : memref<8x64xf32, #tpu.memory_space<vmem>>, vector<1x16xf32>,
      %scan3A_214 = arith.constant 0 : i32
      scf.yield %scan3A_214 : i32
    }
    %scan3A_45 = arith.constant 4 : i32
    "tpu.region"() ({
      %run_scoped3A = tpu.sem_alloc : memref<!tpu.dma_semaphore, #tpu.memory_space<semaphore_mem>>
      %dma_start3A_46 = arith.constant 0 : i32
      %dma_start3A_47 = tpu.memref_slice %arg4[%mul3A_2, %dma_start3A_46] : memref<256x64xf32, #tpu.memory_space<hbm>> -> memref<8x64xf32, #tpu.memory_space<hbm>>
      %dma_start3A_48 = arith.constant 0 : i32
      %dma_start3A_49 = tpu.memref_slice %arg4[%mul3A_2, %dma_start3A_48] : memref<256x64xf32, #tpu.memory_space<hbm>> -> memref<8x64xf32, #tpu.memory_space<hbm>>
      tpu.enqueue_dma source(%arg7 : memref<8x64xf32, #tpu.memory_space<vmem>>) target(%dma_start3A_49 : memref<8x64xf32, #tpu.memory_space<hbm>>) target_semaphore(%run_scoped3A : memref<!tpu.dma_semaphore, #tpu.memory_space<semaphore_mem>>)
      %dma_wait3A = arith.constant 0 : i32
      %dma_wait3A_50 = tpu.memref_slice %arg4[%mul3A_2, %dma_wait3A] : memref<256x64xf32, #tpu.memory_space<hbm>> -> memref<8x64xf32, #tpu.memory_space<hbm>>
      %dma_wait3A_51 = arith.constant 0 : i32
      %dma_wait3A_52 = tpu.memref_slice %arg4[%mul3A_2, %dma_wait3A_51] : memref<256x64xf32, #tpu.memory_space<hbm>> -> memref<8x64xf32, #tpu.memory_space<hbm>>
      tpu.wait_dma2 semaphore(%run_scoped3A : memref<!tpu.dma_semaphore, #tpu.memory_space<semaphore_mem>>) src(%arg7 : memref<8x64xf32, #tpu.memory_space<vmem>>) dst(%dma_wait3A_52 : memref<8x64xf32, #tpu.memory_space<hbm>>)
      tpu.yield
    }) : () -> ()
    return
  }
}

module attributes {stable_mosaic.version = 14 : i64} {
  func.func @_decode_body(%arg0: i32, %arg1: memref<256x64xf32, #tpu.memory_space<vmem>>, %arg2: memref<4096x64xf32, #tpu.memory_space<vmem>>, %arg3: memref<1x4096xf32, #tpu.memory_space<vmem>>, %arg4: memref<256x4096xf32, #tpu.memory_space<vmem>>) attributes {dimension_semantics = [#tpu.dimension_semantics<arbitrary>], iteration_bounds = array<i64: 25>, scalar_prefetch = 0 : i64, scratch_operands = 0 : i64, tpu.core_type = #tpu.core_type<tc>, window_params = [{pipeline_mode = #tpu.pipeline_mode<synchronous>, transform_indices = @transform_0, window_bounds = array<i64: 256, 64>}, {transform_indices = @transform_1, window_bounds = array<i64: 4096, 64>}, {transform_indices = @transform_2, window_bounds = array<i64: 1, 4096>}, {transform_indices = @transform_3, window_bounds = array<i64: 256, 4096>}]} {
    %get3A = arith.constant 0 : index
    %get3A_0 = arith.constant 0 : index
    %get3A_1 = vector.load %arg1[%get3A, %get3A_0] : memref<256x64xf32, #tpu.memory_space<vmem>>, vector<256x64xf32>
    %get3A_2 = arith.constant 0 : index
    %get3A_3 = arith.constant 0 : index
    %get3A_4 = vector.load %arg2[%get3A_2, %get3A_3] : memref<4096x64xf32, #tpu.memory_space<vmem>>, vector<4096x64xf32>
    %dot_general3A = arith.constant dense<0.000000e+00> : vector<256x4096xf32>
    %dot_general3A_5 = tpu.matmul %get3A_1, %get3A_4, %dot_general3A {dimension_numbers = #tpu.dot_dimension_numbers<[1], [1], [0], [0], [0, 0, 1, 0], [], []>, transpose_lhs_hint = false} : vector<256x64xf32>, vector<4096x64xf32>, vector<256x4096xf32> -> vector<256x4096xf32>
    %get3A_6 = arith.constant 0 : index
    %get3A_7 = arith.constant 0 : index
    %get3A_8 = vector.load %arg3[%get3A_6, %get3A_7] : memref<1x4096xf32, #tpu.memory_space<vmem>>, vector<1x4096xf32>
    %add3A = vector.broadcast %get3A_8 : vector<1x4096xf32> to vector<256x4096xf32>
    %add3A_9 = arith.addf %dot_general3A_5, %add3A : vector<256x4096xf32>
    %swap3A = arith.constant 0 : index
    %swap3A_10 = arith.constant 0 : index
    %swap3A_11 = vector.load %arg4[%swap3A, %swap3A_10] : memref<256x4096xf32, #tpu.memory_space<vmem>>, vector<256x4096xf32>
    tpu.vector_store %arg4[%swap3A, %swap3A_10], %add3A_9 {strides = array<i32>} : memref<256x4096xf32, #tpu.memory_space<vmem>>, vector<256x4096xf32>,
    return
  }
  func.func @transform_0(%arg0: i32) -> (i32, i32) {
    %c0_i32 = arith.constant 0 : i32
    %c0_i32_0 = arith.constant 0 : i32
    %c0_i32_1 = arith.constant 0 : i32
    return %c0_i32, %c0_i32_0 : i32, i32
  }
  func.func @transform_1(%arg0: i32) -> (i32, i32) {
    %c0_i32 = arith.constant 0 : i32
    %c0_i32_0 = arith.constant 0 : i32
    return %arg0, %c0_i32 : i32, i32
  }
  func.func @transform_2(%arg0: i32) -> (i32, i32) {
    %c0_i32 = arith.constant 0 : i32
    %c0_i32_0 = arith.constant 0 : i32
    return %c0_i32, %arg0 : i32, i32
  }
  func.func @transform_3(%arg0: i32) -> (i32, i32) {
    %c0_i32 = arith.constant 0 : i32
    %c0_i32_0 = arith.constant 0 : i32
    return %c0_i32, %arg0 : i32, i32
  }
}

module attributes {stable_mosaic.version = 14 : i64} {
  func.func @_decode_body_alias(%arg0: i32, %arg1: memref<1024x100000xf32, #tpu.memory_space<any>>, %arg2: memref<256x64xf32, #tpu.memory_space<vmem>>, %arg3: memref<4096x64xf32, #tpu.memory_space<vmem>>, %arg4: memref<1x4096xf32, #tpu.memory_space<vmem>>, %arg5: memref<256x4096xf32, #tpu.memory_space<vmem>>) attributes {dimension_semantics = [#tpu.dimension_semantics<arbitrary>], iteration_bounds = array<i64: 25>, scalar_prefetch = 0 : i64, scratch_operands = 0 : i64, tpu.core_type = #tpu.core_type<tc>, window_params = [{}, {pipeline_mode = #tpu.pipeline_mode<synchronous>, transform_indices = @transform_1, window_bounds = array<i64: 256, 64>}, {transform_indices = @transform_2, window_bounds = array<i64: 4096, 64>}, {transform_indices = @transform_3, window_bounds = array<i64: 1, 4096>}, {transform_indices = @transform_4, window_bounds = array<i64: 256, 4096>}]} {
    %get3A = arith.constant 0 : index
    %get3A_0 = arith.constant 0 : index
    %get3A_1 = vector.load %arg2[%get3A, %get3A_0] : memref<256x64xf32, #tpu.memory_space<vmem>>, vector<256x64xf32>
    %get3A_2 = arith.constant 0 : index
    %get3A_3 = arith.constant 0 : index
    %get3A_4 = vector.load %arg3[%get3A_2, %get3A_3] : memref<4096x64xf32, #tpu.memory_space<vmem>>, vector<4096x64xf32>
    %dot_general3A = arith.constant dense<0.000000e+00> : vector<256x4096xf32>
    %dot_general3A_5 = tpu.matmul %get3A_1, %get3A_4, %dot_general3A {dimension_numbers = #tpu.dot_dimension_numbers<[1], [1], [0], [0], [0, 0, 1, 0], [], []>, transpose_lhs_hint = false} : vector<256x64xf32>, vector<4096x64xf32>, vector<256x4096xf32> -> vector<256x4096xf32>
    %get3A_6 = arith.constant 0 : index
    %get3A_7 = arith.constant 0 : index
    %get3A_8 = vector.load %arg4[%get3A_6, %get3A_7] : memref<1x4096xf32, #tpu.memory_space<vmem>>, vector<1x4096xf32>
    %add3A = vector.broadcast %get3A_8 : vector<1x4096xf32> to vector<256x4096xf32>
    %add3A_9 = arith.addf %dot_general3A_5, %add3A : vector<256x4096xf32>
    %swap3A = arith.constant 0 : index
    %swap3A_10 = arith.constant 0 : index
    %swap3A_11 = vector.load %arg5[%swap3A, %swap3A_10] : memref<256x4096xf32, #tpu.memory_space<vmem>>, vector<256x4096xf32>
    tpu.vector_store %arg5[%swap3A, %swap3A_10], %add3A_9 {strides = array<i32>} : memref<256x4096xf32, #tpu.memory_space<vmem>>, vector<256x4096xf32>,
    return
  }
  func.func @transform_1(%arg0: i32) -> (i32, i32) {
    %c0_i32 = arith.constant 0 : i32
    %c0_i32_0 = arith.constant 0 : i32
    %c0_i32_1 = arith.constant 0 : i32
    return %c0_i32, %c0_i32_0 : i32, i32
  }
  func.func @transform_2(%arg0: i32) -> (i32, i32) {
    %c0_i32 = arith.constant 0 : i32
    %c0_i32_0 = arith.constant 0 : i32
    return %arg0, %c0_i32 : i32, i32
  }
  func.func @transform_3(%arg0: i32) -> (i32, i32) {
    %c0_i32 = arith.constant 0 : i32
    %c0_i32_0 = arith.constant 0 : i32
    return %c0_i32, %arg0 : i32, i32
  }
  func.func @transform_4(%arg0: i32) -> (i32, i32) {
    %c2_i32 = arith.constant 2 : i32
    %c0_i32 = arith.constant 0 : i32
    return %c2_i32, %arg0 : i32, i32
  }
}

module attributes {stable_mosaic.version = 14 : i64} {
  func.func @_decode_body_alias(%arg0: i32, %arg1: memref<1024x100000xf32, #tpu.memory_space<any>>, %arg2: memref<256x64xf32, #tpu.memory_space<vmem>>, %arg3: memref<4096x64xf32, #tpu.memory_space<vmem>>, %arg4: memref<1x4096xf32, #tpu.memory_space<vmem>>, %arg5: memref<256x4096xf32, #tpu.memory_space<vmem>>) attributes {dimension_semantics = [#tpu.dimension_semantics<arbitrary>], iteration_bounds = array<i64: 25>, scalar_prefetch = 0 : i64, scratch_operands = 0 : i64, tpu.core_type = #tpu.core_type<tc>, window_params = [{}, {pipeline_mode = #tpu.pipeline_mode<synchronous>, transform_indices = @transform_1, window_bounds = array<i64: 256, 64>}, {transform_indices = @transform_2, window_bounds = array<i64: 4096, 64>}, {transform_indices = @transform_3, window_bounds = array<i64: 1, 4096>}, {transform_indices = @transform_4, window_bounds = array<i64: 256, 4096>}]} {
    %get3A = arith.constant 0 : index
    %get3A_0 = arith.constant 0 : index
    %get3A_1 = vector.load %arg2[%get3A, %get3A_0] : memref<256x64xf32, #tpu.memory_space<vmem>>, vector<256x64xf32>
    %get3A_2 = arith.constant 0 : index
    %get3A_3 = arith.constant 0 : index
    %get3A_4 = vector.load %arg3[%get3A_2, %get3A_3] : memref<4096x64xf32, #tpu.memory_space<vmem>>, vector<4096x64xf32>
    %dot_general3A = arith.constant dense<0.000000e+00> : vector<256x4096xf32>
    %dot_general3A_5 = tpu.matmul %get3A_1, %get3A_4, %dot_general3A {dimension_numbers = #tpu.dot_dimension_numbers<[1], [1], [0], [0], [0, 0, 1, 0], [], []>, transpose_lhs_hint = false} : vector<256x64xf32>, vector<4096x64xf32>, vector<256x4096xf32> -> vector<256x4096xf32>
    %get3A_6 = arith.constant 0 : index
    %get3A_7 = arith.constant 0 : index
    %get3A_8 = vector.load %arg4[%get3A_6, %get3A_7] : memref<1x4096xf32, #tpu.memory_space<vmem>>, vector<1x4096xf32>
    %add3A = vector.broadcast %get3A_8 : vector<1x4096xf32> to vector<256x4096xf32>
    %add3A_9 = arith.addf %dot_general3A_5, %add3A : vector<256x4096xf32>
    %swap3A = arith.constant 0 : index
    %swap3A_10 = arith.constant 0 : index
    %swap3A_11 = vector.load %arg5[%swap3A, %swap3A_10] : memref<256x4096xf32, #tpu.memory_space<vmem>>, vector<256x4096xf32>
    tpu.vector_store %arg5[%swap3A, %swap3A_10], %add3A_9 {strides = array<i32>} : memref<256x4096xf32, #tpu.memory_space<vmem>>, vector<256x4096xf32>,
    return
  }
  func.func @transform_1(%arg0: i32) -> (i32, i32) {
    %c0_i32 = arith.constant 0 : i32
    %c0_i32_0 = arith.constant 0 : i32
    %c0_i32_1 = arith.constant 0 : i32
    return %c0_i32, %c0_i32_0 : i32, i32
  }
  func.func @transform_2(%arg0: i32) -> (i32, i32) {
    %c0_i32 = arith.constant 0 : i32
    %c0_i32_0 = arith.constant 0 : i32
    return %arg0, %c0_i32 : i32, i32
  }
  func.func @transform_3(%arg0: i32) -> (i32, i32) {
    %c0_i32 = arith.constant 0 : i32
    %c0_i32_0 = arith.constant 0 : i32
    return %c0_i32, %arg0 : i32, i32
  }
  func.func @transform_4(%arg0: i32) -> (i32, i32) {
    %c1_i32 = arith.constant 1 : i32
    %c0_i32 = arith.constant 0 : i32
    return %c1_i32, %arg0 : i32, i32
  }
}

module attributes {stable_mosaic.version = 14 : i64} {
  func.func @_decode_body_alias(%arg0: i32, %arg1: memref<1024x100000xf32, #tpu.memory_space<any>>, %arg2: memref<256x64xf32, #tpu.memory_space<vmem>>, %arg3: memref<4096x64xf32, #tpu.memory_space<vmem>>, %arg4: memref<1x4096xf32, #tpu.memory_space<vmem>>, %arg5: memref<256x4096xf32, #tpu.memory_space<vmem>>) attributes {dimension_semantics = [#tpu.dimension_semantics<arbitrary>], iteration_bounds = array<i64: 25>, scalar_prefetch = 0 : i64, scratch_operands = 0 : i64, tpu.core_type = #tpu.core_type<tc>, window_params = [{}, {pipeline_mode = #tpu.pipeline_mode<synchronous>, transform_indices = @transform_1, window_bounds = array<i64: 256, 64>}, {transform_indices = @transform_2, window_bounds = array<i64: 4096, 64>}, {transform_indices = @transform_3, window_bounds = array<i64: 1, 4096>}, {transform_indices = @transform_4, window_bounds = array<i64: 256, 4096>}]} {
    %get3A = arith.constant 0 : index
    %get3A_0 = arith.constant 0 : index
    %get3A_1 = vector.load %arg2[%get3A, %get3A_0] : memref<256x64xf32, #tpu.memory_space<vmem>>, vector<256x64xf32>
    %get3A_2 = arith.constant 0 : index
    %get3A_3 = arith.constant 0 : index
    %get3A_4 = vector.load %arg3[%get3A_2, %get3A_3] : memref<4096x64xf32, #tpu.memory_space<vmem>>, vector<4096x64xf32>
    %dot_general3A = arith.constant dense<0.000000e+00> : vector<256x4096xf32>
    %dot_general3A_5 = tpu.matmul %get3A_1, %get3A_4, %dot_general3A {dimension_numbers = #tpu.dot_dimension_numbers<[1], [1], [0], [0], [0, 0, 1, 0], [], []>, transpose_lhs_hint = false} : vector<256x64xf32>, vector<4096x64xf32>, vector<256x4096xf32> -> vector<256x4096xf32>
    %get3A_6 = arith.constant 0 : index
    %get3A_7 = arith.constant 0 : index
    %get3A_8 = vector.load %arg4[%get3A_6, %get3A_7] : memref<1x4096xf32, #tpu.memory_space<vmem>>, vector<1x4096xf32>
    %add3A = vector.broadcast %get3A_8 : vector<1x4096xf32> to vector<256x4096xf32>
    %add3A_9 = arith.addf %dot_general3A_5, %add3A : vector<256x4096xf32>
    %swap3A = arith.constant 0 : index
    %swap3A_10 = arith.constant 0 : index
    %swap3A_11 = vector.load %arg5[%swap3A, %swap3A_10] : memref<256x4096xf32, #tpu.memory_space<vmem>>, vector<256x4096xf32>
    tpu.vector_store %arg5[%swap3A, %swap3A_10], %add3A_9 {strides = array<i32>} : memref<256x4096xf32, #tpu.memory_space<vmem>>, vector<256x4096xf32>,
    return
  }
  func.func @transform_1(%arg0: i32) -> (i32, i32) {
    %c0_i32 = arith.constant 0 : i32
    %c0_i32_0 = arith.constant 0 : i32
    %c0_i32_1 = arith.constant 0 : i32
    return %c0_i32, %c0_i32_0 : i32, i32
  }
  func.func @transform_2(%arg0: i32) -> (i32, i32) {
    %c0_i32 = arith.constant 0 : i32
    %c0_i32_0 = arith.constant 0 : i32
    return %arg0, %c0_i32 : i32, i32
  }
  func.func @transform_3(%arg0: i32) -> (i32, i32) {
    %c0_i32 = arith.constant 0 : i32
    %c0_i32_0 = arith.constant 0 : i32
    return %c0_i32, %arg0 : i32, i32
  }
  func.func @transform_4(%arg0: i32) -> (i32, i32) {
    %c3_i32 = arith.constant 3 : i32
    %c0_i32 = arith.constant 0 : i32
    return %c3_i32, %arg0 : i32, i32
  }
}

</mosaic_0001>

<sc_bundles>
// kernel: kernel.10.cloned.1.call-start
scs
__scs_entry_jumppad:
0x0: {  	(pc) =	sbr.rel $0x88, $3  }
0x1: {  	(tag) =	ssettag $0x0;
	lr =	simm.s32 $0x1  }
0x2: {  	[smem:$0x3F9D] =	sst lr;
	_ =	strace $0xD0000000  }
0x3: {  	_ = 	snop  }
0x4: {  	_ = 	snop  }
0x5: {  	_ = 	snop  }
0x6: {  	_ = 	snop  }
0x7: {  	_ = 	snop  }
__scs_overlays_trampoline_lowered:
0x8: {  	[smem:$0x3FAC] =	sst s0  }
0x9: {  	[smem:$0x3FAD] =	sst s1  }
0xa: {  	[smem:$0x3FAE] =	sst s2  }
0xb: {  	[smem:$0x3FAF] =	sst s3  }
0xc: {  	[smem:$0x3FB0] =	sst s4  }
0xd: {  	[smem:$0x3FB1] =	sst s5  }
0xe: {  	[smem:$0x3FB2] =	sst s6  }
0xf: {  	[smem:$0x3FB3] =	sst s7  }
0x10: {  	[smem:$0x3FB4] =	sst s8  }
0x11: {  	[smem:$0x3FB5] =	sst s9;
	s0 =	simm.s32 @!p0 $0x0  }
0x12: {  	s1 =	sld [smem:$0x3F9B];
	s0 =	simm.s32 @p0 $0x1  }
0x13: {  	[smem:$0x3FB6] =	sst s0;
	s0 =	simm.s32 @!p1 $0x0  }
0x14: {  	s2 =	sld [smem:$0x3F9A];
	s0 =	simm.s32 @p1 $0x1  }
0x15: {  	[smem:$0x3FB7] =	sst s0;
	s0 =	simm.s32 @!p2 $0x0  }
0x16: {  	s3 =	sld [smem:$0x3FDB];
	s0 =	simm.s32 @p2 $0x1  }
0x17: {  	s4 =	simm.s32 $0x1BF5;
	[smem:$0x3FB9] =	sst s0  }
0x18: {  	s0 =	sld [smem:$0x3F9C];
	_ =	swait.ge [sflag:s4], $0x0  }
0x19: {  	s7 =	sld [smem:$0x3F9D]  }
0x1a: {  	s8 =	sadd.s32 $0xFFFFE003, lr  }
0x1b: {  	s9 =	sadd.s32 $0xFFFFFEF7, lr;
	s5 =	simm.s32 $0xFFFFFFFF;
	p2 =	slt.u32 s8, $0xFFFFF086  }
0x1c: {  	p1 =	slt.u32 s9, $0xF7A;
	s5 =	simm.s32 @!p2 $0x0  }
0x1d: {  	s5 =	simm.s32 @p1 $0x1;
	p0 =	seq.s32 s7, s2  }
0x1e: {  	s7 =	smul.u32 @!p0 $0xF7A, s2;
	p2 =	seq.s32 @!p0 s5, $0x0  }
0x1f: {  	s9 =	smul.u32 $0xF7A, s1;
	s8 =	simm.s32 @!p0 $0x1BF5;
	p2 =	por !p2, p0  }
0x20: {  	[sflag:s8] =	ssyncset.s32 @!p0 $0xFFFFF086;
	s6 =	sadd.s32 @!p0 s3, s7;
	s7 =	simm.s32 @!p0 $0x108  }
0x21: {  	s3 =	sadd.s32 s3, s9;
	s6 =	sadd.s32 @!p0 $0x88, s6;
	s7 =	simm.s32 @p2 $0x1082  }
0x22: {  	[simem:s7], [sflag:s8] =	dma.local @!p0 [hbm:s6], $0xF7A  }
0x23: {  	s9 =	sor.u32 $0xD0000000, s2;
	s6 =	simm.s32 $0x108;
	_ =	swait.ge @!p0 [sflag:s8], $0x0  }
0x24: {  	s3 =	sadd.s32 $0x88, s3;
	s6 =	simm.s32 @!p1 $0x1082;
	[sflag:s4] =	ssyncset.s32 $0xFFFFF086  }
0x25: {  	[simem:s6], [sflag:s4] =	dma.local [hbm:s3], $0xF7A  }
0x26: {  	[smem:$0x3F9D] =	sst s1;
	(tag) =	ssettag s2;
	_ =	strace s9  }
0x27: {  	s1 =	sld [smem:$0x3FAD]  }
0x28: {  	s2 =	sld [smem:$0x3FAE]  }
0x29: {  	s4 =	sld [smem:$0x3FB0]  }
0x2a: {  	p0 =	seq.s32 s5, $0x0;
	s5 =	sld [smem:$0x3FB1]  }
0x2b: {  	s6 =	sld [smem:$0x3FB2]  }
0x2c: {  	s7 =	sld [smem:$0x3FB3]  }
0x2d: {  	s3 =	simm.s32 $0x108;
	s8 =	sld [smem:$0x3FB4]  }
0x2e: {  	s3 =	simm.s32 @!p0 $0x1082;
	s9 =	sld [smem:$0x3FB5]  }
0x2f: {  	lr =	sadd.s32 s0, s3;
	s0 =	sld [smem:$0x3FAC]  }
0x30: {  	s3 =	sld [smem:$0x3FAF]  }
0x31: {  	[smem:$0x3FB8] =	sst s10  }
0x32: {  	s10 =	sld [smem:$0x3FB6];
	_ =	sdelay $0x3  }
0x33: {  	p0 =	seq.s32 s10, $0x1;
	s10 =	sld [smem:$0x3FB8];
	_ =	sdelay $0x3  }
0x34: {  	[smem:$0x3FB8] =	sst s10  }
0x35: {  	s10 =	sld [smem:$0x3FB7];
	_ =	sdelay $0x3  }
0x36: {  	p1 =	seq.s32 s10, $0x1;
	s10 =	sld [smem:$0x3FB8];
	_ =	sdelay $0x3  }
0x37: {  	[smem:$0x3FB8] =	sst s10  }
0x38: {  	s10 =	sld [smem:$0x3FB9]  }
0x39: {  	_ = 	snop;
	(pc) =	sbr.ind lr, $3  }
0x3a: {  	_ = 	snop  }
0x3b: {  	_ = 	snop  }
0x3c: {  	p2 =	seq.s32 s10, $0x1;
	s10 =	sld [smem:$0x3FB8]  }
0x3d: {  	_ =	shalt  }
0x3e: {  	_ =	shalt  }
0x3f: {  	_ =	shalt  }
0x40: {  	_ =	shalt  }
0x41: {  	_ =	shalt  }
0x42: {  	_ =	shalt  }
0x43: {  	_ =	shalt  }
0x44: {  	_ =	shalt  }
0x45: {  	_ =	shalt  }
0x46: {  	_ =	shalt  }
0x47: {  	_ =	shalt  }
0x48: {  	_ =	shalt  }
0x49: {  	_ =	shalt  }
0x4a: {  	_ =	shalt  }
0x4b: {  	_ =	shalt  }
0x4c: {  	_ =	shalt  }
0x4d: {  	_ =	shalt  }
0x4e: {  	_ =	shalt  }
0x4f: {  	_ =	shalt  }
0x50: {  	_ =	shalt  }
0x51: {  	_ =	shalt  }
0x52: {  	_ =	shalt  }
0x53: {  	_ =	shalt  }
0x54: {  	_ =	shalt  }
0x55: {  	_ =	shalt  }
0x56: {  	_ =	shalt  }
0x57: {  	_ =	shalt  }
0x58: {  	_ =	shalt  }
0x59: {  	_ =	shalt  }
0x5a: {  	_ =	shalt  }
0x5b: {  	_ =	shalt  }
0x5c: {  	_ =	shalt  }
0x5d: {  	_ =	shalt  }
0x5e: {  	_ =	shalt  }
0x5f: {  	_ =	shalt  }
0x60: {  	_ =	shalt  }
0x61: {  	_ =	shalt  }
0x62: {  	_ =	shalt  }
0x63: {  	_ =	shalt  }
0x64: {  	_ =	shalt  }
0x65: {  	_ =	shalt  }
0x66: {  	_ =	shalt  }
0x67: {  	_ =	shalt  }
0x68: {  	_ =	shalt  }
0x69: {  	_ =	shalt  }
0x6a: {  	_ =	shalt  }
0x6b: {  	_ =	shalt  }
0x6c: {  	_ =	shalt  }
0x6d: {  	_ =	shalt  }
0x6e: {  	_ =	shalt  }
0x6f: {  	_ =	shalt  }
0x70: {  	_ =	shalt  }
0x71: {  	_ =	shalt  }
0x72: {  	_ =	shalt  }
0x73: {  	_ =	shalt  }
0x74: {  	_ =	shalt  }
0x75: {  	_ =	shalt  }
0x76: {  	_ =	shalt  }
0x77: {  	_ =	shalt  }
0x78: {  	_ =	shalt  }
0x79: {  	_ =	shalt  }
0x7a: {  	_ =	shalt  }
0x7b: {  	_ =	shalt  }
0x7c: {  	_ =	shalt  }
0x7d: {  	_ =	shalt  }
0x7e: {  	_ =	shalt  }
0x7f: {  	_ =	shalt  }
0x80: {  	_ =	shalt  }
0x81: {  	_ =	shalt  }
0x82: {  	_ =	shalt  }
0x83: {  	_ =	shalt  }
0x84: {  	_ =	shalt  }
0x85: {  	_ =	shalt  }
0x86: {  	_ =	shalt  }
0x87: {  	_ =	shalt  }
.Lfunc_end0:
.L_simem_size_0:
called_computation_lowered:
.L_overlay_start_0:
0x88: {  	s2 =	sld [smem:$0x3FD9]  }
0x89: {  	s3 =	sld [smem:$0x3FFE];
	_ =	sdelay $0x1  }
0x8a: {  	s1 =	srdreg.scid  }
0x8b: {  	s0 =	sand.u32 $0x1, s1  }
0x8c: {  	s17 =	sshll.u32 s0, $0xA;
	s2 =	sadd.s32 s3, s2  }
0x8d: {  	s2 =	sadd.s32 s2, s17  }
0x8e: {  	[smem:$0x3FC4] =	sst s2  }
0x8f: {  	_ = 	snop  }
0x90: {  	(tm) =	ssettm $0x1  }
0x91: {  	s18 =	sld [smem:$0x3FFB];
	_ =	sdelay $0x3  }
0x92: {  	_ =	strace s18  }
0x93: {  	s2 =	sld [smem:$0x3FFC];
	_ =	sdelay $0x3  }
0x94: {  	_ =	strace s2  }
0x95: {  	s2 =	sld [smem:$0x3FFD];
	_ =	sdelay $0x3  }
0x96: {  	_ =	strace s2  }
0x97: {  	_ =	strace $0x8FFFFFFF  }
0x98: {  	s19 =	sld [smem:$0x3FDB];
	_ =	sdelay $0x1  }
0x99: {  	s20 =	simm.s32 $_scs_section_size  }
0x9a: {  	s4 =	simm.s32 $_size__tile_overlayer_lowered;
	s5 =	simm.s32 $_tile_overlayer_lowered  }
0x9b: {  	s6 =	simm.s32 $0x1BFF;
	s21 =	sshll.u32 s5, $0x1;
	s3 =	sadd.s32 s20, s19  }
0x9c: {  	s22 =	simm.s32 $0x0;
	s4 =	sshll.u32 s4, $0x1;
	s5 =	sadd.s32 s21, s3  }
0x9d: {  	[timem:s22], [sflag:s6] =	dma.local [hbm:s5], s4  }
0x9e: {  	_ =	swait.ge [sflag:s6], s4  }
0x9f: {  	s4 =	ssub.s32 $0x0, s4;
	[sflag:s6] =	ssyncset.done $0x0  }
0xa0: {  	[sflag:s6] =	ssyncadd.s32 s4;
	_ =	sdelay $0x1  }
0xa1: {  	s23 =	simm.s32 $0x1B8B  }
0xa2: {  	_ =	swait.ge [sflag:s23], $0x1  }
0xa3: {  	[sflag:s23] =	ssyncset.done $0x0  }
0xa4: {  	[sflag:s23] =	ssyncadd.s32 $0xFFFFFFFF  }
0xa5: {  	s4 =	sld [smem:$0x0]  }
0xa6: {  	s5 =	sand.u32 $0xFFFFFFFE, s1  }
0xa7: {  	p0 =	sne.s32 s1, s5  }
0xa8: {  	s5 =	sshll.u32 @p0 s5, $0xE  }
0xa9: {  	s5 =	sadd.s32 @p0 $0x11B8D, s5;
	s6 =	sshll.u32 @p0 s4, $0x11  }
0xaa: {  	s5 =	sor.u32 @p0 s6, s5  }
0xab: {  	[sflag:s5] =	ssyncadd.remote.s32 @p0 $0x1;
	_ =	sdelay $0x1  }
0xac: {  	s5 =	simm.s32 @p0 $0x1B8D  }
0xad: {  	_ =	swait.eq @p0 [sflag:s5], $0x1  }
0xae: {  	[sflag:s5] =	ssyncadd.s32 @p0 $0xFFFFFFFF  }
0xaf: {  	s6 =	sshll.u32 @!p0 s1, $0xE  }
0xb0: {  	s6 =	sor.u32 @!p0 $0x4000, s6;
	s5 =	simm.s32 @!p0 $0x1B8D  }
0xb1: {  	s4 =	sshll.u32 @!p0 s4, $0x11;
	s6 =	sadd.s32 @!p0 $0x11B8D, s6;
	_ =	swait.eq @!p0 [sflag:s5], $0x1  }
0xb2: {  	s4 =	sor.u32 @!p0 s4, s6;
	[sflag:s5] =	ssyncadd.s32 @!p0 $0xFFFFFFFF  }
0xb3: {  	s25 =	simm.s32 $0x1B8E;
	s24 =	sld [smem:$0x3FFE];
	[sflag:s4] =	ssyncadd.remote.s32 @!p0 $0x1  }
0xb4: {  	s26 =	simm.s32 $execute0_lowered;
	[smem:$0x3FD2] =	sst s25  }
0xb5: {  	s5 =	sshll.u32 s26, $0x1;
	_ =	strace $0x8000004F;
	[dreg:$0x1] =	wrdreg $0xFFFFFFFF  }
0xb6: {  	s28 =	simm.s32 $_size_execute0_lowered;
	s3 =	sadd.s32 s3, s5;
	[dreg:$0x0] =	wrdreg $0x0  }
0xb7: {  	s5 =	sshll.u32 s28, $0x1;
	[dreg:$0x2] =	wrdreg s3  }
0xb8: {  	[dreg:$0x3] =	wrdreg s5  }
0xb9: {  	[dreg:$0x4] =	wrdreg $0xC0  }
0xba: {  	_ =	task [dreg:s22], $0x5FFFF  }
0xbb: {  	[dreg:$0x1] =	wrdreg $0xFFFFFFFF  }
0xbc: {  	[dreg:$0x0] =	wrdreg $0x60  }
0xbd: {  	[dreg:$0x2] =	wrdreg s24  }
0xbe: {  	[dreg:$0x3] =	wrdreg $0x9  }
0xbf: {  	_ =	task.clear_ibuf [dreg:s22], $0x4FFFF;
	_ =	strace $0x9000004F  }
0xc0: {  	s29 =	simm.s32 $0x9;
	_ =	strace $0x80000051  }
0xc1: {  	_ =	swait.ge [sflag:s29], $0x1  }
0xc2: {  	[sflag:s29] =	ssyncadd.s32 $0xFFFFFFFF  }
0xc3: {  	_ =	strace $0x90000051  }
0xc4: {  	_ =	sfence  }
0xc5: {  	s30 =	sld [smem:$0x0];
	_ =	sdelay $0x2  }
0xc6: {  	s31 =	sshll.u32 s1, $0xD;
	s1 =	sshrl.u32 s1, $0x2  }
0xc7: {  	s4 =	sand.u32 $0x4000, s31;
	s1 =	sadd.s32 s1, s30  }
0xc8: {  	s0 =	sor.u32 s4, s0;
	s1 =	sshll.u32 s1, $0x11  }
0xc9: {  	s0 =	sor.u32 s1, s0  }
0xca: {  	s0 =	sadd.s32 $0x8F2B, s0  }
0xcb: {  	[sflag:s0] =	ssyncadd.remote.s32 $0x1  }
0xcc: {  	_ =	sfence.sel $0xFFFF  }
0xcd: {  	[dreg:$0x0] =	wrdreg $0xFFFFFFFF;
	(pc) =	sbr.abs _section_cstart, $3  }
0xce: {  	[dreg:$0x1] =	wrdreg $0xFFFFFFFF  }
0xcf: {  	_ =	task.clear_ibuf [dreg:s22], $0x2FFFF;
	_ =	strace $0x9FFFFFFF  }
0xd0: {  	(tm) =	ssettm $0x7FFFFFFF  }
0xd1: {  	_ =	shalt  }
tec
execute0_lowered:
.L_overlay_start_1:
0x0: {  	(tag) =	ssettag $0x1  }
0x1: {  	s1 =	srdreg.scid;
	s0 =	stileid.u32  }
0x2: {  	s4 =	rddreg [dreg:$0x0];
	s2 =	simm.s32 $0x0;
	s8 =	simm.s32 $0x80  }
0x3: {  	s9 =	simm.s32 $0x640;
	s10 =	simm.s32 $0x48;
	s11 =	simm.s32 $0x2640  }
0x4: {  	s12 =	simm.s32 $0x3840;
	s13 =	simm.s32 $0x5840;
	s14 =	simm.s32 $0x1  }
0x5: {  	s15 =	simm.s32 $0x2;
	s16 =	simm.s32 $0x6A40;
	s17 =	simm.s32 $0x0  }
0x6: {  	s3 =	sand.u32 $0x1, s1;
	s5 =	sshll.u32 s0, $0x1;
	[smem:$0x7FF] =	sst s2  }
0x7: {  	s1 =	rddreg [dreg:$0x1];
	s5 =	sor.u32 s3, s5;
	_ =	strace $0x80000050  }
0x8: {  	s7 =	ssub.s32 $0x2, s3;
	s6 =	smul.u32 $0xC8, s5;
	s5 =	sshll.u32 s5, $0x6  }
0x9: {  	s3 =	sadd.s32 $0x4E00, s4;
	s31 =	sshrl.u32 s7, $0x1;
	s5 =	sadd.s32 s5, s4  }
0xa: {  	s7 =	ssub.s32 s7, s31;
	s6 =	sadd.s32 s6, s4;
	s5 =	sadd.s32 $0xCEA00, s5  }
0xb: {  	s4 =	sadd.s32 $0xCD000, s6;
	s6 =	smax.u32 s7, $0x1;
	s7 =	simm.s32 $0x3  }
.LBB2_1:
0xc: {  	[tilespmem:s2], [sflag:$0x3] =	stream.linear.gather [hbm4b:s4+s2], $0x640, $0x38;
	[tilespmem:$0x6C40] =	vst v63  }
0xd: {  	_ =	swait.ge [sflag:s7], $0x640  }
0xe: {  	[sflag:s7] =	ssyncset.done $0x0  }
0xf: {  	s18 =	simm.s32 $0x0;
	[sflag:s7] =	ssyncadd.s32 $0xFFFFF9C0  }
0x10: {  	v2 =	vld [tilespmem:s18+$0x0]  }
0x11: {  	v1 =	vld [tilespmem:s18+$0x10]  }
0x12: {  	s19 =	simm.s32 $0x100;
	v0 =	vld [tilespmem:s18+$0x20]  }
.LBB2_2:
0x13: {  	p0 =	sne.s32 s19, $0x1800;
	v3 =	vld [tilespmem:s18+$0x30];
	_ =	sdelay $0x1  }
.Ltmp0:
0x14: {  	v2 =	vadd.s32 $0x1, v2;
	(pc) =	sbr.rel @p0 .LBB2_2-.Ltmp0, $4  }
0x15: {  	s20 =	sshra.s32 s19, $0x2;
	[tilespmem:s18+$0x0] =	vst v2;
	v1 =	vadd.s32 $0x1, v1  }
0x16: {  	v2 =	vld [tilespmem:s20+$0x0];
	[tilespmem:s18+$0x10] =	vst v1;
	v0 =	vadd.s32 $0x1, v0  }
0x17: {  	v1 =	vld [tilespmem:s20+$0x10];
	[tilespmem:s18+$0x20] =	vst v0;
	v3 =	vadd.s32 $0x1, v3  }
0x18: {  	s19 =	sadd.s32 $0x100, s19;
	v0 =	vld [tilespmem:s20+$0x20];
	[tilespmem:s18+$0x30] =	vst v3;
	s18 =	smov.u32 s20  }
0x19: {  	v3 =	vld [tilespmem:s18+$0x30];
	_ =	sdelay $0x1  }
0x1a: {  	v2 =	vadd.s32 $0x1, v2  }
0x1b: {  	[tilespmem:s18+$0x0] =	vst v2;
	v1 =	vadd.s32 $0x1, v1  }
0x1c: {  	[tilespmem:s18+$0x10] =	vst v1;
	v0 =	vadd.s32 $0x1, v0  }
0x1d: {  	[tilespmem:s18+$0x20] =	vst v0;
	v63 =	vadd.s32 $0x1, v3  }
0x1e: {  	[tilespmem:s18+$0x30] =	vst v63;
	s18 =	simm.s32 $0x0  }
0x1f: {  	[tilespmem:s9], [sflag:$0x1] =	stream.indirect.gather [hbm4b:s3+s8], $0x40, s18, s8, $0xb8;
	[tilespmem:$0x6C40] =	vst v63  }
0x20: {  	_ = 	snop  }
0x21: {  	[tilespmem:s11], [sflag:$0x1] =	stream.indirect.gather [hbm4b:s3+s10], $0x40, s8, s10, $0xb8;
	[tilespmem:$0x6C40] =	vst v63  }
.LBB2_4:
0x22: {  	s19 =	sshllo.u32 s18, $0x1  }
0x23: {  	s20 =	smul.u32 $0x320, s19;
	_ =	sdelay $0x1  }
0x24: {  	s20 =	sshra.s32 s20, $0x2  }
0x25: {  	[tilespmem:s12], [sflag:$0x2] =	stream.indirect.gather [hbm4b:s3+s8], $0x40, s20, s8, $0xb8;
	[tilespmem:$0x6C40] =	vst v63  }
0x26: {  	s20 =	sadd.s32 $0x80, s20  }
0x27: {  	[tilespmem:s13], [sflag:$0x2] =	stream.indirect.gather [hbm4b:s3+s10], $0x40, s20, s10, $0xb8;
	[tilespmem:$0x6C40] =	vst v63  }
0x28: {  	_ =	swait.ge [sflag:s14], $0x2000  }
0x29: {  	[sflag:s14] =	ssyncset.done $0x0  }
0x2a: {  	[sflag:s14] =	ssyncadd.s32 $0xFFFFE000  }
0x2b: {  	_ =	swait.ge [sflag:s14], $0x1200  }
0x2c: {  	[sflag:s14] =	ssyncset.done $0x0  }
0x2d: {  	s20 =	simm.s32 $0x0;
	[sflag:s14] =	ssyncadd.s32 $0xFFFFEE00  }
0x2e: {  	v0 =	vld [tilespmem:s20+$0x800]  }
0x2f: {  	v1 =	vld [tilespmem:s20+$0x810]  }
0x30: {  	v2 =	vld [tilespmem:s20+$0x7C0]  }
0x31: {  	v3 =	vld [tilespmem:s20+$0x7D0]  }
0x32: {  	v4 =	vld [tilespmem:s20+$0x780]  }
0x33: {  	v5 =	vld [tilespmem:s20+$0x790]  }
0x34: {  	v6 =	vld [tilespmem:s20+$0x740]  }
0x35: {  	v7 =	vld [tilespmem:s20+$0x750]  }
0x36: {  	v9 =	vld [tilespmem:s20+$0x700]  }
0x37: {  	v8 =	vld [tilespmem:s20+$0x710]  }
0x38: {  	v11 =	vld [tilespmem:s20+$0x6C0]  }
0x39: {  	v10 =	vld [tilespmem:s20+$0x6D0]  }
0x3a: {  	v17 =	vld [tilespmem:s20+$0x680]  }
0x3b: {  	v16 =	vld [tilespmem:s20+$0x690]  }
0x3c: {  	v19 =	vld [tilespmem:s20+$0x640]  }
0x3d: {  	v12 =	vimm.f32 $0.0e+00;
	v20 =	vld [tilespmem:s20+$0x650]  }
0x3e: {  	s21 =	simm.s32 $0x800;
	v15 =	vimm.f32 $0.0e+00;
	v14 =	vimm.f32 $0.0e+00;
	v13 =	vimm.f32 $0.0e+00;
	v18 =	vld [tilespmem:s20+$0x660]  }
.LBB2_5:
0x3f: {  	p0 =	sne.s32 s21, $0xC000;
	v21 =	vld [tilespmem:s20+$0x670]  }
0x40: {  	v22 =	vld [tilespmem:s20+$0x6A0]  }
0x41: {  	v23 =	vld [tilespmem:s20+$0x6B0]  }
0x42: {  	v24 =	vld [tilespmem:s20+$0x6E0]  }
0x43: {  	v12 =	vadd.f32 v19, v12;
	v15 =	vadd.f32 v20, v15;
	v19 =	vld [tilespmem:s20+$0x6F0]  }
0x44: {  	v14 =	vadd.f32 v18, v14;
	v13 =	vadd.f32 v21, v13;
	v18 =	vld [tilespmem:s20+$0x720]  }
0x45: {  	v12 =	vadd.f32 v17, v12;
	v15 =	vadd.f32 v16, v15;
	v16 =	vld [tilespmem:s20+$0x730]  }
0x46: {  	v14 =	vadd.f32 v22, v14;
	v13 =	vadd.f32 v23, v13;
	v17 =	vld [tilespmem:s20+$0x760]  }
0x47: {  	v11 =	vadd.f32 v11, v12;
	v10 =	vadd.f32 v10, v15;
	v12 =	vld [tilespmem:s20+$0x770]  }
0x48: {  	v14 =	vadd.f32 v24, v14;
	v13 =	vadd.f32 v19, v13;
	v15 =	vld [tilespmem:s20+$0x7A0]  }
0x49: {  	v9 =	vadd.f32 v9, v11;
	v8 =	vadd.f32 v8, v10;
	v10 =	vld [tilespmem:s20+$0x7B0]  }
0x4a: {  	v11 =	vadd.f32 v18, v14;
	v13 =	vadd.f32 v16, v13;
	v14 =	vld [tilespmem:s20+$0x7E0]  }
0x4b: {  	v6 =	vadd.f32 v6, v9;
	v7 =	vadd.f32 v7, v8;
	v8 =	vld [tilespmem:s20+$0x7F0]  }
0x4c: {  	v9 =	vadd.f32 v17, v11;
	v11 =	vadd.f32 v12, v13;
	v13 =	vld [tilespmem:s20+$0x820]  }
0x4d: {  	v4 =	vadd.f32 v4, v6;
	v5 =	vadd.f32 v5, v7;
	v6 =	vld [tilespmem:s20+$0x830];
	s20 =	sshra.s32 s21, $0x2  }
0x4e: {  	v9 =	vadd.f32 v15, v9;
	v7 =	vld [tilespmem:s20+$0x800];
	v10 =	vadd.f32 v10, v11  }
0x4f: {  	v4 =	vadd.f32 v2, v4;
	v5 =	vadd.f32 v3, v5;
	v11 =	vld [tilespmem:s20+$0x810]  }
0x50: {  	v9 =	vadd.f32 v14, v9;
	v2 =	vld [tilespmem:s20+$0x7C0];
	v8 =	vadd.f32 v8, v10  }
0x51: {  	v12 =	vadd.f32 v0, v4;
	v15 =	vadd.f32 v1, v5;
	v3 =	vld [tilespmem:s20+$0x7D0]  }
0x52: {  	v14 =	vadd.f32 v13, v9;
	v4 =	vld [tilespmem:s20+$0x780];
	v13 =	vadd.f32 v6, v8  }
0x53: {  	v5 =	vld [tilespmem:s20+$0x790];
	v0 =	vmov v7  }
0x54: {  	v6 =	vld [tilespmem:s20+$0x740];
	v1 =	vmov v11  }
0x55: {  	v7 =	vld [tilespmem:s20+$0x750]  }
0x56: {  	v9 =	vld [tilespmem:s20+$0x700]  }
0x57: {  	v8 =	vld [tilespmem:s20+$0x710]  }
0x58: {  	v11 =	vld [tilespmem:s20+$0x6C0]  }
0x59: {  	v10 =	vld [tilespmem:s20+$0x6D0]  }
.Ltmp1:
0x5a: {  	v17 =	vld [tilespmem:s20+$0x680];
	(pc) =	sbr.rel @p0 .LBB2_5-.Ltmp1, $4  }
0x5b: {  	v16 =	vld [tilespmem:s20+$0x690]  }
0x5c: {  	v19 =	vld [tilespmem:s20+$0x640]  }
0x5d: {  	v20 =	vld [tilespmem:s20+$0x650]  }
0x5e: {  	s21 =	sadd.s32 $0x800, s21;
	v18 =	vld [tilespmem:s20+$0x660]  }
0x5f: {  	v21 =	vld [tilespmem:s20+$0x670]  }
0x60: {  	v22 =	vld [tilespmem:s20+$0x6A0]  }
0x61: {  	v23 =	vld [tilespmem:s20+$0x6B0];
	v12 =	vadd.f32 v19, v12  }
0x62: {  	v19 =	vld [tilespmem:s20+$0x6E0];
	v15 =	vadd.f32 v20, v15  }
0x63: {  	v20 =	vld [tilespmem:s20+$0x6F0];
	v14 =	vadd.f32 v18, v14;
	v12 =	vadd.f32 v17, v12  }
0x64: {  	v17 =	vld [tilespmem:s20+$0x720];
	v13 =	vadd.f32 v21, v13;
	v15 =	vadd.f32 v16, v15  }
0x65: {  	v16 =	vld [tilespmem:s20+$0x730];
	v14 =	vadd.f32 v22, v14;
	v11 =	vadd.f32 v11, v12  }
0x66: {  	v12 =	vadd.f32 v23, v13;
	v13 =	vld [tilespmem:s20+$0x760];
	v10 =	vadd.f32 v10, v15  }
0x67: {  	v15 =	vld [tilespmem:s20+$0x770];
	v14 =	vadd.f32 v19, v14;
	v9 =	vadd.f32 v9, v11  }
0x68: {  	v11 =	vadd.f32 v20, v12;
	v12 =	vld [tilespmem:s20+$0x7A0];
	v8 =	vadd.f32 v8, v10  }
0x69: {  	v10 =	vld [tilespmem:s20+$0x7B0];
	v14 =	vadd.f32 v17, v14;
	v6 =	vadd.f32 v6, v9  }
0x6a: {  	v9 =	vadd.f32 v16, v11;
	v11 =	vld [tilespmem:s20+$0x7E0];
	v7 =	vadd.f32 v7, v8  }
0x6b: {  	v8 =	vld [tilespmem:s20+$0x7F0];
	v13 =	vadd.f32 v13, v14;
	v4 =	vadd.f32 v4, v6  }
0x6c: {  	v6 =	vadd.f32 v15, v9;
	v9 =	vld [tilespmem:s20+$0x820];
	v5 =	vadd.f32 v5, v7  }
0x6d: {  	v7 =	vld [tilespmem:s20+$0x830];
	v12 =	vadd.f32 v12, v13;
	v2 =	vadd.f32 v2, v4  }
0x6e: {  	v4 =	vadd.f32 v10, v6;
	v3 =	vadd.f32 v3, v5  }
0x6f: {  	s31 =	sshll.u32 s18, $0x7;
	v5 =	vadd.f32 v11, v12;
	v0 =	vadd.f32 v0, v2  }
0x70: {  	p0 =	seq.s32 s18, $0x3;
	s20 =	sand.u32 $0x3FFFFF80, s31;
	v2 =	vadd.f32 v8, v4;
	v1 =	vadd.f32 v1, v3  }
0x71: {  	s21 =	smul.u32 @!p0 $0x640, s18;
	v3 =	vadd.f32 v9, v5;
	[tilespmem:s20+$0x6A40] =	vst v0  }
0x72: {  	v0 =	vadd.f32 v7, v2;
	[tilespmem:s20+$0x6A50] =	vst v1  }
0x73: {  	s21 =	sshra.s32 @!p0 s21, $0x2;
	[tilespmem:s20+$0x6A60] =	vst v3  }
0x74: {  	s22 =	simm.s32 @!p0 $0x80;
	s23 =	simm.s32 @!p0 $0x640;
	[tilespmem:s20+$0x6A70] =	vst v0;
	s20 =	sadd.s32 @!p0 $0x190, s21  }
0x75: {  	[tilespmem:s23], [sflag:$0x1] =	stream.indirect.gather @!p0 [hbm4b:s3+s22], $0x40, s20, s22, $0xb8;
	[tilespmem:$0x6C40] =	vst v63  }
0x76: {  	s20 =	sadd.s32 @!p0 $0x210, s21;
	s21 =	simm.s32 @!p0 $0x48;
	s22 =	simm.s32 @!p0 $0x2640  }
0x77: {  	[tilespmem:s22], [sflag:$0x1] =	stream.indirect.gather @!p0 [hbm4b:s3+s21], $0x40, s20, s21, $0xb8;
	[tilespmem:$0x6C40] =	vst v63  }
0x78: {  	_ =	swait.ge [sflag:s15], $0x2000  }
0x79: {  	[sflag:s15] =	ssyncset.done $0x0  }
0x7a: {  	[sflag:s15] =	ssyncadd.s32 $0xFFFFE000  }
0x7b: {  	_ =	swait.ge [sflag:s15], $0x1200  }
0x7c: {  	[sflag:s15] =	ssyncset.done $0x0  }
0x7d: {  	s20 =	simm.s32 $0x0;
	[sflag:s15] =	ssyncadd.s32 $0xFFFFEE00  }
0x7e: {  	v0 =	vld [tilespmem:s20+$0x3A00]  }
0x7f: {  	v1 =	vld [tilespmem:s20+$0x3A10]  }
0x80: {  	v2 =	vld [tilespmem:s20+$0x39C0]  }
0x81: {  	v3 =	vld [tilespmem:s20+$0x39D0]  }
0x82: {  	v4 =	vld [tilespmem:s20+$0x3980]  }
0x83: {  	v5 =	vld [tilespmem:s20+$0x3990]  }
0x84: {  	v6 =	vld [tilespmem:s20+$0x3940]  }
0x85: {  	v7 =	vld [tilespmem:s20+$0x3950]  }
0x86: {  	v9 =	vld [tilespmem:s20+$0x3900]  }
0x87: {  	v8 =	vld [tilespmem:s20+$0x3910]  }
0x88: {  	v11 =	vld [tilespmem:s20+$0x38C0]  }
0x89: {  	v10 =	vld [tilespmem:s20+$0x38D0]  }
0x8a: {  	v17 =	vld [tilespmem:s20+$0x3880]  }
0x8b: {  	v16 =	vld [tilespmem:s20+$0x3890]  }
0x8c: {  	v19 =	vld [tilespmem:s20+$0x3840]  }
0x8d: {  	v14 =	vimm.f32 $0.0e+00;
	v20 =	vld [tilespmem:s20+$0x3850]  }
0x8e: {  	v15 =	vimm.f32 $0.0e+00;
	v13 =	vimm.f32 $0.0e+00;
	v12 =	vimm.f32 $0.0e+00;
	s21 =	simm.s32 $0x800;
	v18 =	vld [tilespmem:s20+$0x3860]  }
.LBB2_7:
0x8f: {  	p0 =	sne.s32 s21, $0xC000;
	v21 =	vld [tilespmem:s20+$0x3870]  }
0x90: {  	v22 =	vld [tilespmem:s20+$0x38A0]  }
0x91: {  	v23 =	vld [tilespmem:s20+$0x38B0]  }
0x92: {  	v24 =	vld [tilespmem:s20+$0x38E0]  }
0x93: {  	v12 =	vadd.f32 v19, v12;
	v15 =	vadd.f32 v20, v15;
	v19 =	vld [tilespmem:s20+$0x38F0]  }
0x94: {  	v14 =	vadd.f32 v18, v14;
	v13 =	vadd.f32 v21, v13;
	v18 =	vld [tilespmem:s20+$0x3920]  }
0x95: {  	v12 =	vadd.f32 v17, v12;
	v15 =	vadd.f32 v16, v15;
	v16 =	vld [tilespmem:s20+$0x3930]  }
0x96: {  	v14 =	vadd.f32 v22, v14;
	v13 =	vadd.f32 v23, v13;
	v17 =	vld [tilespmem:s20+$0x3960]  }
0x97: {  	v11 =	vadd.f32 v11, v12;
	v10 =	vadd.f32 v10, v15;
	v12 =	vld [tilespmem:s20+$0x3970]  }
0x98: {  	v14 =	vadd.f32 v24, v14;
	v13 =	vadd.f32 v19, v13;
	v15 =	vld [tilespmem:s20+$0x39A0]  }
0x99: {  	v9 =	vadd.f32 v9, v11;
	v8 =	vadd.f32 v8, v10;
	v10 =	vld [tilespmem:s20+$0x39B0]  }
0x9a: {  	v11 =	vadd.f32 v18, v14;
	v13 =	vadd.f32 v16, v13;
	v14 =	vld [tilespmem:s20+$0x39E0]  }
0x9b: {  	v6 =	vadd.f32 v6, v9;
	v7 =	vadd.f32 v7, v8;
	v8 =	vld [tilespmem:s20+$0x39F0]  }
0x9c: {  	v9 =	vadd.f32 v17, v11;
	v11 =	vadd.f32 v12, v13;
	v13 =	vld [tilespmem:s20+$0x3A20]  }
0x9d: {  	v4 =	vadd.f32 v4, v6;
	v5 =	vadd.f32 v5, v7;
	v6 =	vld [tilespmem:s20+$0x3A30];
	s20 =	sshra.s32 s21, $0x2  }
0x9e: {  	v9 =	vadd.f32 v15, v9;
	v7 =	vld [tilespmem:s20+$0x3A00];
	v10 =	vadd.f32 v10, v11  }
0x9f: {  	v4 =	vadd.f32 v2, v4;
	v5 =	vadd.f32 v3, v5;
	v11 =	vld [tilespmem:s20+$0x3A10]  }
0xa0: {  	v9 =	vadd.f32 v14, v9;
	v2 =	vld [tilespmem:s20+$0x39C0];
	v8 =	vadd.f32 v8, v10  }
0xa1: {  	v12 =	vadd.f32 v0, v4;
	v15 =	vadd.f32 v1, v5;
	v3 =	vld [tilespmem:s20+$0x39D0]  }
0xa2: {  	v14 =	vadd.f32 v13, v9;
	v4 =	vld [tilespmem:s20+$0x3980];
	v13 =	vadd.f32 v6, v8  }
0xa3: {  	v5 =	vld [tilespmem:s20+$0x3990];
	v0 =	vmov v7  }
0xa4: {  	v6 =	vld [tilespmem:s20+$0x3940];
	v1 =	vmov v11  }
0xa5: {  	v7 =	vld [tilespmem:s20+$0x3950]  }
0xa6: {  	v9 =	vld [tilespmem:s20+$0x3900]  }
0xa7: {  	v8 =	vld [tilespmem:s20+$0x3910]  }
0xa8: {  	v11 =	vld [tilespmem:s20+$0x38C0]  }
0xa9: {  	v10 =	vld [tilespmem:s20+$0x38D0]  }
.Ltmp2:
0xaa: {  	v17 =	vld [tilespmem:s20+$0x3880];
	(pc) =	sbr.rel @p0 .LBB2_7-.Ltmp2, $4  }
0xab: {  	v16 =	vld [tilespmem:s20+$0x3890]  }
0xac: {  	v19 =	vld [tilespmem:s20+$0x3840]  }
0xad: {  	v20 =	vld [tilespmem:s20+$0x3850]  }
0xae: {  	s21 =	sadd.s32 $0x800, s21;
	v18 =	vld [tilespmem:s20+$0x3860]  }
0xaf: {  	v21 =	vld [tilespmem:s20+$0x3870]  }
0xb0: {  	v22 =	vld [tilespmem:s20+$0x38A0]  }
0xb1: {  	v23 =	vld [tilespmem:s20+$0x38B0];
	v12 =	vadd.f32 v19, v12  }
0xb2: {  	v43 =	vld [tilespmem:s20+$0x38E0];
	v15 =	vadd.f32 v20, v15  }
0xb3: {  	v44 =	vld [tilespmem:s20+$0x38F0];
	v14 =	vadd.f32 v18, v14;
	v12 =	vadd.f32 v17, v12  }
0xb4: {  	v45 =	vld [tilespmem:s20+$0x3920];
	v13 =	vadd.f32 v21, v13;
	v15 =	vadd.f32 v16, v15  }
0xb5: {  	v46 =	vld [tilespmem:s20+$0x3930];
	v14 =	vadd.f32 v22, v14;
	v11 =	vadd.f32 v11, v12  }
0xb6: {  	v48 =	vld [tilespmem:s20+$0x3960];
	v47 =	vadd.f32 v23, v13;
	v10 =	vadd.f32 v10, v15  }
0xb7: {  	v49 =	vld [tilespmem:s20+$0x3970];
	v14 =	vadd.f32 v43, v14;
	v9 =	vadd.f32 v9, v11  }
0xb8: {  	v51 =	vld [tilespmem:s20+$0x39A0];
	v50 =	vadd.f32 v44, v47;
	v8 =	vadd.f32 v8, v10  }
0xb9: {  	v52 =	vld [tilespmem:s20+$0x39B0];
	v14 =	vadd.f32 v45, v14;
	v6 =	vadd.f32 v6, v9  }
0xba: {  	v54 =	vld [tilespmem:s20+$0x39E0];
	v53 =	vadd.f32 v46, v50;
	v7 =	vadd.f32 v7, v8  }
0xbb: {  	v55 =	vld [tilespmem:s20+$0x39F0];
	v13 =	vadd.f32 v48, v14;
	v4 =	vadd.f32 v4, v6  }
0xbc: {  	v57 =	vld [tilespmem:s20+$0x3A20];
	v56 =	vadd.f32 v49, v53;
	v5 =	vadd.f32 v5, v7  }
0xbd: {  	v58 =	vld [tilespmem:s20+$0x3A30];
	v12 =	vadd.f32 v51, v13;
	v2 =	vadd.f32 v2, v4  }
0xbe: {  	s18 =	sadd.s32 $0x1, s18;
	v59 =	vadd.f32 v52, v56;
	v3 =	vadd.f32 v3, v5  }
0xbf: {  	s19 =	sshll.u32 s19, $0x6;
	p0 =	sne.s32 s18, $0x4;
	v60 =	vadd.f32 v54, v12;
	v0 =	vadd.f32 v0, v2  }
.Ltmp3:
0xc0: {  	s19 =	sand.u32 $0x3FFFFFC0, s19;
	v61 =	vadd.f32 v55, v59;
	v1 =	vadd.f32 v1, v3;
	(pc) =	sbr.rel @p0 .LBB2_4-.Ltmp3, $4  }
0xc1: {  	v62 =	vadd.f32 v57, v60;
	[tilespmem:s19+$0x6A40] =	vst v0  }
0xc2: {  	v63 =	vadd.f32 v58, v61;
	[tilespmem:s19+$0x6A50] =	vst v1  }
0xc3: {  	[tilespmem:s19+$0x6A60] =	vst v62  }
0xc4: {  	[tilespmem:s19+$0x6A70] =	vst v63  }
0xc5: {  	s17 =	sadd.s32 $0x1, s17  }
0xc6: {  	p0 =	sne.s32 s17, s6  }
.Ltmp4:
0xc7: {  	_ = 	snop;
	(pc) =	sbr.rel @p0 .LBB2_1-.Ltmp4, $4  }
0xc8: {  	[hbm4b:s5+s2] =	stream.linear.scatter [tilespmem:s16], [sflag:$0x3], $0x200, $0x38;
	[tilespmem:$0x6C40] =	vst v63  }
0xc9: {  	_ =	swait.ge [sflag:s7], $0x200  }
0xca: {  	[sflag:s7] =	ssyncset.done $0x0  }
0xcb: {  	[sflag:s7] =	ssyncadd.s32 $0xFFFFFE00  }
0xcc: {  	_ =	sfence.sel $0x180000  }
0xcd: {  	[bflag:$0x0] =	sbarrier.arrive $0xFFFF  }
0xce: {  	p0 =	sne.s32 s0, $0x0;
	_ =	strace $0x90000050  }
0xcf: {  	s0 =	sadd.s32 @!p0 $0x100000, s1;
	[bflag:$0x2] =	sbarrier.arrive $0xFFFF  }
0xd0: {  	[sflag:s0] =	ssyncadd.tile.s32 @!p0 $0x1;
	_ =	shalt  }
.Lfunc_end2:
_tile_overlayer_lowered:
.L_overlay_start_2:
0xd1: {  	(tag) =	ssettag $0x2  }
0xd2: {  	s0 =	rddreg [dreg:$0x0];
	s2 =	stileid.u32  }
0xd3: {  	s1 =	rddreg [dreg:$0x1];
	p0 =	sne.s32 s2, $0x0  }
0xd4: {  	s3 =	rddreg [dreg:$0x2];
	[bflag:$0x3] =	sbarrier.arrive $0xFFFF;
	s2 =	simm.s32 @!p0 $0x1C03  }
0xd5: {  	[timem:s3], [sflag:s2] =	dma.local @!p0 [hbm:s0], s1  }
0xd6: {  	s0 =	simm.s32 @!p0 $0x3  }
0xd7: {  	_ =	swait.ge @!p0 [sflag:s0], s1  }
0xd8: {  	s1 =	ssub.s32 @!p0 $0x0, s1;
	[sflag:s0] =	ssyncset.done @!p0 $0x0  }
0xd9: {  	[sflag:s0] =	ssyncadd.s32 @!p0 s1  }
0xda: {  	[bflag:$0x3] =	sbarrier.arrive $0xFFFF  }
0xdb: {  	_ =	shalt  }

// kernel: kernel.13.cloned.1.call-start
scs
__scs_entry_jumppad:
0x0: {  	(pc) =	sbr.rel $0x88, $3  }
0x1: {  	(tag) =	ssettag $0x0;
	lr =	simm.s32 $0x1  }
0x2: {  	[smem:$0x3F9D] =	sst lr;
	_ =	strace $0xD0000000  }
0x3: {  	_ = 	snop  }
0x4: {  	_ = 	snop  }
0x5: {  	_ = 	snop  }
0x6: {  	_ = 	snop  }
0x7: {  	_ = 	snop  }
__scs_overlays_trampoline_lowered:
0x8: {  	[smem:$0x3FAC] =	sst s0  }
0x9: {  	[smem:$0x3FAD] =	sst s1  }
0xa: {  	[smem:$0x3FAE] =	sst s2  }
0xb: {  	[smem:$0x3FAF] =	sst s3  }
0xc: {  	[smem:$0x3FB0] =	sst s4  }
0xd: {  	[smem:$0x3FB1] =	sst s5  }
0xe: {  	[smem:$0x3FB2] =	sst s6  }
0xf: {  	[smem:$0x3FB3] =	sst s7  }
0x10: {  	[smem:$0x3FB4] =	sst s8  }
0x11: {  	[smem:$0x3FB5] =	sst s9;
	s0 =	simm.s32 @!p0 $0x0  }
0x12: {  	s1 =	sld [smem:$0x3F9B];
	s0 =	simm.s32 @p0 $0x1  }
0x13: {  	[smem:$0x3FB6] =	sst s0;
	s0 =	simm.s32 @!p1 $0x0  }
0x14: {  	s2 =	sld [smem:$0x3F9A];
	s0 =	simm.s32 @p1 $0x1  }
0x15: {  	[smem:$0x3FB7] =	sst s0;
	s0 =	simm.s32 @!p2 $0x0  }
0x16: {  	s3 =	sld [smem:$0x3FDB];
	s0 =	simm.s32 @p2 $0x1  }
0x17: {  	s4 =	simm.s32 $0x1BF5;
	[smem:$0x3FB9] =	sst s0  }
0x18: {  	s0 =	sld [smem:$0x3F9C];
	_ =	swait.ge [sflag:s4], $0x0  }
0x19: {  	s7 =	sld [smem:$0x3F9D]  }
0x1a: {  	s8 =	sadd.s32 $0xFFFFE003, lr  }
0x1b: {  	s9 =	sadd.s32 $0xFFFFFEF7, lr;
	s5 =	simm.s32 $0xFFFFFFFF;
	p2 =	slt.u32 s8, $0xFFFFF086  }
0x1c: {  	p1 =	slt.u32 s9, $0xF7A;
	s5 =	simm.s32 @!p2 $0x0  }
0x1d: {  	s5 =	simm.s32 @p1 $0x1;
	p0 =	seq.s32 s7, s2  }
0x1e: {  	s7 =	smul.u32 @!p0 $0xF7A, s2;
	p2 =	seq.s32 @!p0 s5, $0x0  }
0x1f: {  	s9 =	smul.u32 $0xF7A, s1;
	s8 =	simm.s32 @!p0 $0x1BF5;
	p2 =	por !p2, p0  }
0x20: {  	[sflag:s8] =	ssyncset.s32 @!p0 $0xFFFFF086;
	s6 =	sadd.s32 @!p0 s3, s7;
	s7 =	simm.s32 @!p0 $0x108  }
0x21: {  	s3 =	sadd.s32 s3, s9;
	s6 =	sadd.s32 @!p0 $0x88, s6;
	s7 =	simm.s32 @p2 $0x1082  }
0x22: {  	[simem:s7], [sflag:s8] =	dma.local @!p0 [hbm:s6], $0xF7A  }
0x23: {  	s9 =	sor.u32 $0xD0000000, s2;
	s6 =	simm.s32 $0x108;
	_ =	swait.ge @!p0 [sflag:s8], $0x0  }
0x24: {  	s3 =	sadd.s32 $0x88, s3;
	s6 =	simm.s32 @!p1 $0x1082;
	[sflag:s4] =	ssyncset.s32 $0xFFFFF086  }
0x25: {  	[simem:s6], [sflag:s4] =	dma.local [hbm:s3], $0xF7A  }
0x26: {  	[smem:$0x3F9D] =	sst s1;
	(tag) =	ssettag s2;
	_ =	strace s9  }
0x27: {  	s1 =	sld [smem:$0x3FAD]  }
0x28: {  	s2 =	sld [smem:$0x3FAE]  }
0x29: {  	s4 =	sld [smem:$0x3FB0]  }
0x2a: {  	p0 =	seq.s32 s5, $0x0;
	s5 =	sld [smem:$0x3FB1]  }
0x2b: {  	s6 =	sld [smem:$0x3FB2]  }
0x2c: {  	s7 =	sld [smem:$0x3FB3]  }
0x2d: {  	s3 =	simm.s32 $0x108;
	s8 =	sld [smem:$0x3FB4]  }
0x2e: {  	s3 =	simm.s32 @!p0 $0x1082;
	s9 =	sld [smem:$0x3FB5]  }
0x2f: {  	lr =	sadd.s32 s0, s3;
	s0 =	sld [smem:$0x3FAC]  }
0x30: {  	s3 =	sld [smem:$0x3FAF]  }
0x31: {  	[smem:$0x3FB8] =	sst s10  }
0x32: {  	s10 =	sld [smem:$0x3FB6];
	_ =	sdelay $0x3  }
0x33: {  	p0 =	seq.s32 s10, $0x1;
	s10 =	sld [smem:$0x3FB8];
	_ =	sdelay $0x3  }
0x34: {  	[smem:$0x3FB8] =	sst s10  }
0x35: {  	s10 =	sld [smem:$0x3FB7];
	_ =	sdelay $0x3  }
0x36: {  	p1 =	seq.s32 s10, $0x1;
	s10 =	sld [smem:$0x3FB8];
	_ =	sdelay $0x3  }
0x37: {  	[smem:$0x3FB8] =	sst s10  }
0x38: {  	s10 =	sld [smem:$0x3FB9]  }
0x39: {  	_ = 	snop;
	(pc) =	sbr.ind lr, $3  }
0x3a: {  	_ = 	snop  }
0x3b: {  	_ = 	snop  }
0x3c: {  	p2 =	seq.s32 s10, $0x1;
	s10 =	sld [smem:$0x3FB8]  }
0x3d: {  	_ =	shalt  }
0x3e: {  	_ =	shalt  }
0x3f: {  	_ =	shalt  }
0x40: {  	_ =	shalt  }
0x41: {  	_ =	shalt  }
0x42: {  	_ =	shalt  }
0x43: {  	_ =	shalt  }
0x44: {  	_ =	shalt  }
0x45: {  	_ =	shalt  }
0x46: {  	_ =	shalt  }
0x47: {  	_ =	shalt  }
0x48: {  	_ =	shalt  }
0x49: {  	_ =	shalt  }
0x4a: {  	_ =	shalt  }
0x4b: {  	_ =	shalt  }
0x4c: {  	_ =	shalt  }
0x4d: {  	_ =	shalt  }
0x4e: {  	_ =	shalt  }
0x4f: {  	_ =	shalt  }
0x50: {  	_ =	shalt  }
0x51: {  	_ =	shalt  }
0x52: {  	_ =	shalt  }
0x53: {  	_ =	shalt  }
0x54: {  	_ =	shalt  }
0x55: {  	_ =	shalt  }
0x56: {  	_ =	shalt  }
0x57: {  	_ =	shalt  }
0x58: {  	_ =	shalt  }
0x59: {  	_ =	shalt  }
0x5a: {  	_ =	shalt  }
0x5b: {  	_ =	shalt  }
0x5c: {  	_ =	shalt  }
0x5d: {  	_ =	shalt  }
0x5e: {  	_ =	shalt  }
0x5f: {  	_ =	shalt  }
0x60: {  	_ =	shalt  }
0x61: {  	_ =	shalt  }
0x62: {  	_ =	shalt  }
0x63: {  	_ =	shalt  }
0x64: {  	_ =	shalt  }
0x65: {  	_ =	shalt  }
0x66: {  	_ =	shalt  }
0x67: {  	_ =	shalt  }
0x68: {  	_ =	shalt  }
0x69: {  	_ =	shalt  }
0x6a: {  	_ =	shalt  }
0x6b: {  	_ =	shalt  }
0x6c: {  	_ =	shalt  }
0x6d: {  	_ =	shalt  }
0x6e: {  	_ =	shalt  }
0x6f: {  	_ =	shalt  }
0x70: {  	_ =	shalt  }
0x71: {  	_ =	shalt  }
0x72: {  	_ =	shalt  }
0x73: {  	_ =	shalt  }
0x74: {  	_ =	shalt  }
0x75: {  	_ =	shalt  }
0x76: {  	_ =	shalt  }
0x77: {  	_ =	shalt  }
0x78: {  	_ =	shalt  }
0x79: {  	_ =	shalt  }
0x7a: {  	_ =	shalt  }
0x7b: {  	_ =	shalt  }
0x7c: {  	_ =	shalt  }
0x7d: {  	_ =	shalt  }
0x7e: {  	_ =	shalt  }
0x7f: {  	_ =	shalt  }
0x80: {  	_ =	shalt  }
0x81: {  	_ =	shalt  }
0x82: {  	_ =	shalt  }
0x83: {  	_ =	shalt  }
0x84: {  	_ =	shalt  }
0x85: {  	_ =	shalt  }
0x86: {  	_ =	shalt  }
0x87: {  	_ =	shalt  }
.Lfunc_end0:
.L_simem_size_0:
called_computation.1_lowered:
.L_overlay_start_0:
0x88: {  	s2 =	sld [smem:$0x3FD9]  }
0x89: {  	s3 =	sld [smem:$0x3FFE];
	_ =	sdelay $0x1  }
0x8a: {  	s1 =	srdreg.scid  }
0x8b: {  	s0 =	sand.u32 $0x1, s1  }
0x8c: {  	s17 =	sshll.u32 s0, $0xA;
	s2 =	sadd.s32 s3, s2  }
0x8d: {  	s2 =	sadd.s32 s2, s17  }
0x8e: {  	[smem:$0x3FC4] =	sst s2  }
0x8f: {  	_ = 	snop  }
0x90: {  	(tm) =	ssettm $0x1  }
0x91: {  	s18 =	sld [smem:$0x3FFB];
	_ =	sdelay $0x3  }
0x92: {  	_ =	strace s18  }
0x93: {  	s2 =	sld [smem:$0x3FFC];
	_ =	sdelay $0x3  }
0x94: {  	_ =	strace s2  }
0x95: {  	s2 =	sld [smem:$0x3FFD];
	_ =	sdelay $0x3  }
0x96: {  	_ =	strace s2  }
0x97: {  	_ =	strace $0x8FFFFFFF  }
0x98: {  	s19 =	sld [smem:$0x3FDB];
	_ =	sdelay $0x1  }
0x99: {  	s20 =	simm.s32 $_scs_section_size  }
0x9a: {  	s4 =	simm.s32 $_size__tile_overlayer_lowered;
	s5 =	simm.s32 $_tile_overlayer_lowered  }
0x9b: {  	s6 =	simm.s32 $0x1BFF;
	s21 =	sshll.u32 s5, $0x1;
	s3 =	sadd.s32 s20, s19  }
0x9c: {  	s22 =	simm.s32 $0x0;
	s4 =	sshll.u32 s4, $0x1;
	s5 =	sadd.s32 s21, s3  }
0x9d: {  	[timem:s22], [sflag:s6] =	dma.local [hbm:s5], s4  }
0x9e: {  	_ =	swait.ge [sflag:s6], s4  }
0x9f: {  	s4 =	ssub.s32 $0x0, s4;
	[sflag:s6] =	ssyncset.done $0x0  }
0xa0: {  	[sflag:s6] =	ssyncadd.s32 s4;
	_ =	sdelay $0x1  }
0xa1: {  	s23 =	simm.s32 $0x1B8B  }
0xa2: {  	_ =	swait.ge [sflag:s23], $0x1  }
0xa3: {  	[sflag:s23] =	ssyncset.done $0x0  }
0xa4: {  	[sflag:s23] =	ssyncadd.s32 $0xFFFFFFFF  }
0xa5: {  	s4 =	sld [smem:$0x0]  }
0xa6: {  	s5 =	sand.u32 $0xFFFFFFFE, s1  }
0xa7: {  	p0 =	sne.s32 s1, s5  }
0xa8: {  	s5 =	sshll.u32 @p0 s5, $0xE  }
0xa9: {  	s5 =	sadd.s32 @p0 $0x11B8D, s5;
	s6 =	sshll.u32 @p0 s4, $0x11  }
0xaa: {  	s5 =	sor.u32 @p0 s6, s5  }
0xab: {  	[sflag:s5] =	ssyncadd.remote.s32 @p0 $0x1;
	_ =	sdelay $0x1  }
0xac: {  	s5 =	simm.s32 @p0 $0x1B8D  }
0xad: {  	_ =	swait.eq @p0 [sflag:s5], $0x1  }
0xae: {  	[sflag:s5] =	ssyncadd.s32 @p0 $0xFFFFFFFF  }
0xaf: {  	s6 =	sshll.u32 @!p0 s1, $0xE  }
0xb0: {  	s6 =	sor.u32 @!p0 $0x4000, s6;
	s5 =	simm.s32 @!p0 $0x1B8D  }
0xb1: {  	s4 =	sshll.u32 @!p0 s4, $0x11;
	s6 =	sadd.s32 @!p0 $0x11B8D, s6;
	_ =	swait.eq @!p0 [sflag:s5], $0x1  }
0xb2: {  	s4 =	sor.u32 @!p0 s4, s6;
	[sflag:s5] =	ssyncadd.s32 @!p0 $0xFFFFFFFF  }
0xb3: {  	s25 =	simm.s32 $0x1B8E;
	s24 =	sld [smem:$0x3FFE];
	[sflag:s4] =	ssyncadd.remote.s32 @!p0 $0x1  }
0xb4: {  	s26 =	simm.s32 $execute0_lowered;
	[smem:$0x3FD2] =	sst s25  }
0xb5: {  	s5 =	sshll.u32 s26, $0x1;
	_ =	strace $0x8000004C;
	[dreg:$0x1] =	wrdreg $0xFFFFFFFF  }
0xb6: {  	s28 =	simm.s32 $_size_execute0_lowered;
	s3 =	sadd.s32 s3, s5;
	[dreg:$0x0] =	wrdreg $0x0  }
0xb7: {  	s5 =	sshll.u32 s28, $0x1;
	[dreg:$0x2] =	wrdreg s3  }
0xb8: {  	[dreg:$0x3] =	wrdreg s5  }
0xb9: {  	[dreg:$0x4] =	wrdreg $0xC0  }
0xba: {  	_ =	task [dreg:s22], $0x5FFFF  }
0xbb: {  	[dreg:$0x1] =	wrdreg $0xFFFFFFFF  }
0xbc: {  	[dreg:$0x0] =	wrdreg $0x60  }
0xbd: {  	[dreg:$0x2] =	wrdreg s24  }
0xbe: {  	[dreg:$0x3] =	wrdreg $0xA  }
0xbf: {  	_ =	task.clear_ibuf [dreg:s22], $0x4FFFF;
	_ =	strace $0x9000004C  }
0xc0: {  	s29 =	simm.s32 $0xA;
	_ =	strace $0x8000004E  }
0xc1: {  	_ =	swait.ge [sflag:s29], $0x1  }
0xc2: {  	[sflag:s29] =	ssyncadd.s32 $0xFFFFFFFF  }
0xc3: {  	_ =	strace $0x9000004E  }
0xc4: {  	_ =	sfence  }
0xc5: {  	s30 =	sld [smem:$0x0];
	_ =	sdelay $0x2  }
0xc6: {  	s31 =	sshll.u32 s1, $0xD;
	s1 =	sshrl.u32 s1, $0x2  }
0xc7: {  	s4 =	sand.u32 $0x4000, s31;
	s1 =	sadd.s32 s1, s30  }
0xc8: {  	s0 =	sor.u32 s4, s0;
	s1 =	sshll.u32 s1, $0x11  }
0xc9: {  	s0 =	sor.u32 s1, s0  }
0xca: {  	s0 =	sadd.s32 $0x8F2B, s0  }
0xcb: {  	[sflag:s0] =	ssyncadd.remote.s32 $0x1  }
0xcc: {  	_ =	sfence.sel $0xFFFF  }
0xcd: {  	[dreg:$0x0] =	wrdreg $0xFFFFFFFF;
	(pc) =	sbr.abs _section_cstart, $3  }
0xce: {  	[dreg:$0x1] =	wrdreg $0xFFFFFFFF  }
0xcf: {  	_ =	task.clear_ibuf [dreg:s22], $0x2FFFF;
	_ =	strace $0x9FFFFFFF  }
0xd0: {  	(tm) =	ssettm $0x7FFFFFFF  }
0xd1: {  	_ =	shalt  }
tec
execute0_lowered:
.L_overlay_start_1:
0x0: {  	(tag) =	ssettag $0x1  }
0x1: {  	s1 =	srdreg.scid;
	s0 =	stileid.u32  }
0x2: {  	s4 =	rddreg [dreg:$0x0];
	s2 =	simm.s32 $0x0;
	s8 =	simm.s32 $0x80  }
0x3: {  	s9 =	simm.s32 $0x640;
	s10 =	simm.s32 $0x48;
	s11 =	simm.s32 $0x2640  }
0x4: {  	s12 =	simm.s32 $0x3840;
	s13 =	simm.s32 $0x5840;
	s14 =	simm.s32 $0x1  }
0x5: {  	s15 =	simm.s32 $0x2;
	s16 =	simm.s32 $0x6A40;
	s17 =	simm.s32 $0x0  }
0x6: {  	s3 =	sand.u32 $0x1, s1;
	s5 =	sshll.u32 s0, $0x1;
	[smem:$0x7FF] =	sst s2  }
0x7: {  	s1 =	rddreg [dreg:$0x1];
	s5 =	sor.u32 s3, s5;
	_ =	strace $0x8000004D  }
0x8: {  	s7 =	ssub.s32 $0x2, s3;
	s6 =	smul.u32 $0xC8, s5;
	s5 =	sshll.u32 s5, $0x6  }
0x9: {  	s3 =	sadd.s32 $0x4E00, s4;
	s31 =	sshrl.u32 s7, $0x1;
	s5 =	sadd.s32 s5, s4  }
0xa: {  	s7 =	ssub.s32 s7, s31;
	s6 =	sadd.s32 s6, s4;
	s5 =	sadd.s32 $0xCC800, s5  }
0xb: {  	s4 =	sadd.s32 $0xCAE00, s6;
	s6 =	smax.u32 s7, $0x1;
	s7 =	simm.s32 $0x3  }
.LBB2_1:
0xc: {  	[tilespmem:s2], [sflag:$0x3] =	stream.linear.gather [hbm4b:s4+s2], $0x640, $0x38;
	[tilespmem:$0x6C40] =	vst v63  }
0xd: {  	_ =	swait.ge [sflag:s7], $0x640  }
0xe: {  	[sflag:s7] =	ssyncset.done $0x0  }
0xf: {  	s18 =	simm.s32 $0x0;
	[sflag:s7] =	ssyncadd.s32 $0xFFFFF9C0  }
0x10: {  	v2 =	vld [tilespmem:s18+$0x0]  }
0x11: {  	v1 =	vld [tilespmem:s18+$0x10]  }
0x12: {  	s19 =	simm.s32 $0x100;
	v0 =	vld [tilespmem:s18+$0x20]  }
.LBB2_2:
0x13: {  	p0 =	sne.s32 s19, $0x1800;
	v3 =	vld [tilespmem:s18+$0x30];
	_ =	sdelay $0x1  }
.Ltmp0:
0x14: {  	v2 =	vadd.s32 $0x1, v2;
	(pc) =	sbr.rel @p0 .LBB2_2-.Ltmp0, $4  }
0x15: {  	s20 =	sshra.s32 s19, $0x2;
	[tilespmem:s18+$0x0] =	vst v2;
	v1 =	vadd.s32 $0x1, v1  }
0x16: {  	v2 =	vld [tilespmem:s20+$0x0];
	[tilespmem:s18+$0x10] =	vst v1;
	v0 =	vadd.s32 $0x1, v0  }
0x17: {  	v1 =	vld [tilespmem:s20+$0x10];
	[tilespmem:s18+$0x20] =	vst v0;
	v3 =	vadd.s32 $0x1, v3  }
0x18: {  	s19 =	sadd.s32 $0x100, s19;
	v0 =	vld [tilespmem:s20+$0x20];
	[tilespmem:s18+$0x30] =	vst v3;
	s18 =	smov.u32 s20  }
0x19: {  	v3 =	vld [tilespmem:s18+$0x30];
	_ =	sdelay $0x1  }
0x1a: {  	v2 =	vadd.s32 $0x1, v2  }
0x1b: {  	[tilespmem:s18+$0x0] =	vst v2;
	v1 =	vadd.s32 $0x1, v1  }
0x1c: {  	[tilespmem:s18+$0x10] =	vst v1;
	v0 =	vadd.s32 $0x1, v0  }
0x1d: {  	[tilespmem:s18+$0x20] =	vst v0;
	v63 =	vadd.s32 $0x1, v3  }
0x1e: {  	[tilespmem:s18+$0x30] =	vst v63;
	s18 =	simm.s32 $0x0  }
0x1f: {  	[tilespmem:s9], [sflag:$0x1] =	stream.indirect.gather [hbm4b:s3+s8], $0x40, s18, s8, $0xb8;
	[tilespmem:$0x6C40] =	vst v63  }
0x20: {  	_ = 	snop  }
0x21: {  	[tilespmem:s11], [sflag:$0x1] =	stream.indirect.gather [hbm4b:s3+s10], $0x40, s8, s10, $0xb8;
	[tilespmem:$0x6C40] =	vst v63  }
.LBB2_4:
0x22: {  	s19 =	sshllo.u32 s18, $0x1  }
0x23: {  	s20 =	smul.u32 $0x320, s19;
	_ =	sdelay $0x1  }
0x24: {  	s20 =	sshra.s32 s20, $0x2  }
0x25: {  	[tilespmem:s12], [sflag:$0x2] =	stream.indirect.gather [hbm4b:s3+s8], $0x40, s20, s8, $0xb8;
	[tilespmem:$0x6C40] =	vst v63  }
0x26: {  	s20 =	sadd.s32 $0x80, s20  }
0x27: {  	[tilespmem:s13], [sflag:$0x2] =	stream.indirect.gather [hbm4b:s3+s10], $0x40, s20, s10, $0xb8;
	[tilespmem:$0x6C40] =	vst v63  }
0x28: {  	_ =	swait.ge [sflag:s14], $0x2000  }
0x29: {  	[sflag:s14] =	ssyncset.done $0x0  }
0x2a: {  	[sflag:s14] =	ssyncadd.s32 $0xFFFFE000  }
0x2b: {  	_ =	swait.ge [sflag:s14], $0x1200  }
0x2c: {  	[sflag:s14] =	ssyncset.done $0x0  }
0x2d: {  	s20 =	simm.s32 $0x0;
	[sflag:s14] =	ssyncadd.s32 $0xFFFFEE00  }
0x2e: {  	v0 =	vld [tilespmem:s20+$0x800]  }
0x2f: {  	v1 =	vld [tilespmem:s20+$0x810]  }
0x30: {  	v2 =	vld [tilespmem:s20+$0x7C0]  }
0x31: {  	v3 =	vld [tilespmem:s20+$0x7D0]  }
0x32: {  	v4 =	vld [tilespmem:s20+$0x780]  }
0x33: {  	v5 =	vld [tilespmem:s20+$0x790]  }
0x34: {  	v6 =	vld [tilespmem:s20+$0x740]  }
0x35: {  	v7 =	vld [tilespmem:s20+$0x750]  }
0x36: {  	v9 =	vld [tilespmem:s20+$0x700]  }
0x37: {  	v8 =	vld [tilespmem:s20+$0x710]  }
0x38: {  	v11 =	vld [tilespmem:s20+$0x6C0]  }
0x39: {  	v10 =	vld [tilespmem:s20+$0x6D0]  }
0x3a: {  	v17 =	vld [tilespmem:s20+$0x680]  }
0x3b: {  	v16 =	vld [tilespmem:s20+$0x690]  }
0x3c: {  	v19 =	vld [tilespmem:s20+$0x640]  }
0x3d: {  	v12 =	vimm.f32 $0.0e+00;
	v20 =	vld [tilespmem:s20+$0x650]  }
0x3e: {  	s21 =	simm.s32 $0x800;
	v15 =	vimm.f32 $0.0e+00;
	v14 =	vimm.f32 $0.0e+00;
	v13 =	vimm.f32 $0.0e+00;
	v18 =	vld [tilespmem:s20+$0x660]  }
.LBB2_5:
0x3f: {  	p0 =	sne.s32 s21, $0xC000;
	v21 =	vld [tilespmem:s20+$0x670]  }
0x40: {  	v22 =	vld [tilespmem:s20+$0x6A0]  }
0x41: {  	v23 =	vld [tilespmem:s20+$0x6B0]  }
0x42: {  	v24 =	vld [tilespmem:s20+$0x6E0]  }
0x43: {  	v12 =	vadd.f32 v19, v12;
	v15 =	vadd.f32 v20, v15;
	v19 =	vld [tilespmem:s20+$0x6F0]  }
0x44: {  	v14 =	vadd.f32 v18, v14;
	v13 =	vadd.f32 v21, v13;
	v18 =	vld [tilespmem:s20+$0x720]  }
0x45: {  	v12 =	vadd.f32 v17, v12;
	v15 =	vadd.f32 v16, v15;
	v16 =	vld [tilespmem:s20+$0x730]  }
0x46: {  	v14 =	vadd.f32 v22, v14;
	v13 =	vadd.f32 v23, v13;
	v17 =	vld [tilespmem:s20+$0x760]  }
0x47: {  	v11 =	vadd.f32 v11, v12;
	v10 =	vadd.f32 v10, v15;
	v12 =	vld [tilespmem:s20+$0x770]  }
0x48: {  	v14 =	vadd.f32 v24, v14;
	v13 =	vadd.f32 v19, v13;
	v15 =	vld [tilespmem:s20+$0x7A0]  }
0x49: {  	v9 =	vadd.f32 v9, v11;
	v8 =	vadd.f32 v8, v10;
	v10 =	vld [tilespmem:s20+$0x7B0]  }
0x4a: {  	v11 =	vadd.f32 v18, v14;
	v13 =	vadd.f32 v16, v13;
	v14 =	vld [tilespmem:s20+$0x7E0]  }
0x4b: {  	v6 =	vadd.f32 v6, v9;
	v7 =	vadd.f32 v7, v8;
	v8 =	vld [tilespmem:s20+$0x7F0]  }
0x4c: {  	v9 =	vadd.f32 v17, v11;
	v11 =	vadd.f32 v12, v13;
	v13 =	vld [tilespmem:s20+$0x820]  }
0x4d: {  	v4 =	vadd.f32 v4, v6;
	v5 =	vadd.f32 v5, v7;
	v6 =	vld [tilespmem:s20+$0x830];
	s20 =	sshra.s32 s21, $0x2  }
0x4e: {  	v9 =	vadd.f32 v15, v9;
	v7 =	vld [tilespmem:s20+$0x800];
	v10 =	vadd.f32 v10, v11  }
0x4f: {  	v4 =	vadd.f32 v2, v4;
	v5 =	vadd.f32 v3, v5;
	v11 =	vld [tilespmem:s20+$0x810]  }
0x50: {  	v9 =	vadd.f32 v14, v9;
	v2 =	vld [tilespmem:s20+$0x7C0];
	v8 =	vadd.f32 v8, v10  }
0x51: {  	v12 =	vadd.f32 v0, v4;
	v15 =	vadd.f32 v1, v5;
	v3 =	vld [tilespmem:s20+$0x7D0]  }
0x52: {  	v14 =	vadd.f32 v13, v9;
	v4 =	vld [tilespmem:s20+$0x780];
	v13 =	vadd.f32 v6, v8  }
0x53: {  	v5 =	vld [tilespmem:s20+$0x790];
	v0 =	vmov v7  }
0x54: {  	v6 =	vld [tilespmem:s20+$0x740];
	v1 =	vmov v11  }
0x55: {  	v7 =	vld [tilespmem:s20+$0x750]  }
0x56: {  	v9 =	vld [tilespmem:s20+$0x700]  }
0x57: {  	v8 =	vld [tilespmem:s20+$0x710]  }
0x58: {  	v11 =	vld [tilespmem:s20+$0x6C0]  }
0x59: {  	v10 =	vld [tilespmem:s20+$0x6D0]  }
.Ltmp1:
0x5a: {  	v17 =	vld [tilespmem:s20+$0x680];
	(pc) =	sbr.rel @p0 .LBB2_5-.Ltmp1, $4  }
0x5b: {  	v16 =	vld [tilespmem:s20+$0x690]  }
0x5c: {  	v19 =	vld [tilespmem:s20+$0x640]  }
0x5d: {  	v20 =	vld [tilespmem:s20+$0x650]  }
0x5e: {  	s21 =	sadd.s32 $0x800, s21;
	v18 =	vld [tilespmem:s20+$0x660]  }
0x5f: {  	v21 =	vld [tilespmem:s20+$0x670]  }
0x60: {  	v22 =	vld [tilespmem:s20+$0x6A0]  }
0x61: {  	v23 =	vld [tilespmem:s20+$0x6B0];
	v12 =	vadd.f32 v19, v12  }
0x62: {  	v19 =	vld [tilespmem:s20+$0x6E0];
	v15 =	vadd.f32 v20, v15  }
0x63: {  	v20 =	vld [tilespmem:s20+$0x6F0];
	v14 =	vadd.f32 v18, v14;
	v12 =	vadd.f32 v17, v12  }
0x64: {  	v17 =	vld [tilespmem:s20+$0x720];
	v13 =	vadd.f32 v21, v13;
	v15 =	vadd.f32 v16, v15  }
0x65: {  	v16 =	vld [tilespmem:s20+$0x730];
	v14 =	vadd.f32 v22, v14;
	v11 =	vadd.f32 v11, v12  }
0x66: {  	v12 =	vadd.f32 v23, v13;
	v13 =	vld [tilespmem:s20+$0x760];
	v10 =	vadd.f32 v10, v15  }
0x67: {  	v15 =	vld [tilespmem:s20+$0x770];
	v14 =	vadd.f32 v19, v14;
	v9 =	vadd.f32 v9, v11  }
0x68: {  	v11 =	vadd.f32 v20, v12;
	v12 =	vld [tilespmem:s20+$0x7A0];
	v8 =	vadd.f32 v8, v10  }
0x69: {  	v10 =	vld [tilespmem:s20+$0x7B0];
	v14 =	vadd.f32 v17, v14;
	v6 =	vadd.f32 v6, v9  }
0x6a: {  	v9 =	vadd.f32 v16, v11;
	v11 =	vld [tilespmem:s20+$0x7E0];
	v7 =	vadd.f32 v7, v8  }
0x6b: {  	v8 =	vld [tilespmem:s20+$0x7F0];
	v13 =	vadd.f32 v13, v14;
	v4 =	vadd.f32 v4, v6  }
0x6c: {  	v6 =	vadd.f32 v15, v9;
	v9 =	vld [tilespmem:s20+$0x820];
	v5 =	vadd.f32 v5, v7  }
0x6d: {  	v7 =	vld [tilespmem:s20+$0x830];
	v12 =	vadd.f32 v12, v13;
	v2 =	vadd.f32 v2, v4  }
0x6e: {  	v4 =	vadd.f32 v10, v6;
	v3 =	vadd.f32 v3, v5  }
0x6f: {  	s31 =	sshll.u32 s18, $0x7;
	v5 =	vadd.f32 v11, v12;
	v0 =	vadd.f32 v0, v2  }
0x70: {  	p0 =	seq.s32 s18, $0x3;
	s20 =	sand.u32 $0x3FFFFF80, s31;
	v2 =	vadd.f32 v8, v4;
	v1 =	vadd.f32 v1, v3  }
0x71: {  	s21 =	smul.u32 @!p0 $0x640, s18;
	v3 =	vadd.f32 v9, v5;
	[tilespmem:s20+$0x6A40] =	vst v0  }
0x72: {  	v0 =	vadd.f32 v7, v2;
	[tilespmem:s20+$0x6A50] =	vst v1  }
0x73: {  	s21 =	sshra.s32 @!p0 s21, $0x2;
	[tilespmem:s20+$0x6A60] =	vst v3  }
0x74: {  	s22 =	simm.s32 @!p0 $0x80;
	s23 =	simm.s32 @!p0 $0x640;
	[tilespmem:s20+$0x6A70] =	vst v0;
	s20 =	sadd.s32 @!p0 $0x190, s21  }
0x75: {  	[tilespmem:s23], [sflag:$0x1] =	stream.indirect.gather @!p0 [hbm4b:s3+s22], $0x40, s20, s22, $0xb8;
	[tilespmem:$0x6C40] =	vst v63  }
0x76: {  	s20 =	sadd.s32 @!p0 $0x210, s21;
	s21 =	simm.s32 @!p0 $0x48;
	s22 =	simm.s32 @!p0 $0x2640  }
0x77: {  	[tilespmem:s22], [sflag:$0x1] =	stream.indirect.gather @!p0 [hbm4b:s3+s21], $0x40, s20, s21, $0xb8;
	[tilespmem:$0x6C40] =	vst v63  }
0x78: {  	_ =	swait.ge [sflag:s15], $0x2000  }
0x79: {  	[sflag:s15] =	ssyncset.done $0x0  }
0x7a: {  	[sflag:s15] =	ssyncadd.s32 $0xFFFFE000  }
0x7b: {  	_ =	swait.ge [sflag:s15], $0x1200  }
0x7c: {  	[sflag:s15] =	ssyncset.done $0x0  }
0x7d: {  	s20 =	simm.s32 $0x0;
	[sflag:s15] =	ssyncadd.s32 $0xFFFFEE00  }
0x7e: {  	v0 =	vld [tilespmem:s20+$0x3A00]  }
0x7f: {  	v1 =	vld [tilespmem:s20+$0x3A10]  }
0x80: {  	v2 =	vld [tilespmem:s20+$0x39C0]  }
0x81: {  	v3 =	vld [tilespmem:s20+$0x39D0]  }
0x82: {  	v4 =	vld [tilespmem:s20+$0x3980]  }
0x83: {  	v5 =	vld [tilespmem:s20+$0x3990]  }
0x84: {  	v6 =	vld [tilespmem:s20+$0x3940]  }
0x85: {  	v7 =	vld [tilespmem:s20+$0x3950]  }
0x86: {  	v9 =	vld [tilespmem:s20+$0x3900]  }
0x87: {  	v8 =	vld [tilespmem:s20+$0x3910]  }
0x88: {  	v11 =	vld [tilespmem:s20+$0x38C0]  }
0x89: {  	v10 =	vld [tilespmem:s20+$0x38D0]  }
0x8a: {  	v17 =	vld [tilespmem:s20+$0x3880]  }
0x8b: {  	v16 =	vld [tilespmem:s20+$0x3890]  }
0x8c: {  	v19 =	vld [tilespmem:s20+$0x3840]  }
0x8d: {  	v14 =	vimm.f32 $0.0e+00;
	v20 =	vld [tilespmem:s20+$0x3850]  }
0x8e: {  	v15 =	vimm.f32 $0.0e+00;
	v13 =	vimm.f32 $0.0e+00;
	v12 =	vimm.f32 $0.0e+00;
	s21 =	simm.s32 $0x800;
	v18 =	vld [tilespmem:s20+$0x3860]  }
.LBB2_7:
0x8f: {  	p0 =	sne.s32 s21, $0xC000;
	v21 =	vld [tilespmem:s20+$0x3870]  }
0x90: {  	v22 =	vld [tilespmem:s20+$0x38A0]  }
0x91: {  	v23 =	vld [tilespmem:s20+$0x38B0]  }
0x92: {  	v24 =	vld [tilespmem:s20+$0x38E0]  }
0x93: {  	v12 =	vadd.f32 v19, v12;
	v15 =	vadd.f32 v20, v15;
	v19 =	vld [tilespmem:s20+$0x38F0]  }
0x94: {  	v14 =	vadd.f32 v18, v14;
	v13 =	vadd.f32 v21, v13;
	v18 =	vld [tilespmem:s20+$0x3920]  }
0x95: {  	v12 =	vadd.f32 v17, v12;
	v15 =	vadd.f32 v16, v15;
	v16 =	vld [tilespmem:s20+$0x3930]  }
0x96: {  	v14 =	vadd.f32 v22, v14;
	v13 =	vadd.f32 v23, v13;
	v17 =	vld [tilespmem:s20+$0x3960]  }
0x97: {  	v11 =	vadd.f32 v11, v12;
	v10 =	vadd.f32 v10, v15;
	v12 =	vld [tilespmem:s20+$0x3970]  }
0x98: {  	v14 =	vadd.f32 v24, v14;
	v13 =	vadd.f32 v19, v13;
	v15 =	vld [tilespmem:s20+$0x39A0]  }
0x99: {  	v9 =	vadd.f32 v9, v11;
	v8 =	vadd.f32 v8, v10;
	v10 =	vld [tilespmem:s20+$0x39B0]  }
0x9a: {  	v11 =	vadd.f32 v18, v14;
	v13 =	vadd.f32 v16, v13;
	v14 =	vld [tilespmem:s20+$0x39E0]  }
0x9b: {  	v6 =	vadd.f32 v6, v9;
	v7 =	vadd.f32 v7, v8;
	v8 =	vld [tilespmem:s20+$0x39F0]  }
0x9c: {  	v9 =	vadd.f32 v17, v11;
	v11 =	vadd.f32 v12, v13;
	v13 =	vld [tilespmem:s20+$0x3A20]  }
0x9d: {  	v4 =	vadd.f32 v4, v6;
	v5 =	vadd.f32 v5, v7;
	v6 =	vld [tilespmem:s20+$0x3A30];
	s20 =	sshra.s32 s21, $0x2  }
0x9e: {  	v9 =	vadd.f32 v15, v9;
	v7 =	vld [tilespmem:s20+$0x3A00];
	v10 =	vadd.f32 v10, v11  }
0x9f: {  	v4 =	vadd.f32 v2, v4;
	v5 =	vadd.f32 v3, v5;
	v11 =	vld [tilespmem:s20+$0x3A10]  }
0xa0: {  	v9 =	vadd.f32 v14, v9;
	v2 =	vld [tilespmem:s20+$0x39C0];
	v8 =	vadd.f32 v8, v10  }
0xa1: {  	v12 =	vadd.f32 v0, v4;
	v15 =	vadd.f32 v1, v5;
	v3 =	vld [tilespmem:s20+$0x39D0]  }
0xa2: {  	v14 =	vadd.f32 v13, v9;
	v4 =	vld [tilespmem:s20+$0x3980];
	v13 =	vadd.f32 v6, v8  }
0xa3: {  	v5 =	vld [tilespmem:s20+$0x3990];
	v0 =	vmov v7  }
0xa4: {  	v6 =	vld [tilespmem:s20+$0x3940];
	v1 =	vmov v11  }
0xa5: {  	v7 =	vld [tilespmem:s20+$0x3950]  }
0xa6: {  	v9 =	vld [tilespmem:s20+$0x3900]  }
0xa7: {  	v8 =	vld [tilespmem:s20+$0x3910]  }
0xa8: {  	v11 =	vld [tilespmem:s20+$0x38C0]  }
0xa9: {  	v10 =	vld [tilespmem:s20+$0x38D0]  }
.Ltmp2:
0xaa: {  	v17 =	vld [tilespmem:s20+$0x3880];
	(pc) =	sbr.rel @p0 .LBB2_7-.Ltmp2, $4  }
0xab: {  	v16 =	vld [tilespmem:s20+$0x3890]  }
0xac: {  	v19 =	vld [tilespmem:s20+$0x3840]  }
0xad: {  	v20 =	vld [tilespmem:s20+$0x3850]  }
0xae: {  	s21 =	sadd.s32 $0x800, s21;
	v18 =	vld [tilespmem:s20+$0x3860]  }
0xaf: {  	v21 =	vld [tilespmem:s20+$0x3870]  }
0xb0: {  	v22 =	vld [tilespmem:s20+$0x38A0]  }
0xb1: {  	v23 =	vld [tilespmem:s20+$0x38B0];
	v12 =	vadd.f32 v19, v12  }
0xb2: {  	v43 =	vld [tilespmem:s20+$0x38E0];
	v15 =	vadd.f32 v20, v15  }
0xb3: {  	v44 =	vld [tilespmem:s20+$0x38F0];
	v14 =	vadd.f32 v18, v14;
	v12 =	vadd.f32 v17, v12  }
0xb4: {  	v45 =	vld [tilespmem:s20+$0x3920];
	v13 =	vadd.f32 v21, v13;
	v15 =	vadd.f32 v16, v15  }
0xb5: {  	v46 =	vld [tilespmem:s20+$0x3930];
	v14 =	vadd.f32 v22, v14;
	v11 =	vadd.f32 v11, v12  }
0xb6: {  	v48 =	vld [tilespmem:s20+$0x3960];
	v47 =	vadd.f32 v23, v13;
	v10 =	vadd.f32 v10, v15  }
0xb7: {  	v49 =	vld [tilespmem:s20+$0x3970];
	v14 =	vadd.f32 v43, v14;
	v9 =	vadd.f32 v9, v11  }
0xb8: {  	v51 =	vld [tilespmem:s20+$0x39A0];
	v50 =	vadd.f32 v44, v47;
	v8 =	vadd.f32 v8, v10  }
0xb9: {  	v52 =	vld [tilespmem:s20+$0x39B0];
	v14 =	vadd.f32 v45, v14;
	v6 =	vadd.f32 v6, v9  }
0xba: {  	v54 =	vld [tilespmem:s20+$0x39E0];
	v53 =	vadd.f32 v46, v50;
	v7 =	vadd.f32 v7, v8  }
0xbb: {  	v55 =	vld [tilespmem:s20+$0x39F0];
	v13 =	vadd.f32 v48, v14;
	v4 =	vadd.f32 v4, v6  }
0xbc: {  	v57 =	vld [tilespmem:s20+$0x3A20];
	v56 =	vadd.f32 v49, v53;
	v5 =	vadd.f32 v5, v7  }
0xbd: {  	v58 =	vld [tilespmem:s20+$0x3A30];
	v12 =	vadd.f32 v51, v13;
	v2 =	vadd.f32 v2, v4  }
0xbe: {  	s18 =	sadd.s32 $0x1, s18;
	v59 =	vadd.f32 v52, v56;
	v3 =	vadd.f32 v3, v5  }
0xbf: {  	s19 =	sshll.u32 s19, $0x6;
	p0 =	sne.s32 s18, $0x4;
	v60 =	vadd.f32 v54, v12;
	v0 =	vadd.f32 v0, v2  }
.Ltmp3:
0xc0: {  	s19 =	sand.u32 $0x3FFFFFC0, s19;
	v61 =	vadd.f32 v55, v59;
	v1 =	vadd.f32 v1, v3;
	(pc) =	sbr.rel @p0 .LBB2_4-.Ltmp3, $4  }
0xc1: {  	v62 =	vadd.f32 v57, v60;
	[tilespmem:s19+$0x6A40] =	vst v0  }
0xc2: {  	v63 =	vadd.f32 v58, v61;
	[tilespmem:s19+$0x6A50] =	vst v1  }
0xc3: {  	[tilespmem:s19+$0x6A60] =	vst v62  }
0xc4: {  	[tilespmem:s19+$0x6A70] =	vst v63  }
0xc5: {  	s17 =	sadd.s32 $0x1, s17  }
0xc6: {  	p0 =	sne.s32 s17, s6  }
.Ltmp4:
0xc7: {  	_ = 	snop;
	(pc) =	sbr.rel @p0 .LBB2_1-.Ltmp4, $4  }
0xc8: {  	[hbm4b:s5+s2] =	stream.linear.scatter [tilespmem:s16], [sflag:$0x3], $0x200, $0x38;
	[tilespmem:$0x6C40] =	vst v63  }
0xc9: {  	_ =	swait.ge [sflag:s7], $0x200  }
0xca: {  	[sflag:s7] =	ssyncset.done $0x0  }
0xcb: {  	[sflag:s7] =	ssyncadd.s32 $0xFFFFFE00  }
0xcc: {  	_ =	sfence.sel $0x180000  }
0xcd: {  	[bflag:$0x0] =	sbarrier.arrive $0xFFFF  }
0xce: {  	p0 =	sne.s32 s0, $0x0;
	_ =	strace $0x9000004D  }
0xcf: {  	s0 =	sadd.s32 @!p0 $0x100000, s1;
	[bflag:$0x2] =	sbarrier.arrive $0xFFFF  }
0xd0: {  	[sflag:s0] =	ssyncadd.tile.s32 @!p0 $0x1;
	_ =	shalt  }
.Lfunc_end2:
_tile_overlayer_lowered:
.L_overlay_start_2:
0xd1: {  	(tag) =	ssettag $0x2  }
0xd2: {  	s0 =	rddreg [dreg:$0x0];
	s2 =	stileid.u32  }
0xd3: {  	s1 =	rddreg [dreg:$0x1];
	p0 =	sne.s32 s2, $0x0  }
0xd4: {  	s3 =	rddreg [dreg:$0x2];
	[bflag:$0x3] =	sbarrier.arrive $0xFFFF;
	s2 =	simm.s32 @!p0 $0x1C03  }
0xd5: {  	[timem:s3], [sflag:s2] =	dma.local @!p0 [hbm:s0], s1  }
0xd6: {  	s0 =	simm.s32 @!p0 $0x3  }
0xd7: {  	_ =	swait.ge @!p0 [sflag:s0], s1  }
0xd8: {  	s1 =	ssub.s32 @!p0 $0x0, s1;
	[sflag:s0] =	ssyncset.done @!p0 $0x0  }
0xd9: {  	[sflag:s0] =	ssyncadd.s32 @!p0 s1  }
0xda: {  	[bflag:$0x3] =	sbarrier.arrive $0xFFFF  }
0xdb: {  	_ =	shalt  }

// kernel: kernel.16.cloned.1.call-start
scs
__scs_entry_jumppad:
0x0: {  	(pc) =	sbr.rel $0x88, $3  }
0x1: {  	(tag) =	ssettag $0x0;
	lr =	simm.s32 $0x1  }
0x2: {  	[smem:$0x3F9D] =	sst lr;
	_ =	strace $0xD0000000  }
0x3: {  	_ = 	snop  }
0x4: {  	_ = 	snop  }
0x5: {  	_ = 	snop  }
0x6: {  	_ = 	snop  }
0x7: {  	_ = 	snop  }
__scs_overlays_trampoline_lowered:
0x8: {  	[smem:$0x3FAC] =	sst s0  }
0x9: {  	[smem:$0x3FAD] =	sst s1  }
0xa: {  	[smem:$0x3FAE] =	sst s2  }
0xb: {  	[smem:$0x3FAF] =	sst s3  }
0xc: {  	[smem:$0x3FB0] =	sst s4  }
0xd: {  	[smem:$0x3FB1] =	sst s5  }
0xe: {  	[smem:$0x3FB2] =	sst s6  }
0xf: {  	[smem:$0x3FB3] =	sst s7  }
0x10: {  	[smem:$0x3FB4] =	sst s8  }
0x11: {  	[smem:$0x3FB5] =	sst s9;
	s0 =	simm.s32 @!p0 $0x0  }
0x12: {  	s1 =	sld [smem:$0x3F9B];
	s0 =	simm.s32 @p0 $0x1  }
0x13: {  	[smem:$0x3FB6] =	sst s0;
	s0 =	simm.s32 @!p1 $0x0  }
0x14: {  	s2 =	sld [smem:$0x3F9A];
	s0 =	simm.s32 @p1 $0x1  }
0x15: {  	[smem:$0x3FB7] =	sst s0;
	s0 =	simm.s32 @!p2 $0x0  }
0x16: {  	s3 =	sld [smem:$0x3FDB];
	s0 =	simm.s32 @p2 $0x1  }
0x17: {  	s4 =	simm.s32 $0x1BF5;
	[smem:$0x3FB9] =	sst s0  }
0x18: {  	s0 =	sld [smem:$0x3F9C];
	_ =	swait.ge [sflag:s4], $0x0  }
0x19: {  	s7 =	sld [smem:$0x3F9D]  }
0x1a: {  	s8 =	sadd.s32 $0xFFFFE003, lr  }
0x1b: {  	s9 =	sadd.s32 $0xFFFFFEF7, lr;
	s5 =	simm.s32 $0xFFFFFFFF;
	p2 =	slt.u32 s8, $0xFFFFF086  }
0x1c: {  	p1 =	slt.u32 s9, $0xF7A;
	s5 =	simm.s32 @!p2 $0x0  }
0x1d: {  	s5 =	simm.s32 @p1 $0x1;
	p0 =	seq.s32 s7, s2  }
0x1e: {  	s7 =	smul.u32 @!p0 $0xF7A, s2;
	p2 =	seq.s32 @!p0 s5, $0x0  }
0x1f: {  	s9 =	smul.u32 $0xF7A, s1;
	s8 =	simm.s32 @!p0 $0x1BF5;
	p2 =	por !p2, p0  }
0x20: {  	[sflag:s8] =	ssyncset.s32 @!p0 $0xFFFFF086;
	s6 =	sadd.s32 @!p0 s3, s7;
	s7 =	simm.s32 @!p0 $0x108  }
0x21: {  	s3 =	sadd.s32 s3, s9;
	s6 =	sadd.s32 @!p0 $0x88, s6;
	s7 =	simm.s32 @p2 $0x1082  }
0x22: {  	[simem:s7], [sflag:s8] =	dma.local @!p0 [hbm:s6], $0xF7A  }
0x23: {  	s9 =	sor.u32 $0xD0000000, s2;
	s6 =	simm.s32 $0x108;
	_ =	swait.ge @!p0 [sflag:s8], $0x0  }
0x24: {  	s3 =	sadd.s32 $0x88, s3;
	s6 =	simm.s32 @!p1 $0x1082;
	[sflag:s4] =	ssyncset.s32 $0xFFFFF086  }
0x25: {  	[simem:s6], [sflag:s4] =	dma.local [hbm:s3], $0xF7A  }
0x26: {  	[smem:$0x3F9D] =	sst s1;
	(tag) =	ssettag s2;
	_ =	strace s9  }
0x27: {  	s1 =	sld [smem:$0x3FAD]  }
0x28: {  	s2 =	sld [smem:$0x3FAE]  }
0x29: {  	s4 =	sld [smem:$0x3FB0]  }
0x2a: {  	p0 =	seq.s32 s5, $0x0;
	s5 =	sld [smem:$0x3FB1]  }
0x2b: {  	s6 =	sld [smem:$0x3FB2]  }
0x2c: {  	s7 =	sld [smem:$0x3FB3]  }
0x2d: {  	s3 =	simm.s32 $0x108;
	s8 =	sld [smem:$0x3FB4]  }
0x2e: {  	s3 =	simm.s32 @!p0 $0x1082;
	s9 =	sld [smem:$0x3FB5]  }
0x2f: {  	lr =	sadd.s32 s0, s3;
	s0 =	sld [smem:$0x3FAC]  }
0x30: {  	s3 =	sld [smem:$0x3FAF]  }
0x31: {  	[smem:$0x3FB8] =	sst s10  }
0x32: {  	s10 =	sld [smem:$0x3FB6];
	_ =	sdelay $0x3  }
0x33: {  	p0 =	seq.s32 s10, $0x1;
	s10 =	sld [smem:$0x3FB8];
	_ =	sdelay $0x3  }
0x34: {  	[smem:$0x3FB8] =	sst s10  }
0x35: {  	s10 =	sld [smem:$0x3FB7];
	_ =	sdelay $0x3  }
0x36: {  	p1 =	seq.s32 s10, $0x1;
	s10 =	sld [smem:$0x3FB8];
	_ =	sdelay $0x3  }
0x37: {  	[smem:$0x3FB8] =	sst s10  }
0x38: {  	s10 =	sld [smem:$0x3FB9]  }
0x39: {  	_ = 	snop;
	(pc) =	sbr.ind lr, $3  }
0x3a: {  	_ = 	snop  }
0x3b: {  	_ = 	snop  }
0x3c: {  	p2 =	seq.s32 s10, $0x1;
	s10 =	sld [smem:$0x3FB8]  }
0x3d: {  	_ =	shalt  }
0x3e: {  	_ =	shalt  }
0x3f: {  	_ =	shalt  }
0x40: {  	_ =	shalt  }
0x41: {  	_ =	shalt  }
0x42: {  	_ =	shalt  }
0x43: {  	_ =	shalt  }
0x44: {  	_ =	shalt  }
0x45: {  	_ =	shalt  }
0x46: {  	_ =	shalt  }
0x47: {  	_ =	shalt  }
0x48: {  	_ =	shalt  }
0x49: {  	_ =	shalt  }
0x4a: {  	_ =	shalt  }
0x4b: {  	_ =	shalt  }
0x4c: {  	_ =	shalt  }
0x4d: {  	_ =	shalt  }
0x4e: {  	_ =	shalt  }
0x4f: {  	_ =	shalt  }
0x50: {  	_ =	shalt  }
0x51: {  	_ =	shalt  }
0x52: {  	_ =	shalt  }
0x53: {  	_ =	shalt  }
0x54: {  	_ =	shalt  }
0x55: {  	_ =	shalt  }
0x56: {  	_ =	shalt  }
0x57: {  	_ =	shalt  }
0x58: {  	_ =	shalt  }
0x59: {  	_ =	shalt  }
0x5a: {  	_ =	shalt  }
0x5b: {  	_ =	shalt  }
0x5c: {  	_ =	shalt  }
0x5d: {  	_ =	shalt  }
0x5e: {  	_ =	shalt  }
0x5f: {  	_ =	shalt  }
0x60: {  	_ =	shalt  }
0x61: {  	_ =	shalt  }
0x62: {  	_ =	shalt  }
0x63: {  	_ =	shalt  }
0x64: {  	_ =	shalt  }
0x65: {  	_ =	shalt  }
0x66: {  	_ =	shalt  }
0x67: {  	_ =	shalt  }
0x68: {  	_ =	shalt  }
0x69: {  	_ =	shalt  }
0x6a: {  	_ =	shalt  }
0x6b: {  	_ =	shalt  }
0x6c: {  	_ =	shalt  }
0x6d: {  	_ =	shalt  }
0x6e: {  	_ =	shalt  }
0x6f: {  	_ =	shalt  }
0x70: {  	_ =	shalt  }
0x71: {  	_ =	shalt  }
0x72: {  	_ =	shalt  }
0x73: {  	_ =	shalt  }
0x74: {  	_ =	shalt  }
0x75: {  	_ =	shalt  }
0x76: {  	_ =	shalt  }
0x77: {  	_ =	shalt  }
0x78: {  	_ =	shalt  }
0x79: {  	_ =	shalt  }
0x7a: {  	_ =	shalt  }
0x7b: {  	_ =	shalt  }
0x7c: {  	_ =	shalt  }
0x7d: {  	_ =	shalt  }
0x7e: {  	_ =	shalt  }
0x7f: {  	_ =	shalt  }
0x80: {  	_ =	shalt  }
0x81: {  	_ =	shalt  }
0x82: {  	_ =	shalt  }
0x83: {  	_ =	shalt  }
0x84: {  	_ =	shalt  }
0x85: {  	_ =	shalt  }
0x86: {  	_ =	shalt  }
0x87: {  	_ =	shalt  }
.Lfunc_end0:
.L_simem_size_0:
called_computation.2_lowered:
.L_overlay_start_0:
0x88: {  	s2 =	sld [smem:$0x3FD9]  }
0x89: {  	s3 =	sld [smem:$0x3FFE];
	_ =	sdelay $0x1  }
0x8a: {  	s1 =	srdreg.scid  }
0x8b: {  	s0 =	sand.u32 $0x1, s1  }
0x8c: {  	s17 =	sshll.u32 s0, $0xA;
	s2 =	sadd.s32 s3, s2  }
0x8d: {  	s2 =	sadd.s32 s2, s17  }
0x8e: {  	[smem:$0x3FC4] =	sst s2  }
0x8f: {  	_ = 	snop  }
0x90: {  	(tm) =	ssettm $0x1  }
0x91: {  	s18 =	sld [smem:$0x3FFB];
	_ =	sdelay $0x3  }
0x92: {  	_ =	strace s18  }
0x93: {  	s2 =	sld [smem:$0x3FFC];
	_ =	sdelay $0x3  }
0x94: {  	_ =	strace s2  }
0x95: {  	s2 =	sld [smem:$0x3FFD];
	_ =	sdelay $0x3  }
0x96: {  	_ =	strace s2  }
0x97: {  	_ =	strace $0x8FFFFFFF  }
0x98: {  	s19 =	sld [smem:$0x3FDB];
	_ =	sdelay $0x1  }
0x99: {  	s20 =	simm.s32 $_scs_section_size  }
0x9a: {  	s4 =	simm.s32 $_size__tile_overlayer_lowered;
	s5 =	simm.s32 $_tile_overlayer_lowered  }
0x9b: {  	s6 =	simm.s32 $0x1BFF;
	s21 =	sshll.u32 s5, $0x1;
	s3 =	sadd.s32 s20, s19  }
0x9c: {  	s22 =	simm.s32 $0x0;
	s4 =	sshll.u32 s4, $0x1;
	s5 =	sadd.s32 s21, s3  }
0x9d: {  	[timem:s22], [sflag:s6] =	dma.local [hbm:s5], s4  }
0x9e: {  	_ =	swait.ge [sflag:s6], s4  }
0x9f: {  	s4 =	ssub.s32 $0x0, s4;
	[sflag:s6] =	ssyncset.done $0x0  }
0xa0: {  	[sflag:s6] =	ssyncadd.s32 s4;
	_ =	sdelay $0x1  }
0xa1: {  	s23 =	simm.s32 $0x1B8B  }
0xa2: {  	_ =	swait.ge [sflag:s23], $0x1  }
0xa3: {  	[sflag:s23] =	ssyncset.done $0x0  }
0xa4: {  	[sflag:s23] =	ssyncadd.s32 $0xFFFFFFFF  }
0xa5: {  	s4 =	sld [smem:$0x0]  }
0xa6: {  	s5 =	sand.u32 $0xFFFFFFFE, s1  }
0xa7: {  	p0 =	sne.s32 s1, s5  }
0xa8: {  	s5 =	sshll.u32 @p0 s5, $0xE  }
0xa9: {  	s5 =	sadd.s32 @p0 $0x11B8D, s5;
	s6 =	sshll.u32 @p0 s4, $0x11  }
0xaa: {  	s5 =	sor.u32 @p0 s6, s5  }
0xab: {  	[sflag:s5] =	ssyncadd.remote.s32 @p0 $0x1;
	_ =	sdelay $0x1  }
0xac: {  	s5 =	simm.s32 @p0 $0x1B8D  }
0xad: {  	_ =	swait.eq @p0 [sflag:s5], $0x1  }
0xae: {  	[sflag:s5] =	ssyncadd.s32 @p0 $0xFFFFFFFF  }
0xaf: {  	s6 =	sshll.u32 @!p0 s1, $0xE  }
0xb0: {  	s6 =	sor.u32 @!p0 $0x4000, s6;
	s5 =	simm.s32 @!p0 $0x1B8D  }
0xb1: {  	s4 =	sshll.u32 @!p0 s4, $0x11;
	s6 =	sadd.s32 @!p0 $0x11B8D, s6;
	_ =	swait.eq @!p0 [sflag:s5], $0x1  }
0xb2: {  	s4 =	sor.u32 @!p0 s4, s6;
	[sflag:s5] =	ssyncadd.s32 @!p0 $0xFFFFFFFF  }
0xb3: {  	s25 =	simm.s32 $0x1B8E;
	s24 =	sld [smem:$0x3FFE];
	[sflag:s4] =	ssyncadd.remote.s32 @!p0 $0x1  }
0xb4: {  	s26 =	simm.s32 $execute0_lowered;
	[smem:$0x3FD2] =	sst s25  }
0xb5: {  	s5 =	sshll.u32 s26, $0x1;
	_ =	strace $0x80000049;
	[dreg:$0x1] =	wrdreg $0xFFFFFFFF  }
0xb6: {  	s28 =	simm.s32 $_size_execute0_lowered;
	s3 =	sadd.s32 s3, s5;
	[dreg:$0x0] =	wrdreg $0x0  }
0xb7: {  	s5 =	sshll.u32 s28, $0x1;
	[dreg:$0x2] =	wrdreg s3  }
0xb8: {  	[dreg:$0x3] =	wrdreg s5  }
0xb9: {  	[dreg:$0x4] =	wrdreg $0xC0  }
0xba: {  	_ =	task [dreg:s22], $0x5FFFF  }
0xbb: {  	[dreg:$0x1] =	wrdreg $0xFFFFFFFF  }
0xbc: {  	[dreg:$0x0] =	wrdreg $0x60  }
0xbd: {  	[dreg:$0x2] =	wrdreg s24  }
0xbe: {  	[dreg:$0x3] =	wrdreg $0xB  }
0xbf: {  	_ =	task.clear_ibuf [dreg:s22], $0x4FFFF;
	_ =	strace $0x90000049  }
0xc0: {  	s29 =	simm.s32 $0xB;
	_ =	strace $0x8000004B  }
0xc1: {  	_ =	swait.ge [sflag:s29], $0x1  }
0xc2: {  	[sflag:s29] =	ssyncadd.s32 $0xFFFFFFFF  }
0xc3: {  	_ =	strace $0x9000004B  }
0xc4: {  	_ =	sfence  }
0xc5: {  	s30 =	sld [smem:$0x0];
	_ =	sdelay $0x2  }
0xc6: {  	s31 =	sshll.u32 s1, $0xD;
	s1 =	sshrl.u32 s1, $0x2  }
0xc7: {  	s4 =	sand.u32 $0x4000, s31;
	s1 =	sadd.s32 s1, s30  }
0xc8: {  	s0 =	sor.u32 s4, s0;
	s1 =	sshll.u32 s1, $0x11  }
0xc9: {  	s0 =	sor.u32 s1, s0  }
0xca: {  	s0 =	sadd.s32 $0x8F2B, s0  }
0xcb: {  	[sflag:s0] =	ssyncadd.remote.s32 $0x1  }
0xcc: {  	_ =	sfence.sel $0xFFFF  }
0xcd: {  	[dreg:$0x0] =	wrdreg $0xFFFFFFFF;
	(pc) =	sbr.abs _section_cstart, $3  }
0xce: {  	[dreg:$0x1] =	wrdreg $0xFFFFFFFF  }
0xcf: {  	_ =	task.clear_ibuf [dreg:s22], $0x2FFFF;
	_ =	strace $0x9FFFFFFF  }
0xd0: {  	(tm) =	ssettm $0x7FFFFFFF  }
0xd1: {  	_ =	shalt  }
tec
execute0_lowered:
.L_overlay_start_1:
0x0: {  	(tag) =	ssettag $0x1  }
0x1: {  	s1 =	srdreg.scid;
	s0 =	stileid.u32  }
0x2: {  	s4 =	rddreg [dreg:$0x0];
	s2 =	simm.s32 $0x0;
	s8 =	simm.s32 $0x80  }
0x3: {  	s9 =	simm.s32 $0x640;
	s10 =	simm.s32 $0x48;
	s11 =	simm.s32 $0x2640  }
0x4: {  	s12 =	simm.s32 $0x3840;
	s13 =	simm.s32 $0x5840;
	s14 =	simm.s32 $0x1  }
0x5: {  	s15 =	simm.s32 $0x2;
	s16 =	simm.s32 $0x6A40;
	s17 =	simm.s32 $0x0  }
0x6: {  	s3 =	sand.u32 $0x1, s1;
	s5 =	sshll.u32 s0, $0x1;
	[smem:$0x7FF] =	sst s2  }
0x7: {  	s1 =	rddreg [dreg:$0x1];
	s5 =	sor.u32 s3, s5;
	_ =	strace $0x8000004A  }
0x8: {  	s7 =	ssub.s32 $0x2, s3;
	s6 =	smul.u32 $0xC8, s5;
	s5 =	sshll.u32 s5, $0x6  }
0x9: {  	s3 =	sadd.s32 $0x4E00, s4;
	s31 =	sshrl.u32 s7, $0x1;
	s5 =	sadd.s32 s5, s4  }
0xa: {  	s7 =	ssub.s32 s7, s31;
	s6 =	sadd.s32 s6, s4;
	s5 =	sadd.s32 $0xCA600, s5  }
0xb: {  	s4 =	sadd.s32 $0xC8C00, s6;
	s6 =	smax.u32 s7, $0x1;
	s7 =	simm.s32 $0x3  }
.LBB2_1:
0xc: {  	[tilespmem:s2], [sflag:$0x3] =	stream.linear.gather [hbm4b:s4+s2], $0x640, $0x38;
	[tilespmem:$0x6C40] =	vst v63  }
0xd: {  	_ =	swait.ge [sflag:s7], $0x640  }
0xe: {  	[sflag:s7] =	ssyncset.done $0x0  }
0xf: {  	s18 =	simm.s32 $0x0;
	[sflag:s7] =	ssyncadd.s32 $0xFFFFF9C0  }
0x10: {  	v2 =	vld [tilespmem:s18+$0x0]  }
0x11: {  	v1 =	vld [tilespmem:s18+$0x10]  }
0x12: {  	s19 =	simm.s32 $0x100;
	v0 =	vld [tilespmem:s18+$0x20]  }
.LBB2_2:
0x13: {  	p0 =	sne.s32 s19, $0x1800;
	v3 =	vld [tilespmem:s18+$0x30];
	_ =	sdelay $0x1  }
.Ltmp0:
0x14: {  	v2 =	vadd.s32 $0x1, v2;
	(pc) =	sbr.rel @p0 .LBB2_2-.Ltmp0, $4  }
0x15: {  	s20 =	sshra.s32 s19, $0x2;
	[tilespmem:s18+$0x0] =	vst v2;
	v1 =	vadd.s32 $0x1, v1  }
0x16: {  	v2 =	vld [tilespmem:s20+$0x0];
	[tilespmem:s18+$0x10] =	vst v1;
	v0 =	vadd.s32 $0x1, v0  }
0x17: {  	v1 =	vld [tilespmem:s20+$0x10];
	[tilespmem:s18+$0x20] =	vst v0;
	v3 =	vadd.s32 $0x1, v3  }
0x18: {  	s19 =	sadd.s32 $0x100, s19;
	v0 =	vld [tilespmem:s20+$0x20];
	[tilespmem:s18+$0x30] =	vst v3;
	s18 =	smov.u32 s20  }
0x19: {  	v3 =	vld [tilespmem:s18+$0x30];
	_ =	sdelay $0x1  }
0x1a: {  	v2 =	vadd.s32 $0x1, v2  }
0x1b: {  	[tilespmem:s18+$0x0] =	vst v2;
	v1 =	vadd.s32 $0x1, v1  }
0x1c: {  	[tilespmem:s18+$0x10] =	vst v1;
	v0 =	vadd.s32 $0x1, v0  }
0x1d: {  	[tilespmem:s18+$0x20] =	vst v0;
	v63 =	vadd.s32 $0x1, v3  }
0x1e: {  	[tilespmem:s18+$0x30] =	vst v63;
	s18 =	simm.s32 $0x0  }
0x1f: {  	[tilespmem:s9], [sflag:$0x1] =	stream.indirect.gather [hbm4b:s3+s8], $0x40, s18, s8, $0xb8;
	[tilespmem:$0x6C40] =	vst v63  }
0x20: {  	_ = 	snop  }
0x21: {  	[tilespmem:s11], [sflag:$0x1] =	stream.indirect.gather [hbm4b:s3+s10], $0x40, s8, s10, $0xb8;
	[tilespmem:$0x6C40] =	vst v63  }
.LBB2_4:
0x22: {  	s19 =	sshllo.u32 s18, $0x1  }
0x23: {  	s20 =	smul.u32 $0x320, s19;
	_ =	sdelay $0x1  }
0x24: {  	s20 =	sshra.s32 s20, $0x2  }
0x25: {  	[tilespmem:s12], [sflag:$0x2] =	stream.indirect.gather [hbm4b:s3+s8], $0x40, s20, s8, $0xb8;
	[tilespmem:$0x6C40] =	vst v63  }
0x26: {  	s20 =	sadd.s32 $0x80, s20  }
0x27: {  	[tilespmem:s13], [sflag:$0x2] =	stream.indirect.gather [hbm4b:s3+s10], $0x40, s20, s10, $0xb8;
	[tilespmem:$0x6C40] =	vst v63  }
0x28: {  	_ =	swait.ge [sflag:s14], $0x2000  }
0x29: {  	[sflag:s14] =	ssyncset.done $0x0  }
0x2a: {  	[sflag:s14] =	ssyncadd.s32 $0xFFFFE000  }
0x2b: {  	_ =	swait.ge [sflag:s14], $0x1200  }
0x2c: {  	[sflag:s14] =	ssyncset.done $0x0  }
0x2d: {  	s20 =	simm.s32 $0x0;
	[sflag:s14] =	ssyncadd.s32 $0xFFFFEE00  }
0x2e: {  	v0 =	vld [tilespmem:s20+$0x800]  }
0x2f: {  	v1 =	vld [tilespmem:s20+$0x810]  }
0x30: {  	v2 =	vld [tilespmem:s20+$0x7C0]  }
0x31: {  	v3 =	vld [tilespmem:s20+$0x7D0]  }
0x32: {  	v4 =	vld [tilespmem:s20+$0x780]  }
0x33: {  	v5 =	vld [tilespmem:s20+$0x790]  }
0x34: {  	v6 =	vld [tilespmem:s20+$0x740]  }
0x35: {  	v7 =	vld [tilespmem:s20+$0x750]  }
0x36: {  	v9 =	vld [tilespmem:s20+$0x700]  }
0x37: {  	v8 =	vld [tilespmem:s20+$0x710]  }
0x38: {  	v11 =	vld [tilespmem:s20+$0x6C0]  }
0x39: {  	v10 =	vld [tilespmem:s20+$0x6D0]  }
0x3a: {  	v17 =	vld [tilespmem:s20+$0x680]  }
0x3b: {  	v16 =	vld [tilespmem:s20+$0x690]  }
0x3c: {  	v19 =	vld [tilespmem:s20+$0x640]  }
0x3d: {  	v12 =	vimm.f32 $0.0e+00;
	v20 =	vld [tilespmem:s20+$0x650]  }
0x3e: {  	s21 =	simm.s32 $0x800;
	v15 =	vimm.f32 $0.0e+00;
	v14 =	vimm.f32 $0.0e+00;
	v13 =	vimm.f32 $0.0e+00;
	v18 =	vld [tilespmem:s20+$0x660]  }
.LBB2_5:
0x3f: {  	p0 =	sne.s32 s21, $0xC000;
	v21 =	vld [tilespmem:s20+$0x670]  }
0x40: {  	v22 =	vld [tilespmem:s20+$0x6A0]  }
0x41: {  	v23 =	vld [tilespmem:s20+$0x6B0]  }
0x42: {  	v24 =	vld [tilespmem:s20+$0x6E0]  }
0x43: {  	v12 =	vadd.f32 v19, v12;
	v15 =	vadd.f32 v20, v15;
	v19 =	vld [tilespmem:s20+$0x6F0]  }
0x44: {  	v14 =	vadd.f32 v18, v14;
	v13 =	vadd.f32 v21, v13;
	v18 =	vld [tilespmem:s20+$0x720]  }
0x45: {  	v12 =	vadd.f32 v17, v12;
	v15 =	vadd.f32 v16, v15;
	v16 =	vld [tilespmem:s20+$0x730]  }
0x46: {  	v14 =	vadd.f32 v22, v14;
	v13 =	vadd.f32 v23, v13;
	v17 =	vld [tilespmem:s20+$0x760]  }
0x47: {  	v11 =	vadd.f32 v11, v12;
	v10 =	vadd.f32 v10, v15;
	v12 =	vld [tilespmem:s20+$0x770]  }
0x48: {  	v14 =	vadd.f32 v24, v14;
	v13 =	vadd.f32 v19, v13;
	v15 =	vld [tilespmem:s20+$0x7A0]  }
0x49: {  	v9 =	vadd.f32 v9, v11;
	v8 =	vadd.f32 v8, v10;
	v10 =	vld [tilespmem:s20+$0x7B0]  }
0x4a: {  	v11 =	vadd.f32 v18, v14;
	v13 =	vadd.f32 v16, v13;
	v14 =	vld [tilespmem:s20+$0x7E0]  }
0x4b: {  	v6 =	vadd.f32 v6, v9;
	v7 =	vadd.f32 v7, v8;
	v8 =	vld [tilespmem:s20+$0x7F0]  }
0x4c: {  	v9 =	vadd.f32 v17, v11;
	v11 =	vadd.f32 v12, v13;
	v13 =	vld [tilespmem:s20+$0x820]  }
0x4d: {  	v4 =	vadd.f32 v4, v6;
	v5 =	vadd.f32 v5, v7;
	v6 =	vld [tilespmem:s20+$0x830];
	s20 =	sshra.s32 s21, $0x2  }
0x4e: {  	v9 =	vadd.f32 v15, v9;
	v7 =	vld [tilespmem:s20+$0x800];
	v10 =	vadd.f32 v10, v11  }
0x4f: {  	v4 =	vadd.f32 v2, v4;
	v5 =	vadd.f32 v3, v5;
	v11 =	vld [tilespmem:s20+$0x810]  }
0x50: {  	v9 =	vadd.f32 v14, v9;
	v2 =	vld [tilespmem:s20+$0x7C0];
	v8 =	vadd.f32 v8, v10  }
0x51: {  	v12 =	vadd.f32 v0, v4;
	v15 =	vadd.f32 v1, v5;
	v3 =	vld [tilespmem:s20+$0x7D0]  }
0x52: {  	v14 =	vadd.f32 v13, v9;
	v4 =	vld [tilespmem:s20+$0x780];
	v13 =	vadd.f32 v6, v8  }
0x53: {  	v5 =	vld [tilespmem:s20+$0x790];
	v0 =	vmov v7  }
0x54: {  	v6 =	vld [tilespmem:s20+$0x740];
	v1 =	vmov v11  }
0x55: {  	v7 =	vld [tilespmem:s20+$0x750]  }
0x56: {  	v9 =	vld [tilespmem:s20+$0x700]  }
0x57: {  	v8 =	vld [tilespmem:s20+$0x710]  }
0x58: {  	v11 =	vld [tilespmem:s20+$0x6C0]  }
0x59: {  	v10 =	vld [tilespmem:s20+$0x6D0]  }
.Ltmp1:
0x5a: {  	v17 =	vld [tilespmem:s20+$0x680];
	(pc) =	sbr.rel @p0 .LBB2_5-.Ltmp1, $4  }
0x5b: {  	v16 =	vld [tilespmem:s20+$0x690]  }
0x5c: {  	v19 =	vld [tilespmem:s20+$0x640]  }
0x5d: {  	v20 =	vld [tilespmem:s20+$0x650]  }
0x5e: {  	s21 =	sadd.s32 $0x800, s21;
	v18 =	vld [tilespmem:s20+$0x660]  }
0x5f: {  	v21 =	vld [tilespmem:s20+$0x670]  }
0x60: {  	v22 =	vld [tilespmem:s20+$0x6A0]  }
0x61: {  	v23 =	vld [tilespmem:s20+$0x6B0];
	v12 =	vadd.f32 v19, v12  }
0x62: {  	v19 =	vld [tilespmem:s20+$0x6E0];
	v15 =	vadd.f32 v20, v15  }
0x63: {  	v20 =	vld [tilespmem:s20+$0x6F0];
	v14 =	vadd.f32 v18, v14;
	v12 =	vadd.f32 v17, v12  }
0x64: {  	v17 =	vld [tilespmem:s20+$0x720];
	v13 =	vadd.f32 v21, v13;
	v15 =	vadd.f32 v16, v15  }
0x65: {  	v16 =	vld [tilespmem:s20+$0x730];
	v14 =	vadd.f32 v22, v14;
	v11 =	vadd.f32 v11, v12  }
0x66: {  	v12 =	vadd.f32 v23, v13;
	v13 =	vld [tilespmem:s20+$0x760];
	v10 =	vadd.f32 v10, v15  }
0x67: {  	v15 =	vld [tilespmem:s20+$0x770];
	v14 =	vadd.f32 v19, v14;
	v9 =	vadd.f32 v9, v11  }
0x68: {  	v11 =	vadd.f32 v20, v12;
	v12 =	vld [tilespmem:s20+$0x7A0];
	v8 =	vadd.f32 v8, v10  }
0x69: {  	v10 =	vld [tilespmem:s20+$0x7B0];
	v14 =	vadd.f32 v17, v14;
	v6 =	vadd.f32 v6, v9  }
0x6a: {  	v9 =	vadd.f32 v16, v11;
	v11 =	vld [tilespmem:s20+$0x7E0];
	v7 =	vadd.f32 v7, v8  }
0x6b: {  	v8 =	vld [tilespmem:s20+$0x7F0];
	v13 =	vadd.f32 v13, v14;
	v4 =	vadd.f32 v4, v6  }
0x6c: {  	v6 =	vadd.f32 v15, v9;
	v9 =	vld [tilespmem:s20+$0x820];
	v5 =	vadd.f32 v5, v7  }
0x6d: {  	v7 =	vld [tilespmem:s20+$0x830];
	v12 =	vadd.f32 v12, v13;
	v2 =	vadd.f32 v2, v4  }
0x6e: {  	v4 =	vadd.f32 v10, v6;
	v3 =	vadd.f32 v3, v5  }
0x6f: {  	s31 =	sshll.u32 s18, $0x7;
	v5 =	vadd.f32 v11, v12;
	v0 =	vadd.f32 v0, v2  }
0x70: {  	p0 =	seq.s32 s18, $0x3;
	s20 =	sand.u32 $0x3FFFFF80, s31;
	v2 =	vadd.f32 v8, v4;
	v1 =	vadd.f32 v1, v3  }
0x71: {  	s21 =	smul.u32 @!p0 $0x640, s18;
	v3 =	vadd.f32 v9, v5;
	[tilespmem:s20+$0x6A40] =	vst v0  }
0x72: {  	v0 =	vadd.f32 v7, v2;
	[tilespmem:s20+$0x6A50] =	vst v1  }
0x73: {  	s21 =	sshra.s32 @!p0 s21, $0x2;
	[tilespmem:s20+$0x6A60] =	vst v3  }
0x74: {  	s22 =	simm.s32 @!p0 $0x80;
	s23 =	simm.s32 @!p0 $0x640;
	[tilespmem:s20+$0x6A70] =	vst v0;
	s20 =	sadd.s32 @!p0 $0x190, s21  }
0x75: {  	[tilespmem:s23], [sflag:$0x1] =	stream.indirect.gather @!p0 [hbm4b:s3+s22], $0x40, s20, s22, $0xb8;
	[tilespmem:$0x6C40] =	vst v63  }
0x76: {  	s20 =	sadd.s32 @!p0 $0x210, s21;
	s21 =	simm.s32 @!p0 $0x48;
	s22 =	simm.s32 @!p0 $0x2640  }
0x77: {  	[tilespmem:s22], [sflag:$0x1] =	stream.indirect.gather @!p0 [hbm4b:s3+s21], $0x40, s20, s21, $0xb8;
	[tilespmem:$0x6C40] =	vst v63  }
0x78: {  	_ =	swait.ge [sflag:s15], $0x2000  }
0x79: {  	[sflag:s15] =	ssyncset.done $0x0  }
0x7a: {  	[sflag:s15] =	ssyncadd.s32 $0xFFFFE000  }
0x7b: {  	_ =	swait.ge [sflag:s15], $0x1200  }
0x7c: {  	[sflag:s15] =	ssyncset.done $0x0  }
0x7d: {  	s20 =	simm.s32 $0x0;
	[sflag:s15] =	ssyncadd.s32 $0xFFFFEE00  }
0x7e: {  	v0 =	vld [tilespmem:s20+$0x3A00]  }
0x7f: {  	v1 =	vld [tilespmem:s20+$0x3A10]  }
0x80: {  	v2 =	vld [tilespmem:s20+$0x39C0]  }
0x81: {  	v3 =	vld [tilespmem:s20+$0x39D0]  }
0x82: {  	v4 =	vld [tilespmem:s20+$0x3980]  }
0x83: {  	v5 =	vld [tilespmem:s20+$0x3990]  }
0x84: {  	v6 =	vld [tilespmem:s20+$0x3940]  }
0x85: {  	v7 =	vld [tilespmem:s20+$0x3950]  }
0x86: {  	v9 =	vld [tilespmem:s20+$0x3900]  }
0x87: {  	v8 =	vld [tilespmem:s20+$0x3910]  }
0x88: {  	v11 =	vld [tilespmem:s20+$0x38C0]  }
0x89: {  	v10 =	vld [tilespmem:s20+$0x38D0]  }
0x8a: {  	v17 =	vld [tilespmem:s20+$0x3880]  }
0x8b: {  	v16 =	vld [tilespmem:s20+$0x3890]  }
0x8c: {  	v19 =	vld [tilespmem:s20+$0x3840]  }
0x8d: {  	v14 =	vimm.f32 $0.0e+00;
	v20 =	vld [tilespmem:s20+$0x3850]  }
0x8e: {  	v15 =	vimm.f32 $0.0e+00;
	v13 =	vimm.f32 $0.0e+00;
	v12 =	vimm.f32 $0.0e+00;
	s21 =	simm.s32 $0x800;
	v18 =	vld [tilespmem:s20+$0x3860]  }
.LBB2_7:
0x8f: {  	p0 =	sne.s32 s21, $0xC000;
	v21 =	vld [tilespmem:s20+$0x3870]  }
0x90: {  	v22 =	vld [tilespmem:s20+$0x38A0]  }
0x91: {  	v23 =	vld [tilespmem:s20+$0x38B0]  }
0x92: {  	v24 =	vld [tilespmem:s20+$0x38E0]  }
0x93: {  	v12 =	vadd.f32 v19, v12;
	v15 =	vadd.f32 v20, v15;
	v19 =	vld [tilespmem:s20+$0x38F0]  }
0x94: {  	v14 =	vadd.f32 v18, v14;
	v13 =	vadd.f32 v21, v13;
	v18 =	vld [tilespmem:s20+$0x3920]  }
0x95: {  	v12 =	vadd.f32 v17, v12;
	v15 =	vadd.f32 v16, v15;
	v16 =	vld [tilespmem:s20+$0x3930]  }
0x96: {  	v14 =	vadd.f32 v22, v14;
	v13 =	vadd.f32 v23, v13;
	v17 =	vld [tilespmem:s20+$0x3960]  }
0x97: {  	v11 =	vadd.f32 v11, v12;
	v10 =	vadd.f32 v10, v15;
	v12 =	vld [tilespmem:s20+$0x3970]  }
0x98: {  	v14 =	vadd.f32 v24, v14;
	v13 =	vadd.f32 v19, v13;
	v15 =	vld [tilespmem:s20+$0x39A0]  }
0x99: {  	v9 =	vadd.f32 v9, v11;
	v8 =	vadd.f32 v8, v10;
	v10 =	vld [tilespmem:s20+$0x39B0]  }
0x9a: {  	v11 =	vadd.f32 v18, v14;
	v13 =	vadd.f32 v16, v13;
	v14 =	vld [tilespmem:s20+$0x39E0]  }
0x9b: {  	v6 =	vadd.f32 v6, v9;
	v7 =	vadd.f32 v7, v8;
	v8 =	vld [tilespmem:s20+$0x39F0]  }
0x9c: {  	v9 =	vadd.f32 v17, v11;
	v11 =	vadd.f32 v12, v13;
	v13 =	vld [tilespmem:s20+$0x3A20]  }
0x9d: {  	v4 =	vadd.f32 v4, v6;
	v5 =	vadd.f32 v5, v7;
	v6 =	vld [tilespmem:s20+$0x3A30];
	s20 =	sshra.s32 s21, $0x2  }
0x9e: {  	v9 =	vadd.f32 v15, v9;
	v7 =	vld [tilespmem:s20+$0x3A00];
	v10 =	vadd.f32 v10, v11  }
0x9f: {  	v4 =	vadd.f32 v2, v4;
	v5 =	vadd.f32 v3, v5;
	v11 =	vld [tilespmem:s20+$0x3A10]  }
0xa0: {  	v9 =	vadd.f32 v14, v9;
	v2 =	vld [tilespmem:s20+$0x39C0];
	v8 =	vadd.f32 v8, v10  }
0xa1: {  	v12 =	vadd.f32 v0, v4;
	v15 =	vadd.f32 v1, v5;
	v3 =	vld [tilespmem:s20+$0x39D0]  }
0xa2: {  	v14 =	vadd.f32 v13, v9;
	v4 =	vld [tilespmem:s20+$0x3980];
	v13 =	vadd.f32 v6, v8  }
0xa3: {  	v5 =	vld [tilespmem:s20+$0x3990];
	v0 =	vmov v7  }
0xa4: {  	v6 =	vld [tilespmem:s20+$0x3940];
	v1 =	vmov v11  }
0xa5: {  	v7 =	vld [tilespmem:s20+$0x3950]  }
0xa6: {  	v9 =	vld [tilespmem:s20+$0x3900]  }
0xa7: {  	v8 =	vld [tilespmem:s20+$0x3910]  }
0xa8: {  	v11 =	vld [tilespmem:s20+$0x38C0]  }
0xa9: {  	v10 =	vld [tilespmem:s20+$0x38D0]  }
.Ltmp2:
0xaa: {  	v17 =	vld [tilespmem:s20+$0x3880];
	(pc) =	sbr.rel @p0 .LBB2_7-.Ltmp2, $4  }
0xab: {  	v16 =	vld [tilespmem:s20+$0x3890]  }
0xac: {  	v19 =	vld [tilespmem:s20+$0x3840]  }
0xad: {  	v20 =	vld [tilespmem:s20+$0x3850]  }
0xae: {  	s21 =	sadd.s32 $0x800, s21;
	v18 =	vld [tilespmem:s20+$0x3860]  }
0xaf: {  	v21 =	vld [tilespmem:s20+$0x3870]  }
0xb0: {  	v22 =	vld [tilespmem:s20+$0x38A0]  }
0xb1: {  	v23 =	vld [tilespmem:s20+$0x38B0];
	v12 =	vadd.f32 v19, v12  }
0xb2: {  	v43 =	vld [tilespmem:s20+$0x38E0];
	v15 =	vadd.f32 v20, v15  }
0xb3: {  	v44 =	vld [tilespmem:s20+$0x38F0];
	v14 =	vadd.f32 v18, v14;
	v12 =	vadd.f32 v17, v12  }
0xb4: {  	v45 =	vld [tilespmem:s20+$0x3920];
	v13 =	vadd.f32 v21, v13;
	v15 =	vadd.f32 v16, v15  }
0xb5: {  	v46 =	vld [tilespmem:s20+$0x3930];
	v14 =	vadd.f32 v22, v14;
	v11 =	vadd.f32 v11, v12  }
0xb6: {  	v48 =	vld [tilespmem:s20+$0x3960];
	v47 =	vadd.f32 v23, v13;
	v10 =	vadd.f32 v10, v15  }
0xb7: {  	v49 =	vld [tilespmem:s20+$0x3970];
	v14 =	vadd.f32 v43, v14;
	v9 =	vadd.f32 v9, v11  }
0xb8: {  	v51 =	vld [tilespmem:s20+$0x39A0];
	v50 =	vadd.f32 v44, v47;
	v8 =	vadd.f32 v8, v10  }
0xb9: {  	v52 =	vld [tilespmem:s20+$0x39B0];
	v14 =	vadd.f32 v45, v14;
	v6 =	vadd.f32 v6, v9  }
0xba: {  	v54 =	vld [tilespmem:s20+$0x39E0];
	v53 =	vadd.f32 v46, v50;
	v7 =	vadd.f32 v7, v8  }
0xbb: {  	v55 =	vld [tilespmem:s20+$0x39F0];
	v13 =	vadd.f32 v48, v14;
	v4 =	vadd.f32 v4, v6  }
0xbc: {  	v57 =	vld [tilespmem:s20+$0x3A20];
	v56 =	vadd.f32 v49, v53;
	v5 =	vadd.f32 v5, v7  }
0xbd: {  	v58 =	vld [tilespmem:s20+$0x3A30];
	v12 =	vadd.f32 v51, v13;
	v2 =	vadd.f32 v2, v4  }
0xbe: {  	s18 =	sadd.s32 $0x1, s18;
	v59 =	vadd.f32 v52, v56;
	v3 =	vadd.f32 v3, v5  }
0xbf: {  	s19 =	sshll.u32 s19, $0x6;
	p0 =	sne.s32 s18, $0x4;
	v60 =	vadd.f32 v54, v12;
	v0 =	vadd.f32 v0, v2  }
.Ltmp3:
0xc0: {  	s19 =	sand.u32 $0x3FFFFFC0, s19;
	v61 =	vadd.f32 v55, v59;
	v1 =	vadd.f32 v1, v3;
	(pc) =	sbr.rel @p0 .LBB2_4-.Ltmp3, $4  }
0xc1: {  	v62 =	vadd.f32 v57, v60;
	[tilespmem:s19+$0x6A40] =	vst v0  }
0xc2: {  	v63 =	vadd.f32 v58, v61;
	[tilespmem:s19+$0x6A50] =	vst v1  }
0xc3: {  	[tilespmem:s19+$0x6A60] =	vst v62  }
0xc4: {  	[tilespmem:s19+$0x6A70] =	vst v63  }
0xc5: {  	s17 =	sadd.s32 $0x1, s17  }
0xc6: {  	p0 =	sne.s32 s17, s6  }
.Ltmp4:
0xc7: {  	_ = 	snop;
	(pc) =	sbr.rel @p0 .LBB2_1-.Ltmp4, $4  }
0xc8: {  	[hbm4b:s5+s2] =	stream.linear.scatter [tilespmem:s16], [sflag:$0x3], $0x200, $0x38;
	[tilespmem:$0x6C40] =	vst v63  }
0xc9: {  	_ =	swait.ge [sflag:s7], $0x200  }
0xca: {  	[sflag:s7] =	ssyncset.done $0x0  }
0xcb: {  	[sflag:s7] =	ssyncadd.s32 $0xFFFFFE00  }
0xcc: {  	_ =	sfence.sel $0x180000  }
0xcd: {  	[bflag:$0x0] =	sbarrier.arrive $0xFFFF  }
0xce: {  	p0 =	sne.s32 s0, $0x0;
	_ =	strace $0x9000004A  }
0xcf: {  	s0 =	sadd.s32 @!p0 $0x100000, s1;
	[bflag:$0x2] =	sbarrier.arrive $0xFFFF  }
0xd0: {  	[sflag:s0] =	ssyncadd.tile.s32 @!p0 $0x1;
	_ =	shalt  }
.Lfunc_end2:
_tile_overlayer_lowered:
.L_overlay_start_2:
0xd1: {  	(tag) =	ssettag $0x2  }
0xd2: {  	s0 =	rddreg [dreg:$0x0];
	s2 =	stileid.u32  }
0xd3: {  	s1 =	rddreg [dreg:$0x1];
	p0 =	sne.s32 s2, $0x0  }
0xd4: {  	s3 =	rddreg [dreg:$0x2];
	[bflag:$0x3] =	sbarrier.arrive $0xFFFF;
	s2 =	simm.s32 @!p0 $0x1C03  }
0xd5: {  	[timem:s3], [sflag:s2] =	dma.local @!p0 [hbm:s0], s1  }
0xd6: {  	s0 =	simm.s32 @!p0 $0x3  }
0xd7: {  	_ =	swait.ge @!p0 [sflag:s0], s1  }
0xd8: {  	s1 =	ssub.s32 @!p0 $0x0, s1;
	[sflag:s0] =	ssyncset.done @!p0 $0x0  }
0xd9: {  	[sflag:s0] =	ssyncadd.s32 @!p0 s1  }
0xda: {  	[bflag:$0x3] =	sbarrier.arrive $0xFFFF  }
0xdb: {  	_ =	shalt  }

// kernel: kernel.19.cloned.1.call-start
scs
__scs_entry_jumppad:
0x0: {  	(pc) =	sbr.rel $0x88, $3  }
0x1: {  	(tag) =	ssettag $0x0;
	lr =	simm.s32 $0x1  }
0x2: {  	[smem:$0x3F9D] =	sst lr;
	_ =	strace $0xD0000000  }
0x3: {  	_ = 	snop  }
0x4: {  	_ = 	snop  }
0x5: {  	_ = 	snop  }
0x6: {  	_ = 	snop  }
0x7: {  	_ = 	snop  }
__scs_overlays_trampoline_lowered:
0x8: {  	[smem:$0x3FAC] =	sst s0  }
0x9: {  	[smem:$0x3FAD] =	sst s1  }
0xa: {  	[smem:$0x3FAE] =	sst s2  }
0xb: {  	[smem:$0x3FAF] =	sst s3  }
0xc: {  	[smem:$0x3FB0] =	sst s4  }
0xd: {  	[smem:$0x3FB1] =	sst s5  }
0xe: {  	[smem:$0x3FB2] =	sst s6  }
0xf: {  	[smem:$0x3FB3] =	sst s7  }
0x10: {  	[smem:$0x3FB4] =	sst s8  }
0x11: {  	[smem:$0x3FB5] =	sst s9;
	s0 =	simm.s32 @!p0 $0x0  }
0x12: {  	s1 =	sld [smem:$0x3F9B];
	s0 =	simm.s32 @p0 $0x1  }
0x13: {  	[smem:$0x3FB6] =	sst s0;
	s0 =	simm.s32 @!p1 $0x0  }
0x14: {  	s2 =	sld [smem:$0x3F9A];
	s0 =	simm.s32 @p1 $0x1  }
0x15: {  	[smem:$0x3FB7] =	sst s0;
	s0 =	simm.s32 @!p2 $0x0  }
0x16: {  	s3 =	sld [smem:$0x3FDB];
	s0 =	simm.s32 @p2 $0x1  }
0x17: {  	s4 =	simm.s32 $0x1BF5;
	[smem:$0x3FB9] =	sst s0  }
0x18: {  	s0 =	sld [smem:$0x3F9C];
	_ =	swait.ge [sflag:s4], $0x0  }
0x19: {  	s7 =	sld [smem:$0x3F9D]  }
0x1a: {  	s8 =	sadd.s32 $0xFFFFE003, lr  }
0x1b: {  	s9 =	sadd.s32 $0xFFFFFEF7, lr;
	s5 =	simm.s32 $0xFFFFFFFF;
	p2 =	slt.u32 s8, $0xFFFFF086  }
0x1c: {  	p1 =	slt.u32 s9, $0xF7A;
	s5 =	simm.s32 @!p2 $0x0  }
0x1d: {  	s5 =	simm.s32 @p1 $0x1;
	p0 =	seq.s32 s7, s2  }
0x1e: {  	s7 =	smul.u32 @!p0 $0xF7A, s2;
	p2 =	seq.s32 @!p0 s5, $0x0  }
0x1f: {  	s9 =	smul.u32 $0xF7A, s1;
	s8 =	simm.s32 @!p0 $0x1BF5;
	p2 =	por !p2, p0  }
0x20: {  	[sflag:s8] =	ssyncset.s32 @!p0 $0xFFFFF086;
	s6 =	sadd.s32 @!p0 s3, s7;
	s7 =	simm.s32 @!p0 $0x108  }
0x21: {  	s3 =	sadd.s32 s3, s9;
	s6 =	sadd.s32 @!p0 $0x88, s6;
	s7 =	simm.s32 @p2 $0x1082  }
0x22: {  	[simem:s7], [sflag:s8] =	dma.local @!p0 [hbm:s6], $0xF7A  }
0x23: {  	s9 =	sor.u32 $0xD0000000, s2;
	s6 =	simm.s32 $0x108;
	_ =	swait.ge @!p0 [sflag:s8], $0x0  }
0x24: {  	s3 =	sadd.s32 $0x88, s3;
	s6 =	simm.s32 @!p1 $0x1082;
	[sflag:s4] =	ssyncset.s32 $0xFFFFF086  }
0x25: {  	[simem:s6], [sflag:s4] =	dma.local [hbm:s3], $0xF7A  }
0x26: {  	[smem:$0x3F9D] =	sst s1;
	(tag) =	ssettag s2;
	_ =	strace s9  }
0x27: {  	s1 =	sld [smem:$0x3FAD]  }
0x28: {  	s2 =	sld [smem:$0x3FAE]  }
0x29: {  	s4 =	sld [smem:$0x3FB0]  }
0x2a: {  	p0 =	seq.s32 s5, $0x0;
	s5 =	sld [smem:$0x3FB1]  }
0x2b: {  	s6 =	sld [smem:$0x3FB2]  }
0x2c: {  	s7 =	sld [smem:$0x3FB3]  }
0x2d: {  	s3 =	simm.s32 $0x108;
	s8 =	sld [smem:$0x3FB4]  }
0x2e: {  	s3 =	simm.s32 @!p0 $0x1082;
	s9 =	sld [smem:$0x3FB5]  }
0x2f: {  	lr =	sadd.s32 s0, s3;
	s0 =	sld [smem:$0x3FAC]  }
0x30: {  	s3 =	sld [smem:$0x3FAF]  }
0x31: {  	[smem:$0x3FB8] =	sst s10  }
0x32: {  	s10 =	sld [smem:$0x3FB6];
	_ =	sdelay $0x3  }
0x33: {  	p0 =	seq.s32 s10, $0x1;
	s10 =	sld [smem:$0x3FB8];
	_ =	sdelay $0x3  }
0x34: {  	[smem:$0x3FB8] =	sst s10  }
0x35: {  	s10 =	sld [smem:$0x3FB7];
	_ =	sdelay $0x3  }
0x36: {  	p1 =	seq.s32 s10, $0x1;
	s10 =	sld [smem:$0x3FB8];
	_ =	sdelay $0x3  }
0x37: {  	[smem:$0x3FB8] =	sst s10  }
0x38: {  	s10 =	sld [smem:$0x3FB9]  }
0x39: {  	_ = 	snop;
	(pc) =	sbr.ind lr, $3  }
0x3a: {  	_ = 	snop  }
0x3b: {  	_ = 	snop  }
0x3c: {  	p2 =	seq.s32 s10, $0x1;
	s10 =	sld [smem:$0x3FB8]  }
0x3d: {  	_ =	shalt  }
0x3e: {  	_ =	shalt  }
0x3f: {  	_ =	shalt  }
0x40: {  	_ =	shalt  }
0x41: {  	_ =	shalt  }
0x42: {  	_ =	shalt  }
0x43: {  	_ =	shalt  }
0x44: {  	_ =	shalt  }
0x45: {  	_ =	shalt  }
0x46: {  	_ =	shalt  }
0x47: {  	_ =	shalt  }
0x48: {  	_ =	shalt  }
0x49: {  	_ =	shalt  }
0x4a: {  	_ =	shalt  }
0x4b: {  	_ =	shalt  }
0x4c: {  	_ =	shalt  }
0x4d: {  	_ =	shalt  }
0x4e: {  	_ =	shalt  }
0x4f: {  	_ =	shalt  }
0x50: {  	_ =	shalt  }
0x51: {  	_ =	shalt  }
0x52: {  	_ =	shalt  }
0x53: {  	_ =	shalt  }
0x54: {  	_ =	shalt  }
0x55: {  	_ =	shalt  }
0x56: {  	_ =	shalt  }
0x57: {  	_ =	shalt  }
0x58: {  	_ =	shalt  }
0x59: {  	_ =	shalt  }
0x5a: {  	_ =	shalt  }
0x5b: {  	_ =	shalt  }
0x5c: {  	_ =	shalt  }
0x5d: {  	_ =	shalt  }
0x5e: {  	_ =	shalt  }
0x5f: {  	_ =	shalt  }
0x60: {  	_ =	shalt  }
0x61: {  	_ =	shalt  }
0x62: {  	_ =	shalt  }
0x63: {  	_ =	shalt  }
0x64: {  	_ =	shalt  }
0x65: {  	_ =	shalt  }
0x66: {  	_ =	shalt  }
0x67: {  	_ =	shalt  }
0x68: {  	_ =	shalt  }
0x69: {  	_ =	shalt  }
0x6a: {  	_ =	shalt  }
0x6b: {  	_ =	shalt  }
0x6c: {  	_ =	shalt  }
0x6d: {  	_ =	shalt  }
0x6e: {  	_ =	shalt  }
0x6f: {  	_ =	shalt  }
0x70: {  	_ =	shalt  }
0x71: {  	_ =	shalt  }
0x72: {  	_ =	shalt  }
0x73: {  	_ =	shalt  }
0x74: {  	_ =	shalt  }
0x75: {  	_ =	shalt  }
0x76: {  	_ =	shalt  }
0x77: {  	_ =	shalt  }
0x78: {  	_ =	shalt  }
0x79: {  	_ =	shalt  }
0x7a: {  	_ =	shalt  }
0x7b: {  	_ =	shalt  }
0x7c: {  	_ =	shalt  }
0x7d: {  	_ =	shalt  }
0x7e: {  	_ =	shalt  }
0x7f: {  	_ =	shalt  }
0x80: {  	_ =	shalt  }
0x81: {  	_ =	shalt  }
0x82: {  	_ =	shalt  }
0x83: {  	_ =	shalt  }
0x84: {  	_ =	shalt  }
0x85: {  	_ =	shalt  }
0x86: {  	_ =	shalt  }
0x87: {  	_ =	shalt  }
.Lfunc_end0:
.L_simem_size_0:
called_computation.3_lowered:
.L_overlay_start_0:
0x88: {  	s2 =	sld [smem:$0x3FD9]  }
0x89: {  	s3 =	sld [smem:$0x3FFE];
	_ =	sdelay $0x1  }
0x8a: {  	s1 =	srdreg.scid  }
0x8b: {  	s0 =	sand.u32 $0x1, s1  }
0x8c: {  	s16 =	sshll.u32 s0, $0xA;
	s2 =	sadd.s32 s3, s2  }
0x8d: {  	s2 =	sadd.s32 s2, s16  }
0x8e: {  	[smem:$0x3FC4] =	sst s2  }
0x8f: {  	_ = 	snop  }
0x90: {  	(tm) =	ssettm $0x1  }
0x91: {  	s17 =	sld [smem:$0x3FFB];
	_ =	sdelay $0x3  }
0x92: {  	_ =	strace s17  }
0x93: {  	s2 =	sld [smem:$0x3FFC];
	_ =	sdelay $0x3  }
0x94: {  	_ =	strace s2  }
0x95: {  	s2 =	sld [smem:$0x3FFD];
	_ =	sdelay $0x3  }
0x96: {  	_ =	strace s2  }
0x97: {  	_ =	strace $0x8FFFFFFF  }
0x98: {  	s18 =	sld [smem:$0x3FDB];
	_ =	sdelay $0x1  }
0x99: {  	s19 =	simm.s32 $_scs_section_size  }
0x9a: {  	s4 =	simm.s32 $_size__tile_overlayer_lowered;
	s5 =	simm.s32 $_tile_overlayer_lowered  }
0x9b: {  	s22 =	simm.s32 $0x1BFF;
	s21 =	sshll.u32 s5, $0x1;
	s2 =	sadd.s32 s19, s18  }
0x9c: {  	s6 =	simm.s32 $0x0;
	s20 =	sshll.u32 s4, $0x1;
	s4 =	sadd.s32 s21, s2  }
0x9d: {  	[timem:s6], [sflag:s22] =	dma.local [hbm:s4], s20  }
0x9e: {  	_ =	swait.ge [sflag:s22], s20  }
0x9f: {  	s3 =	ssub.s32 $0x0, s20;
	[sflag:s22] =	ssyncset.done $0x0  }
0xa0: {  	[sflag:s22] =	ssyncadd.s32 s3;
	_ =	sdelay $0x1  }
0xa1: {  	s23 =	simm.s32 $0x1B8B  }
0xa2: {  	_ =	swait.ge [sflag:s23], $0x1  }
0xa3: {  	[sflag:s23] =	ssyncset.done $0x0  }
0xa4: {  	s25 =	simm.s32 $0x1B8E;
	s24 =	sld [smem:$0x3FFE];
	[sflag:s23] =	ssyncadd.s32 $0xFFFFFFFF  }
0xa5: {  	s26 =	simm.s32 $execute0_lowered;
	[smem:$0x3FD2] =	sst s25  }
0xa6: {  	s4 =	sshll.u32 s26, $0x1;
	_ =	strace $0x80000046;
	[dreg:$0x1] =	wrdreg $0xFFFFFFFF  }
0xa7: {  	s28 =	simm.s32 $_size_execute0_lowered;
	s2 =	sadd.s32 s2, s4;
	[dreg:$0x0] =	wrdreg $0x0  }
0xa8: {  	s4 =	sshll.u32 s28, $0x1;
	[dreg:$0x2] =	wrdreg s2  }
0xa9: {  	[dreg:$0x3] =	wrdreg s4  }
0xaa: {  	[dreg:$0x4] =	wrdreg $0xC0  }
0xab: {  	_ =	task [dreg:s6], $0x5FFFF  }
0xac: {  	[dreg:$0x1] =	wrdreg $0xFFFFFFFF  }
0xad: {  	[dreg:$0x0] =	wrdreg $0x60  }
0xae: {  	[dreg:$0x2] =	wrdreg s24  }
0xaf: {  	[dreg:$0x3] =	wrdreg $0xC  }
0xb0: {  	_ =	task.clear_ibuf [dreg:s6], $0x4FFFF;
	_ =	strace $0x90000046  }
0xb1: {  	s29 =	simm.s32 $0xC;
	_ =	strace $0x80000048  }
0xb2: {  	_ =	swait.ge [sflag:s29], $0x1  }
0xb3: {  	[sflag:s29] =	ssyncadd.s32 $0xFFFFFFFF  }
0xb4: {  	_ =	strace $0x90000048  }
0xb5: {  	_ =	sfence  }
0xb6: {  	s30 =	sld [smem:$0x0];
	_ =	sdelay $0x2  }
0xb7: {  	s31 =	sshll.u32 s1, $0xD;
	s1 =	sshrl.u32 s1, $0x2  }
0xb8: {  	s3 =	sand.u32 $0x4000, s31;
	s1 =	sadd.s32 s1, s30  }
0xb9: {  	s0 =	sor.u32 s3, s0;
	s1 =	sshll.u32 s1, $0x11  }
0xba: {  	s0 =	sor.u32 s1, s0  }
0xbb: {  	s0 =	sadd.s32 $0x8F2B, s0  }
0xbc: {  	[sflag:s0] =	ssyncadd.remote.s32 $0x1  }
0xbd: {  	_ =	sfence.sel $0xFFFF  }
0xbe: {  	[dreg:$0x0] =	wrdreg $0xFFFFFFFF;
	(pc) =	sbr.abs _section_cstart, $3  }
0xbf: {  	[dreg:$0x1] =	wrdreg $0xFFFFFFFF  }
0xc0: {  	_ =	task.clear_ibuf [dreg:s6], $0x2FFFF;
	_ =	strace $0x9FFFFFFF  }
0xc1: {  	(tm) =	ssettm $0x7FFFFFFF  }
tec
execute0_lowered:
.L_overlay_start_1:
0x0: {  	(tag) =	ssettag $0x1  }
0x1: {  	s1 =	srdreg.scid;
	s0 =	stileid.u32  }
0x2: {  	s4 =	rddreg [dreg:$0x0];
	s2 =	simm.s32 $0x0;
	s8 =	simm.s32 $0x80  }
0x3: {  	s9 =	simm.s32 $0x640;
	s10 =	simm.s32 $0x48;
	s11 =	simm.s32 $0x2640  }
0x4: {  	s12 =	simm.s32 $0x3840;
	s13 =	simm.s32 $0x5840;
	s14 =	simm.s32 $0x1  }
0x5: {  	s15 =	simm.s32 $0x2;
	s16 =	simm.s32 $0x6A40;
	s17 =	simm.s32 $0x0  }
0x6: {  	s3 =	sand.u32 $0x1, s1;
	s5 =	sshll.u32 s0, $0x1;
	[smem:$0x7FF] =	sst s2  }
0x7: {  	s1 =	rddreg [dreg:$0x1];
	s5 =	sor.u32 s3, s5;
	_ =	strace $0x80000047  }
0x8: {  	s7 =	ssub.s32 $0x2, s3;
	s6 =	smul.u32 $0xC8, s5;
	s5 =	sshll.u32 s5, $0x6  }
0x9: {  	s3 =	sadd.s32 $0x4E00, s4;
	s31 =	sshrl.u32 s7, $0x1;
	s5 =	sadd.s32 s5, s4  }
0xa: {  	s7 =	ssub.s32 s7, s31;
	s6 =	sadd.s32 s6, s4;
	s5 =	sadd.s32 $0xC8400, s5  }
0xb: {  	s4 =	sadd.s32 $0x3400, s6;
	s6 =	smax.u32 s7, $0x1;
	s7 =	simm.s32 $0x3  }
.LBB2_1:
0xc: {  	[tilespmem:s2], [sflag:$0x3] =	stream.linear.gather [hbm4b:s4+s2], $0x640, $0x38;
	[tilespmem:$0x6C40] =	vst v63  }
0xd: {  	_ =	swait.ge [sflag:s7], $0x640  }
0xe: {  	[sflag:s7] =	ssyncset.done $0x0  }
0xf: {  	s18 =	simm.s32 $0x0;
	[sflag:s7] =	ssyncadd.s32 $0xFFFFF9C0  }
0x10: {  	v2 =	vld [tilespmem:s18+$0x0]  }
0x11: {  	v1 =	vld [tilespmem:s18+$0x10]  }
0x12: {  	s19 =	simm.s32 $0x100;
	v0 =	vld [tilespmem:s18+$0x20]  }
.LBB2_2:
0x13: {  	p0 =	sne.s32 s19, $0x1800;
	v3 =	vld [tilespmem:s18+$0x30];
	_ =	sdelay $0x1  }
.Ltmp0:
0x14: {  	v2 =	vadd.s32 $0x1, v2;
	(pc) =	sbr.rel @p0 .LBB2_2-.Ltmp0, $4  }
0x15: {  	s20 =	sshra.s32 s19, $0x2;
	[tilespmem:s18+$0x0] =	vst v2;
	v1 =	vadd.s32 $0x1, v1  }
0x16: {  	v2 =	vld [tilespmem:s20+$0x0];
	[tilespmem:s18+$0x10] =	vst v1;
	v0 =	vadd.s32 $0x1, v0  }
0x17: {  	v1 =	vld [tilespmem:s20+$0x10];
	[tilespmem:s18+$0x20] =	vst v0;
	v3 =	vadd.s32 $0x1, v3  }
0x18: {  	s19 =	sadd.s32 $0x100, s19;
	v0 =	vld [tilespmem:s20+$0x20];
	[tilespmem:s18+$0x30] =	vst v3;
	s18 =	smov.u32 s20  }
0x19: {  	v3 =	vld [tilespmem:s18+$0x30];
	_ =	sdelay $0x1  }
0x1a: {  	v2 =	vadd.s32 $0x1, v2  }
0x1b: {  	[tilespmem:s18+$0x0] =	vst v2;
	v1 =	vadd.s32 $0x1, v1  }
0x1c: {  	[tilespmem:s18+$0x10] =	vst v1;
	v0 =	vadd.s32 $0x1, v0  }
0x1d: {  	[tilespmem:s18+$0x20] =	vst v0;
	v63 =	vadd.s32 $0x1, v3  }
0x1e: {  	[tilespmem:s18+$0x30] =	vst v63;
	s18 =	simm.s32 $0x0  }
0x1f: {  	[tilespmem:s9], [sflag:$0x1] =	stream.indirect.gather [hbm4b:s3+s8], $0x40, s18, s8, $0xb8;
	[tilespmem:$0x6C40] =	vst v63  }
0x20: {  	_ = 	snop  }
0x21: {  	[tilespmem:s11], [sflag:$0x1] =	stream.indirect.gather [hbm4b:s3+s10], $0x40, s8, s10, $0xb8;
	[tilespmem:$0x6C40] =	vst v63  }
.LBB2_4:
0x22: {  	s19 =	sshllo.u32 s18, $0x1  }
0x23: {  	s20 =	smul.u32 $0x320, s19;
	_ =	sdelay $0x1  }
0x24: {  	s20 =	sshra.s32 s20, $0x2  }
0x25: {  	[tilespmem:s12], [sflag:$0x2] =	stream.indirect.gather [hbm4b:s3+s8], $0x40, s20, s8, $0xb8;
	[tilespmem:$0x6C40] =	vst v63  }
0x26: {  	s20 =	sadd.s32 $0x80, s20  }
0x27: {  	[tilespmem:s13], [sflag:$0x2] =	stream.indirect.gather [hbm4b:s3+s10], $0x40, s20, s10, $0xb8;
	[tilespmem:$0x6C40] =	vst v63  }
0x28: {  	_ =	swait.ge [sflag:s14], $0x2000  }
0x29: {  	[sflag:s14] =	ssyncset.done $0x0  }
0x2a: {  	[sflag:s14] =	ssyncadd.s32 $0xFFFFE000  }
0x2b: {  	_ =	swait.ge [sflag:s14], $0x1200  }
0x2c: {  	[sflag:s14] =	ssyncset.done $0x0  }
0x2d: {  	s20 =	simm.s32 $0x0;
	[sflag:s14] =	ssyncadd.s32 $0xFFFFEE00  }
0x2e: {  	v0 =	vld [tilespmem:s20+$0x800]  }
0x2f: {  	v1 =	vld [tilespmem:s20+$0x810]  }
0x30: {  	v2 =	vld [tilespmem:s20+$0x7C0]  }
0x31: {  	v3 =	vld [tilespmem:s20+$0x7D0]  }
0x32: {  	v4 =	vld [tilespmem:s20+$0x780]  }
0x33: {  	v5 =	vld [tilespmem:s20+$0x790]  }
0x34: {  	v6 =	vld [tilespmem:s20+$0x740]  }
0x35: {  	v7 =	vld [tilespmem:s20+$0x750]  }
0x36: {  	v9 =	vld [tilespmem:s20+$0x700]  }
0x37: {  	v8 =	vld [tilespmem:s20+$0x710]  }
0x38: {  	v11 =	vld [tilespmem:s20+$0x6C0]  }
0x39: {  	v10 =	vld [tilespmem:s20+$0x6D0]  }
0x3a: {  	v17 =	vld [tilespmem:s20+$0x680]  }
0x3b: {  	v16 =	vld [tilespmem:s20+$0x690]  }
0x3c: {  	v19 =	vld [tilespmem:s20+$0x640]  }
0x3d: {  	v12 =	vimm.f32 $0.0e+00;
	v20 =	vld [tilespmem:s20+$0x650]  }
0x3e: {  	s21 =	simm.s32 $0x800;
	v15 =	vimm.f32 $0.0e+00;
	v14 =	vimm.f32 $0.0e+00;
	v13 =	vimm.f32 $0.0e+00;
	v18 =	vld [tilespmem:s20+$0x660]  }
.LBB2_5:
0x3f: {  	p0 =	sne.s32 s21, $0xC000;
	v21 =	vld [tilespmem:s20+$0x670]  }
0x40: {  	v22 =	vld [tilespmem:s20+$0x6A0]  }
0x41: {  	v23 =	vld [tilespmem:s20+$0x6B0]  }
0x42: {  	v24 =	vld [tilespmem:s20+$0x6E0]  }
0x43: {  	v12 =	vadd.f32 v19, v12;
	v15 =	vadd.f32 v20, v15;
	v19 =	vld [tilespmem:s20+$0x6F0]  }
0x44: {  	v14 =	vadd.f32 v18, v14;
	v13 =	vadd.f32 v21, v13;
	v18 =	vld [tilespmem:s20+$0x720]  }
0x45: {  	v12 =	vadd.f32 v17, v12;
	v15 =	vadd.f32 v16, v15;
	v16 =	vld [tilespmem:s20+$0x730]  }
0x46: {  	v14 =	vadd.f32 v22, v14;
	v13 =	vadd.f32 v23, v13;
	v17 =	vld [tilespmem:s20+$0x760]  }
0x47: {  	v11 =	vadd.f32 v11, v12;
	v10 =	vadd.f32 v10, v15;
	v12 =	vld [tilespmem:s20+$0x770]  }
0x48: {  	v14 =	vadd.f32 v24, v14;
	v13 =	vadd.f32 v19, v13;
	v15 =	vld [tilespmem:s20+$0x7A0]  }
0x49: {  	v9 =	vadd.f32 v9, v11;
	v8 =	vadd.f32 v8, v10;
	v10 =	vld [tilespmem:s20+$0x7B0]  }
0x4a: {  	v11 =	vadd.f32 v18, v14;
	v13 =	vadd.f32 v16, v13;
	v14 =	vld [tilespmem:s20+$0x7E0]  }
0x4b: {  	v6 =	vadd.f32 v6, v9;
	v7 =	vadd.f32 v7, v8;
	v8 =	vld [tilespmem:s20+$0x7F0]  }
0x4c: {  	v9 =	vadd.f32 v17, v11;
	v11 =	vadd.f32 v12, v13;
	v13 =	vld [tilespmem:s20+$0x820]  }
0x4d: {  	v4 =	vadd.f32 v4, v6;
	v5 =	vadd.f32 v5, v7;
	v6 =	vld [tilespmem:s20+$0x830];
	s20 =	sshra.s32 s21, $0x2  }
0x4e: {  	v9 =	vadd.f32 v15, v9;
	v7 =	vld [tilespmem:s20+$0x800];
	v10 =	vadd.f32 v10, v11  }
0x4f: {  	v4 =	vadd.f32 v2, v4;
	v5 =	vadd.f32 v3, v5;
	v11 =	vld [tilespmem:s20+$0x810]  }
0x50: {  	v9 =	vadd.f32 v14, v9;
	v2 =	vld [tilespmem:s20+$0x7C0];
	v8 =	vadd.f32 v8, v10  }
0x51: {  	v12 =	vadd.f32 v0, v4;
	v15 =	vadd.f32 v1, v5;
	v3 =	vld [tilespmem:s20+$0x7D0]  }
0x52: {  	v14 =	vadd.f32 v13, v9;
	v4 =	vld [tilespmem:s20+$0x780];
	v13 =	vadd.f32 v6, v8  }
0x53: {  	v5 =	vld [tilespmem:s20+$0x790];
	v0 =	vmov v7  }
0x54: {  	v6 =	vld [tilespmem:s20+$0x740];
	v1 =	vmov v11  }
0x55: {  	v7 =	vld [tilespmem:s20+$0x750]  }
0x56: {  	v9 =	vld [tilespmem:s20+$0x700]  }
0x57: {  	v8 =	vld [tilespmem:s20+$0x710]  }
0x58: {  	v11 =	vld [tilespmem:s20+$0x6C0]  }
0x59: {  	v10 =	vld [tilespmem:s20+$0x6D0]  }
.Ltmp1:
0x5a: {  	v17 =	vld [tilespmem:s20+$0x680];
	(pc) =	sbr.rel @p0 .LBB2_5-.Ltmp1, $4  }
0x5b: {  	v16 =	vld [tilespmem:s20+$0x690]  }
0x5c: {  	v19 =	vld [tilespmem:s20+$0x640]  }
0x5d: {  	v20 =	vld [tilespmem:s20+$0x650]  }
0x5e: {  	s21 =	sadd.s32 $0x800, s21;
	v18 =	vld [tilespmem:s20+$0x660]  }
0x5f: {  	v21 =	vld [tilespmem:s20+$0x670]  }
0x60: {  	v22 =	vld [tilespmem:s20+$0x6A0]  }
0x61: {  	v23 =	vld [tilespmem:s20+$0x6B0];
	v12 =	vadd.f32 v19, v12  }
0x62: {  	v19 =	vld [tilespmem:s20+$0x6E0];
	v15 =	vadd.f32 v20, v15  }
0x63: {  	v20 =	vld [tilespmem:s20+$0x6F0];
	v14 =	vadd.f32 v18, v14;
	v12 =	vadd.f32 v17, v12  }
0x64: {  	v17 =	vld [tilespmem:s20+$0x720];
	v13 =	vadd.f32 v21, v13;
	v15 =	vadd.f32 v16, v15  }
0x65: {  	v16 =	vld [tilespmem:s20+$0x730];
	v14 =	vadd.f32 v22, v14;
	v11 =	vadd.f32 v11, v12  }
0x66: {  	v12 =	vadd.f32 v23, v13;
	v13 =	vld [tilespmem:s20+$0x760];
	v10 =	vadd.f32 v10, v15  }
0x67: {  	v15 =	vld [tilespmem:s20+$0x770];
	v14 =	vadd.f32 v19, v14;
	v9 =	vadd.f32 v9, v11  }
0x68: {  	v11 =	vadd.f32 v20, v12;
	v12 =	vld [tilespmem:s20+$0x7A0];
	v8 =	vadd.f32 v8, v10  }
0x69: {  	v10 =	vld [tilespmem:s20+$0x7B0];
	v14 =	vadd.f32 v17, v14;
	v6 =	vadd.f32 v6, v9  }
0x6a: {  	v9 =	vadd.f32 v16, v11;
	v11 =	vld [tilespmem:s20+$0x7E0];
	v7 =	vadd.f32 v7, v8  }
0x6b: {  	v8 =	vld [tilespmem:s20+$0x7F0];
	v13 =	vadd.f32 v13, v14;
	v4 =	vadd.f32 v4, v6  }
0x6c: {  	v6 =	vadd.f32 v15, v9;
	v9 =	vld [tilespmem:s20+$0x820];
	v5 =	vadd.f32 v5, v7  }
0x6d: {  	v7 =	vld [tilespmem:s20+$0x830];
	v12 =	vadd.f32 v12, v13;
	v2 =	vadd.f32 v2, v4  }
0x6e: {  	v4 =	vadd.f32 v10, v6;
	v3 =	vadd.f32 v3, v5  }
0x6f: {  	s31 =	sshll.u32 s18, $0x7;
	v5 =	vadd.f32 v11, v12;
	v0 =	vadd.f32 v0, v2  }
0x70: {  	p0 =	seq.s32 s18, $0x3;
	s20 =	sand.u32 $0x3FFFFF80, s31;
	v2 =	vadd.f32 v8, v4;
	v1 =	vadd.f32 v1, v3  }
0x71: {  	s21 =	smul.u32 @!p0 $0x640, s18;
	v3 =	vadd.f32 v9, v5;
	[tilespmem:s20+$0x6A40] =	vst v0  }
0x72: {  	v0 =	vadd.f32 v7, v2;
	[tilespmem:s20+$0x6A50] =	vst v1  }
0x73: {  	s21 =	sshra.s32 @!p0 s21, $0x2;
	[tilespmem:s20+$0x6A60] =	vst v3  }
0x74: {  	s22 =	simm.s32 @!p0 $0x80;
	s23 =	simm.s32 @!p0 $0x640;
	[tilespmem:s20+$0x6A70] =	vst v0;
	s20 =	sadd.s32 @!p0 $0x190, s21  }
0x75: {  	[tilespmem:s23], [sflag:$0x1] =	stream.indirect.gather @!p0 [hbm4b:s3+s22], $0x40, s20, s22, $0xb8;
	[tilespmem:$0x6C40] =	vst v63  }
0x76: {  	s20 =	sadd.s32 @!p0 $0x210, s21;
	s21 =	simm.s32 @!p0 $0x48;
	s22 =	simm.s32 @!p0 $0x2640  }
0x77: {  	[tilespmem:s22], [sflag:$0x1] =	stream.indirect.gather @!p0 [hbm4b:s3+s21], $0x40, s20, s21, $0xb8;
	[tilespmem:$0x6C40] =	vst v63  }
0x78: {  	_ =	swait.ge [sflag:s15], $0x2000  }
0x79: {  	[sflag:s15] =	ssyncset.done $0x0  }
0x7a: {  	[sflag:s15] =	ssyncadd.s32 $0xFFFFE000  }
0x7b: {  	_ =	swait.ge [sflag:s15], $0x1200  }
0x7c: {  	[sflag:s15] =	ssyncset.done $0x0  }
0x7d: {  	s20 =	simm.s32 $0x0;
	[sflag:s15] =	ssyncadd.s32 $0xFFFFEE00  }
0x7e: {  	v0 =	vld [tilespmem:s20+$0x3A00]  }
0x7f: {  	v1 =	vld [tilespmem:s20+$0x3A10]  }
0x80: {  	v2 =	vld [tilespmem:s20+$0x39C0]  }
0x81: {  	v3 =	vld [tilespmem:s20+$0x39D0]  }
0x82: {  	v4 =	vld [tilespmem:s20+$0x3980]  }
0x83: {  	v5 =	vld [tilespmem:s20+$0x3990]  }
0x84: {  	v6 =	vld [tilespmem:s20+$0x3940]  }
0x85: {  	v7 =	vld [tilespmem:s20+$0x3950]  }
0x86: {  	v9 =	vld [tilespmem:s20+$0x3900]  }
0x87: {  	v8 =	vld [tilespmem:s20+$0x3910]  }
0x88: {  	v11 =	vld [tilespmem:s20+$0x38C0]  }
0x89: {  	v10 =	vld [tilespmem:s20+$0x38D0]  }
0x8a: {  	v17 =	vld [tilespmem:s20+$0x3880]  }
0x8b: {  	v16 =	vld [tilespmem:s20+$0x3890]  }
0x8c: {  	v19 =	vld [tilespmem:s20+$0x3840]  }
0x8d: {  	v14 =	vimm.f32 $0.0e+00;
	v20 =	vld [tilespmem:s20+$0x3850]  }
0x8e: {  	v15 =	vimm.f32 $0.0e+00;
	v13 =	vimm.f32 $0.0e+00;
	v12 =	vimm.f32 $0.0e+00;
	s21 =	simm.s32 $0x800;
	v18 =	vld [tilespmem:s20+$0x3860]  }
.LBB2_7:
0x8f: {  	p0 =	sne.s32 s21, $0xC000;
	v21 =	vld [tilespmem:s20+$0x3870]  }
0x90: {  	v22 =	vld [tilespmem:s20+$0x38A0]  }
0x91: {  	v23 =	vld [tilespmem:s20+$0x38B0]  }
0x92: {  	v24 =	vld [tilespmem:s20+$0x38E0]  }
0x93: {  	v12 =	vadd.f32 v19, v12;
	v15 =	vadd.f32 v20, v15;
	v19 =	vld [tilespmem:s20+$0x38F0]  }
0x94: {  	v14 =	vadd.f32 v18, v14;
	v13 =	vadd.f32 v21, v13;
	v18 =	vld [tilespmem:s20+$0x3920]  }
0x95: {  	v12 =	vadd.f32 v17, v12;
	v15 =	vadd.f32 v16, v15;
	v16 =	vld [tilespmem:s20+$0x3930]  }
0x96: {  	v14 =	vadd.f32 v22, v14;
	v13 =	vadd.f32 v23, v13;
	v17 =	vld [tilespmem:s20+$0x3960]  }
0x97: {  	v11 =	vadd.f32 v11, v12;
	v10 =	vadd.f32 v10, v15;
	v12 =	vld [tilespmem:s20+$0x3970]  }
0x98: {  	v14 =	vadd.f32 v24, v14;
	v13 =	vadd.f32 v19, v13;
	v15 =	vld [tilespmem:s20+$0x39A0]  }
0x99: {  	v9 =	vadd.f32 v9, v11;
	v8 =	vadd.f32 v8, v10;
	v10 =	vld [tilespmem:s20+$0x39B0]  }
0x9a: {  	v11 =	vadd.f32 v18, v14;
	v13 =	vadd.f32 v16, v13;
	v14 =	vld [tilespmem:s20+$0x39E0]  }
0x9b: {  	v6 =	vadd.f32 v6, v9;
	v7 =	vadd.f32 v7, v8;
	v8 =	vld [tilespmem:s20+$0x39F0]  }
0x9c: {  	v9 =	vadd.f32 v17, v11;
	v11 =	vadd.f32 v12, v13;
	v13 =	vld [tilespmem:s20+$0x3A20]  }
0x9d: {  	v4 =	vadd.f32 v4, v6;
	v5 =	vadd.f32 v5, v7;
	v6 =	vld [tilespmem:s20+$0x3A30];
	s20 =	sshra.s32 s21, $0x2  }
0x9e: {  	v9 =	vadd.f32 v15, v9;
	v7 =	vld [tilespmem:s20+$0x3A00];
	v10 =	vadd.f32 v10, v11  }
0x9f: {  	v4 =	vadd.f32 v2, v4;
	v5 =	vadd.f32 v3, v5;
	v11 =	vld [tilespmem:s20+$0x3A10]  }
0xa0: {  	v9 =	vadd.f32 v14, v9;
	v2 =	vld [tilespmem:s20+$0x39C0];
	v8 =	vadd.f32 v8, v10  }
0xa1: {  	v12 =	vadd.f32 v0, v4;
	v15 =	vadd.f32 v1, v5;
	v3 =	vld [tilespmem:s20+$0x39D0]  }
0xa2: {  	v14 =	vadd.f32 v13, v9;
	v4 =	vld [tilespmem:s20+$0x3980];
	v13 =	vadd.f32 v6, v8  }
0xa3: {  	v5 =	vld [tilespmem:s20+$0x3990];
	v0 =	vmov v7  }
0xa4: {  	v6 =	vld [tilespmem:s20+$0x3940];
	v1 =	vmov v11  }
0xa5: {  	v7 =	vld [tilespmem:s20+$0x3950]  }
0xa6: {  	v9 =	vld [tilespmem:s20+$0x3900]  }
0xa7: {  	v8 =	vld [tilespmem:s20+$0x3910]  }
0xa8: {  	v11 =	vld [tilespmem:s20+$0x38C0]  }
0xa9: {  	v10 =	vld [tilespmem:s20+$0x38D0]  }
.Ltmp2:
0xaa: {  	v17 =	vld [tilespmem:s20+$0x3880];
	(pc) =	sbr.rel @p0 .LBB2_7-.Ltmp2, $4  }
0xab: {  	v16 =	vld [tilespmem:s20+$0x3890]  }
0xac: {  	v19 =	vld [tilespmem:s20+$0x3840]  }
0xad: {  	v20 =	vld [tilespmem:s20+$0x3850]  }
0xae: {  	s21 =	sadd.s32 $0x800, s21;
	v18 =	vld [tilespmem:s20+$0x3860]  }
0xaf: {  	v21 =	vld [tilespmem:s20+$0x3870]  }
0xb0: {  	v22 =	vld [tilespmem:s20+$0x38A0]  }
0xb1: {  	v23 =	vld [tilespmem:s20+$0x38B0];
	v12 =	vadd.f32 v19, v12  }
0xb2: {  	v43 =	vld [tilespmem:s20+$0x38E0];
	v15 =	vadd.f32 v20, v15  }
0xb3: {  	v44 =	vld [tilespmem:s20+$0x38F0];
	v14 =	vadd.f32 v18, v14;
	v12 =	vadd.f32 v17, v12  }
0xb4: {  	v45 =	vld [tilespmem:s20+$0x3920];
	v13 =	vadd.f32 v21, v13;
	v15 =	vadd.f32 v16, v15  }
0xb5: {  	v46 =	vld [tilespmem:s20+$0x3930];
	v14 =	vadd.f32 v22, v14;
	v11 =	vadd.f32 v11, v12  }
0xb6: {  	v48 =	vld [tilespmem:s20+$0x3960];
	v47 =	vadd.f32 v23, v13;
	v10 =	vadd.f32 v10, v15  }
0xb7: {  	v49 =	vld [tilespmem:s20+$0x3970];
	v14 =	vadd.f32 v43, v14;
	v9 =	vadd.f32 v9, v11  }
0xb8: {  	v51 =	vld [tilespmem:s20+$0x39A0];
	v50 =	vadd.f32 v44, v47;
	v8 =	vadd.f32 v8, v10  }
0xb9: {  	v52 =	vld [tilespmem:s20+$0x39B0];
	v14 =	vadd.f32 v45, v14;
	v6 =	vadd.f32 v6, v9  }
0xba: {  	v54 =	vld [tilespmem:s20+$0x39E0];
	v53 =	vadd.f32 v46, v50;
	v7 =	vadd.f32 v7, v8  }
0xbb: {  	v55 =	vld [tilespmem:s20+$0x39F0];
	v13 =	vadd.f32 v48, v14;
	v4 =	vadd.f32 v4, v6  }
0xbc: {  	v57 =	vld [tilespmem:s20+$0x3A20];
	v56 =	vadd.f32 v49, v53;
	v5 =	vadd.f32 v5, v7  }
0xbd: {  	v58 =	vld [tilespmem:s20+$0x3A30];
	v12 =	vadd.f32 v51, v13;
	v2 =	vadd.f32 v2, v4  }
0xbe: {  	s18 =	sadd.s32 $0x1, s18;
	v59 =	vadd.f32 v52, v56;
	v3 =	vadd.f32 v3, v5  }
0xbf: {  	s19 =	sshll.u32 s19, $0x6;
	p0 =	sne.s32 s18, $0x4;
	v60 =	vadd.f32 v54, v12;
	v0 =	vadd.f32 v0, v2  }
.Ltmp3:
0xc0: {  	s19 =	sand.u32 $0x3FFFFFC0, s19;
	v61 =	vadd.f32 v55, v59;
	v1 =	vadd.f32 v1, v3;
	(pc) =	sbr.rel @p0 .LBB2_4-.Ltmp3, $4  }
0xc1: {  	v62 =	vadd.f32 v57, v60;
	[tilespmem:s19+$0x6A40] =	vst v0  }
0xc2: {  	v63 =	vadd.f32 v58, v61;
	[tilespmem:s19+$0x6A50] =	vst v1  }
0xc3: {  	[tilespmem:s19+$0x6A60] =	vst v62  }
0xc4: {  	[tilespmem:s19+$0x6A70] =	vst v63  }
0xc5: {  	s17 =	sadd.s32 $0x1, s17  }
0xc6: {  	p0 =	sne.s32 s17, s6  }
.Ltmp4:
0xc7: {  	_ = 	snop;
	(pc) =	sbr.rel @p0 .LBB2_1-.Ltmp4, $4  }
0xc8: {  	[hbm4b:s5+s2] =	stream.linear.scatter [tilespmem:s16], [sflag:$0x3], $0x200, $0x38;
	[tilespmem:$0x6C40] =	vst v63  }
0xc9: {  	_ =	swait.ge [sflag:s7], $0x200  }
0xca: {  	[sflag:s7] =	ssyncset.done $0x0  }
0xcb: {  	[sflag:s7] =	ssyncadd.s32 $0xFFFFFE00  }
0xcc: {  	_ =	sfence.sel $0x180000  }
0xcd: {  	[bflag:$0x0] =	sbarrier.arrive $0xFFFF  }
0xce: {  	p0 =	sne.s32 s0, $0x0;
	_ =	strace $0x90000047  }
0xcf: {  	s0 =	sadd.s32 @!p0 $0x100000, s1;
	[bflag:$0x2] =	sbarrier.arrive $0xFFFF  }
0xd0: {  	[sflag:s0] =	ssyncadd.tile.s32 @!p0 $0x1;
	_ =	shalt  }
.Lfunc_end2:
_tile_overlayer_lowered:
.L_overlay_start_2:
0xd1: {  	(tag) =	ssettag $0x2  }
0xd2: {  	s0 =	rddreg [dreg:$0x0];
	s2 =	stileid.u32  }
0xd3: {  	s1 =	rddreg [dreg:$0x1];
	p0 =	sne.s32 s2, $0x0  }
0xd4: {  	s3 =	rddreg [dreg:$0x2];
	[bflag:$0x3] =	sbarrier.arrive $0xFFFF;
	s2 =	simm.s32 @!p0 $0x1C03  }
0xd5: {  	[timem:s3], [sflag:s2] =	dma.local @!p0 [hbm:s0], s1  }
0xd6: {  	s0 =	simm.s32 @!p0 $0x3  }
0xd7: {  	_ =	swait.ge @!p0 [sflag:s0], s1  }
0xd8: {  	s1 =	ssub.s32 @!p0 $0x0, s1;
	[sflag:s0] =	ssyncset.done @!p0 $0x0  }
0xd9: {  	[sflag:s0] =	ssyncadd.s32 @!p0 s1  }
0xda: {  	[bflag:$0x3] =	sbarrier.arrive $0xFFFF  }
0xdb: {  	_ =	shalt  }

</sc_bundles>
